<compile_context>
chip_gen: v7x
topology: tpu7x:2x2x1
jax: 0.10.2.dev20260603
libtpu: 0.0.44.dev20260713+nightly
codegen_flags: <defaults>
</compile_context>

<pallas_src>
import functools

import jax
import jax.numpy as jnp
from jax import lax
from jax.experimental import pallas as pl
from jax.experimental.pallas import tpu as pltpu
from jax.experimental.pallas import tpu_sc as plsc

N = 10000
F = 128
E = 320000
NC = 2
NS = 16
NW = NC * NS
B = 32
NBUF = 3
T0 = 393
T1 = 234
CAPR = 208
DCH = 1664
NPAD = 10112
RPS = NPAD // NS

_mesh = plsc.VectorSubcoreMesh(core_axis_name="c", subcore_axis_name="s")


@functools.partial(
    pl.kernel,
    out_type=jax.ShapeDtypeStruct((NW, NPAD // F, F), jnp.float32),
    mesh=_mesh,
    compiler_params=pltpu.CompilerParams(needs_layout_passes=False),
    scratch_types=[
        pltpu.VMEM((DCH,), jnp.int32),
        pltpu.VMEM((NPAD // F, F), jnp.float32),
    ],
)
def _deg_kernel(dst_hbm, out_hbm, dst_v, deg_v):
    c = lax.axis_index("c")
    s = lax.axis_index("s")
    w = c * NS + s
    zero16 = jnp.zeros((16,), jnp.float32)
    one16 = jnp.ones((16,), jnp.float32)

    def zbody(i, carry):
        for k in range(F // 16):
            deg_v[i, pl.ds(k * 16, 16)] = zero16
        return carry

    lax.fori_loop(0, NPAD // F, zbody, 0)

    def body(i, carry):
        idx = dst_v[pl.ds(i * 16, 16)] >> 14
        plsc.addupdate_scatter(deg_v, [idx >> 7, idx & 127], one16)
        return carry

    for ch in range(CAPR * 64 // DCH):
        pltpu.sync_copy(dst_hbm.at[w, pl.ds(ch * DCH, DCH)], dst_v)
        lax.fori_loop(0, DCH // 16, body, 0)
    pltpu.sync_copy(deg_v, out_hbm.at[w])


@functools.partial(
    pl.kernel,
    out_type=jax.ShapeDtypeStruct((NC, NPAD, F), jnp.float32),
    mesh=_mesh,
    scratch_types=[
        pltpu.VMEM((CAPR, 64), jnp.int32),
        pltpu.VMEM((NBUF, B), jnp.int32),
        pltpu.VMEM((NBUF, B), jnp.int32),
        pltpu.VMEM((NBUF * B, F), jnp.float32),
        pltpu.VMEM_SHARED((NPAD, F), jnp.float32),
        [pltpu.SemaphoreType.DMA] * NBUF,
    ],
)
def _segsum_kernel(g_hbm, pk_hbm, out_hbm, pk_v, src_v, dst_v, rows_v,
                   acc, sems):
    rows = [rows_v.at[pl.ds(i * B, B)] for i in range(NBUF)]
    c = lax.axis_index("c")
    s = lax.axis_index("s")
    w = c * NS + s
    nb = jnp.where(c == 0, T0, T1)
    pltpu.sync_copy(pk_hbm.at[w], pk_v)

    zero16 = jnp.zeros((16,), jnp.float32)
    ZR = NBUF * B

    def zbody(r, carry):
        for k in range(F // 16):
            rows_v[r, pl.ds(k * 16, 16)] = zero16
        return carry

    lax.fori_loop(0, ZR, zbody, 0)
    for k in range(RPS // ZR):
        pltpu.sync_copy(rows_v, acc.at[pl.ds(s * RPS + k * ZR, ZR)])
    rem = RPS % ZR
    if rem:
        pltpu.sync_copy(rows_v.at[pl.ds(0, rem)],
                        acc.at[pl.ds(s * RPS + RPS - rem, rem)])
    plsc.subcore_barrier()

    def unpack(j, r):
        for k in range(B // 16):
            p = pk_v[j >> 1, pl.ds((j & 1) * B + k * 16, 16)]
            src_v[r, pl.ds(k * 16, 16)] = p & 16383
            dst_v[r, pl.ds(k * 16, 16)] = p >> 14

    for i in range(NBUF):
        unpack(i, i)
        pltpu.async_copy(g_hbm.at[src_v.at[i]], rows[i], sems[i])

    def body(jj, carry):
        j = jj * NBUF
        for i in range(NBUF):
            pltpu.make_async_copy(g_hbm.at[src_v.at[i]], rows[i], sems[i]).wait()
            pltpu.sync_copy(rows[i], acc.at[dst_v.at[i]], add=True)
            unpack(jnp.minimum(j + NBUF + i, nb - 1), i)
            pltpu.async_copy(g_hbm.at[src_v.at[i]], rows[i], sems[i])
        return carry

    lax.fori_loop(0, nb // NBUF, body, 0)
    for i in range(NBUF):
        pltpu.make_async_copy(g_hbm.at[src_v.at[i]], rows[i], sems[i]).wait()
    plsc.subcore_barrier()
    pltpu.sync_copy(acc.at[pl.ds(s * RPS, RPS)], out_hbm.at[c, pl.ds(s * RPS, RPS)])


def _tc_a_body(x_ref, w1_ref, dinv_ref, h1_ref, g1_ref):
    h = jnp.dot(x_ref[...], w1_ref[...], preferred_element_type=jnp.float32)
    h1_ref[...] = h
    g1_ref[...] = h * dinv_ref[...]


def _tc_b_body(s_ref, h1p_ref, dinv_ref, b1_ref, w2_ref, h1_ref, h2p_ref, g2_ref):
    dv = dinv_ref[...]
    s = s_ref[0, :N, :] + s_ref[1, :N, :]
    h1 = jnp.maximum(dv * s + dv * dv * h1p_ref[...] + b1_ref[...], 0.0)
    h1_ref[...] = h1
    h2 = jnp.dot(h1, w2_ref[...], preferred_element_type=jnp.float32)
    h2p_ref[...] = h2
    g2_ref[...] = h2 * dv


def _tc_c_body(s_ref, h2p_ref, dinv_ref, b2_ref, h1_ref, wr_ref, br_ref, out_ref):
    dv = dinv_ref[...]
    s = s_ref[0, :N, :] + s_ref[1, :N, :]
    h2 = jnp.maximum(dv * s + dv * dv * h2p_ref[...] + b2_ref[...], 0.0)
    wr = wr_ref[...]
    logits = (
        jnp.dot(h1_ref[...], wr[:F, :], preferred_element_type=jnp.float32)
        + jnp.dot(h2, wr[F:, :], preferred_element_type=jnp.float32)
        + br_ref[...]
    )
    m = jnp.max(logits, axis=1, keepdims=True)
    e = jnp.exp(logits - m)
    out_ref[...] = e / jnp.sum(e, axis=1, keepdims=True)


_f32 = jnp.float32

_tc_a = pl.pallas_call(
    _tc_a_body,
    out_shape=(
        jax.ShapeDtypeStruct((N, F), _f32),
        jax.ShapeDtypeStruct((N, F), _f32),
    ),
)

_tc_b = pl.pallas_call(
    _tc_b_body,
    out_shape=(
        jax.ShapeDtypeStruct((N, F), _f32),
        jax.ShapeDtypeStruct((N, F), _f32),
        jax.ShapeDtypeStruct((N, F), _f32),
    ),
)

_tc_c = pl.pallas_call(
    _tc_c_body,
    out_shape=jax.ShapeDtypeStruct((N, F), _f32),
)


def kernel(x, edge_index, W1, b1, W2, b2, Wr, br):
    src = edge_index[0].astype(jnp.int32)
    dst = edge_index[1].astype(jnp.int32)
    flat = src | (dst << 14)
    padv = jnp.int32(N << 14)
    L0, L1, CAP = T0 * B, T1 * B, CAPR * 64
    e0 = NS * L0
    core0 = jnp.concatenate(
        [flat[:e0].reshape(NS, L0), jnp.full((NS, CAP - L0), padv)], axis=1)
    rest = jnp.concatenate(
        [flat[e0:], jnp.full((NS * L1 - (E - e0),), padv)]).reshape(NS, L1)
    core1 = jnp.concatenate([rest, jnp.full((NS, CAP - L1), padv)], axis=1)
    pk = jnp.concatenate([core0, core1], axis=0)
    pk_3d = pk.reshape(NW, CAPR, 64)
    pk_2d = pk.reshape(NW, CAP)

    deg_parts = _deg_kernel(pk_2d)
    deg = jnp.sum(deg_parts, axis=0).reshape(NPAD)[:N] + 1.0
    dinv = lax.rsqrt(deg)[:, None]

    H1, G1 = _tc_a(x, W1, dinv)
    S1 = _segsum_kernel(G1, pk_3d)
    h1, H2, G2 = _tc_b(S1, H1, dinv, b1[None, :], W2)
    S2 = _segsum_kernel(G2, pk_3d)
    return _tc_c(S2, H2, dinv, b2[None, :], h1, Wr, br[None, :])

# --- scband reference (transcript-rebuilt; emitter-appended) ---
"""Pipeline reference for scband-gcnjumping-knowledge2-515396076079 (READ-ONLY COPY).

The authoritative reference and input builder live on the scoring server;
editing this copy changes nothing except your own understanding.
"""

import jax, jax.numpy as jnp
import numpy as np

N_NODES = 10000
D_FEAT = 128
HIDDEN = 128
OUT_DIM = 128
N_EDGES = 320000


def setup_inputs(seed: int = 0) -> dict:
    key = jax.random.key(seed)
    ks = jax.random.split(key, 8)
    x = jax.random.normal(ks[0], (N_NODES, D_FEAT), dtype=jnp.float32)
    edge_index = jax.random.randint(ks[1], (2, N_EDGES), 0, N_NODES, dtype=jnp.int64)
    s1 = 1.0 / np.sqrt(D_FEAT)
    s2 = 1.0 / np.sqrt(HIDDEN)
    sr = 1.0 / np.sqrt(HIDDEN * 2)
    W1 = jax.random.uniform(ks[2], (D_FEAT, HIDDEN), dtype=jnp.float32, minval=-s1, maxval=s1)
    b1 = jnp.zeros((HIDDEN,), dtype=jnp.float32)
    W2 = jax.random.uniform(ks[3], (HIDDEN, HIDDEN), dtype=jnp.float32, minval=-s2, maxval=s2)
    b2 = jnp.zeros((HIDDEN,), dtype=jnp.float32)
    Wr = jax.random.uniform(ks[4], (HIDDEN * 2, OUT_DIM), dtype=jnp.float32, minval=-sr, maxval=sr)
    br = jnp.zeros((OUT_DIM,), dtype=jnp.float32)
    return {"x": x, "edge_index": edge_index, "W1": W1, "b1": b1, "W2": W2, "b2": b2, "Wr": Wr, "br": br}


def gcn_conv(x, edge_index, W, b, n_nodes):
    # PyG-style GCNConv: x' = D^{-1/2} (A + I) D^{-1/2} (x W) + b
    loop = jnp.arange(n_nodes, dtype=edge_index.dtype)
    src = jnp.concatenate([edge_index[0], loop])
    dst = jnp.concatenate([edge_index[1], loop])
    h = x @ W
    ones = jnp.ones(src.shape[0], dtype=x.dtype)
    deg = jnp.zeros((n_nodes,), dtype=x.dtype).at[dst].add(ones)
    dinv = jnp.where(deg > 0, jax.lax.rsqrt(deg), 0.0)
    norm = dinv[src] * dinv[dst]
    msg = h[src] * norm[:, None]
    out = jax.ops.segment_sum(msg, dst, num_segments=n_nodes)
    return out + b


def reference(x, edge_index, W1, b1, W2, b2, Wr, br):
    n = x.shape[0]
    h1 = jax.nn.relu(gcn_conv(x, edge_index, W1, b1, n))
    # dropout is identity in eval mode
    h2 = jax.nn.relu(gcn_conv(h1, edge_index, W2, b2, n))
    cat = jnp.concatenate([h1, h2], axis=1)
    logits = cat @ Wr + br
    return jax.nn.softmax(logits, axis=1)

if __name__ == "__main__":
    import jax
    _d = setup_inputs()
    print(jax.jit(kernel)(*tuple(_d.values())))

</pallas_src>

<mosaic_0001>
#map = affine_map<(d0, d1) -> (0, 0)>
#map1 = affine_map<(d0, d1) -> (0, 0, 0)>
module attributes {stable_mosaic.version = 14 : i64} {
  func.func @_deg_kernel(%arg0: i32, %arg1: i32, %arg2: memref<32x13312xi32, #tpu.memory_space<hbm>>, %arg3: memref<32x79x128xf32, #tpu.memory_space<hbm>>, %arg4: memref<1664xi32, #tpu.memory_space<vmem>>, %arg5: memref<79x128xf32, #tpu.memory_space<vmem>>) attributes {dimension_semantics = [#tpu.dimension_semantics<core_parallel>, #tpu.dimension_semantics<subcore_parallel>], iteration_bounds = array<i64: 2, 16>, scalar_prefetch = 0 : i64, scratch_operands = 2 : i64, tpu.core_type = #tpu.core_type<sc_vector_subcore>, window_params = [{transform_indices = #map}, {transform_indices = #map1}]} {
    %mul3A = arith.constant 16 : i32
    %mul3A_0 = arith.muli %arg0, %mul3A : i32
    %add3A = arith.addi %mul3A_0, %arg1 : i32
    %broadcast_in_dim3A = arith.constant 0.000000e+00 : f32
    %broadcast_in_dim3A_1 = vector.broadcast %broadcast_in_dim3A : f32 to vector<16xf32>
    %broadcast_in_dim3A_2 = arith.constant 1.000000e+00 : f32
    %broadcast_in_dim3A_3 = vector.broadcast %broadcast_in_dim3A_2 : f32 to vector<16xf32>
    %scan3A = arith.constant 0 : i32
    %scan3A_4 = arith.constant 0 : i32
    %scan3A_5 = arith.constant 79 : i32
    %scan3A_6 = arith.addi %scan3A_4, %scan3A_5 : i32
    %scan3A_7 = arith.constant 1 : i32
    scf.for %scan3A_57 = %scan3A_4 to %scan3A_6 step %scan3A_7  : i32 {
      %swap3A = arith.index_cast %scan3A_57 : i32 to index
      %swap3A_58 = arith.constant 0 : index
      %swap3A_59 = tpu.vector_load %arg5[%swap3A, %swap3A_58] {strides = array<i32>} : memref<79x128xf32, #tpu.memory_space<vmem>>, vector<16xf32>,
      tpu.vector_store %arg5[%swap3A, %swap3A_58], %broadcast_in_dim3A_1 {strides = array<i32>} : memref<79x128xf32, #tpu.memory_space<vmem>>, vector<16xf32>,
      %swap3A_60 = arith.index_cast %scan3A_57 : i32 to index
      %swap3A_61 = arith.constant 16 : index
      %swap3A_62 = tpu.vector_load %arg5[%swap3A_60, %swap3A_61] {strides = array<i32>} : memref<79x128xf32, #tpu.memory_space<vmem>>, vector<16xf32>,
      tpu.vector_store %arg5[%swap3A_60, %swap3A_61], %broadcast_in_dim3A_1 {strides = array<i32>} : memref<79x128xf32, #tpu.memory_space<vmem>>, vector<16xf32>,
      %swap3A_63 = arith.index_cast %scan3A_57 : i32 to index
      %swap3A_64 = arith.constant 32 : index
      %swap3A_65 = tpu.vector_load %arg5[%swap3A_63, %swap3A_64] {strides = array<i32>} : memref<79x128xf32, #tpu.memory_space<vmem>>, vector<16xf32>,
      tpu.vector_store %arg5[%swap3A_63, %swap3A_64], %broadcast_in_dim3A_1 {strides = array<i32>} : memref<79x128xf32, #tpu.memory_space<vmem>>, vector<16xf32>,
      %swap3A_66 = arith.index_cast %scan3A_57 : i32 to index
      %swap3A_67 = arith.constant 48 : index
      %swap3A_68 = tpu.vector_load %arg5[%swap3A_66, %swap3A_67] {strides = array<i32>} : memref<79x128xf32, #tpu.memory_space<vmem>>, vector<16xf32>,
      tpu.vector_store %arg5[%swap3A_66, %swap3A_67], %broadcast_in_dim3A_1 {strides = array<i32>} : memref<79x128xf32, #tpu.memory_space<vmem>>, vector<16xf32>,
      %swap3A_69 = arith.index_cast %scan3A_57 : i32 to index
      %swap3A_70 = arith.constant 64 : index
      %swap3A_71 = tpu.vector_load %arg5[%swap3A_69, %swap3A_70] {strides = array<i32>} : memref<79x128xf32, #tpu.memory_space<vmem>>, vector<16xf32>,
      tpu.vector_store %arg5[%swap3A_69, %swap3A_70], %broadcast_in_dim3A_1 {strides = array<i32>} : memref<79x128xf32, #tpu.memory_space<vmem>>, vector<16xf32>,
      %swap3A_72 = arith.index_cast %scan3A_57 : i32 to index
      %swap3A_73 = arith.constant 80 : index
      %swap3A_74 = tpu.vector_load %arg5[%swap3A_72, %swap3A_73] {strides = array<i32>} : memref<79x128xf32, #tpu.memory_space<vmem>>, vector<16xf32>,
      tpu.vector_store %arg5[%swap3A_72, %swap3A_73], %broadcast_in_dim3A_1 {strides = array<i32>} : memref<79x128xf32, #tpu.memory_space<vmem>>, vector<16xf32>,
      %swap3A_75 = arith.index_cast %scan3A_57 : i32 to index
      %swap3A_76 = arith.constant 96 : index
      %swap3A_77 = tpu.vector_load %arg5[%swap3A_75, %swap3A_76] {strides = array<i32>} : memref<79x128xf32, #tpu.memory_space<vmem>>, vector<16xf32>,
      tpu.vector_store %arg5[%swap3A_75, %swap3A_76], %broadcast_in_dim3A_1 {strides = array<i32>} : memref<79x128xf32, #tpu.memory_space<vmem>>, vector<16xf32>,
      %swap3A_78 = arith.index_cast %scan3A_57 : i32 to index
      %swap3A_79 = arith.constant 112 : index
      %swap3A_80 = tpu.vector_load %arg5[%swap3A_78, %swap3A_79] {strides = array<i32>} : memref<79x128xf32, #tpu.memory_space<vmem>>, vector<16xf32>,
      tpu.vector_store %arg5[%swap3A_78, %swap3A_79], %broadcast_in_dim3A_1 {strides = array<i32>} : memref<79x128xf32, #tpu.memory_space<vmem>>, vector<16xf32>,
    }
    %scan3A_8 = arith.constant 79 : i32
    "tpu.region"() ({
      %run_scoped3A = tpu.sem_alloc : memref<!tpu.dma_semaphore, #tpu.memory_space<semaphore_mem>>
      %dma_start3A = arith.constant 0 : i32
      %dma_start3A_57 = tpu.memref_slice %arg2[%add3A, %dma_start3A] : memref<32x13312xi32, #tpu.memory_space<hbm>> -> memref<1x1664xi32, #tpu.memory_space<hbm>>
      %dma_start3A_58 = tpu.memref_squeeze %dma_start3A_57 : memref<1x1664xi32, #tpu.memory_space<hbm>> -> memref<1664xi32, #tpu.memory_space<hbm>>
      %dma_start3A_59 = arith.constant 0 : i32
      %dma_start3A_60 = tpu.memref_slice %arg2[%add3A, %dma_start3A_59] : memref<32x13312xi32, #tpu.memory_space<hbm>> -> memref<1x1664xi32, #tpu.memory_space<hbm>>
      %dma_start3A_61 = tpu.memref_squeeze %dma_start3A_60 : memref<1x1664xi32, #tpu.memory_space<hbm>> -> memref<1664xi32, #tpu.memory_space<hbm>>
      tpu.enqueue_dma source(%dma_start3A_61 : memref<1664xi32, #tpu.memory_space<hbm>>) target(%arg4 : memref<1664xi32, #tpu.memory_space<vmem>>) target_semaphore(%run_scoped3A : memref<!tpu.dma_semaphore, #tpu.memory_space<semaphore_mem>>)
      %dma_wait3A = arith.constant 0 : i32
      %dma_wait3A_62 = tpu.memref_slice %arg2[%add3A, %dma_wait3A] : memref<32x13312xi32, #tpu.memory_space<hbm>> -> memref<1x1664xi32, #tpu.memory_space<hbm>>
      %dma_wait3A_63 = tpu.memref_squeeze %dma_wait3A_62 : memref<1x1664xi32, #tpu.memory_space<hbm>> -> memref<1664xi32, #tpu.memory_space<hbm>>
      %dma_wait3A_64 = arith.constant 0 : i32
      %dma_wait3A_65 = tpu.memref_slice %arg2[%add3A, %dma_wait3A_64] : memref<32x13312xi32, #tpu.memory_space<hbm>> -> memref<1x1664xi32, #tpu.memory_space<hbm>>
      %dma_wait3A_66 = tpu.memref_squeeze %dma_wait3A_65 : memref<1x1664xi32, #tpu.memory_space<hbm>> -> memref<1664xi32, #tpu.memory_space<hbm>>
      tpu.wait_dma2 semaphore(%run_scoped3A : memref<!tpu.dma_semaphore, #tpu.memory_space<semaphore_mem>>) src(%dma_wait3A_66 : memref<1664xi32, #tpu.memory_space<hbm>>) dst(%arg4 : memref<1664xi32, #tpu.memory_space<vmem>>)
      tpu.yield
    }) : () -> ()
    %scan3A_9 = arith.constant 0 : i32
    %scan3A_10 = arith.constant 0 : i32
    %scan3A_11 = arith.constant 104 : i32
    %scan3A_12 = arith.addi %scan3A_10, %scan3A_11 : i32
    %scan3A_13 = arith.constant 1 : i32
    scf.for %scan3A_57 = %scan3A_10 to %scan3A_12 step %scan3A_13  : i32 {
      %mul3A_58 = arith.constant 16 : i32
      %mul3A_59 = arith.muli %scan3A_57, %mul3A_58 : i32
      %get3A = arith.index_cast %mul3A_59 : i32 to index
      %get3A_60 = tpu.vector_load %arg4[%get3A] {strides = array<i32>} : memref<1664xi32, #tpu.memory_space<vmem>>, vector<16xi32>,
      %shift_right_arithmetic3A = arith.constant 14 : i32
      %shift_right_arithmetic3A_61 = vector.broadcast %shift_right_arithmetic3A : i32 to vector<16xi32>
      %shift_right_arithmetic3A_62 = arith.shrsi %get3A_60, %shift_right_arithmetic3A_61 : vector<16xi32>
      %shift_right_arithmetic3A_63 = arith.constant 7 : i32
      %shift_right_arithmetic3A_64 = vector.broadcast %shift_right_arithmetic3A_63 : i32 to vector<16xi32>
      %shift_right_arithmetic3A_65 = arith.shrsi %shift_right_arithmetic3A_62, %shift_right_arithmetic3A_64 : vector<16xi32>
      %and3A = arith.constant 127 : i32
      %and3A_66 = vector.broadcast %and3A : i32 to vector<16xi32>
      %and3A_67 = arith.andi %shift_right_arithmetic3A_62, %and3A_66 : vector<16xi32>
      tpu.vector_store_idx %arg5[%shift_right_arithmetic3A_65, %and3A_67], %broadcast_in_dim3A_3 {add = true} : memref<79x128xf32, #tpu.memory_space<vmem>>[vector<16xi32>, vector<16xi32>], vector<16xf32>,
    }
    %scan3A_14 = arith.constant 104 : i32
    "tpu.region"() ({
      %run_scoped3A = tpu.sem_alloc : memref<!tpu.dma_semaphore, #tpu.memory_space<semaphore_mem>>
      %dma_start3A = arith.constant 1664 : i32
      %dma_start3A_57 = tpu.memref_slice %arg2[%add3A, %dma_start3A] : memref<32x13312xi32, #tpu.memory_space<hbm>> -> memref<1x1664xi32, #tpu.memory_space<hbm>>
      %dma_start3A_58 = tpu.memref_squeeze %dma_start3A_57 : memref<1x1664xi32, #tpu.memory_space<hbm>> -> memref<1664xi32, #tpu.memory_space<hbm>>
      %dma_start3A_59 = arith.constant 1664 : i32
      %dma_start3A_60 = tpu.memref_slice %arg2[%add3A, %dma_start3A_59] : memref<32x13312xi32, #tpu.memory_space<hbm>> -> memref<1x1664xi32, #tpu.memory_space<hbm>>
      %dma_start3A_61 = tpu.memref_squeeze %dma_start3A_60 : memref<1x1664xi32, #tpu.memory_space<hbm>> -> memref<1664xi32, #tpu.memory_space<hbm>>
      tpu.enqueue_dma source(%dma_start3A_61 : memref<1664xi32, #tpu.memory_space<hbm>>) target(%arg4 : memref<1664xi32, #tpu.memory_space<vmem>>) target_semaphore(%run_scoped3A : memref<!tpu.dma_semaphore, #tpu.memory_space<semaphore_mem>>)
      %dma_wait3A = arith.constant 1664 : i32
      %dma_wait3A_62 = tpu.memref_slice %arg2[%add3A, %dma_wait3A] : memref<32x13312xi32, #tpu.memory_space<hbm>> -> memref<1x1664xi32, #tpu.memory_space<hbm>>
      %dma_wait3A_63 = tpu.memref_squeeze %dma_wait3A_62 : memref<1x1664xi32, #tpu.memory_space<hbm>> -> memref<1664xi32, #tpu.memory_space<hbm>>
      %dma_wait3A_64 = arith.constant 1664 : i32
      %dma_wait3A_65 = tpu.memref_slice %arg2[%add3A, %dma_wait3A_64] : memref<32x13312xi32, #tpu.memory_space<hbm>> -> memref<1x1664xi32, #tpu.memory_space<hbm>>
      %dma_wait3A_66 = tpu.memref_squeeze %dma_wait3A_65 : memref<1x1664xi32, #tpu.memory_space<hbm>> -> memref<1664xi32, #tpu.memory_space<hbm>>
      tpu.wait_dma2 semaphore(%run_scoped3A : memref<!tpu.dma_semaphore, #tpu.memory_space<semaphore_mem>>) src(%dma_wait3A_66 : memref<1664xi32, #tpu.memory_space<hbm>>) dst(%arg4 : memref<1664xi32, #tpu.memory_space<vmem>>)
      tpu.yield
    }) : () -> ()
    %scan3A_15 = arith.constant 0 : i32
    %scan3A_16 = arith.constant 0 : i32
    %scan3A_17 = arith.constant 104 : i32
    %scan3A_18 = arith.addi %scan3A_16, %scan3A_17 : i32
    %scan3A_19 = arith.constant 1 : i32
    scf.for %scan3A_57 = %scan3A_16 to %scan3A_18 step %scan3A_19  : i32 {
      %mul3A_58 = arith.constant 16 : i32
      %mul3A_59 = arith.muli %scan3A_57, %mul3A_58 : i32
      %get3A = arith.index_cast %mul3A_59 : i32 to index
      %get3A_60 = tpu.vector_load %arg4[%get3A] {strides = array<i32>} : memref<1664xi32, #tpu.memory_space<vmem>>, vector<16xi32>,
      %shift_right_arithmetic3A = arith.constant 14 : i32
      %shift_right_arithmetic3A_61 = vector.broadcast %shift_right_arithmetic3A : i32 to vector<16xi32>
      %shift_right_arithmetic3A_62 = arith.shrsi %get3A_60, %shift_right_arithmetic3A_61 : vector<16xi32>
      %shift_right_arithmetic3A_63 = arith.constant 7 : i32
      %shift_right_arithmetic3A_64 = vector.broadcast %shift_right_arithmetic3A_63 : i32 to vector<16xi32>
      %shift_right_arithmetic3A_65 = arith.shrsi %shift_right_arithmetic3A_62, %shift_right_arithmetic3A_64 : vector<16xi32>
      %and3A = arith.constant 127 : i32
      %and3A_66 = vector.broadcast %and3A : i32 to vector<16xi32>
      %and3A_67 = arith.andi %shift_right_arithmetic3A_62, %and3A_66 : vector<16xi32>
      tpu.vector_store_idx %arg5[%shift_right_arithmetic3A_65, %and3A_67], %broadcast_in_dim3A_3 {add = true} : memref<79x128xf32, #tpu.memory_space<vmem>>[vector<16xi32>, vector<16xi32>], vector<16xf32>,
    }
    %scan3A_20 = arith.constant 104 : i32
    "tpu.region"() ({
      %run_scoped3A = tpu.sem_alloc : memref<!tpu.dma_semaphore, #tpu.memory_space<semaphore_mem>>
      %dma_start3A = arith.constant 3328 : i32
      %dma_start3A_57 = tpu.memref_slice %arg2[%add3A, %dma_start3A] : memref<32x13312xi32, #tpu.memory_space<hbm>> -> memref<1x1664xi32, #tpu.memory_space<hbm>>
      %dma_start3A_58 = tpu.memref_squeeze %dma_start3A_57 : memref<1x1664xi32, #tpu.memory_space<hbm>> -> memref<1664xi32, #tpu.memory_space<hbm>>
      %dma_start3A_59 = arith.constant 3328 : i32
      %dma_start3A_60 = tpu.memref_slice %arg2[%add3A, %dma_start3A_59] : memref<32x13312xi32, #tpu.memory_space<hbm>> -> memref<1x1664xi32, #tpu.memory_space<hbm>>
      %dma_start3A_61 = tpu.memref_squeeze %dma_start3A_60 : memref<1x1664xi32, #tpu.memory_space<hbm>> -> memref<1664xi32, #tpu.memory_space<hbm>>
      tpu.enqueue_dma source(%dma_start3A_61 : memref<1664xi32, #tpu.memory_space<hbm>>) target(%arg4 : memref<1664xi32, #tpu.memory_space<vmem>>) target_semaphore(%run_scoped3A : memref<!tpu.dma_semaphore, #tpu.memory_space<semaphore_mem>>)
      %dma_wait3A = arith.constant 3328 : i32
      %dma_wait3A_62 = tpu.memref_slice %arg2[%add3A, %dma_wait3A] : memref<32x13312xi32, #tpu.memory_space<hbm>> -> memref<1x1664xi32, #tpu.memory_space<hbm>>
      %dma_wait3A_63 = tpu.memref_squeeze %dma_wait3A_62 : memref<1x1664xi32, #tpu.memory_space<hbm>> -> memref<1664xi32, #tpu.memory_space<hbm>>
      %dma_wait3A_64 = arith.constant 3328 : i32
      %dma_wait3A_65 = tpu.memref_slice %arg2[%add3A, %dma_wait3A_64] : memref<32x13312xi32, #tpu.memory_space<hbm>> -> memref<1x1664xi32, #tpu.memory_space<hbm>>
      %dma_wait3A_66 = tpu.memref_squeeze %dma_wait3A_65 : memref<1x1664xi32, #tpu.memory_space<hbm>> -> memref<1664xi32, #tpu.memory_space<hbm>>
      tpu.wait_dma2 semaphore(%run_scoped3A : memref<!tpu.dma_semaphore, #tpu.memory_space<semaphore_mem>>) src(%dma_wait3A_66 : memref<1664xi32, #tpu.memory_space<hbm>>) dst(%arg4 : memref<1664xi32, #tpu.memory_space<vmem>>)
      tpu.yield
    }) : () -> ()
    %scan3A_21 = arith.constant 0 : i32
    %scan3A_22 = arith.constant 0 : i32
    %scan3A_23 = arith.constant 104 : i32
    %scan3A_24 = arith.addi %scan3A_22, %scan3A_23 : i32
    %scan3A_25 = arith.constant 1 : i32
    scf.for %scan3A_57 = %scan3A_22 to %scan3A_24 step %scan3A_25  : i32 {
      %mul3A_58 = arith.constant 16 : i32
      %mul3A_59 = arith.muli %scan3A_57, %mul3A_58 : i32
      %get3A = arith.index_cast %mul3A_59 : i32 to index
      %get3A_60 = tpu.vector_load %arg4[%get3A] {strides = array<i32>} : memref<1664xi32, #tpu.memory_space<vmem>>, vector<16xi32>,
      %shift_right_arithmetic3A = arith.constant 14 : i32
      %shift_right_arithmetic3A_61 = vector.broadcast %shift_right_arithmetic3A : i32 to vector<16xi32>
      %shift_right_arithmetic3A_62 = arith.shrsi %get3A_60, %shift_right_arithmetic3A_61 : vector<16xi32>
      %shift_right_arithmetic3A_63 = arith.constant 7 : i32
      %shift_right_arithmetic3A_64 = vector.broadcast %shift_right_arithmetic3A_63 : i32 to vector<16xi32>
      %shift_right_arithmetic3A_65 = arith.shrsi %shift_right_arithmetic3A_62, %shift_right_arithmetic3A_64 : vector<16xi32>
      %and3A = arith.constant 127 : i32
      %and3A_66 = vector.broadcast %and3A : i32 to vector<16xi32>
      %and3A_67 = arith.andi %shift_right_arithmetic3A_62, %and3A_66 : vector<16xi32>
      tpu.vector_store_idx %arg5[%shift_right_arithmetic3A_65, %and3A_67], %broadcast_in_dim3A_3 {add = true} : memref<79x128xf32, #tpu.memory_space<vmem>>[vector<16xi32>, vector<16xi32>], vector<16xf32>,
    }
    %scan3A_26 = arith.constant 104 : i32
    "tpu.region"() ({
      %run_scoped3A = tpu.sem_alloc : memref<!tpu.dma_semaphore, #tpu.memory_space<semaphore_mem>>
      %dma_start3A = arith.constant 4992 : i32
      %dma_start3A_57 = tpu.memref_slice %arg2[%add3A, %dma_start3A] : memref<32x13312xi32, #tpu.memory_space<hbm>> -> memref<1x1664xi32, #tpu.memory_space<hbm>>
      %dma_start3A_58 = tpu.memref_squeeze %dma_start3A_57 : memref<1x1664xi32, #tpu.memory_space<hbm>> -> memref<1664xi32, #tpu.memory_space<hbm>>
      %dma_start3A_59 = arith.constant 4992 : i32
      %dma_start3A_60 = tpu.memref_slice %arg2[%add3A, %dma_start3A_59] : memref<32x13312xi32, #tpu.memory_space<hbm>> -> memref<1x1664xi32, #tpu.memory_space<hbm>>
      %dma_start3A_61 = tpu.memref_squeeze %dma_start3A_60 : memref<1x1664xi32, #tpu.memory_space<hbm>> -> memref<1664xi32, #tpu.memory_space<hbm>>
      tpu.enqueue_dma source(%dma_start3A_61 : memref<1664xi32, #tpu.memory_space<hbm>>) target(%arg4 : memref<1664xi32, #tpu.memory_space<vmem>>) target_semaphore(%run_scoped3A : memref<!tpu.dma_semaphore, #tpu.memory_space<semaphore_mem>>)
      %dma_wait3A = arith.constant 4992 : i32
      %dma_wait3A_62 = tpu.memref_slice %arg2[%add3A, %dma_wait3A] : memref<32x13312xi32, #tpu.memory_space<hbm>> -> memref<1x1664xi32, #tpu.memory_space<hbm>>
      %dma_wait3A_63 = tpu.memref_squeeze %dma_wait3A_62 : memref<1x1664xi32, #tpu.memory_space<hbm>> -> memref<1664xi32, #tpu.memory_space<hbm>>
      %dma_wait3A_64 = arith.constant 4992 : i32
      %dma_wait3A_65 = tpu.memref_slice %arg2[%add3A, %dma_wait3A_64] : memref<32x13312xi32, #tpu.memory_space<hbm>> -> memref<1x1664xi32, #tpu.memory_space<hbm>>
      %dma_wait3A_66 = tpu.memref_squeeze %dma_wait3A_65 : memref<1x1664xi32, #tpu.memory_space<hbm>> -> memref<1664xi32, #tpu.memory_space<hbm>>
      tpu.wait_dma2 semaphore(%run_scoped3A : memref<!tpu.dma_semaphore, #tpu.memory_space<semaphore_mem>>) src(%dma_wait3A_66 : memref<1664xi32, #tpu.memory_space<hbm>>) dst(%arg4 : memref<1664xi32, #tpu.memory_space<vmem>>)
      tpu.yield
    }) : () -> ()
    %scan3A_27 = arith.constant 0 : i32
    %scan3A_28 = arith.constant 0 : i32
    %scan3A_29 = arith.constant 104 : i32
    %scan3A_30 = arith.addi %scan3A_28, %scan3A_29 : i32
    %scan3A_31 = arith.constant 1 : i32
    scf.for %scan3A_57 = %scan3A_28 to %scan3A_30 step %scan3A_31  : i32 {
      %mul3A_58 = arith.constant 16 : i32
      %mul3A_59 = arith.muli %scan3A_57, %mul3A_58 : i32
      %get3A = arith.index_cast %mul3A_59 : i32 to index
      %get3A_60 = tpu.vector_load %arg4[%get3A] {strides = array<i32>} : memref<1664xi32, #tpu.memory_space<vmem>>, vector<16xi32>,
      %shift_right_arithmetic3A = arith.constant 14 : i32
      %shift_right_arithmetic3A_61 = vector.broadcast %shift_right_arithmetic3A : i32 to vector<16xi32>
      %shift_right_arithmetic3A_62 = arith.shrsi %get3A_60, %shift_right_arithmetic3A_61 : vector<16xi32>
      %shift_right_arithmetic3A_63 = arith.constant 7 : i32
      %shift_right_arithmetic3A_64 = vector.broadcast %shift_right_arithmetic3A_63 : i32 to vector<16xi32>
      %shift_right_arithmetic3A_65 = arith.shrsi %shift_right_arithmetic3A_62, %shift_right_arithmetic3A_64 : vector<16xi32>
      %and3A = arith.constant 127 : i32
      %and3A_66 = vector.broadcast %and3A : i32 to vector<16xi32>
      %and3A_67 = arith.andi %shift_right_arithmetic3A_62, %and3A_66 : vector<16xi32>
      tpu.vector_store_idx %arg5[%shift_right_arithmetic3A_65, %and3A_67], %broadcast_in_dim3A_3 {add = true} : memref<79x128xf32, #tpu.memory_space<vmem>>[vector<16xi32>, vector<16xi32>], vector<16xf32>,
    }
    %scan3A_32 = arith.constant 104 : i32
    "tpu.region"() ({
      %run_scoped3A = tpu.sem_alloc : memref<!tpu.dma_semaphore, #tpu.memory_space<semaphore_mem>>
      %dma_start3A = arith.constant 6656 : i32
      %dma_start3A_57 = tpu.memref_slice %arg2[%add3A, %dma_start3A] : memref<32x13312xi32, #tpu.memory_space<hbm>> -> memref<1x1664xi32, #tpu.memory_space<hbm>>
      %dma_start3A_58 = tpu.memref_squeeze %dma_start3A_57 : memref<1x1664xi32, #tpu.memory_space<hbm>> -> memref<1664xi32, #tpu.memory_space<hbm>>
      %dma_start3A_59 = arith.constant 6656 : i32
      %dma_start3A_60 = tpu.memref_slice %arg2[%add3A, %dma_start3A_59] : memref<32x13312xi32, #tpu.memory_space<hbm>> -> memref<1x1664xi32, #tpu.memory_space<hbm>>
      %dma_start3A_61 = tpu.memref_squeeze %dma_start3A_60 : memref<1x1664xi32, #tpu.memory_space<hbm>> -> memref<1664xi32, #tpu.memory_space<hbm>>
      tpu.enqueue_dma source(%dma_start3A_61 : memref<1664xi32, #tpu.memory_space<hbm>>) target(%arg4 : memref<1664xi32, #tpu.memory_space<vmem>>) target_semaphore(%run_scoped3A : memref<!tpu.dma_semaphore, #tpu.memory_space<semaphore_mem>>)
      %dma_wait3A = arith.constant 6656 : i32
      %dma_wait3A_62 = tpu.memref_slice %arg2[%add3A, %dma_wait3A] : memref<32x13312xi32, #tpu.memory_space<hbm>> -> memref<1x1664xi32, #tpu.memory_space<hbm>>
      %dma_wait3A_63 = tpu.memref_squeeze %dma_wait3A_62 : memref<1x1664xi32, #tpu.memory_space<hbm>> -> memref<1664xi32, #tpu.memory_space<hbm>>
      %dma_wait3A_64 = arith.constant 6656 : i32
      %dma_wait3A_65 = tpu.memref_slice %arg2[%add3A, %dma_wait3A_64] : memref<32x13312xi32, #tpu.memory_space<hbm>> -> memref<1x1664xi32, #tpu.memory_space<hbm>>
      %dma_wait3A_66 = tpu.memref_squeeze %dma_wait3A_65 : memref<1x1664xi32, #tpu.memory_space<hbm>> -> memref<1664xi32, #tpu.memory_space<hbm>>
      tpu.wait_dma2 semaphore(%run_scoped3A : memref<!tpu.dma_semaphore, #tpu.memory_space<semaphore_mem>>) src(%dma_wait3A_66 : memref<1664xi32, #tpu.memory_space<hbm>>) dst(%arg4 : memref<1664xi32, #tpu.memory_space<vmem>>)
      tpu.yield
    }) : () -> ()
    %scan3A_33 = arith.constant 0 : i32
    %scan3A_34 = arith.constant 0 : i32
    %scan3A_35 = arith.constant 104 : i32
    %scan3A_36 = arith.addi %scan3A_34, %scan3A_35 : i32
    %scan3A_37 = arith.constant 1 : i32
    scf.for %scan3A_57 = %scan3A_34 to %scan3A_36 step %scan3A_37  : i32 {
      %mul3A_58 = arith.constant 16 : i32
      %mul3A_59 = arith.muli %scan3A_57, %mul3A_58 : i32
      %get3A = arith.index_cast %mul3A_59 : i32 to index
      %get3A_60 = tpu.vector_load %arg4[%get3A] {strides = array<i32>} : memref<1664xi32, #tpu.memory_space<vmem>>, vector<16xi32>,
      %shift_right_arithmetic3A = arith.constant 14 : i32
      %shift_right_arithmetic3A_61 = vector.broadcast %shift_right_arithmetic3A : i32 to vector<16xi32>
      %shift_right_arithmetic3A_62 = arith.shrsi %get3A_60, %shift_right_arithmetic3A_61 : vector<16xi32>
      %shift_right_arithmetic3A_63 = arith.constant 7 : i32
      %shift_right_arithmetic3A_64 = vector.broadcast %shift_right_arithmetic3A_63 : i32 to vector<16xi32>
      %shift_right_arithmetic3A_65 = arith.shrsi %shift_right_arithmetic3A_62, %shift_right_arithmetic3A_64 : vector<16xi32>
      %and3A = arith.constant 127 : i32
      %and3A_66 = vector.broadcast %and3A : i32 to vector<16xi32>
      %and3A_67 = arith.andi %shift_right_arithmetic3A_62, %and3A_66 : vector<16xi32>
      tpu.vector_store_idx %arg5[%shift_right_arithmetic3A_65, %and3A_67], %broadcast_in_dim3A_3 {add = true} : memref<79x128xf32, #tpu.memory_space<vmem>>[vector<16xi32>, vector<16xi32>], vector<16xf32>,
    }
    %scan3A_38 = arith.constant 104 : i32
    "tpu.region"() ({
      %run_scoped3A = tpu.sem_alloc : memref<!tpu.dma_semaphore, #tpu.memory_space<semaphore_mem>>
      %dma_start3A = arith.constant 8320 : i32
      %dma_start3A_57 = tpu.memref_slice %arg2[%add3A, %dma_start3A] : memref<32x13312xi32, #tpu.memory_space<hbm>> -> memref<1x1664xi32, #tpu.memory_space<hbm>>
      %dma_start3A_58 = tpu.memref_squeeze %dma_start3A_57 : memref<1x1664xi32, #tpu.memory_space<hbm>> -> memref<1664xi32, #tpu.memory_space<hbm>>
      %dma_start3A_59 = arith.constant 8320 : i32
      %dma_start3A_60 = tpu.memref_slice %arg2[%add3A, %dma_start3A_59] : memref<32x13312xi32, #tpu.memory_space<hbm>> -> memref<1x1664xi32, #tpu.memory_space<hbm>>
      %dma_start3A_61 = tpu.memref_squeeze %dma_start3A_60 : memref<1x1664xi32, #tpu.memory_space<hbm>> -> memref<1664xi32, #tpu.memory_space<hbm>>
      tpu.enqueue_dma source(%dma_start3A_61 : memref<1664xi32, #tpu.memory_space<hbm>>) target(%arg4 : memref<1664xi32, #tpu.memory_space<vmem>>) target_semaphore(%run_scoped3A : memref<!tpu.dma_semaphore, #tpu.memory_space<semaphore_mem>>)
      %dma_wait3A = arith.constant 8320 : i32
      %dma_wait3A_62 = tpu.memref_slice %arg2[%add3A, %dma_wait3A] : memref<32x13312xi32, #tpu.memory_space<hbm>> -> memref<1x1664xi32, #tpu.memory_space<hbm>>
      %dma_wait3A_63 = tpu.memref_squeeze %dma_wait3A_62 : memref<1x1664xi32, #tpu.memory_space<hbm>> -> memref<1664xi32, #tpu.memory_space<hbm>>
      %dma_wait3A_64 = arith.constant 8320 : i32
      %dma_wait3A_65 = tpu.memref_slice %arg2[%add3A, %dma_wait3A_64] : memref<32x13312xi32, #tpu.memory_space<hbm>> -> memref<1x1664xi32, #tpu.memory_space<hbm>>
      %dma_wait3A_66 = tpu.memref_squeeze %dma_wait3A_65 : memref<1x1664xi32, #tpu.memory_space<hbm>> -> memref<1664xi32, #tpu.memory_space<hbm>>
      tpu.wait_dma2 semaphore(%run_scoped3A : memref<!tpu.dma_semaphore, #tpu.memory_space<semaphore_mem>>) src(%dma_wait3A_66 : memref<1664xi32, #tpu.memory_space<hbm>>) dst(%arg4 : memref<1664xi32, #tpu.memory_space<vmem>>)
      tpu.yield
    }) : () -> ()
    %scan3A_39 = arith.constant 0 : i32
    %scan3A_40 = arith.constant 0 : i32
    %scan3A_41 = arith.constant 104 : i32
    %scan3A_42 = arith.addi %scan3A_40, %scan3A_41 : i32
    %scan3A_43 = arith.constant 1 : i32
    scf.for %scan3A_57 = %scan3A_40 to %scan3A_42 step %scan3A_43  : i32 {
      %mul3A_58 = arith.constant 16 : i32
      %mul3A_59 = arith.muli %scan3A_57, %mul3A_58 : i32
      %get3A = arith.index_cast %mul3A_59 : i32 to index
      %get3A_60 = tpu.vector_load %arg4[%get3A] {strides = array<i32>} : memref<1664xi32, #tpu.memory_space<vmem>>, vector<16xi32>,
      %shift_right_arithmetic3A = arith.constant 14 : i32
      %shift_right_arithmetic3A_61 = vector.broadcast %shift_right_arithmetic3A : i32 to vector<16xi32>
      %shift_right_arithmetic3A_62 = arith.shrsi %get3A_60, %shift_right_arithmetic3A_61 : vector<16xi32>
      %shift_right_arithmetic3A_63 = arith.constant 7 : i32
      %shift_right_arithmetic3A_64 = vector.broadcast %shift_right_arithmetic3A_63 : i32 to vector<16xi32>
      %shift_right_arithmetic3A_65 = arith.shrsi %shift_right_arithmetic3A_62, %shift_right_arithmetic3A_64 : vector<16xi32>
      %and3A = arith.constant 127 : i32
      %and3A_66 = vector.broadcast %and3A : i32 to vector<16xi32>
      %and3A_67 = arith.andi %shift_right_arithmetic3A_62, %and3A_66 : vector<16xi32>
      tpu.vector_store_idx %arg5[%shift_right_arithmetic3A_65, %and3A_67], %broadcast_in_dim3A_3 {add = true} : memref<79x128xf32, #tpu.memory_space<vmem>>[vector<16xi32>, vector<16xi32>], vector<16xf32>,
    }
    %scan3A_44 = arith.constant 104 : i32
    "tpu.region"() ({
      %run_scoped3A = tpu.sem_alloc : memref<!tpu.dma_semaphore, #tpu.memory_space<semaphore_mem>>
      %dma_start3A = arith.constant 9984 : i32
      %dma_start3A_57 = tpu.memref_slice %arg2[%add3A, %dma_start3A] : memref<32x13312xi32, #tpu.memory_space<hbm>> -> memref<1x1664xi32, #tpu.memory_space<hbm>>
      %dma_start3A_58 = tpu.memref_squeeze %dma_start3A_57 : memref<1x1664xi32, #tpu.memory_space<hbm>> -> memref<1664xi32, #tpu.memory_space<hbm>>
      %dma_start3A_59 = arith.constant 9984 : i32
      %dma_start3A_60 = tpu.memref_slice %arg2[%add3A, %dma_start3A_59] : memref<32x13312xi32, #tpu.memory_space<hbm>> -> memref<1x1664xi32, #tpu.memory_space<hbm>>
      %dma_start3A_61 = tpu.memref_squeeze %dma_start3A_60 : memref<1x1664xi32, #tpu.memory_space<hbm>> -> memref<1664xi32, #tpu.memory_space<hbm>>
      tpu.enqueue_dma source(%dma_start3A_61 : memref<1664xi32, #tpu.memory_space<hbm>>) target(%arg4 : memref<1664xi32, #tpu.memory_space<vmem>>) target_semaphore(%run_scoped3A : memref<!tpu.dma_semaphore, #tpu.memory_space<semaphore_mem>>)
      %dma_wait3A = arith.constant 9984 : i32
      %dma_wait3A_62 = tpu.memref_slice %arg2[%add3A, %dma_wait3A] : memref<32x13312xi32, #tpu.memory_space<hbm>> -> memref<1x1664xi32, #tpu.memory_space<hbm>>
      %dma_wait3A_63 = tpu.memref_squeeze %dma_wait3A_62 : memref<1x1664xi32, #tpu.memory_space<hbm>> -> memref<1664xi32, #tpu.memory_space<hbm>>
      %dma_wait3A_64 = arith.constant 9984 : i32
      %dma_wait3A_65 = tpu.memref_slice %arg2[%add3A, %dma_wait3A_64] : memref<32x13312xi32, #tpu.memory_space<hbm>> -> memref<1x1664xi32, #tpu.memory_space<hbm>>
      %dma_wait3A_66 = tpu.memref_squeeze %dma_wait3A_65 : memref<1x1664xi32, #tpu.memory_space<hbm>> -> memref<1664xi32, #tpu.memory_space<hbm>>
      tpu.wait_dma2 semaphore(%run_scoped3A : memref<!tpu.dma_semaphore, #tpu.memory_space<semaphore_mem>>) src(%dma_wait3A_66 : memref<1664xi32, #tpu.memory_space<hbm>>) dst(%arg4 : memref<1664xi32, #tpu.memory_space<vmem>>)
      tpu.yield
    }) : () -> ()
    %scan3A_45 = arith.constant 0 : i32
    %scan3A_46 = arith.constant 0 : i32
    %scan3A_47 = arith.constant 104 : i32
    %scan3A_48 = arith.addi %scan3A_46, %scan3A_47 : i32
    %scan3A_49 = arith.constant 1 : i32
    scf.for %scan3A_57 = %scan3A_46 to %scan3A_48 step %scan3A_49  : i32 {
      %mul3A_58 = arith.constant 16 : i32
      %mul3A_59 = arith.muli %scan3A_57, %mul3A_58 : i32
      %get3A = arith.index_cast %mul3A_59 : i32 to index
      %get3A_60 = tpu.vector_load %arg4[%get3A] {strides = array<i32>} : memref<1664xi32, #tpu.memory_space<vmem>>, vector<16xi32>,
      %shift_right_arithmetic3A = arith.constant 14 : i32
      %shift_right_arithmetic3A_61 = vector.broadcast %shift_right_arithmetic3A : i32 to vector<16xi32>
      %shift_right_arithmetic3A_62 = arith.shrsi %get3A_60, %shift_right_arithmetic3A_61 : vector<16xi32>
      %shift_right_arithmetic3A_63 = arith.constant 7 : i32
      %shift_right_arithmetic3A_64 = vector.broadcast %shift_right_arithmetic3A_63 : i32 to vector<16xi32>
      %shift_right_arithmetic3A_65 = arith.shrsi %shift_right_arithmetic3A_62, %shift_right_arithmetic3A_64 : vector<16xi32>
      %and3A = arith.constant 127 : i32
      %and3A_66 = vector.broadcast %and3A : i32 to vector<16xi32>
      %and3A_67 = arith.andi %shift_right_arithmetic3A_62, %and3A_66 : vector<16xi32>
      tpu.vector_store_idx %arg5[%shift_right_arithmetic3A_65, %and3A_67], %broadcast_in_dim3A_3 {add = true} : memref<79x128xf32, #tpu.memory_space<vmem>>[vector<16xi32>, vector<16xi32>], vector<16xf32>,
    }
    %scan3A_50 = arith.constant 104 : i32
    "tpu.region"() ({
      %run_scoped3A = tpu.sem_alloc : memref<!tpu.dma_semaphore, #tpu.memory_space<semaphore_mem>>
      %dma_start3A = arith.constant 11648 : i32
      %dma_start3A_57 = tpu.memref_slice %arg2[%add3A, %dma_start3A] : memref<32x13312xi32, #tpu.memory_space<hbm>> -> memref<1x1664xi32, #tpu.memory_space<hbm>>
      %dma_start3A_58 = tpu.memref_squeeze %dma_start3A_57 : memref<1x1664xi32, #tpu.memory_space<hbm>> -> memref<1664xi32, #tpu.memory_space<hbm>>
      %dma_start3A_59 = arith.constant 11648 : i32
      %dma_start3A_60 = tpu.memref_slice %arg2[%add3A, %dma_start3A_59] : memref<32x13312xi32, #tpu.memory_space<hbm>> -> memref<1x1664xi32, #tpu.memory_space<hbm>>
      %dma_start3A_61 = tpu.memref_squeeze %dma_start3A_60 : memref<1x1664xi32, #tpu.memory_space<hbm>> -> memref<1664xi32, #tpu.memory_space<hbm>>
      tpu.enqueue_dma source(%dma_start3A_61 : memref<1664xi32, #tpu.memory_space<hbm>>) target(%arg4 : memref<1664xi32, #tpu.memory_space<vmem>>) target_semaphore(%run_scoped3A : memref<!tpu.dma_semaphore, #tpu.memory_space<semaphore_mem>>)
      %dma_wait3A = arith.constant 11648 : i32
      %dma_wait3A_62 = tpu.memref_slice %arg2[%add3A, %dma_wait3A] : memref<32x13312xi32, #tpu.memory_space<hbm>> -> memref<1x1664xi32, #tpu.memory_space<hbm>>
      %dma_wait3A_63 = tpu.memref_squeeze %dma_wait3A_62 : memref<1x1664xi32, #tpu.memory_space<hbm>> -> memref<1664xi32, #tpu.memory_space<hbm>>
      %dma_wait3A_64 = arith.constant 11648 : i32
      %dma_wait3A_65 = tpu.memref_slice %arg2[%add3A, %dma_wait3A_64] : memref<32x13312xi32, #tpu.memory_space<hbm>> -> memref<1x1664xi32, #tpu.memory_space<hbm>>
      %dma_wait3A_66 = tpu.memref_squeeze %dma_wait3A_65 : memref<1x1664xi32, #tpu.memory_space<hbm>> -> memref<1664xi32, #tpu.memory_space<hbm>>
      tpu.wait_dma2 semaphore(%run_scoped3A : memref<!tpu.dma_semaphore, #tpu.memory_space<semaphore_mem>>) src(%dma_wait3A_66 : memref<1664xi32, #tpu.memory_space<hbm>>) dst(%arg4 : memref<1664xi32, #tpu.memory_space<vmem>>)
      tpu.yield
    }) : () -> ()
    %scan3A_51 = arith.constant 0 : i32
    %scan3A_52 = arith.constant 0 : i32
    %scan3A_53 = arith.constant 104 : i32
    %scan3A_54 = arith.addi %scan3A_52, %scan3A_53 : i32
    %scan3A_55 = arith.constant 1 : i32
    scf.for %scan3A_57 = %scan3A_52 to %scan3A_54 step %scan3A_55  : i32 {
      %mul3A_58 = arith.constant 16 : i32
      %mul3A_59 = arith.muli %scan3A_57, %mul3A_58 : i32
      %get3A = arith.index_cast %mul3A_59 : i32 to index
      %get3A_60 = tpu.vector_load %arg4[%get3A] {strides = array<i32>} : memref<1664xi32, #tpu.memory_space<vmem>>, vector<16xi32>,
      %shift_right_arithmetic3A = arith.constant 14 : i32
      %shift_right_arithmetic3A_61 = vector.broadcast %shift_right_arithmetic3A : i32 to vector<16xi32>
      %shift_right_arithmetic3A_62 = arith.shrsi %get3A_60, %shift_right_arithmetic3A_61 : vector<16xi32>
      %shift_right_arithmetic3A_63 = arith.constant 7 : i32
      %shift_right_arithmetic3A_64 = vector.broadcast %shift_right_arithmetic3A_63 : i32 to vector<16xi32>
      %shift_right_arithmetic3A_65 = arith.shrsi %shift_right_arithmetic3A_62, %shift_right_arithmetic3A_64 : vector<16xi32>
      %and3A = arith.constant 127 : i32
      %and3A_66 = vector.broadcast %and3A : i32 to vector<16xi32>
      %and3A_67 = arith.andi %shift_right_arithmetic3A_62, %and3A_66 : vector<16xi32>
      tpu.vector_store_idx %arg5[%shift_right_arithmetic3A_65, %and3A_67], %broadcast_in_dim3A_3 {add = true} : memref<79x128xf32, #tpu.memory_space<vmem>>[vector<16xi32>, vector<16xi32>], vector<16xf32>,
    }
    %scan3A_56 = arith.constant 104 : i32
    "tpu.region"() ({
      %run_scoped3A = tpu.sem_alloc : memref<!tpu.dma_semaphore, #tpu.memory_space<semaphore_mem>>
      %dma_start3A = arith.constant 0 : i32
      %dma_start3A_57 = arith.constant 0 : i32
      %dma_start3A_58 = tpu.memref_slice %arg3[%add3A, %dma_start3A, %dma_start3A_57] : memref<32x79x128xf32, #tpu.memory_space<hbm>> -> memref<1x79x128xf32, #tpu.memory_space<hbm>>
      %dma_start3A_59 = tpu.memref_squeeze %dma_start3A_58 : memref<1x79x128xf32, #tpu.memory_space<hbm>> -> memref<79x128xf32, #tpu.memory_space<hbm>>
      %dma_start3A_60 = arith.constant 0 : i32
      %dma_start3A_61 = arith.constant 0 : i32
      %dma_start3A_62 = tpu.memref_slice %arg3[%add3A, %dma_start3A_60, %dma_start3A_61] : memref<32x79x128xf32, #tpu.memory_space<hbm>> -> memref<1x79x128xf32, #tpu.memory_space<hbm>>
      %dma_start3A_63 = tpu.memref_squeeze %dma_start3A_62 : memref<1x79x128xf32, #tpu.memory_space<hbm>> -> memref<79x128xf32, #tpu.memory_space<hbm>>
      tpu.enqueue_dma source(%arg5 : memref<79x128xf32, #tpu.memory_space<vmem>>) target(%dma_start3A_63 : memref<79x128xf32, #tpu.memory_space<hbm>>) target_semaphore(%run_scoped3A : memref<!tpu.dma_semaphore, #tpu.memory_space<semaphore_mem>>)
      %dma_wait3A = arith.constant 0 : i32
      %dma_wait3A_64 = arith.constant 0 : i32
      %dma_wait3A_65 = tpu.memref_slice %arg3[%add3A, %dma_wait3A, %dma_wait3A_64] : memref<32x79x128xf32, #tpu.memory_space<hbm>> -> memref<1x79x128xf32, #tpu.memory_space<hbm>>
      %dma_wait3A_66 = tpu.memref_squeeze %dma_wait3A_65 : memref<1x79x128xf32, #tpu.memory_space<hbm>> -> memref<79x128xf32, #tpu.memory_space<hbm>>
      %dma_wait3A_67 = arith.constant 0 : i32
      %dma_wait3A_68 = arith.constant 0 : i32
      %dma_wait3A_69 = tpu.memref_slice %arg3[%add3A, %dma_wait3A_67, %dma_wait3A_68] : memref<32x79x128xf32, #tpu.memory_space<hbm>> -> memref<1x79x128xf32, #tpu.memory_space<hbm>>
      %dma_wait3A_70 = tpu.memref_squeeze %dma_wait3A_69 : memref<1x79x128xf32, #tpu.memory_space<hbm>> -> memref<79x128xf32, #tpu.memory_space<hbm>>
      tpu.wait_dma2 semaphore(%run_scoped3A : memref<!tpu.dma_semaphore, #tpu.memory_space<semaphore_mem>>) src(%arg5 : memref<79x128xf32, #tpu.memory_space<vmem>>) dst(%dma_wait3A_70 : memref<79x128xf32, #tpu.memory_space<hbm>>)
      tpu.yield
    }) : () -> ()
    return
  }
}

#map = affine_map<(d0, d1) -> (0, 0)>
#map1 = affine_map<(d0, d1) -> (0, 0, 0)>
module attributes {stable_mosaic.version = 14 : i64} {
  func.func @_segsum_kernel(%arg0: i32, %arg1: i32, %arg2: memref<10000x128xf32, #tpu.memory_space<hbm>>, %arg3: memref<32x208x64xi32, #tpu.memory_space<hbm>>, %arg4: memref<2x10112x128xf32, #tpu.memory_space<hbm>>, %arg5: memref<208x64xi32, #tpu.memory_space<vmem>>, %arg6: memref<3x32xi32, #tpu.memory_space<vmem>>, %arg7: memref<3x32xi32, #tpu.memory_space<vmem>>, %arg8: memref<96x128xf32, #tpu.memory_space<vmem>>, %arg9: memref<10112x128xf32, #tpu.memory_space<vmem_shared>>, %arg10: memref<!tpu.dma_semaphore, #tpu.memory_space<semaphore_mem>>, %arg11: memref<!tpu.dma_semaphore, #tpu.memory_space<semaphore_mem>>, %arg12: memref<!tpu.dma_semaphore, #tpu.memory_space<semaphore_mem>>) attributes {dimension_semantics = [#tpu.dimension_semantics<core_parallel>, #tpu.dimension_semantics<subcore_parallel>], iteration_bounds = array<i64: 2, 16>, scalar_prefetch = 0 : i64, scratch_operands = 8 : i64, tpu.core_type = #tpu.core_type<sc_vector_subcore>, window_params = [{transform_indices = #map}, {transform_indices = #map1}, {transform_indices = #map1}]} {
    %mul3A = arith.constant 16 : i32
    %mul3A_0 = arith.muli %arg0, %mul3A : i32
    %add3A = arith.addi %mul3A_0, %arg1 : i32
    %eq3A = arith.constant 0 : i32
    %eq3A_1 = arith.cmpi eq, %arg0, %eq3A : i32
    %jit3A = arith.constant 393 : i32
    %jit3A_2 = arith.constant 234 : i32
    %select_n3A = arith.select %eq3A_1, %jit3A, %jit3A_2 : i32
    "tpu.region"() ({
      %run_scoped3A = tpu.sem_alloc : memref<!tpu.dma_semaphore, #tpu.memory_space<semaphore_mem>>
      %dma_start3A_264 = arith.constant 0 : i32
      %dma_start3A_265 = arith.constant 0 : i32
      %dma_start3A_266 = tpu.memref_slice %arg3[%add3A, %dma_start3A_264, %dma_start3A_265] : memref<32x208x64xi32, #tpu.memory_space<hbm>> -> memref<1x208x64xi32, #tpu.memory_space<hbm>>
      %dma_start3A_267 = tpu.memref_squeeze %dma_start3A_266 : memref<1x208x64xi32, #tpu.memory_space<hbm>> -> memref<208x64xi32, #tpu.memory_space<hbm>>
      %dma_start3A_268 = arith.constant 0 : i32
      %dma_start3A_269 = arith.constant 0 : i32
      %dma_start3A_270 = tpu.memref_slice %arg3[%add3A, %dma_start3A_268, %dma_start3A_269] : memref<32x208x64xi32, #tpu.memory_space<hbm>> -> memref<1x208x64xi32, #tpu.memory_space<hbm>>
      %dma_start3A_271 = tpu.memref_squeeze %dma_start3A_270 : memref<1x208x64xi32, #tpu.memory_space<hbm>> -> memref<208x64xi32, #tpu.memory_space<hbm>>
      tpu.enqueue_dma source(%dma_start3A_271 : memref<208x64xi32, #tpu.memory_space<hbm>>) target(%arg5 : memref<208x64xi32, #tpu.memory_space<vmem>>) target_semaphore(%run_scoped3A : memref<!tpu.dma_semaphore, #tpu.memory_space<semaphore_mem>>)
      %dma_wait3A_272 = arith.constant 0 : i32
      %dma_wait3A_273 = arith.constant 0 : i32
      %dma_wait3A_274 = tpu.memref_slice %arg3[%add3A, %dma_wait3A_272, %dma_wait3A_273] : memref<32x208x64xi32, #tpu.memory_space<hbm>> -> memref<1x208x64xi32, #tpu.memory_space<hbm>>
      %dma_wait3A_275 = tpu.memref_squeeze %dma_wait3A_274 : memref<1x208x64xi32, #tpu.memory_space<hbm>> -> memref<208x64xi32, #tpu.memory_space<hbm>>
      %dma_wait3A_276 = arith.constant 0 : i32
      %dma_wait3A_277 = arith.constant 0 : i32
      %dma_wait3A_278 = tpu.memref_slice %arg3[%add3A, %dma_wait3A_276, %dma_wait3A_277] : memref<32x208x64xi32, #tpu.memory_space<hbm>> -> memref<1x208x64xi32, #tpu.memory_space<hbm>>
      %dma_wait3A_279 = tpu.memref_squeeze %dma_wait3A_278 : memref<1x208x64xi32, #tpu.memory_space<hbm>> -> memref<208x64xi32, #tpu.memory_space<hbm>>
      tpu.wait_dma2 semaphore(%run_scoped3A : memref<!tpu.dma_semaphore, #tpu.memory_space<semaphore_mem>>) src(%dma_wait3A_279 : memref<208x64xi32, #tpu.memory_space<hbm>>) dst(%arg5 : memref<208x64xi32, #tpu.memory_space<vmem>>)
      tpu.yield
    }) : () -> ()
    %broadcast_in_dim3A = arith.constant 0.000000e+00 : f32
    %broadcast_in_dim3A_3 = vector.broadcast %broadcast_in_dim3A : f32 to vector<16xf32>
    %scan3A = arith.constant 0 : i32
    %scan3A_4 = arith.constant 0 : i32
    %scan3A_5 = arith.constant 96 : i32
    %scan3A_6 = arith.addi %scan3A_4, %scan3A_5 : i32
    %scan3A_7 = arith.constant 1 : i32
    scf.for %scan3A_264 = %scan3A_4 to %scan3A_6 step %scan3A_7  : i32 {
      %swap3A_265 = arith.index_cast %scan3A_264 : i32 to index
      %swap3A_266 = arith.constant 0 : index
      %swap3A_267 = tpu.vector_load %arg8[%swap3A_265, %swap3A_266] {strides = array<i32>} : memref<96x128xf32, #tpu.memory_space<vmem>>, vector<1x16xf32>,
      %swap3A_268 = vector.shape_cast %swap3A_267 : vector<1x16xf32> to vector<16xf32>
      %swap3A_269 = vector.shape_cast %broadcast_in_dim3A_3 : vector<16xf32> to vector<1x16xf32>
      tpu.vector_store %arg8[%swap3A_265, %swap3A_266], %swap3A_269 {strides = array<i32>} : memref<96x128xf32, #tpu.memory_space<vmem>>, vector<1x16xf32>,
      %swap3A_270 = arith.index_cast %scan3A_264 : i32 to index
      %swap3A_271 = arith.constant 16 : index
      %swap3A_272 = tpu.vector_load %arg8[%swap3A_270, %swap3A_271] {strides = array<i32>} : memref<96x128xf32, #tpu.memory_space<vmem>>, vector<1x16xf32>,
      %swap3A_273 = vector.shape_cast %swap3A_272 : vector<1x16xf32> to vector<16xf32>
      %swap3A_274 = vector.shape_cast %broadcast_in_dim3A_3 : vector<16xf32> to vector<1x16xf32>
      tpu.vector_store %arg8[%swap3A_270, %swap3A_271], %swap3A_274 {strides = array<i32>} : memref<96x128xf32, #tpu.memory_space<vmem>>, vector<1x16xf32>,
      %swap3A_275 = arith.index_cast %scan3A_264 : i32 to index
      %swap3A_276 = arith.constant 32 : index
      %swap3A_277 = tpu.vector_load %arg8[%swap3A_275, %swap3A_276] {strides = array<i32>} : memref<96x128xf32, #tpu.memory_space<vmem>>, vector<1x16xf32>,
      %swap3A_278 = vector.shape_cast %swap3A_277 : vector<1x16xf32> to vector<16xf32>
      %swap3A_279 = vector.shape_cast %broadcast_in_dim3A_3 : vector<16xf32> to vector<1x16xf32>
      tpu.vector_store %arg8[%swap3A_275, %swap3A_276], %swap3A_279 {strides = array<i32>} : memref<96x128xf32, #tpu.memory_space<vmem>>, vector<1x16xf32>,
      %swap3A_280 = arith.index_cast %scan3A_264 : i32 to index
      %swap3A_281 = arith.constant 48 : index
      %swap3A_282 = tpu.vector_load %arg8[%swap3A_280, %swap3A_281] {strides = array<i32>} : memref<96x128xf32, #tpu.memory_space<vmem>>, vector<1x16xf32>,
      %swap3A_283 = vector.shape_cast %swap3A_282 : vector<1x16xf32> to vector<16xf32>
      %swap3A_284 = vector.shape_cast %broadcast_in_dim3A_3 : vector<16xf32> to vector<1x16xf32>
      tpu.vector_store %arg8[%swap3A_280, %swap3A_281], %swap3A_284 {strides = array<i32>} : memref<96x128xf32, #tpu.memory_space<vmem>>, vector<1x16xf32>,
      %swap3A_285 = arith.index_cast %scan3A_264 : i32 to index
      %swap3A_286 = arith.constant 64 : index
      %swap3A_287 = tpu.vector_load %arg8[%swap3A_285, %swap3A_286] {strides = array<i32>} : memref<96x128xf32, #tpu.memory_space<vmem>>, vector<1x16xf32>,
      %swap3A_288 = vector.shape_cast %swap3A_287 : vector<1x16xf32> to vector<16xf32>
      %swap3A_289 = vector.shape_cast %broadcast_in_dim3A_3 : vector<16xf32> to vector<1x16xf32>
      tpu.vector_store %arg8[%swap3A_285, %swap3A_286], %swap3A_289 {strides = array<i32>} : memref<96x128xf32, #tpu.memory_space<vmem>>, vector<1x16xf32>,
      %swap3A_290 = arith.index_cast %scan3A_264 : i32 to index
      %swap3A_291 = arith.constant 80 : index
      %swap3A_292 = tpu.vector_load %arg8[%swap3A_290, %swap3A_291] {strides = array<i32>} : memref<96x128xf32, #tpu.memory_space<vmem>>, vector<1x16xf32>,
      %swap3A_293 = vector.shape_cast %swap3A_292 : vector<1x16xf32> to vector<16xf32>
      %swap3A_294 = vector.shape_cast %broadcast_in_dim3A_3 : vector<16xf32> to vector<1x16xf32>
      tpu.vector_store %arg8[%swap3A_290, %swap3A_291], %swap3A_294 {strides = array<i32>} : memref<96x128xf32, #tpu.memory_space<vmem>>, vector<1x16xf32>,
      %swap3A_295 = arith.index_cast %scan3A_264 : i32 to index
      %swap3A_296 = arith.constant 96 : index
      %swap3A_297 = tpu.vector_load %arg8[%swap3A_295, %swap3A_296] {strides = array<i32>} : memref<96x128xf32, #tpu.memory_space<vmem>>, vector<1x16xf32>,
      %swap3A_298 = vector.shape_cast %swap3A_297 : vector<1x16xf32> to vector<16xf32>
      %swap3A_299 = vector.shape_cast %broadcast_in_dim3A_3 : vector<16xf32> to vector<1x16xf32>
      tpu.vector_store %arg8[%swap3A_295, %swap3A_296], %swap3A_299 {strides = array<i32>} : memref<96x128xf32, #tpu.memory_space<vmem>>, vector<1x16xf32>,
      %swap3A_300 = arith.index_cast %scan3A_264 : i32 to index
      %swap3A_301 = arith.constant 112 : index
      %swap3A_302 = tpu.vector_load %arg8[%swap3A_300, %swap3A_301] {strides = array<i32>} : memref<96x128xf32, #tpu.memory_space<vmem>>, vector<1x16xf32>,
      %swap3A_303 = vector.shape_cast %swap3A_302 : vector<1x16xf32> to vector<16xf32>
      %swap3A_304 = vector.shape_cast %broadcast_in_dim3A_3 : vector<16xf32> to vector<1x16xf32>
      tpu.vector_store %arg8[%swap3A_300, %swap3A_301], %swap3A_304 {strides = array<i32>} : memref<96x128xf32, #tpu.memory_space<vmem>>, vector<1x16xf32>,
    }
    %scan3A_8 = arith.constant 96 : i32
    %mul3A_9 = arith.constant 632 : i32
    %mul3A_10 = arith.muli %arg1, %mul3A_9 : i32
    %add3A_11 = arith.constant 0 : i32
    %add3A_12 = arith.addi %mul3A_10, %add3A_11 : i32
    "tpu.region"() ({
      %run_scoped3A = tpu.sem_alloc : memref<!tpu.dma_semaphore, #tpu.memory_space<semaphore_mem>>
      %dma_start3A_264 = arith.constant 0 : i32
      %dma_start3A_265 = tpu.memref_slice %arg9[%add3A_12, %dma_start3A_264] : memref<10112x128xf32, #tpu.memory_space<vmem_shared>> -> memref<96x128xf32, #tpu.memory_space<vmem_shared>>
      %dma_start3A_266 = arith.constant 0 : i32
      %dma_start3A_267 = tpu.memref_slice %arg9[%add3A_12, %dma_start3A_266] : memref<10112x128xf32, #tpu.memory_space<vmem_shared>> -> memref<96x128xf32, #tpu.memory_space<vmem_shared>>
      tpu.enqueue_dma source(%arg8 : memref<96x128xf32, #tpu.memory_space<vmem>>) target(%dma_start3A_267 : memref<96x128xf32, #tpu.memory_space<vmem_shared>>) target_semaphore(%run_scoped3A : memref<!tpu.dma_semaphore, #tpu.memory_space<semaphore_mem>>)
      %dma_wait3A_268 = arith.constant 0 : i32
      %dma_wait3A_269 = tpu.memref_slice %arg9[%add3A_12, %dma_wait3A_268] : memref<10112x128xf32, #tpu.memory_space<vmem_shared>> -> memref<96x128xf32, #tpu.memory_space<vmem_shared>>
      %dma_wait3A_270 = arith.constant 0 : i32
      %dma_wait3A_271 = tpu.memref_slice %arg9[%add3A_12, %dma_wait3A_270] : memref<10112x128xf32, #tpu.memory_space<vmem_shared>> -> memref<96x128xf32, #tpu.memory_space<vmem_shared>>
      tpu.wait_dma2 semaphore(%run_scoped3A : memref<!tpu.dma_semaphore, #tpu.memory_space<semaphore_mem>>) src(%arg8 : memref<96x128xf32, #tpu.memory_space<vmem>>) dst(%dma_wait3A_271 : memref<96x128xf32, #tpu.memory_space<vmem_shared>>)
      tpu.yield
    }) : () -> ()
    %mul3A_13 = arith.constant 632 : i32
    %mul3A_14 = arith.muli %arg1, %mul3A_13 : i32
    %add3A_15 = arith.constant 96 : i32
    %add3A_16 = arith.addi %mul3A_14, %add3A_15 : i32
    "tpu.region"() ({
      %run_scoped3A = tpu.sem_alloc : memref<!tpu.dma_semaphore, #tpu.memory_space<semaphore_mem>>
      %dma_start3A_264 = arith.constant 0 : i32
      %dma_start3A_265 = tpu.memref_slice %arg9[%add3A_16, %dma_start3A_264] : memref<10112x128xf32, #tpu.memory_space<vmem_shared>> -> memref<96x128xf32, #tpu.memory_space<vmem_shared>>
      %dma_start3A_266 = arith.constant 0 : i32
      %dma_start3A_267 = tpu.memref_slice %arg9[%add3A_16, %dma_start3A_266] : memref<10112x128xf32, #tpu.memory_space<vmem_shared>> -> memref<96x128xf32, #tpu.memory_space<vmem_shared>>
      tpu.enqueue_dma source(%arg8 : memref<96x128xf32, #tpu.memory_space<vmem>>) target(%dma_start3A_267 : memref<96x128xf32, #tpu.memory_space<vmem_shared>>) target_semaphore(%run_scoped3A : memref<!tpu.dma_semaphore, #tpu.memory_space<semaphore_mem>>)
      %dma_wait3A_268 = arith.constant 0 : i32
      %dma_wait3A_269 = tpu.memref_slice %arg9[%add3A_16, %dma_wait3A_268] : memref<10112x128xf32, #tpu.memory_space<vmem_shared>> -> memref<96x128xf32, #tpu.memory_space<vmem_shared>>
      %dma_wait3A_270 = arith.constant 0 : i32
      %dma_wait3A_271 = tpu.memref_slice %arg9[%add3A_16, %dma_wait3A_270] : memref<10112x128xf32, #tpu.memory_space<vmem_shared>> -> memref<96x128xf32, #tpu.memory_space<vmem_shared>>
      tpu.wait_dma2 semaphore(%run_scoped3A : memref<!tpu.dma_semaphore, #tpu.memory_space<semaphore_mem>>) src(%arg8 : memref<96x128xf32, #tpu.memory_space<vmem>>) dst(%dma_wait3A_271 : memref<96x128xf32, #tpu.memory_space<vmem_shared>>)
      tpu.yield
    }) : () -> ()
    %mul3A_17 = arith.constant 632 : i32
    %mul3A_18 = arith.muli %arg1, %mul3A_17 : i32
    %add3A_19 = arith.constant 192 : i32
    %add3A_20 = arith.addi %mul3A_18, %add3A_19 : i32
    "tpu.region"() ({
      %run_scoped3A = tpu.sem_alloc : memref<!tpu.dma_semaphore, #tpu.memory_space<semaphore_mem>>
      %dma_start3A_264 = arith.constant 0 : i32
      %dma_start3A_265 = tpu.memref_slice %arg9[%add3A_20, %dma_start3A_264] : memref<10112x128xf32, #tpu.memory_space<vmem_shared>> -> memref<96x128xf32, #tpu.memory_space<vmem_shared>>
      %dma_start3A_266 = arith.constant 0 : i32
      %dma_start3A_267 = tpu.memref_slice %arg9[%add3A_20, %dma_start3A_266] : memref<10112x128xf32, #tpu.memory_space<vmem_shared>> -> memref<96x128xf32, #tpu.memory_space<vmem_shared>>
      tpu.enqueue_dma source(%arg8 : memref<96x128xf32, #tpu.memory_space<vmem>>) target(%dma_start3A_267 : memref<96x128xf32, #tpu.memory_space<vmem_shared>>) target_semaphore(%run_scoped3A : memref<!tpu.dma_semaphore, #tpu.memory_space<semaphore_mem>>)
      %dma_wait3A_268 = arith.constant 0 : i32
      %dma_wait3A_269 = tpu.memref_slice %arg9[%add3A_20, %dma_wait3A_268] : memref<10112x128xf32, #tpu.memory_space<vmem_shared>> -> memref<96x128xf32, #tpu.memory_space<vmem_shared>>
      %dma_wait3A_270 = arith.constant 0 : i32
      %dma_wait3A_271 = tpu.memref_slice %arg9[%add3A_20, %dma_wait3A_270] : memref<10112x128xf32, #tpu.memory_space<vmem_shared>> -> memref<96x128xf32, #tpu.memory_space<vmem_shared>>
      tpu.wait_dma2 semaphore(%run_scoped3A : memref<!tpu.dma_semaphore, #tpu.memory_space<semaphore_mem>>) src(%arg8 : memref<96x128xf32, #tpu.memory_space<vmem>>) dst(%dma_wait3A_271 : memref<96x128xf32, #tpu.memory_space<vmem_shared>>)
      tpu.yield
    }) : () -> ()
    %mul3A_21 = arith.constant 632 : i32
    %mul3A_22 = arith.muli %arg1, %mul3A_21 : i32
    %add3A_23 = arith.constant 288 : i32
    %add3A_24 = arith.addi %mul3A_22, %add3A_23 : i32
    "tpu.region"() ({
      %run_scoped3A = tpu.sem_alloc : memref<!tpu.dma_semaphore, #tpu.memory_space<semaphore_mem>>
      %dma_start3A_264 = arith.constant 0 : i32
      %dma_start3A_265 = tpu.memref_slice %arg9[%add3A_24, %dma_start3A_264] : memref<10112x128xf32, #tpu.memory_space<vmem_shared>> -> memref<96x128xf32, #tpu.memory_space<vmem_shared>>
      %dma_start3A_266 = arith.constant 0 : i32
      %dma_start3A_267 = tpu.memref_slice %arg9[%add3A_24, %dma_start3A_266] : memref<10112x128xf32, #tpu.memory_space<vmem_shared>> -> memref<96x128xf32, #tpu.memory_space<vmem_shared>>
      tpu.enqueue_dma source(%arg8 : memref<96x128xf32, #tpu.memory_space<vmem>>) target(%dma_start3A_267 : memref<96x128xf32, #tpu.memory_space<vmem_shared>>) target_semaphore(%run_scoped3A : memref<!tpu.dma_semaphore, #tpu.memory_space<semaphore_mem>>)
      %dma_wait3A_268 = arith.constant 0 : i32
      %dma_wait3A_269 = tpu.memref_slice %arg9[%add3A_24, %dma_wait3A_268] : memref<10112x128xf32, #tpu.memory_space<vmem_shared>> -> memref<96x128xf32, #tpu.memory_space<vmem_shared>>
      %dma_wait3A_270 = arith.constant 0 : i32
      %dma_wait3A_271 = tpu.memref_slice %arg9[%add3A_24, %dma_wait3A_270] : memref<10112x128xf32, #tpu.memory_space<vmem_shared>> -> memref<96x128xf32, #tpu.memory_space<vmem_shared>>
      tpu.wait_dma2 semaphore(%run_scoped3A : memref<!tpu.dma_semaphore, #tpu.memory_space<semaphore_mem>>) src(%arg8 : memref<96x128xf32, #tpu.memory_space<vmem>>) dst(%dma_wait3A_271 : memref<96x128xf32, #tpu.memory_space<vmem_shared>>)
      tpu.yield
    }) : () -> ()
    %mul3A_25 = arith.constant 632 : i32
    %mul3A_26 = arith.muli %arg1, %mul3A_25 : i32
    %add3A_27 = arith.constant 384 : i32
    %add3A_28 = arith.addi %mul3A_26, %add3A_27 : i32
    "tpu.region"() ({
      %run_scoped3A = tpu.sem_alloc : memref<!tpu.dma_semaphore, #tpu.memory_space<semaphore_mem>>
      %dma_start3A_264 = arith.constant 0 : i32
      %dma_start3A_265 = tpu.memref_slice %arg9[%add3A_28, %dma_start3A_264] : memref<10112x128xf32, #tpu.memory_space<vmem_shared>> -> memref<96x128xf32, #tpu.memory_space<vmem_shared>>
      %dma_start3A_266 = arith.constant 0 : i32
      %dma_start3A_267 = tpu.memref_slice %arg9[%add3A_28, %dma_start3A_266] : memref<10112x128xf32, #tpu.memory_space<vmem_shared>> -> memref<96x128xf32, #tpu.memory_space<vmem_shared>>
      tpu.enqueue_dma source(%arg8 : memref<96x128xf32, #tpu.memory_space<vmem>>) target(%dma_start3A_267 : memref<96x128xf32, #tpu.memory_space<vmem_shared>>) target_semaphore(%run_scoped3A : memref<!tpu.dma_semaphore, #tpu.memory_space<semaphore_mem>>)
      %dma_wait3A_268 = arith.constant 0 : i32
      %dma_wait3A_269 = tpu.memref_slice %arg9[%add3A_28, %dma_wait3A_268] : memref<10112x128xf32, #tpu.memory_space<vmem_shared>> -> memref<96x128xf32, #tpu.memory_space<vmem_shared>>
      %dma_wait3A_270 = arith.constant 0 : i32
      %dma_wait3A_271 = tpu.memref_slice %arg9[%add3A_28, %dma_wait3A_270] : memref<10112x128xf32, #tpu.memory_space<vmem_shared>> -> memref<96x128xf32, #tpu.memory_space<vmem_shared>>
      tpu.wait_dma2 semaphore(%run_scoped3A : memref<!tpu.dma_semaphore, #tpu.memory_space<semaphore_mem>>) src(%arg8 : memref<96x128xf32, #tpu.memory_space<vmem>>) dst(%dma_wait3A_271 : memref<96x128xf32, #tpu.memory_space<vmem_shared>>)
      tpu.yield
    }) : () -> ()
    %mul3A_29 = arith.constant 632 : i32
    %mul3A_30 = arith.muli %arg1, %mul3A_29 : i32
    %add3A_31 = arith.constant 480 : i32
    %add3A_32 = arith.addi %mul3A_30, %add3A_31 : i32
    "tpu.region"() ({
      %run_scoped3A = tpu.sem_alloc : memref<!tpu.dma_semaphore, #tpu.memory_space<semaphore_mem>>
      %dma_start3A_264 = arith.constant 0 : i32
      %dma_start3A_265 = tpu.memref_slice %arg9[%add3A_32, %dma_start3A_264] : memref<10112x128xf32, #tpu.memory_space<vmem_shared>> -> memref<96x128xf32, #tpu.memory_space<vmem_shared>>
      %dma_start3A_266 = arith.constant 0 : i32
      %dma_start3A_267 = tpu.memref_slice %arg9[%add3A_32, %dma_start3A_266] : memref<10112x128xf32, #tpu.memory_space<vmem_shared>> -> memref<96x128xf32, #tpu.memory_space<vmem_shared>>
      tpu.enqueue_dma source(%arg8 : memref<96x128xf32, #tpu.memory_space<vmem>>) target(%dma_start3A_267 : memref<96x128xf32, #tpu.memory_space<vmem_shared>>) target_semaphore(%run_scoped3A : memref<!tpu.dma_semaphore, #tpu.memory_space<semaphore_mem>>)
      %dma_wait3A_268 = arith.constant 0 : i32
      %dma_wait3A_269 = tpu.memref_slice %arg9[%add3A_32, %dma_wait3A_268] : memref<10112x128xf32, #tpu.memory_space<vmem_shared>> -> memref<96x128xf32, #tpu.memory_space<vmem_shared>>
      %dma_wait3A_270 = arith.constant 0 : i32
      %dma_wait3A_271 = tpu.memref_slice %arg9[%add3A_32, %dma_wait3A_270] : memref<10112x128xf32, #tpu.memory_space<vmem_shared>> -> memref<96x128xf32, #tpu.memory_space<vmem_shared>>
      tpu.wait_dma2 semaphore(%run_scoped3A : memref<!tpu.dma_semaphore, #tpu.memory_space<semaphore_mem>>) src(%arg8 : memref<96x128xf32, #tpu.memory_space<vmem>>) dst(%dma_wait3A_271 : memref<96x128xf32, #tpu.memory_space<vmem_shared>>)
      tpu.yield
    }) : () -> ()
    %mul3A_33 = arith.constant 632 : i32
    %mul3A_34 = arith.muli %arg1, %mul3A_33 : i32
    %add3A_35 = arith.constant 632 : i32
    %add3A_36 = arith.addi %mul3A_34, %add3A_35 : i32
    %sub3A = arith.constant 56 : i32
    %sub3A_37 = arith.subi %add3A_36, %sub3A : i32
    "tpu.region"() ({
      %run_scoped3A = tpu.sem_alloc : memref<!tpu.dma_semaphore, #tpu.memory_space<semaphore_mem>>
      %dma_start3A_264 = arith.constant 0 : i32
      %dma_start3A_265 = arith.constant 0 : i32
      %dma_start3A_266 = tpu.memref_slice %arg8[%dma_start3A_264, %dma_start3A_265] : memref<96x128xf32, #tpu.memory_space<vmem>> -> memref<56x128xf32, #tpu.memory_space<vmem>>
      %dma_start3A_267 = arith.constant 0 : i32
      %dma_start3A_268 = tpu.memref_slice %arg9[%sub3A_37, %dma_start3A_267] : memref<10112x128xf32, #tpu.memory_space<vmem_shared>> -> memref<56x128xf32, #tpu.memory_space<vmem_shared>>
      %dma_start3A_269 = arith.constant 0 : i32
      %dma_start3A_270 = tpu.memref_slice %arg9[%sub3A_37, %dma_start3A_269] : memref<10112x128xf32, #tpu.memory_space<vmem_shared>> -> memref<56x128xf32, #tpu.memory_space<vmem_shared>>
      %dma_start3A_271 = arith.constant 0 : i32
      %dma_start3A_272 = arith.constant 0 : i32
      %dma_start3A_273 = tpu.memref_slice %arg8[%dma_start3A_271, %dma_start3A_272] : memref<96x128xf32, #tpu.memory_space<vmem>> -> memref<56x128xf32, #tpu.memory_space<vmem>>
      tpu.enqueue_dma source(%dma_start3A_273 : memref<56x128xf32, #tpu.memory_space<vmem>>) target(%dma_start3A_270 : memref<56x128xf32, #tpu.memory_space<vmem_shared>>) target_semaphore(%run_scoped3A : memref<!tpu.dma_semaphore, #tpu.memory_space<semaphore_mem>>)
      %dma_wait3A_274 = arith.constant 0 : i32
      %dma_wait3A_275 = arith.constant 0 : i32
      %dma_wait3A_276 = tpu.memref_slice %arg8[%dma_wait3A_274, %dma_wait3A_275] : memref<96x128xf32, #tpu.memory_space<vmem>> -> memref<56x128xf32, #tpu.memory_space<vmem>>
      %dma_wait3A_277 = arith.constant 0 : i32
      %dma_wait3A_278 = tpu.memref_slice %arg9[%sub3A_37, %dma_wait3A_277] : memref<10112x128xf32, #tpu.memory_space<vmem_shared>> -> memref<56x128xf32, #tpu.memory_space<vmem_shared>>
      %dma_wait3A_279 = arith.constant 0 : i32
      %dma_wait3A_280 = tpu.memref_slice %arg9[%sub3A_37, %dma_wait3A_279] : memref<10112x128xf32, #tpu.memory_space<vmem_shared>> -> memref<56x128xf32, #tpu.memory_space<vmem_shared>>
      %dma_wait3A_281 = arith.constant 0 : i32
      %dma_wait3A_282 = arith.constant 0 : i32
      %dma_wait3A_283 = tpu.memref_slice %arg8[%dma_wait3A_281, %dma_wait3A_282] : memref<96x128xf32, #tpu.memory_space<vmem>> -> memref<56x128xf32, #tpu.memory_space<vmem>>
      tpu.wait_dma2 semaphore(%run_scoped3A : memref<!tpu.dma_semaphore, #tpu.memory_space<semaphore_mem>>) src(%dma_wait3A_283 : memref<56x128xf32, #tpu.memory_space<vmem>>) dst(%dma_wait3A_280 : memref<56x128xf32, #tpu.memory_space<vmem_shared>>)
      tpu.yield
    }) : () -> ()
    %barrier3A = arith.constant 0 : index
    tpu.barrier barrier_id(%barrier3A)
    %get3A = arith.constant 0 : i32
    %get3A_38 = arith.index_cast %get3A : i32 to index
    %get3A_39 = arith.constant 0 : index
    %get3A_40 = tpu.vector_load %arg5[%get3A_38, %get3A_39] {strides = array<i32>} : memref<208x64xi32, #tpu.memory_space<vmem>>, vector<1x16xi32>,
    %get3A_41 = vector.shape_cast %get3A_40 : vector<1x16xi32> to vector<16xi32>
    %and3A = arith.constant 16383 : i32
    %and3A_42 = vector.broadcast %and3A : i32 to vector<16xi32>
    %and3A_43 = arith.andi %get3A_41, %and3A_42 : vector<16xi32>
    %swap3A = arith.constant 0 : i32
    %swap3A_44 = arith.index_cast %swap3A : i32 to index
    %swap3A_45 = arith.constant 0 : index
    %swap3A_46 = tpu.vector_load %arg6[%swap3A_44, %swap3A_45] {strides = array<i32>} : memref<3x32xi32, #tpu.memory_space<vmem>>, vector<1x16xi32>,
    %swap3A_47 = vector.shape_cast %swap3A_46 : vector<1x16xi32> to vector<16xi32>
    %swap3A_48 = vector.shape_cast %and3A_43 : vector<16xi32> to vector<1x16xi32>
    tpu.vector_store %arg6[%swap3A_44, %swap3A_45], %swap3A_48 {strides = array<i32>} : memref<3x32xi32, #tpu.memory_space<vmem>>, vector<1x16xi32>,
    %shift_right_arithmetic3A = arith.constant 14 : i32
    %shift_right_arithmetic3A_49 = vector.broadcast %shift_right_arithmetic3A : i32 to vector<16xi32>
    %shift_right_arithmetic3A_50 = arith.shrsi %get3A_41, %shift_right_arithmetic3A_49 : vector<16xi32>
    %swap3A_51 = arith.constant 0 : i32
    %swap3A_52 = arith.index_cast %swap3A_51 : i32 to index
    %swap3A_53 = arith.constant 0 : index
    %swap3A_54 = tpu.vector_load %arg7[%swap3A_52, %swap3A_53] {strides = array<i32>} : memref<3x32xi32, #tpu.memory_space<vmem>>, vector<1x16xi32>,
    %swap3A_55 = vector.shape_cast %swap3A_54 : vector<1x16xi32> to vector<16xi32>
    %swap3A_56 = vector.shape_cast %shift_right_arithmetic3A_50 : vector<16xi32> to vector<1x16xi32>
    tpu.vector_store %arg7[%swap3A_52, %swap3A_53], %swap3A_56 {strides = array<i32>} : memref<3x32xi32, #tpu.memory_space<vmem>>, vector<1x16xi32>,
    %get3A_57 = arith.constant 0 : i32
    %get3A_58 = arith.index_cast %get3A_57 : i32 to index
    %get3A_59 = arith.constant 16 : index
    %get3A_60 = tpu.vector_load %arg5[%get3A_58, %get3A_59] {strides = array<i32>} : memref<208x64xi32, #tpu.memory_space<vmem>>, vector<1x16xi32>,
    %get3A_61 = vector.shape_cast %get3A_60 : vector<1x16xi32> to vector<16xi32>
    %and3A_62 = arith.constant 16383 : i32
    %and3A_63 = vector.broadcast %and3A_62 : i32 to vector<16xi32>
    %and3A_64 = arith.andi %get3A_61, %and3A_63 : vector<16xi32>
    %swap3A_65 = arith.constant 0 : i32
    %swap3A_66 = arith.index_cast %swap3A_65 : i32 to index
    %swap3A_67 = arith.constant 16 : index
    %swap3A_68 = tpu.vector_load %arg6[%swap3A_66, %swap3A_67] {strides = array<i32>} : memref<3x32xi32, #tpu.memory_space<vmem>>, vector<1x16xi32>,
    %swap3A_69 = vector.shape_cast %swap3A_68 : vector<1x16xi32> to vector<16xi32>
    %swap3A_70 = vector.shape_cast %and3A_64 : vector<16xi32> to vector<1x16xi32>
    tpu.vector_store %arg6[%swap3A_66, %swap3A_67], %swap3A_70 {strides = array<i32>} : memref<3x32xi32, #tpu.memory_space<vmem>>, vector<1x16xi32>,
    %shift_right_arithmetic3A_71 = arith.constant 14 : i32
    %shift_right_arithmetic3A_72 = vector.broadcast %shift_right_arithmetic3A_71 : i32 to vector<16xi32>
    %shift_right_arithmetic3A_73 = arith.shrsi %get3A_61, %shift_right_arithmetic3A_72 : vector<16xi32>
    %swap3A_74 = arith.constant 0 : i32
    %swap3A_75 = arith.index_cast %swap3A_74 : i32 to index
    %swap3A_76 = arith.constant 16 : index
    %swap3A_77 = tpu.vector_load %arg7[%swap3A_75, %swap3A_76] {strides = array<i32>} : memref<3x32xi32, #tpu.memory_space<vmem>>, vector<1x16xi32>,
    %swap3A_78 = vector.shape_cast %swap3A_77 : vector<1x16xi32> to vector<16xi32>
    %swap3A_79 = vector.shape_cast %shift_right_arithmetic3A_73 : vector<16xi32> to vector<1x16xi32>
    tpu.vector_store %arg7[%swap3A_75, %swap3A_76], %swap3A_79 {strides = array<i32>} : memref<3x32xi32, #tpu.memory_space<vmem>>, vector<1x16xi32>,
    %dma_start3A = arith.constant 0 : i32
    %dma_start3A_80 = arith.constant 0 : i32
    %dma_start3A_81 = arith.constant 0 : i32
    %dma_start3A_82 = tpu.memref_slice %arg8[%dma_start3A_80, %dma_start3A_81] : memref<96x128xf32, #tpu.memory_space<vmem>> -> memref<32x128xf32, #tpu.memory_space<vmem>>
    %dma_start3A_83 = arith.constant 0 : i32
    %dma_start3A_84 = tpu.memref_slice %arg6[%dma_start3A, %dma_start3A_83] : memref<3x32xi32, #tpu.memory_space<vmem>> -> memref<1x32xi32, #tpu.memory_space<vmem>>
    %dma_start3A_85 = tpu.memref_squeeze %dma_start3A_84 : memref<1x32xi32, #tpu.memory_space<vmem>> -> memref<32xi32, #tpu.memory_space<vmem>>
    %dma_start3A_86 = arith.constant 0 : i32
    %dma_start3A_87 = arith.constant 0 : i32
    %dma_start3A_88 = tpu.memref_slice %arg2[%dma_start3A_86, %dma_start3A_87] : memref<10000x128xf32, #tpu.memory_space<hbm>> -> memref<10000x128xf32, #tpu.memory_space<hbm>>
    tpu.enqueue_indirect_dma source(%dma_start3A_88 : memref<10000x128xf32, #tpu.memory_space<hbm>>) target(%dma_start3A_82 : memref<32x128xf32, #tpu.memory_space<vmem>>) offsets(%dma_start3A_85 : memref<32xi32, #tpu.memory_space<vmem>>) semaphore(%arg10 : memref<!tpu.dma_semaphore, #tpu.memory_space<semaphore_mem>>)
    %get3A_89 = arith.constant 0 : i32
    %get3A_90 = arith.index_cast %get3A_89 : i32 to index
    %get3A_91 = arith.constant 32 : index
    %get3A_92 = tpu.vector_load %arg5[%get3A_90, %get3A_91] {strides = array<i32>} : memref<208x64xi32, #tpu.memory_space<vmem>>, vector<1x16xi32>,
    %get3A_93 = vector.shape_cast %get3A_92 : vector<1x16xi32> to vector<16xi32>
    %and3A_94 = arith.constant 16383 : i32
    %and3A_95 = vector.broadcast %and3A_94 : i32 to vector<16xi32>
    %and3A_96 = arith.andi %get3A_93, %and3A_95 : vector<16xi32>
    %swap3A_97 = arith.constant 1 : i32
    %swap3A_98 = arith.index_cast %swap3A_97 : i32 to index
    %swap3A_99 = arith.constant 0 : index
    %swap3A_100 = tpu.vector_load %arg6[%swap3A_98, %swap3A_99] {strides = array<i32>} : memref<3x32xi32, #tpu.memory_space<vmem>>, vector<1x16xi32>,
    %swap3A_101 = vector.shape_cast %swap3A_100 : vector<1x16xi32> to vector<16xi32>
    %swap3A_102 = vector.shape_cast %and3A_96 : vector<16xi32> to vector<1x16xi32>
    tpu.vector_store %arg6[%swap3A_98, %swap3A_99], %swap3A_102 {strides = array<i32>} : memref<3x32xi32, #tpu.memory_space<vmem>>, vector<1x16xi32>,
    %shift_right_arithmetic3A_103 = arith.constant 14 : i32
    %shift_right_arithmetic3A_104 = vector.broadcast %shift_right_arithmetic3A_103 : i32 to vector<16xi32>
    %shift_right_arithmetic3A_105 = arith.shrsi %get3A_93, %shift_right_arithmetic3A_104 : vector<16xi32>
    %swap3A_106 = arith.constant 1 : i32
    %swap3A_107 = arith.index_cast %swap3A_106 : i32 to index
    %swap3A_108 = arith.constant 0 : index
    %swap3A_109 = tpu.vector_load %arg7[%swap3A_107, %swap3A_108] {strides = array<i32>} : memref<3x32xi32, #tpu.memory_space<vmem>>, vector<1x16xi32>,
    %swap3A_110 = vector.shape_cast %swap3A_109 : vector<1x16xi32> to vector<16xi32>
    %swap3A_111 = vector.shape_cast %shift_right_arithmetic3A_105 : vector<16xi32> to vector<1x16xi32>
    tpu.vector_store %arg7[%swap3A_107, %swap3A_108], %swap3A_111 {strides = array<i32>} : memref<3x32xi32, #tpu.memory_space<vmem>>, vector<1x16xi32>,
    %get3A_112 = arith.constant 0 : i32
    %get3A_113 = arith.index_cast %get3A_112 : i32 to index
    %get3A_114 = arith.constant 48 : index
    %get3A_115 = tpu.vector_load %arg5[%get3A_113, %get3A_114] {strides = array<i32>} : memref<208x64xi32, #tpu.memory_space<vmem>>, vector<1x16xi32>,
    %get3A_116 = vector.shape_cast %get3A_115 : vector<1x16xi32> to vector<16xi32>
    %and3A_117 = arith.constant 16383 : i32
    %and3A_118 = vector.broadcast %and3A_117 : i32 to vector<16xi32>
    %and3A_119 = arith.andi %get3A_116, %and3A_118 : vector<16xi32>
    %swap3A_120 = arith.constant 1 : i32
    %swap3A_121 = arith.index_cast %swap3A_120 : i32 to index
    %swap3A_122 = arith.constant 16 : index
    %swap3A_123 = tpu.vector_load %arg6[%swap3A_121, %swap3A_122] {strides = array<i32>} : memref<3x32xi32, #tpu.memory_space<vmem>>, vector<1x16xi32>,
    %swap3A_124 = vector.shape_cast %swap3A_123 : vector<1x16xi32> to vector<16xi32>
    %swap3A_125 = vector.shape_cast %and3A_119 : vector<16xi32> to vector<1x16xi32>
    tpu.vector_store %arg6[%swap3A_121, %swap3A_122], %swap3A_125 {strides = array<i32>} : memref<3x32xi32, #tpu.memory_space<vmem>>, vector<1x16xi32>,
    %shift_right_arithmetic3A_126 = arith.constant 14 : i32
    %shift_right_arithmetic3A_127 = vector.broadcast %shift_right_arithmetic3A_126 : i32 to vector<16xi32>
    %shift_right_arithmetic3A_128 = arith.shrsi %get3A_116, %shift_right_arithmetic3A_127 : vector<16xi32>
    %swap3A_129 = arith.constant 1 : i32
    %swap3A_130 = arith.index_cast %swap3A_129 : i32 to index
    %swap3A_131 = arith.constant 16 : index
    %swap3A_132 = tpu.vector_load %arg7[%swap3A_130, %swap3A_131] {strides = array<i32>} : memref<3x32xi32, #tpu.memory_space<vmem>>, vector<1x16xi32>,
    %swap3A_133 = vector.shape_cast %swap3A_132 : vector<1x16xi32> to vector<16xi32>
    %swap3A_134 = vector.shape_cast %shift_right_arithmetic3A_128 : vector<16xi32> to vector<1x16xi32>
    tpu.vector_store %arg7[%swap3A_130, %swap3A_131], %swap3A_134 {strides = array<i32>} : memref<3x32xi32, #tpu.memory_space<vmem>>, vector<1x16xi32>,
    %dma_start3A_135 = arith.constant 1 : i32
    %dma_start3A_136 = arith.constant 32 : i32
    %dma_start3A_137 = arith.constant 0 : i32
    %dma_start3A_138 = tpu.memref_slice %arg8[%dma_start3A_136, %dma_start3A_137] : memref<96x128xf32, #tpu.memory_space<vmem>> -> memref<32x128xf32, #tpu.memory_space<vmem>>
    %dma_start3A_139 = arith.constant 0 : i32
    %dma_start3A_140 = tpu.memref_slice %arg6[%dma_start3A_135, %dma_start3A_139] : memref<3x32xi32, #tpu.memory_space<vmem>> -> memref<1x32xi32, #tpu.memory_space<vmem>>
    %dma_start3A_141 = tpu.memref_squeeze %dma_start3A_140 : memref<1x32xi32, #tpu.memory_space<vmem>> -> memref<32xi32, #tpu.memory_space<vmem>>
    %dma_start3A_142 = arith.constant 0 : i32
    %dma_start3A_143 = arith.constant 0 : i32
    %dma_start3A_144 = tpu.memref_slice %arg2[%dma_start3A_142, %dma_start3A_143] : memref<10000x128xf32, #tpu.memory_space<hbm>> -> memref<10000x128xf32, #tpu.memory_space<hbm>>
    tpu.enqueue_indirect_dma source(%dma_start3A_144 : memref<10000x128xf32, #tpu.memory_space<hbm>>) target(%dma_start3A_138 : memref<32x128xf32, #tpu.memory_space<vmem>>) offsets(%dma_start3A_141 : memref<32xi32, #tpu.memory_space<vmem>>) semaphore(%arg11 : memref<!tpu.dma_semaphore, #tpu.memory_space<semaphore_mem>>)
    %get3A_145 = arith.constant 1 : i32
    %get3A_146 = arith.index_cast %get3A_145 : i32 to index
    %get3A_147 = arith.constant 0 : index
    %get3A_148 = tpu.vector_load %arg5[%get3A_146, %get3A_147] {strides = array<i32>} : memref<208x64xi32, #tpu.memory_space<vmem>>, vector<1x16xi32>,
    %get3A_149 = vector.shape_cast %get3A_148 : vector<1x16xi32> to vector<16xi32>
    %and3A_150 = arith.constant 16383 : i32
    %and3A_151 = vector.broadcast %and3A_150 : i32 to vector<16xi32>
    %and3A_152 = arith.andi %get3A_149, %and3A_151 : vector<16xi32>
    %swap3A_153 = arith.constant 2 : i32
    %swap3A_154 = arith.index_cast %swap3A_153 : i32 to index
    %swap3A_155 = arith.constant 0 : index
    %swap3A_156 = tpu.vector_load %arg6[%swap3A_154, %swap3A_155] {strides = array<i32>} : memref<3x32xi32, #tpu.memory_space<vmem>>, vector<1x16xi32>,
    %swap3A_157 = vector.shape_cast %swap3A_156 : vector<1x16xi32> to vector<16xi32>
    %swap3A_158 = vector.shape_cast %and3A_152 : vector<16xi32> to vector<1x16xi32>
    tpu.vector_store %arg6[%swap3A_154, %swap3A_155], %swap3A_158 {strides = array<i32>} : memref<3x32xi32, #tpu.memory_space<vmem>>, vector<1x16xi32>,
    %shift_right_arithmetic3A_159 = arith.constant 14 : i32
    %shift_right_arithmetic3A_160 = vector.broadcast %shift_right_arithmetic3A_159 : i32 to vector<16xi32>
    %shift_right_arithmetic3A_161 = arith.shrsi %get3A_149, %shift_right_arithmetic3A_160 : vector<16xi32>
    %swap3A_162 = arith.constant 2 : i32
    %swap3A_163 = arith.index_cast %swap3A_162 : i32 to index
    %swap3A_164 = arith.constant 0 : index
    %swap3A_165 = tpu.vector_load %arg7[%swap3A_163, %swap3A_164] {strides = array<i32>} : memref<3x32xi32, #tpu.memory_space<vmem>>, vector<1x16xi32>,
    %swap3A_166 = vector.shape_cast %swap3A_165 : vector<1x16xi32> to vector<16xi32>
    %swap3A_167 = vector.shape_cast %shift_right_arithmetic3A_161 : vector<16xi32> to vector<1x16xi32>
    tpu.vector_store %arg7[%swap3A_163, %swap3A_164], %swap3A_167 {strides = array<i32>} : memref<3x32xi32, #tpu.memory_space<vmem>>, vector<1x16xi32>,
    %get3A_168 = arith.constant 1 : i32
    %get3A_169 = arith.index_cast %get3A_168 : i32 to index
    %get3A_170 = arith.constant 16 : index
    %get3A_171 = tpu.vector_load %arg5[%get3A_169, %get3A_170] {strides = array<i32>} : memref<208x64xi32, #tpu.memory_space<vmem>>, vector<1x16xi32>,
    %get3A_172 = vector.shape_cast %get3A_171 : vector<1x16xi32> to vector<16xi32>
    %and3A_173 = arith.constant 16383 : i32
    %and3A_174 = vector.broadcast %and3A_173 : i32 to vector<16xi32>
    %and3A_175 = arith.andi %get3A_172, %and3A_174 : vector<16xi32>
    %swap3A_176 = arith.constant 2 : i32
    %swap3A_177 = arith.index_cast %swap3A_176 : i32 to index
    %swap3A_178 = arith.constant 16 : index
    %swap3A_179 = tpu.vector_load %arg6[%swap3A_177, %swap3A_178] {strides = array<i32>} : memref<3x32xi32, #tpu.memory_space<vmem>>, vector<1x16xi32>,
    %swap3A_180 = vector.shape_cast %swap3A_179 : vector<1x16xi32> to vector<16xi32>
    %swap3A_181 = vector.shape_cast %and3A_175 : vector<16xi32> to vector<1x16xi32>
    tpu.vector_store %arg6[%swap3A_177, %swap3A_178], %swap3A_181 {strides = array<i32>} : memref<3x32xi32, #tpu.memory_space<vmem>>, vector<1x16xi32>,
    %shift_right_arithmetic3A_182 = arith.constant 14 : i32
    %shift_right_arithmetic3A_183 = vector.broadcast %shift_right_arithmetic3A_182 : i32 to vector<16xi32>
    %shift_right_arithmetic3A_184 = arith.shrsi %get3A_172, %shift_right_arithmetic3A_183 : vector<16xi32>
    %swap3A_185 = arith.constant 2 : i32
    %swap3A_186 = arith.index_cast %swap3A_185 : i32 to index
    %swap3A_187 = arith.constant 16 : index
    %swap3A_188 = tpu.vector_load %arg7[%swap3A_186, %swap3A_187] {strides = array<i32>} : memref<3x32xi32, #tpu.memory_space<vmem>>, vector<1x16xi32>,
    %swap3A_189 = vector.shape_cast %swap3A_188 : vector<1x16xi32> to vector<16xi32>
    %swap3A_190 = vector.shape_cast %shift_right_arithmetic3A_184 : vector<16xi32> to vector<1x16xi32>
    tpu.vector_store %arg7[%swap3A_186, %swap3A_187], %swap3A_190 {strides = array<i32>} : memref<3x32xi32, #tpu.memory_space<vmem>>, vector<1x16xi32>,
    %dma_start3A_191 = arith.constant 2 : i32
    %dma_start3A_192 = arith.constant 64 : i32
    %dma_start3A_193 = arith.constant 0 : i32
    %dma_start3A_194 = tpu.memref_slice %arg8[%dma_start3A_192, %dma_start3A_193] : memref<96x128xf32, #tpu.memory_space<vmem>> -> memref<32x128xf32, #tpu.memory_space<vmem>>
    %dma_start3A_195 = arith.constant 0 : i32
    %dma_start3A_196 = tpu.memref_slice %arg6[%dma_start3A_191, %dma_start3A_195] : memref<3x32xi32, #tpu.memory_space<vmem>> -> memref<1x32xi32, #tpu.memory_space<vmem>>
    %dma_start3A_197 = tpu.memref_squeeze %dma_start3A_196 : memref<1x32xi32, #tpu.memory_space<vmem>> -> memref<32xi32, #tpu.memory_space<vmem>>
    %dma_start3A_198 = arith.constant 0 : i32
    %dma_start3A_199 = arith.constant 0 : i32
    %dma_start3A_200 = tpu.memref_slice %arg2[%dma_start3A_198, %dma_start3A_199] : memref<10000x128xf32, #tpu.memory_space<hbm>> -> memref<10000x128xf32, #tpu.memory_space<hbm>>
    tpu.enqueue_indirect_dma source(%dma_start3A_200 : memref<10000x128xf32, #tpu.memory_space<hbm>>) target(%dma_start3A_194 : memref<32x128xf32, #tpu.memory_space<vmem>>) offsets(%dma_start3A_197 : memref<32xi32, #tpu.memory_space<vmem>>) semaphore(%arg12 : memref<!tpu.dma_semaphore, #tpu.memory_space<semaphore_mem>>)
    %jit3A_201 = arith.constant 3 : i32
    %div3A = arith.divsi %select_n3A, %jit3A_201 : i32
    %sign3A = arith.constant 0 : i32
    %sign3A_202 = arith.cmpi sgt, %select_n3A, %sign3A : i32
    %sign3A_203 = arith.extui %sign3A_202 : i1 to i32
    %sign3A_204 = arith.constant 0 : i32
    %sign3A_205 = arith.cmpi slt, %select_n3A, %sign3A_204 : i32
    %sign3A_206 = arith.extui %sign3A_205 : i1 to i32
    %sign3A_207 = arith.subi %sign3A_203, %sign3A_206 : i32
    %sign3A_208 = arith.constant 0 : i32
    %sign3A_209 = arith.cmpi sgt, %jit3A_201, %sign3A_208 : i32
    %sign3A_210 = arith.extui %sign3A_209 : i1 to i32
    %sign3A_211 = arith.constant 0 : i32
    %sign3A_212 = arith.cmpi slt, %jit3A_201, %sign3A_211 : i32
    %sign3A_213 = arith.extui %sign3A_212 : i1 to i32
    %sign3A_214 = arith.subi %sign3A_210, %sign3A_213 : i32
    %ne3A = arith.cmpi ne, %sign3A_207, %sign3A_214 : i32
    %rem3A = arith.remsi %select_n3A, %jit3A_201 : i32
    %ne3A_215 = arith.constant 0 : i32
    %ne3A_216 = arith.cmpi ne, %rem3A, %ne3A_215 : i32
    %and3A_217 = arith.andi %ne3A, %ne3A_216 : i1
    %sub3A_218 = arith.constant 1 : i32
    %sub3A_219 = arith.subi %div3A, %sub3A_218 : i32
    %select_n3A_220 = arith.select %and3A_217, %sub3A_219, %div3A : i32
    %while3A = arith.constant 0 : i32
    %while3A_221 = arith.constant 0 : i32
    %while3A_222 = arith.subi %select_n3A_220, %while3A_221 : i32
    %while3A_223 = arith.addi %while3A_221, %while3A_222 : i32
    %while3A_224 = arith.constant 1 : i32
    %while3A_225 = arith.divsi %while3A_222, %while3A_224 : i32
    %while3A_226 = arith.muli %while3A_225, %while3A_224 : i32
    %while3A_227 = arith.addi %while3A_221, %while3A_226 : i32
    %while3A_228 = arith.constant 1 : i32
    scf.for %while3A_264 = %while3A_221 to %while3A_227 step %while3A_228  : i32 {
      %mul3A_265 = arith.constant 3 : i32
      %mul3A_266 = arith.muli %while3A_264, %mul3A_265 : i32
      %dma_wait3A_267 = arith.constant 0 : i32
      %dma_wait3A_268 = arith.constant 0 : i32
      %dma_wait3A_269 = arith.constant 0 : i32
      %dma_wait3A_270 = tpu.memref_slice %arg8[%dma_wait3A_268, %dma_wait3A_269] : memref<96x128xf32, #tpu.memory_space<vmem>> -> memref<32x128xf32, #tpu.memory_space<vmem>>
      %dma_wait3A_271 = arith.constant 0 : i32
      %dma_wait3A_272 = tpu.memref_slice %arg6[%dma_wait3A_267, %dma_wait3A_271] : memref<3x32xi32, #tpu.memory_space<vmem>> -> memref<1x32xi32, #tpu.memory_space<vmem>>
      %dma_wait3A_273 = tpu.memref_squeeze %dma_wait3A_272 : memref<1x32xi32, #tpu.memory_space<vmem>> -> memref<32xi32, #tpu.memory_space<vmem>>
      %dma_wait3A_274 = arith.constant 0 : i32
      %dma_wait3A_275 = arith.constant 0 : i32
      %dma_wait3A_276 = tpu.memref_slice %arg2[%dma_wait3A_274, %dma_wait3A_275] : memref<10000x128xf32, #tpu.memory_space<hbm>> -> memref<10000x128xf32, #tpu.memory_space<hbm>>
      tpu.wait_indirect_dma semaphore(%arg10 : memref<!tpu.dma_semaphore, #tpu.memory_space<semaphore_mem>>) src(%dma_wait3A_276 : memref<10000x128xf32, #tpu.memory_space<hbm>>) dst(%dma_wait3A_270 : memref<32x128xf32, #tpu.memory_space<vmem>>)
      %run_scoped3A = arith.constant 0 : i32
      "tpu.region"() ({
        %run_scoped3A_529 = tpu.sem_alloc : memref<!tpu.dma_semaphore, #tpu.memory_space<semaphore_mem>>
        %dma_start3A_530 = arith.constant 0 : i32
        %dma_start3A_531 = arith.constant 0 : i32
        %dma_start3A_532 = tpu.memref_slice %arg8[%dma_start3A_530, %dma_start3A_531] : memref<96x128xf32, #tpu.memory_space<vmem>> -> memref<32x128xf32, #tpu.memory_space<vmem>>
        %dma_start3A_533 = arith.constant 0 : i32
        %dma_start3A_534 = tpu.memref_slice %arg7[%run_scoped3A, %dma_start3A_533] : memref<3x32xi32, #tpu.memory_space<vmem>> -> memref<1x32xi32, #tpu.memory_space<vmem>>
        %dma_start3A_535 = tpu.memref_squeeze %dma_start3A_534 : memref<1x32xi32, #tpu.memory_space<vmem>> -> memref<32xi32, #tpu.memory_space<vmem>>
        %dma_start3A_536 = arith.constant 0 : i32
        %dma_start3A_537 = arith.constant 0 : i32
        %dma_start3A_538 = tpu.memref_slice %arg9[%dma_start3A_536, %dma_start3A_537] : memref<10112x128xf32, #tpu.memory_space<vmem_shared>> -> memref<10112x128xf32, #tpu.memory_space<vmem_shared>>
        tpu.enqueue_indirect_dma source(%dma_start3A_532 : memref<32x128xf32, #tpu.memory_space<vmem>>) target(%dma_start3A_538 : memref<10112x128xf32, #tpu.memory_space<vmem_shared>>) offsets(%dma_start3A_535 : memref<32xi32, #tpu.memory_space<vmem>>) semaphore(%run_scoped3A_529 : memref<!tpu.dma_semaphore, #tpu.memory_space<semaphore_mem>>) {add = true}
        %dma_wait3A_539 = arith.constant 0 : i32
        %dma_wait3A_540 = arith.constant 0 : i32
        %dma_wait3A_541 = tpu.memref_slice %arg8[%dma_wait3A_539, %dma_wait3A_540] : memref<96x128xf32, #tpu.memory_space<vmem>> -> memref<32x128xf32, #tpu.memory_space<vmem>>
        %dma_wait3A_542 = arith.constant 0 : i32
        %dma_wait3A_543 = tpu.memref_slice %arg7[%run_scoped3A, %dma_wait3A_542] : memref<3x32xi32, #tpu.memory_space<vmem>> -> memref<1x32xi32, #tpu.memory_space<vmem>>
        %dma_wait3A_544 = tpu.memref_squeeze %dma_wait3A_543 : memref<1x32xi32, #tpu.memory_space<vmem>> -> memref<32xi32, #tpu.memory_space<vmem>>
        %dma_wait3A_545 = arith.constant 0 : i32
        %dma_wait3A_546 = arith.constant 0 : i32
        %dma_wait3A_547 = tpu.memref_slice %arg9[%dma_wait3A_545, %dma_wait3A_546] : memref<10112x128xf32, #tpu.memory_space<vmem_shared>> -> memref<10112x128xf32, #tpu.memory_space<vmem_shared>>
        tpu.wait_indirect_dma semaphore(%run_scoped3A_529 : memref<!tpu.dma_semaphore, #tpu.memory_space<semaphore_mem>>) src(%dma_wait3A_541 : memref<32x128xf32, #tpu.memory_space<vmem>>) dst(%dma_wait3A_547 : memref<10112x128xf32, #tpu.memory_space<vmem_shared>>)
        tpu.yield
      }) : () -> ()
      %add3A_277 = arith.constant 3 : i32
      %add3A_278 = arith.addi %mul3A_266, %add3A_277 : i32
      %add3A_279 = arith.constant 0 : i32
      %add3A_280 = arith.addi %add3A_278, %add3A_279 : i32
      %sub3A_281 = arith.constant 1 : i32
      %sub3A_282 = arith.subi %select_n3A, %sub3A_281 : i32
      %min3A = arith.minsi %add3A_280, %sub3A_282 : i32
      %shift_right_arithmetic3A_283 = arith.constant 1 : i32
      %shift_right_arithmetic3A_284 = arith.shrsi %min3A, %shift_right_arithmetic3A_283 : i32
      %and3A_285 = arith.constant 1 : i32
      %and3A_286 = arith.andi %min3A, %and3A_285 : i32
      %mul3A_287 = arith.constant 32 : i32
      %mul3A_288 = arith.muli %and3A_286, %mul3A_287 : i32
      %add3A_289 = arith.constant 0 : i32
      %add3A_290 = arith.addi %mul3A_288, %add3A_289 : i32
      %get3A_291 = arith.index_cast %shift_right_arithmetic3A_284 : i32 to index
      %get3A_292 = arith.index_cast %add3A_290 : i32 to index
      %get3A_293 = tpu.vector_load %arg5[%get3A_291, %get3A_292] {strides = array<i32>} : memref<208x64xi32, #tpu.memory_space<vmem>>, vector<1x16xi32>,
      %get3A_294 = vector.shape_cast %get3A_293 : vector<1x16xi32> to vector<16xi32>
      %and3A_295 = arith.constant 16383 : i32
      %and3A_296 = vector.broadcast %and3A_295 : i32 to vector<16xi32>
      %and3A_297 = arith.andi %get3A_294, %and3A_296 : vector<16xi32>
      %swap3A_298 = arith.constant 0 : i32
      %swap3A_299 = arith.index_cast %swap3A_298 : i32 to index
      %swap3A_300 = arith.constant 0 : index
      %swap3A_301 = tpu.vector_load %arg6[%swap3A_299, %swap3A_300] {strides = array<i32>} : memref<3x32xi32, #tpu.memory_space<vmem>>, vector<1x16xi32>,
      %swap3A_302 = vector.shape_cast %swap3A_301 : vector<1x16xi32> to vector<16xi32>
      %swap3A_303 = vector.shape_cast %and3A_297 : vector<16xi32> to vector<1x16xi32>
      tpu.vector_store %arg6[%swap3A_299, %swap3A_300], %swap3A_303 {strides = array<i32>} : memref<3x32xi32, #tpu.memory_space<vmem>>, vector<1x16xi32>,
      %shift_right_arithmetic3A_304 = arith.constant 14 : i32
      %shift_right_arithmetic3A_305 = vector.broadcast %shift_right_arithmetic3A_304 : i32 to vector<16xi32>
      %shift_right_arithmetic3A_306 = arith.shrsi %get3A_294, %shift_right_arithmetic3A_305 : vector<16xi32>
      %swap3A_307 = arith.constant 0 : i32
      %swap3A_308 = arith.index_cast %swap3A_307 : i32 to index
      %swap3A_309 = arith.constant 0 : index
      %swap3A_310 = tpu.vector_load %arg7[%swap3A_308, %swap3A_309] {strides = array<i32>} : memref<3x32xi32, #tpu.memory_space<vmem>>, vector<1x16xi32>,
      %swap3A_311 = vector.shape_cast %swap3A_310 : vector<1x16xi32> to vector<16xi32>
      %swap3A_312 = vector.shape_cast %shift_right_arithmetic3A_306 : vector<16xi32> to vector<1x16xi32>
      tpu.vector_store %arg7[%swap3A_308, %swap3A_309], %swap3A_312 {strides = array<i32>} : memref<3x32xi32, #tpu.memory_space<vmem>>, vector<1x16xi32>,
      %shift_right_arithmetic3A_313 = arith.constant 1 : i32
      %shift_right_arithmetic3A_314 = arith.shrsi %min3A, %shift_right_arithmetic3A_313 : i32
      %and3A_315 = arith.constant 1 : i32
      %and3A_316 = arith.andi %min3A, %and3A_315 : i32
      %mul3A_317 = arith.constant 32 : i32
      %mul3A_318 = arith.muli %and3A_316, %mul3A_317 : i32
      %add3A_319 = arith.constant 16 : i32
      %add3A_320 = arith.addi %mul3A_318, %add3A_319 : i32
      %get3A_321 = arith.index_cast %shift_right_arithmetic3A_314 : i32 to index
      %get3A_322 = arith.index_cast %add3A_320 : i32 to index
      %get3A_323 = tpu.vector_load %arg5[%get3A_321, %get3A_322] {strides = array<i32>} : memref<208x64xi32, #tpu.memory_space<vmem>>, vector<1x16xi32>,
      %get3A_324 = vector.shape_cast %get3A_323 : vector<1x16xi32> to vector<16xi32>
      %and3A_325 = arith.constant 16383 : i32
      %and3A_326 = vector.broadcast %and3A_325 : i32 to vector<16xi32>
      %and3A_327 = arith.andi %get3A_324, %and3A_326 : vector<16xi32>
      %swap3A_328 = arith.constant 0 : i32
      %swap3A_329 = arith.index_cast %swap3A_328 : i32 to index
      %swap3A_330 = arith.constant 16 : index
      %swap3A_331 = tpu.vector_load %arg6[%swap3A_329, %swap3A_330] {strides = array<i32>} : memref<3x32xi32, #tpu.memory_space<vmem>>, vector<1x16xi32>,
      %swap3A_332 = vector.shape_cast %swap3A_331 : vector<1x16xi32> to vector<16xi32>
      %swap3A_333 = vector.shape_cast %and3A_327 : vector<16xi32> to vector<1x16xi32>
      tpu.vector_store %arg6[%swap3A_329, %swap3A_330], %swap3A_333 {strides = array<i32>} : memref<3x32xi32, #tpu.memory_space<vmem>>, vector<1x16xi32>,
      %shift_right_arithmetic3A_334 = arith.constant 14 : i32
      %shift_right_arithmetic3A_335 = vector.broadcast %shift_right_arithmetic3A_334 : i32 to vector<16xi32>
      %shift_right_arithmetic3A_336 = arith.shrsi %get3A_324, %shift_right_arithmetic3A_335 : vector<16xi32>
      %swap3A_337 = arith.constant 0 : i32
      %swap3A_338 = arith.index_cast %swap3A_337 : i32 to index
      %swap3A_339 = arith.constant 16 : index
      %swap3A_340 = tpu.vector_load %arg7[%swap3A_338, %swap3A_339] {strides = array<i32>} : memref<3x32xi32, #tpu.memory_space<vmem>>, vector<1x16xi32>,
      %swap3A_341 = vector.shape_cast %swap3A_340 : vector<1x16xi32> to vector<16xi32>
      %swap3A_342 = vector.shape_cast %shift_right_arithmetic3A_336 : vector<16xi32> to vector<1x16xi32>
      tpu.vector_store %arg7[%swap3A_338, %swap3A_339], %swap3A_342 {strides = array<i32>} : memref<3x32xi32, #tpu.memory_space<vmem>>, vector<1x16xi32>,
      %dma_start3A_343 = arith.constant 0 : i32
      %dma_start3A_344 = arith.constant 0 : i32
      %dma_start3A_345 = arith.constant 0 : i32
      %dma_start3A_346 = tpu.memref_slice %arg8[%dma_start3A_344, %dma_start3A_345] : memref<96x128xf32, #tpu.memory_space<vmem>> -> memref<32x128xf32, #tpu.memory_space<vmem>>
      %dma_start3A_347 = arith.constant 0 : i32
      %dma_start3A_348 = tpu.memref_slice %arg6[%dma_start3A_343, %dma_start3A_347] : memref<3x32xi32, #tpu.memory_space<vmem>> -> memref<1x32xi32, #tpu.memory_space<vmem>>
      %dma_start3A_349 = tpu.memref_squeeze %dma_start3A_348 : memref<1x32xi32, #tpu.memory_space<vmem>> -> memref<32xi32, #tpu.memory_space<vmem>>
      %dma_start3A_350 = arith.constant 0 : i32
      %dma_start3A_351 = arith.constant 0 : i32
      %dma_start3A_352 = tpu.memref_slice %arg2[%dma_start3A_350, %dma_start3A_351] : memref<10000x128xf32, #tpu.memory_space<hbm>> -> memref<10000x128xf32, #tpu.memory_space<hbm>>
      tpu.enqueue_indirect_dma source(%dma_start3A_352 : memref<10000x128xf32, #tpu.memory_space<hbm>>) target(%dma_start3A_346 : memref<32x128xf32, #tpu.memory_space<vmem>>) offsets(%dma_start3A_349 : memref<32xi32, #tpu.memory_space<vmem>>) semaphore(%arg10 : memref<!tpu.dma_semaphore, #tpu.memory_space<semaphore_mem>>)
      %dma_wait3A_353 = arith.constant 1 : i32
      %dma_wait3A_354 = arith.constant 32 : i32
      %dma_wait3A_355 = arith.constant 0 : i32
      %dma_wait3A_356 = tpu.memref_slice %arg8[%dma_wait3A_354, %dma_wait3A_355] : memref<96x128xf32, #tpu.memory_space<vmem>> -> memref<32x128xf32, #tpu.memory_space<vmem>>
      %dma_wait3A_357 = arith.constant 0 : i32
      %dma_wait3A_358 = tpu.memref_slice %arg6[%dma_wait3A_353, %dma_wait3A_357] : memref<3x32xi32, #tpu.memory_space<vmem>> -> memref<1x32xi32, #tpu.memory_space<vmem>>
      %dma_wait3A_359 = tpu.memref_squeeze %dma_wait3A_358 : memref<1x32xi32, #tpu.memory_space<vmem>> -> memref<32xi32, #tpu.memory_space<vmem>>
      %dma_wait3A_360 = arith.constant 0 : i32
      %dma_wait3A_361 = arith.constant 0 : i32
      %dma_wait3A_362 = tpu.memref_slice %arg2[%dma_wait3A_360, %dma_wait3A_361] : memref<10000x128xf32, #tpu.memory_space<hbm>> -> memref<10000x128xf32, #tpu.memory_space<hbm>>
      tpu.wait_indirect_dma semaphore(%arg11 : memref<!tpu.dma_semaphore, #tpu.memory_space<semaphore_mem>>) src(%dma_wait3A_362 : memref<10000x128xf32, #tpu.memory_space<hbm>>) dst(%dma_wait3A_356 : memref<32x128xf32, #tpu.memory_space<vmem>>)
      %run_scoped3A_363 = arith.constant 1 : i32
      "tpu.region"() ({
        %run_scoped3A_529 = tpu.sem_alloc : memref<!tpu.dma_semaphore, #tpu.memory_space<semaphore_mem>>
        %dma_start3A_530 = arith.constant 32 : i32
        %dma_start3A_531 = arith.constant 0 : i32
        %dma_start3A_532 = tpu.memref_slice %arg8[%dma_start3A_530, %dma_start3A_531] : memref<96x128xf32, #tpu.memory_space<vmem>> -> memref<32x128xf32, #tpu.memory_space<vmem>>
        %dma_start3A_533 = arith.constant 0 : i32
        %dma_start3A_534 = tpu.memref_slice %arg7[%run_scoped3A_363, %dma_start3A_533] : memref<3x32xi32, #tpu.memory_space<vmem>> -> memref<1x32xi32, #tpu.memory_space<vmem>>
        %dma_start3A_535 = tpu.memref_squeeze %dma_start3A_534 : memref<1x32xi32, #tpu.memory_space<vmem>> -> memref<32xi32, #tpu.memory_space<vmem>>
        %dma_start3A_536 = arith.constant 0 : i32
        %dma_start3A_537 = arith.constant 0 : i32
        %dma_start3A_538 = tpu.memref_slice %arg9[%dma_start3A_536, %dma_start3A_537] : memref<10112x128xf32, #tpu.memory_space<vmem_shared>> -> memref<10112x128xf32, #tpu.memory_space<vmem_shared>>
        tpu.enqueue_indirect_dma source(%dma_start3A_532 : memref<32x128xf32, #tpu.memory_space<vmem>>) target(%dma_start3A_538 : memref<10112x128xf32, #tpu.memory_space<vmem_shared>>) offsets(%dma_start3A_535 : memref<32xi32, #tpu.memory_space<vmem>>) semaphore(%run_scoped3A_529 : memref<!tpu.dma_semaphore, #tpu.memory_space<semaphore_mem>>) {add = true}
        %dma_wait3A_539 = arith.constant 32 : i32
        %dma_wait3A_540 = arith.constant 0 : i32
        %dma_wait3A_541 = tpu.memref_slice %arg8[%dma_wait3A_539, %dma_wait3A_540] : memref<96x128xf32, #tpu.memory_space<vmem>> -> memref<32x128xf32, #tpu.memory_space<vmem>>
        %dma_wait3A_542 = arith.constant 0 : i32
        %dma_wait3A_543 = tpu.memref_slice %arg7[%run_scoped3A_363, %dma_wait3A_542] : memref<3x32xi32, #tpu.memory_space<vmem>> -> memref<1x32xi32, #tpu.memory_space<vmem>>
        %dma_wait3A_544 = tpu.memref_squeeze %dma_wait3A_543 : memref<1x32xi32, #tpu.memory_space<vmem>> -> memref<32xi32, #tpu.memory_space<vmem>>
        %dma_wait3A_545 = arith.constant 0 : i32
        %dma_wait3A_546 = arith.constant 0 : i32
        %dma_wait3A_547 = tpu.memref_slice %arg9[%dma_wait3A_545, %dma_wait3A_546] : memref<10112x128xf32, #tpu.memory_space<vmem_shared>> -> memref<10112x128xf32, #tpu.memory_space<vmem_shared>>
        tpu.wait_indirect_dma semaphore(%run_scoped3A_529 : memref<!tpu.dma_semaphore, #tpu.memory_space<semaphore_mem>>) src(%dma_wait3A_541 : memref<32x128xf32, #tpu.memory_space<vmem>>) dst(%dma_wait3A_547 : memref<10112x128xf32, #tpu.memory_space<vmem_shared>>)
        tpu.yield
      }) : () -> ()
      %add3A_364 = arith.constant 3 : i32
      %add3A_365 = arith.addi %mul3A_266, %add3A_364 : i32
      %add3A_366 = arith.constant 1 : i32
      %add3A_367 = arith.addi %add3A_365, %add3A_366 : i32
      %sub3A_368 = arith.constant 1 : i32
      %sub3A_369 = arith.subi %select_n3A, %sub3A_368 : i32
      %min3A_370 = arith.minsi %add3A_367, %sub3A_369 : i32
      %shift_right_arithmetic3A_371 = arith.constant 1 : i32
      %shift_right_arithmetic3A_372 = arith.shrsi %min3A_370, %shift_right_arithmetic3A_371 : i32
      %and3A_373 = arith.constant 1 : i32
      %and3A_374 = arith.andi %min3A_370, %and3A_373 : i32
      %mul3A_375 = arith.constant 32 : i32
      %mul3A_376 = arith.muli %and3A_374, %mul3A_375 : i32
      %add3A_377 = arith.constant 0 : i32
      %add3A_378 = arith.addi %mul3A_376, %add3A_377 : i32
      %get3A_379 = arith.index_cast %shift_right_arithmetic3A_372 : i32 to index
      %get3A_380 = arith.index_cast %add3A_378 : i32 to index
      %get3A_381 = tpu.vector_load %arg5[%get3A_379, %get3A_380] {strides = array<i32>} : memref<208x64xi32, #tpu.memory_space<vmem>>, vector<1x16xi32>,
      %get3A_382 = vector.shape_cast %get3A_381 : vector<1x16xi32> to vector<16xi32>
      %and3A_383 = arith.constant 16383 : i32
      %and3A_384 = vector.broadcast %and3A_383 : i32 to vector<16xi32>
      %and3A_385 = arith.andi %get3A_382, %and3A_384 : vector<16xi32>
      %swap3A_386 = arith.constant 1 : i32
      %swap3A_387 = arith.index_cast %swap3A_386 : i32 to index
      %swap3A_388 = arith.constant 0 : index
      %swap3A_389 = tpu.vector_load %arg6[%swap3A_387, %swap3A_388] {strides = array<i32>} : memref<3x32xi32, #tpu.memory_space<vmem>>, vector<1x16xi32>,
      %swap3A_390 = vector.shape_cast %swap3A_389 : vector<1x16xi32> to vector<16xi32>
      %swap3A_391 = vector.shape_cast %and3A_385 : vector<16xi32> to vector<1x16xi32>
      tpu.vector_store %arg6[%swap3A_387, %swap3A_388], %swap3A_391 {strides = array<i32>} : memref<3x32xi32, #tpu.memory_space<vmem>>, vector<1x16xi32>,
      %shift_right_arithmetic3A_392 = arith.constant 14 : i32
      %shift_right_arithmetic3A_393 = vector.broadcast %shift_right_arithmetic3A_392 : i32 to vector<16xi32>
      %shift_right_arithmetic3A_394 = arith.shrsi %get3A_382, %shift_right_arithmetic3A_393 : vector<16xi32>
      %swap3A_395 = arith.constant 1 : i32
      %swap3A_396 = arith.index_cast %swap3A_395 : i32 to index
      %swap3A_397 = arith.constant 0 : index
      %swap3A_398 = tpu.vector_load %arg7[%swap3A_396, %swap3A_397] {strides = array<i32>} : memref<3x32xi32, #tpu.memory_space<vmem>>, vector<1x16xi32>,
      %swap3A_399 = vector.shape_cast %swap3A_398 : vector<1x16xi32> to vector<16xi32>
      %swap3A_400 = vector.shape_cast %shift_right_arithmetic3A_394 : vector<16xi32> to vector<1x16xi32>
      tpu.vector_store %arg7[%swap3A_396, %swap3A_397], %swap3A_400 {strides = array<i32>} : memref<3x32xi32, #tpu.memory_space<vmem>>, vector<1x16xi32>,
      %shift_right_arithmetic3A_401 = arith.constant 1 : i32
      %shift_right_arithmetic3A_402 = arith.shrsi %min3A_370, %shift_right_arithmetic3A_401 : i32
      %and3A_403 = arith.constant 1 : i32
      %and3A_404 = arith.andi %min3A_370, %and3A_403 : i32
      %mul3A_405 = arith.constant 32 : i32
      %mul3A_406 = arith.muli %and3A_404, %mul3A_405 : i32
      %add3A_407 = arith.constant 16 : i32
      %add3A_408 = arith.addi %mul3A_406, %add3A_407 : i32
      %get3A_409 = arith.index_cast %shift_right_arithmetic3A_402 : i32 to index
      %get3A_410 = arith.index_cast %add3A_408 : i32 to index
      %get3A_411 = tpu.vector_load %arg5[%get3A_409, %get3A_410] {strides = array<i32>} : memref<208x64xi32, #tpu.memory_space<vmem>>, vector<1x16xi32>,
      %get3A_412 = vector.shape_cast %get3A_411 : vector<1x16xi32> to vector<16xi32>
      %and3A_413 = arith.constant 16383 : i32
      %and3A_414 = vector.broadcast %and3A_413 : i32 to vector<16xi32>
      %and3A_415 = arith.andi %get3A_412, %and3A_414 : vector<16xi32>
      %swap3A_416 = arith.constant 1 : i32
      %swap3A_417 = arith.index_cast %swap3A_416 : i32 to index
      %swap3A_418 = arith.constant 16 : index
      %swap3A_419 = tpu.vector_load %arg6[%swap3A_417, %swap3A_418] {strides = array<i32>} : memref<3x32xi32, #tpu.memory_space<vmem>>, vector<1x16xi32>,
      %swap3A_420 = vector.shape_cast %swap3A_419 : vector<1x16xi32> to vector<16xi32>
      %swap3A_421 = vector.shape_cast %and3A_415 : vector<16xi32> to vector<1x16xi32>
      tpu.vector_store %arg6[%swap3A_417, %swap3A_418], %swap3A_421 {strides = array<i32>} : memref<3x32xi32, #tpu.memory_space<vmem>>, vector<1x16xi32>,
      %shift_right_arithmetic3A_422 = arith.constant 14 : i32
      %shift_right_arithmetic3A_423 = vector.broadcast %shift_right_arithmetic3A_422 : i32 to vector<16xi32>
      %shift_right_arithmetic3A_424 = arith.shrsi %get3A_412, %shift_right_arithmetic3A_423 : vector<16xi32>
      %swap3A_425 = arith.constant 1 : i32
      %swap3A_426 = arith.index_cast %swap3A_425 : i32 to index
      %swap3A_427 = arith.constant 16 : index
      %swap3A_428 = tpu.vector_load %arg7[%swap3A_426, %swap3A_427] {strides = array<i32>} : memref<3x32xi32, #tpu.memory_space<vmem>>, vector<1x16xi32>,
      %swap3A_429 = vector.shape_cast %swap3A_428 : vector<1x16xi32> to vector<16xi32>
      %swap3A_430 = vector.shape_cast %shift_right_arithmetic3A_424 : vector<16xi32> to vector<1x16xi32>
      tpu.vector_store %arg7[%swap3A_426, %swap3A_427], %swap3A_430 {strides = array<i32>} : memref<3x32xi32, #tpu.memory_space<vmem>>, vector<1x16xi32>,
      %dma_start3A_431 = arith.constant 1 : i32
      %dma_start3A_432 = arith.constant 32 : i32
      %dma_start3A_433 = arith.constant 0 : i32
      %dma_start3A_434 = tpu.memref_slice %arg8[%dma_start3A_432, %dma_start3A_433] : memref<96x128xf32, #tpu.memory_space<vmem>> -> memref<32x128xf32, #tpu.memory_space<vmem>>
      %dma_start3A_435 = arith.constant 0 : i32
      %dma_start3A_436 = tpu.memref_slice %arg6[%dma_start3A_431, %dma_start3A_435] : memref<3x32xi32, #tpu.memory_space<vmem>> -> memref<1x32xi32, #tpu.memory_space<vmem>>
      %dma_start3A_437 = tpu.memref_squeeze %dma_start3A_436 : memref<1x32xi32, #tpu.memory_space<vmem>> -> memref<32xi32, #tpu.memory_space<vmem>>
      %dma_start3A_438 = arith.constant 0 : i32
      %dma_start3A_439 = arith.constant 0 : i32
      %dma_start3A_440 = tpu.memref_slice %arg2[%dma_start3A_438, %dma_start3A_439] : memref<10000x128xf32, #tpu.memory_space<hbm>> -> memref<10000x128xf32, #tpu.memory_space<hbm>>
      tpu.enqueue_indirect_dma source(%dma_start3A_440 : memref<10000x128xf32, #tpu.memory_space<hbm>>) target(%dma_start3A_434 : memref<32x128xf32, #tpu.memory_space<vmem>>) offsets(%dma_start3A_437 : memref<32xi32, #tpu.memory_space<vmem>>) semaphore(%arg11 : memref<!tpu.dma_semaphore, #tpu.memory_space<semaphore_mem>>)
      %dma_wait3A_441 = arith.constant 2 : i32
      %dma_wait3A_442 = arith.constant 64 : i32
      %dma_wait3A_443 = arith.constant 0 : i32
      %dma_wait3A_444 = tpu.memref_slice %arg8[%dma_wait3A_442, %dma_wait3A_443] : memref<96x128xf32, #tpu.memory_space<vmem>> -> memref<32x128xf32, #tpu.memory_space<vmem>>
      %dma_wait3A_445 = arith.constant 0 : i32
      %dma_wait3A_446 = tpu.memref_slice %arg6[%dma_wait3A_441, %dma_wait3A_445] : memref<3x32xi32, #tpu.memory_space<vmem>> -> memref<1x32xi32, #tpu.memory_space<vmem>>
      %dma_wait3A_447 = tpu.memref_squeeze %dma_wait3A_446 : memref<1x32xi32, #tpu.memory_space<vmem>> -> memref<32xi32, #tpu.memory_space<vmem>>
      %dma_wait3A_448 = arith.constant 0 : i32
      %dma_wait3A_449 = arith.constant 0 : i32
      %dma_wait3A_450 = tpu.memref_slice %arg2[%dma_wait3A_448, %dma_wait3A_449] : memref<10000x128xf32, #tpu.memory_space<hbm>> -> memref<10000x128xf32, #tpu.memory_space<hbm>>
      tpu.wait_indirect_dma semaphore(%arg12 : memref<!tpu.dma_semaphore, #tpu.memory_space<semaphore_mem>>) src(%dma_wait3A_450 : memref<10000x128xf32, #tpu.memory_space<hbm>>) dst(%dma_wait3A_444 : memref<32x128xf32, #tpu.memory_space<vmem>>)
      %run_scoped3A_451 = arith.constant 2 : i32
      "tpu.region"() ({
        %run_scoped3A_529 = tpu.sem_alloc : memref<!tpu.dma_semaphore, #tpu.memory_space<semaphore_mem>>
        %dma_start3A_530 = arith.constant 64 : i32
        %dma_start3A_531 = arith.constant 0 : i32
        %dma_start3A_532 = tpu.memref_slice %arg8[%dma_start3A_530, %dma_start3A_531] : memref<96x128xf32, #tpu.memory_space<vmem>> -> memref<32x128xf32, #tpu.memory_space<vmem>>
        %dma_start3A_533 = arith.constant 0 : i32
        %dma_start3A_534 = tpu.memref_slice %arg7[%run_scoped3A_451, %dma_start3A_533] : memref<3x32xi32, #tpu.memory_space<vmem>> -> memref<1x32xi32, #tpu.memory_space<vmem>>
        %dma_start3A_535 = tpu.memref_squeeze %dma_start3A_534 : memref<1x32xi32, #tpu.memory_space<vmem>> -> memref<32xi32, #tpu.memory_space<vmem>>
        %dma_start3A_536 = arith.constant 0 : i32
        %dma_start3A_537 = arith.constant 0 : i32
        %dma_start3A_538 = tpu.memref_slice %arg9[%dma_start3A_536, %dma_start3A_537] : memref<10112x128xf32, #tpu.memory_space<vmem_shared>> -> memref<10112x128xf32, #tpu.memory_space<vmem_shared>>
        tpu.enqueue_indirect_dma source(%dma_start3A_532 : memref<32x128xf32, #tpu.memory_space<vmem>>) target(%dma_start3A_538 : memref<10112x128xf32, #tpu.memory_space<vmem_shared>>) offsets(%dma_start3A_535 : memref<32xi32, #tpu.memory_space<vmem>>) semaphore(%run_scoped3A_529 : memref<!tpu.dma_semaphore, #tpu.memory_space<semaphore_mem>>) {add = true}
        %dma_wait3A_539 = arith.constant 64 : i32
        %dma_wait3A_540 = arith.constant 0 : i32
        %dma_wait3A_541 = tpu.memref_slice %arg8[%dma_wait3A_539, %dma_wait3A_540] : memref<96x128xf32, #tpu.memory_space<vmem>> -> memref<32x128xf32, #tpu.memory_space<vmem>>
        %dma_wait3A_542 = arith.constant 0 : i32
        %dma_wait3A_543 = tpu.memref_slice %arg7[%run_scoped3A_451, %dma_wait3A_542] : memref<3x32xi32, #tpu.memory_space<vmem>> -> memref<1x32xi32, #tpu.memory_space<vmem>>
        %dma_wait3A_544 = tpu.memref_squeeze %dma_wait3A_543 : memref<1x32xi32, #tpu.memory_space<vmem>> -> memref<32xi32, #tpu.memory_space<vmem>>
        %dma_wait3A_545 = arith.constant 0 : i32
        %dma_wait3A_546 = arith.constant 0 : i32
        %dma_wait3A_547 = tpu.memref_slice %arg9[%dma_wait3A_545, %dma_wait3A_546] : memref<10112x128xf32, #tpu.memory_space<vmem_shared>> -> memref<10112x128xf32, #tpu.memory_space<vmem_shared>>
        tpu.wait_indirect_dma semaphore(%run_scoped3A_529 : memref<!tpu.dma_semaphore, #tpu.memory_space<semaphore_mem>>) src(%dma_wait3A_541 : memref<32x128xf32, #tpu.memory_space<vmem>>) dst(%dma_wait3A_547 : memref<10112x128xf32, #tpu.memory_space<vmem_shared>>)
        tpu.yield
      }) : () -> ()
      %add3A_452 = arith.constant 3 : i32
      %add3A_453 = arith.addi %mul3A_266, %add3A_452 : i32
      %add3A_454 = arith.constant 2 : i32
      %add3A_455 = arith.addi %add3A_453, %add3A_454 : i32
      %sub3A_456 = arith.constant 1 : i32
      %sub3A_457 = arith.subi %select_n3A, %sub3A_456 : i32
      %min3A_458 = arith.minsi %add3A_455, %sub3A_457 : i32
      %shift_right_arithmetic3A_459 = arith.constant 1 : i32
      %shift_right_arithmetic3A_460 = arith.shrsi %min3A_458, %shift_right_arithmetic3A_459 : i32
      %and3A_461 = arith.constant 1 : i32
      %and3A_462 = arith.andi %min3A_458, %and3A_461 : i32
      %mul3A_463 = arith.constant 32 : i32
      %mul3A_464 = arith.muli %and3A_462, %mul3A_463 : i32
      %add3A_465 = arith.constant 0 : i32
      %add3A_466 = arith.addi %mul3A_464, %add3A_465 : i32
      %get3A_467 = arith.index_cast %shift_right_arithmetic3A_460 : i32 to index
      %get3A_468 = arith.index_cast %add3A_466 : i32 to index
      %get3A_469 = tpu.vector_load %arg5[%get3A_467, %get3A_468] {strides = array<i32>} : memref<208x64xi32, #tpu.memory_space<vmem>>, vector<1x16xi32>,
      %get3A_470 = vector.shape_cast %get3A_469 : vector<1x16xi32> to vector<16xi32>
      %and3A_471 = arith.constant 16383 : i32
      %and3A_472 = vector.broadcast %and3A_471 : i32 to vector<16xi32>
      %and3A_473 = arith.andi %get3A_470, %and3A_472 : vector<16xi32>
      %swap3A_474 = arith.constant 2 : i32
      %swap3A_475 = arith.index_cast %swap3A_474 : i32 to index
      %swap3A_476 = arith.constant 0 : index
      %swap3A_477 = tpu.vector_load %arg6[%swap3A_475, %swap3A_476] {strides = array<i32>} : memref<3x32xi32, #tpu.memory_space<vmem>>, vector<1x16xi32>,
      %swap3A_478 = vector.shape_cast %swap3A_477 : vector<1x16xi32> to vector<16xi32>
      %swap3A_479 = vector.shape_cast %and3A_473 : vector<16xi32> to vector<1x16xi32>
      tpu.vector_store %arg6[%swap3A_475, %swap3A_476], %swap3A_479 {strides = array<i32>} : memref<3x32xi32, #tpu.memory_space<vmem>>, vector<1x16xi32>,
      %shift_right_arithmetic3A_480 = arith.constant 14 : i32
      %shift_right_arithmetic3A_481 = vector.broadcast %shift_right_arithmetic3A_480 : i32 to vector<16xi32>
      %shift_right_arithmetic3A_482 = arith.shrsi %get3A_470, %shift_right_arithmetic3A_481 : vector<16xi32>
      %swap3A_483 = arith.constant 2 : i32
      %swap3A_484 = arith.index_cast %swap3A_483 : i32 to index
      %swap3A_485 = arith.constant 0 : index
      %swap3A_486 = tpu.vector_load %arg7[%swap3A_484, %swap3A_485] {strides = array<i32>} : memref<3x32xi32, #tpu.memory_space<vmem>>, vector<1x16xi32>,
      %swap3A_487 = vector.shape_cast %swap3A_486 : vector<1x16xi32> to vector<16xi32>
      %swap3A_488 = vector.shape_cast %shift_right_arithmetic3A_482 : vector<16xi32> to vector<1x16xi32>
      tpu.vector_store %arg7[%swap3A_484, %swap3A_485], %swap3A_488 {strides = array<i32>} : memref<3x32xi32, #tpu.memory_space<vmem>>, vector<1x16xi32>,
      %shift_right_arithmetic3A_489 = arith.constant 1 : i32
      %shift_right_arithmetic3A_490 = arith.shrsi %min3A_458, %shift_right_arithmetic3A_489 : i32
      %and3A_491 = arith.constant 1 : i32
      %and3A_492 = arith.andi %min3A_458, %and3A_491 : i32
      %mul3A_493 = arith.constant 32 : i32
      %mul3A_494 = arith.muli %and3A_492, %mul3A_493 : i32
      %add3A_495 = arith.constant 16 : i32
      %add3A_496 = arith.addi %mul3A_494, %add3A_495 : i32
      %get3A_497 = arith.index_cast %shift_right_arithmetic3A_490 : i32 to index
      %get3A_498 = arith.index_cast %add3A_496 : i32 to index
      %get3A_499 = tpu.vector_load %arg5[%get3A_497, %get3A_498] {strides = array<i32>} : memref<208x64xi32, #tpu.memory_space<vmem>>, vector<1x16xi32>,
      %get3A_500 = vector.shape_cast %get3A_499 : vector<1x16xi32> to vector<16xi32>
      %and3A_501 = arith.constant 16383 : i32
      %and3A_502 = vector.broadcast %and3A_501 : i32 to vector<16xi32>
      %and3A_503 = arith.andi %get3A_500, %and3A_502 : vector<16xi32>
      %swap3A_504 = arith.constant 2 : i32
      %swap3A_505 = arith.index_cast %swap3A_504 : i32 to index
      %swap3A_506 = arith.constant 16 : index
      %swap3A_507 = tpu.vector_load %arg6[%swap3A_505, %swap3A_506] {strides = array<i32>} : memref<3x32xi32, #tpu.memory_space<vmem>>, vector<1x16xi32>,
      %swap3A_508 = vector.shape_cast %swap3A_507 : vector<1x16xi32> to vector<16xi32>
      %swap3A_509 = vector.shape_cast %and3A_503 : vector<16xi32> to vector<1x16xi32>
      tpu.vector_store %arg6[%swap3A_505, %swap3A_506], %swap3A_509 {strides = array<i32>} : memref<3x32xi32, #tpu.memory_space<vmem>>, vector<1x16xi32>,
      %shift_right_arithmetic3A_510 = arith.constant 14 : i32
      %shift_right_arithmetic3A_511 = vector.broadcast %shift_right_arithmetic3A_510 : i32 to vector<16xi32>
      %shift_right_arithmetic3A_512 = arith.shrsi %get3A_500, %shift_right_arithmetic3A_511 : vector<16xi32>
      %swap3A_513 = arith.constant 2 : i32
      %swap3A_514 = arith.index_cast %swap3A_513 : i32 to index
      %swap3A_515 = arith.constant 16 : index
      %swap3A_516 = tpu.vector_load %arg7[%swap3A_514, %swap3A_515] {strides = array<i32>} : memref<3x32xi32, #tpu.memory_space<vmem>>, vector<1x16xi32>,
      %swap3A_517 = vector.shape_cast %swap3A_516 : vector<1x16xi32> to vector<16xi32>
      %swap3A_518 = vector.shape_cast %shift_right_arithmetic3A_512 : vector<16xi32> to vector<1x16xi32>
      tpu.vector_store %arg7[%swap3A_514, %swap3A_515], %swap3A_518 {strides = array<i32>} : memref<3x32xi32, #tpu.memory_space<vmem>>, vector<1x16xi32>,
      %dma_start3A_519 = arith.constant 2 : i32
      %dma_start3A_520 = arith.constant 64 : i32
      %dma_start3A_521 = arith.constant 0 : i32
      %dma_start3A_522 = tpu.memref_slice %arg8[%dma_start3A_520, %dma_start3A_521] : memref<96x128xf32, #tpu.memory_space<vmem>> -> memref<32x128xf32, #tpu.memory_space<vmem>>
      %dma_start3A_523 = arith.constant 0 : i32
      %dma_start3A_524 = tpu.memref_slice %arg6[%dma_start3A_519, %dma_start3A_523] : memref<3x32xi32, #tpu.memory_space<vmem>> -> memref<1x32xi32, #tpu.memory_space<vmem>>
      %dma_start3A_525 = tpu.memref_squeeze %dma_start3A_524 : memref<1x32xi32, #tpu.memory_space<vmem>> -> memref<32xi32, #tpu.memory_space<vmem>>
      %dma_start3A_526 = arith.constant 0 : i32
      %dma_start3A_527 = arith.constant 0 : i32
      %dma_start3A_528 = tpu.memref_slice %arg2[%dma_start3A_526, %dma_start3A_527] : memref<10000x128xf32, #tpu.memory_space<hbm>> -> memref<10000x128xf32, #tpu.memory_space<hbm>>
      tpu.enqueue_indirect_dma source(%dma_start3A_528 : memref<10000x128xf32, #tpu.memory_space<hbm>>) target(%dma_start3A_522 : memref<32x128xf32, #tpu.memory_space<vmem>>) offsets(%dma_start3A_525 : memref<32xi32, #tpu.memory_space<vmem>>) semaphore(%arg12 : memref<!tpu.dma_semaphore, #tpu.memory_space<semaphore_mem>>)
    }
    %while3A_229 = arith.constant 1 : i32
    scf.for %while3A_264 = %while3A_227 to %while3A_223 step %while3A_229  : i32 {
      %mul3A_265 = arith.constant 3 : i32
      %mul3A_266 = arith.muli %while3A_264, %mul3A_265 : i32
      %dma_wait3A_267 = arith.constant 0 : i32
      %dma_wait3A_268 = arith.constant 0 : i32
      %dma_wait3A_269 = arith.constant 0 : i32
      %dma_wait3A_270 = tpu.memref_slice %arg8[%dma_wait3A_268, %dma_wait3A_269] : memref<96x128xf32, #tpu.memory_space<vmem>> -> memref<32x128xf32, #tpu.memory_space<vmem>>
      %dma_wait3A_271 = arith.constant 0 : i32
      %dma_wait3A_272 = tpu.memref_slice %arg6[%dma_wait3A_267, %dma_wait3A_271] : memref<3x32xi32, #tpu.memory_space<vmem>> -> memref<1x32xi32, #tpu.memory_space<vmem>>
      %dma_wait3A_273 = tpu.memref_squeeze %dma_wait3A_272 : memref<1x32xi32, #tpu.memory_space<vmem>> -> memref<32xi32, #tpu.memory_space<vmem>>
      %dma_wait3A_274 = arith.constant 0 : i32
      %dma_wait3A_275 = arith.constant 0 : i32
      %dma_wait3A_276 = tpu.memref_slice %arg2[%dma_wait3A_274, %dma_wait3A_275] : memref<10000x128xf32, #tpu.memory_space<hbm>> -> memref<10000x128xf32, #tpu.memory_space<hbm>>
      tpu.wait_indirect_dma semaphore(%arg10 : memref<!tpu.dma_semaphore, #tpu.memory_space<semaphore_mem>>) src(%dma_wait3A_276 : memref<10000x128xf32, #tpu.memory_space<hbm>>) dst(%dma_wait3A_270 : memref<32x128xf32, #tpu.memory_space<vmem>>)
      %run_scoped3A = arith.constant 0 : i32
      "tpu.region"() ({
        %run_scoped3A_529 = tpu.sem_alloc : memref<!tpu.dma_semaphore, #tpu.memory_space<semaphore_mem>>
        %dma_start3A_530 = arith.constant 0 : i32
        %dma_start3A_531 = arith.constant 0 : i32
        %dma_start3A_532 = tpu.memref_slice %arg8[%dma_start3A_530, %dma_start3A_531] : memref<96x128xf32, #tpu.memory_space<vmem>> -> memref<32x128xf32, #tpu.memory_space<vmem>>
        %dma_start3A_533 = arith.constant 0 : i32
        %dma_start3A_534 = tpu.memref_slice %arg7[%run_scoped3A, %dma_start3A_533] : memref<3x32xi32, #tpu.memory_space<vmem>> -> memref<1x32xi32, #tpu.memory_space<vmem>>
        %dma_start3A_535 = tpu.memref_squeeze %dma_start3A_534 : memref<1x32xi32, #tpu.memory_space<vmem>> -> memref<32xi32, #tpu.memory_space<vmem>>
        %dma_start3A_536 = arith.constant 0 : i32
        %dma_start3A_537 = arith.constant 0 : i32
        %dma_start3A_538 = tpu.memref_slice %arg9[%dma_start3A_536, %dma_start3A_537] : memref<10112x128xf32, #tpu.memory_space<vmem_shared>> -> memref<10112x128xf32, #tpu.memory_space<vmem_shared>>
        tpu.enqueue_indirect_dma source(%dma_start3A_532 : memref<32x128xf32, #tpu.memory_space<vmem>>) target(%dma_start3A_538 : memref<10112x128xf32, #tpu.memory_space<vmem_shared>>) offsets(%dma_start3A_535 : memref<32xi32, #tpu.memory_space<vmem>>) semaphore(%run_scoped3A_529 : memref<!tpu.dma_semaphore, #tpu.memory_space<semaphore_mem>>) {add = true}
        %dma_wait3A_539 = arith.constant 0 : i32
        %dma_wait3A_540 = arith.constant 0 : i32
        %dma_wait3A_541 = tpu.memref_slice %arg8[%dma_wait3A_539, %dma_wait3A_540] : memref<96x128xf32, #tpu.memory_space<vmem>> -> memref<32x128xf32, #tpu.memory_space<vmem>>
        %dma_wait3A_542 = arith.constant 0 : i32
        %dma_wait3A_543 = tpu.memref_slice %arg7[%run_scoped3A, %dma_wait3A_542] : memref<3x32xi32, #tpu.memory_space<vmem>> -> memref<1x32xi32, #tpu.memory_space<vmem>>
        %dma_wait3A_544 = tpu.memref_squeeze %dma_wait3A_543 : memref<1x32xi32, #tpu.memory_space<vmem>> -> memref<32xi32, #tpu.memory_space<vmem>>
        %dma_wait3A_545 = arith.constant 0 : i32
        %dma_wait3A_546 = arith.constant 0 : i32
        %dma_wait3A_547 = tpu.memref_slice %arg9[%dma_wait3A_545, %dma_wait3A_546] : memref<10112x128xf32, #tpu.memory_space<vmem_shared>> -> memref<10112x128xf32, #tpu.memory_space<vmem_shared>>
        tpu.wait_indirect_dma semaphore(%run_scoped3A_529 : memref<!tpu.dma_semaphore, #tpu.memory_space<semaphore_mem>>) src(%dma_wait3A_541 : memref<32x128xf32, #tpu.memory_space<vmem>>) dst(%dma_wait3A_547 : memref<10112x128xf32, #tpu.memory_space<vmem_shared>>)
        tpu.yield
      }) : () -> ()
      %add3A_277 = arith.constant 3 : i32
      %add3A_278 = arith.addi %mul3A_266, %add3A_277 : i32
      %add3A_279 = arith.constant 0 : i32
      %add3A_280 = arith.addi %add3A_278, %add3A_279 : i32
      %sub3A_281 = arith.constant 1 : i32
      %sub3A_282 = arith.subi %select_n3A, %sub3A_281 : i32
      %min3A = arith.minsi %add3A_280, %sub3A_282 : i32
      %shift_right_arithmetic3A_283 = arith.constant 1 : i32
      %shift_right_arithmetic3A_284 = arith.shrsi %min3A, %shift_right_arithmetic3A_283 : i32
      %and3A_285 = arith.constant 1 : i32
      %and3A_286 = arith.andi %min3A, %and3A_285 : i32
      %mul3A_287 = arith.constant 32 : i32
      %mul3A_288 = arith.muli %and3A_286, %mul3A_287 : i32
      %add3A_289 = arith.constant 0 : i32
      %add3A_290 = arith.addi %mul3A_288, %add3A_289 : i32
      %get3A_291 = arith.index_cast %shift_right_arithmetic3A_284 : i32 to index
      %get3A_292 = arith.index_cast %add3A_290 : i32 to index
      %get3A_293 = tpu.vector_load %arg5[%get3A_291, %get3A_292] {strides = array<i32>} : memref<208x64xi32, #tpu.memory_space<vmem>>, vector<1x16xi32>,
      %get3A_294 = vector.shape_cast %get3A_293 : vector<1x16xi32> to vector<16xi32>
      %and3A_295 = arith.constant 16383 : i32
      %and3A_296 = vector.broadcast %and3A_295 : i32 to vector<16xi32>
      %and3A_297 = arith.andi %get3A_294, %and3A_296 : vector<16xi32>
      %swap3A_298 = arith.constant 0 : i32
      %swap3A_299 = arith.index_cast %swap3A_298 : i32 to index
      %swap3A_300 = arith.constant 0 : index
      %swap3A_301 = tpu.vector_load %arg6[%swap3A_299, %swap3A_300] {strides = array<i32>} : memref<3x32xi32, #tpu.memory_space<vmem>>, vector<1x16xi32>,
      %swap3A_302 = vector.shape_cast %swap3A_301 : vector<1x16xi32> to vector<16xi32>
      %swap3A_303 = vector.shape_cast %and3A_297 : vector<16xi32> to vector<1x16xi32>
      tpu.vector_store %arg6[%swap3A_299, %swap3A_300], %swap3A_303 {strides = array<i32>} : memref<3x32xi32, #tpu.memory_space<vmem>>, vector<1x16xi32>,
      %shift_right_arithmetic3A_304 = arith.constant 14 : i32
      %shift_right_arithmetic3A_305 = vector.broadcast %shift_right_arithmetic3A_304 : i32 to vector<16xi32>
      %shift_right_arithmetic3A_306 = arith.shrsi %get3A_294, %shift_right_arithmetic3A_305 : vector<16xi32>
      %swap3A_307 = arith.constant 0 : i32
      %swap3A_308 = arith.index_cast %swap3A_307 : i32 to index
      %swap3A_309 = arith.constant 0 : index
      %swap3A_310 = tpu.vector_load %arg7[%swap3A_308, %swap3A_309] {strides = array<i32>} : memref<3x32xi32, #tpu.memory_space<vmem>>, vector<1x16xi32>,
      %swap3A_311 = vector.shape_cast %swap3A_310 : vector<1x16xi32> to vector<16xi32>
      %swap3A_312 = vector.shape_cast %shift_right_arithmetic3A_306 : vector<16xi32> to vector<1x16xi32>
      tpu.vector_store %arg7[%swap3A_308, %swap3A_309], %swap3A_312 {strides = array<i32>} : memref<3x32xi32, #tpu.memory_space<vmem>>, vector<1x16xi32>,
      %shift_right_arithmetic3A_313 = arith.constant 1 : i32
      %shift_right_arithmetic3A_314 = arith.shrsi %min3A, %shift_right_arithmetic3A_313 : i32
      %and3A_315 = arith.constant 1 : i32
      %and3A_316 = arith.andi %min3A, %and3A_315 : i32
      %mul3A_317 = arith.constant 32 : i32
      %mul3A_318 = arith.muli %and3A_316, %mul3A_317 : i32
      %add3A_319 = arith.constant 16 : i32
      %add3A_320 = arith.addi %mul3A_318, %add3A_319 : i32
      %get3A_321 = arith.index_cast %shift_right_arithmetic3A_314 : i32 to index
      %get3A_322 = arith.index_cast %add3A_320 : i32 to index
      %get3A_323 = tpu.vector_load %arg5[%get3A_321, %get3A_322] {strides = array<i32>} : memref<208x64xi32, #tpu.memory_space<vmem>>, vector<1x16xi32>,
      %get3A_324 = vector.shape_cast %get3A_323 : vector<1x16xi32> to vector<16xi32>
      %and3A_325 = arith.constant 16383 : i32
      %and3A_326 = vector.broadcast %and3A_325 : i32 to vector<16xi32>
      %and3A_327 = arith.andi %get3A_324, %and3A_326 : vector<16xi32>
      %swap3A_328 = arith.constant 0 : i32
      %swap3A_329 = arith.index_cast %swap3A_328 : i32 to index
      %swap3A_330 = arith.constant 16 : index
      %swap3A_331 = tpu.vector_load %arg6[%swap3A_329, %swap3A_330] {strides = array<i32>} : memref<3x32xi32, #tpu.memory_space<vmem>>, vector<1x16xi32>,
      %swap3A_332 = vector.shape_cast %swap3A_331 : vector<1x16xi32> to vector<16xi32>
      %swap3A_333 = vector.shape_cast %and3A_327 : vector<16xi32> to vector<1x16xi32>
      tpu.vector_store %arg6[%swap3A_329, %swap3A_330], %swap3A_333 {strides = array<i32>} : memref<3x32xi32, #tpu.memory_space<vmem>>, vector<1x16xi32>,
      %shift_right_arithmetic3A_334 = arith.constant 14 : i32
      %shift_right_arithmetic3A_335 = vector.broadcast %shift_right_arithmetic3A_334 : i32 to vector<16xi32>
      %shift_right_arithmetic3A_336 = arith.shrsi %get3A_324, %shift_right_arithmetic3A_335 : vector<16xi32>
      %swap3A_337 = arith.constant 0 : i32
      %swap3A_338 = arith.index_cast %swap3A_337 : i32 to index
      %swap3A_339 = arith.constant 16 : index
      %swap3A_340 = tpu.vector_load %arg7[%swap3A_338, %swap3A_339] {strides = array<i32>} : memref<3x32xi32, #tpu.memory_space<vmem>>, vector<1x16xi32>,
      %swap3A_341 = vector.shape_cast %swap3A_340 : vector<1x16xi32> to vector<16xi32>
      %swap3A_342 = vector.shape_cast %shift_right_arithmetic3A_336 : vector<16xi32> to vector<1x16xi32>
      tpu.vector_store %arg7[%swap3A_338, %swap3A_339], %swap3A_342 {strides = array<i32>} : memref<3x32xi32, #tpu.memory_space<vmem>>, vector<1x16xi32>,
      %dma_start3A_343 = arith.constant 0 : i32
      %dma_start3A_344 = arith.constant 0 : i32
      %dma_start3A_345 = arith.constant 0 : i32
      %dma_start3A_346 = tpu.memref_slice %arg8[%dma_start3A_344, %dma_start3A_345] : memref<96x128xf32, #tpu.memory_space<vmem>> -> memref<32x128xf32, #tpu.memory_space<vmem>>
      %dma_start3A_347 = arith.constant 0 : i32
      %dma_start3A_348 = tpu.memref_slice %arg6[%dma_start3A_343, %dma_start3A_347] : memref<3x32xi32, #tpu.memory_space<vmem>> -> memref<1x32xi32, #tpu.memory_space<vmem>>
      %dma_start3A_349 = tpu.memref_squeeze %dma_start3A_348 : memref<1x32xi32, #tpu.memory_space<vmem>> -> memref<32xi32, #tpu.memory_space<vmem>>
      %dma_start3A_350 = arith.constant 0 : i32
      %dma_start3A_351 = arith.constant 0 : i32
      %dma_start3A_352 = tpu.memref_slice %arg2[%dma_start3A_350, %dma_start3A_351] : memref<10000x128xf32, #tpu.memory_space<hbm>> -> memref<10000x128xf32, #tpu.memory_space<hbm>>
      tpu.enqueue_indirect_dma source(%dma_start3A_352 : memref<10000x128xf32, #tpu.memory_space<hbm>>) target(%dma_start3A_346 : memref<32x128xf32, #tpu.memory_space<vmem>>) offsets(%dma_start3A_349 : memref<32xi32, #tpu.memory_space<vmem>>) semaphore(%arg10 : memref<!tpu.dma_semaphore, #tpu.memory_space<semaphore_mem>>)
      %dma_wait3A_353 = arith.constant 1 : i32
      %dma_wait3A_354 = arith.constant 32 : i32
      %dma_wait3A_355 = arith.constant 0 : i32
      %dma_wait3A_356 = tpu.memref_slice %arg8[%dma_wait3A_354, %dma_wait3A_355] : memref<96x128xf32, #tpu.memory_space<vmem>> -> memref<32x128xf32, #tpu.memory_space<vmem>>
      %dma_wait3A_357 = arith.constant 0 : i32
      %dma_wait3A_358 = tpu.memref_slice %arg6[%dma_wait3A_353, %dma_wait3A_357] : memref<3x32xi32, #tpu.memory_space<vmem>> -> memref<1x32xi32, #tpu.memory_space<vmem>>
      %dma_wait3A_359 = tpu.memref_squeeze %dma_wait3A_358 : memref<1x32xi32, #tpu.memory_space<vmem>> -> memref<32xi32, #tpu.memory_space<vmem>>
      %dma_wait3A_360 = arith.constant 0 : i32
      %dma_wait3A_361 = arith.constant 0 : i32
      %dma_wait3A_362 = tpu.memref_slice %arg2[%dma_wait3A_360, %dma_wait3A_361] : memref<10000x128xf32, #tpu.memory_space<hbm>> -> memref<10000x128xf32, #tpu.memory_space<hbm>>
      tpu.wait_indirect_dma semaphore(%arg11 : memref<!tpu.dma_semaphore, #tpu.memory_space<semaphore_mem>>) src(%dma_wait3A_362 : memref<10000x128xf32, #tpu.memory_space<hbm>>) dst(%dma_wait3A_356 : memref<32x128xf32, #tpu.memory_space<vmem>>)
      %run_scoped3A_363 = arith.constant 1 : i32
      "tpu.region"() ({
        %run_scoped3A_529 = tpu.sem_alloc : memref<!tpu.dma_semaphore, #tpu.memory_space<semaphore_mem>>
        %dma_start3A_530 = arith.constant 32 : i32
        %dma_start3A_531 = arith.constant 0 : i32
        %dma_start3A_532 = tpu.memref_slice %arg8[%dma_start3A_530, %dma_start3A_531] : memref<96x128xf32, #tpu.memory_space<vmem>> -> memref<32x128xf32, #tpu.memory_space<vmem>>
        %dma_start3A_533 = arith.constant 0 : i32
        %dma_start3A_534 = tpu.memref_slice %arg7[%run_scoped3A_363, %dma_start3A_533] : memref<3x32xi32, #tpu.memory_space<vmem>> -> memref<1x32xi32, #tpu.memory_space<vmem>>
        %dma_start3A_535 = tpu.memref_squeeze %dma_start3A_534 : memref<1x32xi32, #tpu.memory_space<vmem>> -> memref<32xi32, #tpu.memory_space<vmem>>
        %dma_start3A_536 = arith.constant 0 : i32
        %dma_start3A_537 = arith.constant 0 : i32
        %dma_start3A_538 = tpu.memref_slice %arg9[%dma_start3A_536, %dma_start3A_537] : memref<10112x128xf32, #tpu.memory_space<vmem_shared>> -> memref<10112x128xf32, #tpu.memory_space<vmem_shared>>
        tpu.enqueue_indirect_dma source(%dma_start3A_532 : memref<32x128xf32, #tpu.memory_space<vmem>>) target(%dma_start3A_538 : memref<10112x128xf32, #tpu.memory_space<vmem_shared>>) offsets(%dma_start3A_535 : memref<32xi32, #tpu.memory_space<vmem>>) semaphore(%run_scoped3A_529 : memref<!tpu.dma_semaphore, #tpu.memory_space<semaphore_mem>>) {add = true}
        %dma_wait3A_539 = arith.constant 32 : i32
        %dma_wait3A_540 = arith.constant 0 : i32
        %dma_wait3A_541 = tpu.memref_slice %arg8[%dma_wait3A_539, %dma_wait3A_540] : memref<96x128xf32, #tpu.memory_space<vmem>> -> memref<32x128xf32, #tpu.memory_space<vmem>>
        %dma_wait3A_542 = arith.constant 0 : i32
        %dma_wait3A_543 = tpu.memref_slice %arg7[%run_scoped3A_363, %dma_wait3A_542] : memref<3x32xi32, #tpu.memory_space<vmem>> -> memref<1x32xi32, #tpu.memory_space<vmem>>
        %dma_wait3A_544 = tpu.memref_squeeze %dma_wait3A_543 : memref<1x32xi32, #tpu.memory_space<vmem>> -> memref<32xi32, #tpu.memory_space<vmem>>
        %dma_wait3A_545 = arith.constant 0 : i32
        %dma_wait3A_546 = arith.constant 0 : i32
        %dma_wait3A_547 = tpu.memref_slice %arg9[%dma_wait3A_545, %dma_wait3A_546] : memref<10112x128xf32, #tpu.memory_space<vmem_shared>> -> memref<10112x128xf32, #tpu.memory_space<vmem_shared>>
        tpu.wait_indirect_dma semaphore(%run_scoped3A_529 : memref<!tpu.dma_semaphore, #tpu.memory_space<semaphore_mem>>) src(%dma_wait3A_541 : memref<32x128xf32, #tpu.memory_space<vmem>>) dst(%dma_wait3A_547 : memref<10112x128xf32, #tpu.memory_space<vmem_shared>>)
        tpu.yield
      }) : () -> ()
      %add3A_364 = arith.constant 3 : i32
      %add3A_365 = arith.addi %mul3A_266, %add3A_364 : i32
      %add3A_366 = arith.constant 1 : i32
      %add3A_367 = arith.addi %add3A_365, %add3A_366 : i32
      %sub3A_368 = arith.constant 1 : i32
      %sub3A_369 = arith.subi %select_n3A, %sub3A_368 : i32
      %min3A_370 = arith.minsi %add3A_367, %sub3A_369 : i32
      %shift_right_arithmetic3A_371 = arith.constant 1 : i32
      %shift_right_arithmetic3A_372 = arith.shrsi %min3A_370, %shift_right_arithmetic3A_371 : i32
      %and3A_373 = arith.constant 1 : i32
      %and3A_374 = arith.andi %min3A_370, %and3A_373 : i32
      %mul3A_375 = arith.constant 32 : i32
      %mul3A_376 = arith.muli %and3A_374, %mul3A_375 : i32
      %add3A_377 = arith.constant 0 : i32
      %add3A_378 = arith.addi %mul3A_376, %add3A_377 : i32
      %get3A_379 = arith.index_cast %shift_right_arithmetic3A_372 : i32 to index
      %get3A_380 = arith.index_cast %add3A_378 : i32 to index
      %get3A_381 = tpu.vector_load %arg5[%get3A_379, %get3A_380] {strides = array<i32>} : memref<208x64xi32, #tpu.memory_space<vmem>>, vector<1x16xi32>,
      %get3A_382 = vector.shape_cast %get3A_381 : vector<1x16xi32> to vector<16xi32>
      %and3A_383 = arith.constant 16383 : i32
      %and3A_384 = vector.broadcast %and3A_383 : i32 to vector<16xi32>
      %and3A_385 = arith.andi %get3A_382, %and3A_384 : vector<16xi32>
      %swap3A_386 = arith.constant 1 : i32
      %swap3A_387 = arith.index_cast %swap3A_386 : i32 to index
      %swap3A_388 = arith.constant 0 : index
      %swap3A_389 = tpu.vector_load %arg6[%swap3A_387, %swap3A_388] {strides = array<i32>} : memref<3x32xi32, #tpu.memory_space<vmem>>, vector<1x16xi32>,
      %swap3A_390 = vector.shape_cast %swap3A_389 : vector<1x16xi32> to vector<16xi32>
      %swap3A_391 = vector.shape_cast %and3A_385 : vector<16xi32> to vector<1x16xi32>
      tpu.vector_store %arg6[%swap3A_387, %swap3A_388], %swap3A_391 {strides = array<i32>} : memref<3x32xi32, #tpu.memory_space<vmem>>, vector<1x16xi32>,
      %shift_right_arithmetic3A_392 = arith.constant 14 : i32
      %shift_right_arithmetic3A_393 = vector.broadcast %shift_right_arithmetic3A_392 : i32 to vector<16xi32>
      %shift_right_arithmetic3A_394 = arith.shrsi %get3A_382, %shift_right_arithmetic3A_393 : vector<16xi32>
      %swap3A_395 = arith.constant 1 : i32
      %swap3A_396 = arith.index_cast %swap3A_395 : i32 to index
      %swap3A_397 = arith.constant 0 : index
      %swap3A_398 = tpu.vector_load %arg7[%swap3A_396, %swap3A_397] {strides = array<i32>} : memref<3x32xi32, #tpu.memory_space<vmem>>, vector<1x16xi32>,
      %swap3A_399 = vector.shape_cast %swap3A_398 : vector<1x16xi32> to vector<16xi32>
      %swap3A_400 = vector.shape_cast %shift_right_arithmetic3A_394 : vector<16xi32> to vector<1x16xi32>
      tpu.vector_store %arg7[%swap3A_396, %swap3A_397], %swap3A_400 {strides = array<i32>} : memref<3x32xi32, #tpu.memory_space<vmem>>, vector<1x16xi32>,
      %shift_right_arithmetic3A_401 = arith.constant 1 : i32
      %shift_right_arithmetic3A_402 = arith.shrsi %min3A_370, %shift_right_arithmetic3A_401 : i32
      %and3A_403 = arith.constant 1 : i32
      %and3A_404 = arith.andi %min3A_370, %and3A_403 : i32
      %mul3A_405 = arith.constant 32 : i32
      %mul3A_406 = arith.muli %and3A_404, %mul3A_405 : i32
      %add3A_407 = arith.constant 16 : i32
      %add3A_408 = arith.addi %mul3A_406, %add3A_407 : i32
      %get3A_409 = arith.index_cast %shift_right_arithmetic3A_402 : i32 to index
      %get3A_410 = arith.index_cast %add3A_408 : i32 to index
      %get3A_411 = tpu.vector_load %arg5[%get3A_409, %get3A_410] {strides = array<i32>} : memref<208x64xi32, #tpu.memory_space<vmem>>, vector<1x16xi32>,
      %get3A_412 = vector.shape_cast %get3A_411 : vector<1x16xi32> to vector<16xi32>
      %and3A_413 = arith.constant 16383 : i32
      %and3A_414 = vector.broadcast %and3A_413 : i32 to vector<16xi32>
      %and3A_415 = arith.andi %get3A_412, %and3A_414 : vector<16xi32>
      %swap3A_416 = arith.constant 1 : i32
      %swap3A_417 = arith.index_cast %swap3A_416 : i32 to index
      %swap3A_418 = arith.constant 16 : index
      %swap3A_419 = tpu.vector_load %arg6[%swap3A_417, %swap3A_418] {strides = array<i32>} : memref<3x32xi32, #tpu.memory_space<vmem>>, vector<1x16xi32>,
      %swap3A_420 = vector.shape_cast %swap3A_419 : vector<1x16xi32> to vector<16xi32>
      %swap3A_421 = vector.shape_cast %and3A_415 : vector<16xi32> to vector<1x16xi32>
      tpu.vector_store %arg6[%swap3A_417, %swap3A_418], %swap3A_421 {strides = array<i32>} : memref<3x32xi32, #tpu.memory_space<vmem>>, vector<1x16xi32>,
      %shift_right_arithmetic3A_422 = arith.constant 14 : i32
      %shift_right_arithmetic3A_423 = vector.broadcast %shift_right_arithmetic3A_422 : i32 to vector<16xi32>
      %shift_right_arithmetic3A_424 = arith.shrsi %get3A_412, %shift_right_arithmetic3A_423 : vector<16xi32>
      %swap3A_425 = arith.constant 1 : i32
      %swap3A_426 = arith.index_cast %swap3A_425 : i32 to index
      %swap3A_427 = arith.constant 16 : index
      %swap3A_428 = tpu.vector_load %arg7[%swap3A_426, %swap3A_427] {strides = array<i32>} : memref<3x32xi32, #tpu.memory_space<vmem>>, vector<1x16xi32>,
      %swap3A_429 = vector.shape_cast %swap3A_428 : vector<1x16xi32> to vector<16xi32>
      %swap3A_430 = vector.shape_cast %shift_right_arithmetic3A_424 : vector<16xi32> to vector<1x16xi32>
      tpu.vector_store %arg7[%swap3A_426, %swap3A_427], %swap3A_430 {strides = array<i32>} : memref<3x32xi32, #tpu.memory_space<vmem>>, vector<1x16xi32>,
      %dma_start3A_431 = arith.constant 1 : i32
      %dma_start3A_432 = arith.constant 32 : i32
      %dma_start3A_433 = arith.constant 0 : i32
      %dma_start3A_434 = tpu.memref_slice %arg8[%dma_start3A_432, %dma_start3A_433] : memref<96x128xf32, #tpu.memory_space<vmem>> -> memref<32x128xf32, #tpu.memory_space<vmem>>
      %dma_start3A_435 = arith.constant 0 : i32
      %dma_start3A_436 = tpu.memref_slice %arg6[%dma_start3A_431, %dma_start3A_435] : memref<3x32xi32, #tpu.memory_space<vmem>> -> memref<1x32xi32, #tpu.memory_space<vmem>>
      %dma_start3A_437 = tpu.memref_squeeze %dma_start3A_436 : memref<1x32xi32, #tpu.memory_space<vmem>> -> memref<32xi32, #tpu.memory_space<vmem>>
      %dma_start3A_438 = arith.constant 0 : i32
      %dma_start3A_439 = arith.constant 0 : i32
      %dma_start3A_440 = tpu.memref_slice %arg2[%dma_start3A_438, %dma_start3A_439] : memref<10000x128xf32, #tpu.memory_space<hbm>> -> memref<10000x128xf32, #tpu.memory_space<hbm>>
      tpu.enqueue_indirect_dma source(%dma_start3A_440 : memref<10000x128xf32, #tpu.memory_space<hbm>>) target(%dma_start3A_434 : memref<32x128xf32, #tpu.memory_space<vmem>>) offsets(%dma_start3A_437 : memref<32xi32, #tpu.memory_space<vmem>>) semaphore(%arg11 : memref<!tpu.dma_semaphore, #tpu.memory_space<semaphore_mem>>)
      %dma_wait3A_441 = arith.constant 2 : i32
      %dma_wait3A_442 = arith.constant 64 : i32
      %dma_wait3A_443 = arith.constant 0 : i32
      %dma_wait3A_444 = tpu.memref_slice %arg8[%dma_wait3A_442, %dma_wait3A_443] : memref<96x128xf32, #tpu.memory_space<vmem>> -> memref<32x128xf32, #tpu.memory_space<vmem>>
      %dma_wait3A_445 = arith.constant 0 : i32
      %dma_wait3A_446 = tpu.memref_slice %arg6[%dma_wait3A_441, %dma_wait3A_445] : memref<3x32xi32, #tpu.memory_space<vmem>> -> memref<1x32xi32, #tpu.memory_space<vmem>>
      %dma_wait3A_447 = tpu.memref_squeeze %dma_wait3A_446 : memref<1x32xi32, #tpu.memory_space<vmem>> -> memref<32xi32, #tpu.memory_space<vmem>>
      %dma_wait3A_448 = arith.constant 0 : i32
      %dma_wait3A_449 = arith.constant 0 : i32
      %dma_wait3A_450 = tpu.memref_slice %arg2[%dma_wait3A_448, %dma_wait3A_449] : memref<10000x128xf32, #tpu.memory_space<hbm>> -> memref<10000x128xf32, #tpu.memory_space<hbm>>
      tpu.wait_indirect_dma semaphore(%arg12 : memref<!tpu.dma_semaphore, #tpu.memory_space<semaphore_mem>>) src(%dma_wait3A_450 : memref<10000x128xf32, #tpu.memory_space<hbm>>) dst(%dma_wait3A_444 : memref<32x128xf32, #tpu.memory_space<vmem>>)
      %run_scoped3A_451 = arith.constant 2 : i32
      "tpu.region"() ({
        %run_scoped3A_529 = tpu.sem_alloc : memref<!tpu.dma_semaphore, #tpu.memory_space<semaphore_mem>>
        %dma_start3A_530 = arith.constant 64 : i32
        %dma_start3A_531 = arith.constant 0 : i32
        %dma_start3A_532 = tpu.memref_slice %arg8[%dma_start3A_530, %dma_start3A_531] : memref<96x128xf32, #tpu.memory_space<vmem>> -> memref<32x128xf32, #tpu.memory_space<vmem>>
        %dma_start3A_533 = arith.constant 0 : i32
        %dma_start3A_534 = tpu.memref_slice %arg7[%run_scoped3A_451, %dma_start3A_533] : memref<3x32xi32, #tpu.memory_space<vmem>> -> memref<1x32xi32, #tpu.memory_space<vmem>>
        %dma_start3A_535 = tpu.memref_squeeze %dma_start3A_534 : memref<1x32xi32, #tpu.memory_space<vmem>> -> memref<32xi32, #tpu.memory_space<vmem>>
        %dma_start3A_536 = arith.constant 0 : i32
        %dma_start3A_537 = arith.constant 0 : i32
        %dma_start3A_538 = tpu.memref_slice %arg9[%dma_start3A_536, %dma_start3A_537] : memref<10112x128xf32, #tpu.memory_space<vmem_shared>> -> memref<10112x128xf32, #tpu.memory_space<vmem_shared>>
        tpu.enqueue_indirect_dma source(%dma_start3A_532 : memref<32x128xf32, #tpu.memory_space<vmem>>) target(%dma_start3A_538 : memref<10112x128xf32, #tpu.memory_space<vmem_shared>>) offsets(%dma_start3A_535 : memref<32xi32, #tpu.memory_space<vmem>>) semaphore(%run_scoped3A_529 : memref<!tpu.dma_semaphore, #tpu.memory_space<semaphore_mem>>) {add = true}
        %dma_wait3A_539 = arith.constant 64 : i32
        %dma_wait3A_540 = arith.constant 0 : i32
        %dma_wait3A_541 = tpu.memref_slice %arg8[%dma_wait3A_539, %dma_wait3A_540] : memref<96x128xf32, #tpu.memory_space<vmem>> -> memref<32x128xf32, #tpu.memory_space<vmem>>
        %dma_wait3A_542 = arith.constant 0 : i32
        %dma_wait3A_543 = tpu.memref_slice %arg7[%run_scoped3A_451, %dma_wait3A_542] : memref<3x32xi32, #tpu.memory_space<vmem>> -> memref<1x32xi32, #tpu.memory_space<vmem>>
        %dma_wait3A_544 = tpu.memref_squeeze %dma_wait3A_543 : memref<1x32xi32, #tpu.memory_space<vmem>> -> memref<32xi32, #tpu.memory_space<vmem>>
        %dma_wait3A_545 = arith.constant 0 : i32
        %dma_wait3A_546 = arith.constant 0 : i32
        %dma_wait3A_547 = tpu.memref_slice %arg9[%dma_wait3A_545, %dma_wait3A_546] : memref<10112x128xf32, #tpu.memory_space<vmem_shared>> -> memref<10112x128xf32, #tpu.memory_space<vmem_shared>>
        tpu.wait_indirect_dma semaphore(%run_scoped3A_529 : memref<!tpu.dma_semaphore, #tpu.memory_space<semaphore_mem>>) src(%dma_wait3A_541 : memref<32x128xf32, #tpu.memory_space<vmem>>) dst(%dma_wait3A_547 : memref<10112x128xf32, #tpu.memory_space<vmem_shared>>)
        tpu.yield
      }) : () -> ()
      %add3A_452 = arith.constant 3 : i32
      %add3A_453 = arith.addi %mul3A_266, %add3A_452 : i32
      %add3A_454 = arith.constant 2 : i32
      %add3A_455 = arith.addi %add3A_453, %add3A_454 : i32
      %sub3A_456 = arith.constant 1 : i32
      %sub3A_457 = arith.subi %select_n3A, %sub3A_456 : i32
      %min3A_458 = arith.minsi %add3A_455, %sub3A_457 : i32
      %shift_right_arithmetic3A_459 = arith.constant 1 : i32
      %shift_right_arithmetic3A_460 = arith.shrsi %min3A_458, %shift_right_arithmetic3A_459 : i32
      %and3A_461 = arith.constant 1 : i32
      %and3A_462 = arith.andi %min3A_458, %and3A_461 : i32
      %mul3A_463 = arith.constant 32 : i32
      %mul3A_464 = arith.muli %and3A_462, %mul3A_463 : i32
      %add3A_465 = arith.constant 0 : i32
      %add3A_466 = arith.addi %mul3A_464, %add3A_465 : i32
      %get3A_467 = arith.index_cast %shift_right_arithmetic3A_460 : i32 to index
      %get3A_468 = arith.index_cast %add3A_466 : i32 to index
      %get3A_469 = tpu.vector_load %arg5[%get3A_467, %get3A_468] {strides = array<i32>} : memref<208x64xi32, #tpu.memory_space<vmem>>, vector<1x16xi32>,
      %get3A_470 = vector.shape_cast %get3A_469 : vector<1x16xi32> to vector<16xi32>
      %and3A_471 = arith.constant 16383 : i32
      %and3A_472 = vector.broadcast %and3A_471 : i32 to vector<16xi32>
      %and3A_473 = arith.andi %get3A_470, %and3A_472 : vector<16xi32>
      %swap3A_474 = arith.constant 2 : i32
      %swap3A_475 = arith.index_cast %swap3A_474 : i32 to index
      %swap3A_476 = arith.constant 0 : index
      %swap3A_477 = tpu.vector_load %arg6[%swap3A_475, %swap3A_476] {strides = array<i32>} : memref<3x32xi32, #tpu.memory_space<vmem>>, vector<1x16xi32>,
      %swap3A_478 = vector.shape_cast %swap3A_477 : vector<1x16xi32> to vector<16xi32>
      %swap3A_479 = vector.shape_cast %and3A_473 : vector<16xi32> to vector<1x16xi32>
      tpu.vector_store %arg6[%swap3A_475, %swap3A_476], %swap3A_479 {strides = array<i32>} : memref<3x32xi32, #tpu.memory_space<vmem>>, vector<1x16xi32>,
      %shift_right_arithmetic3A_480 = arith.constant 14 : i32
      %shift_right_arithmetic3A_481 = vector.broadcast %shift_right_arithmetic3A_480 : i32 to vector<16xi32>
      %shift_right_arithmetic3A_482 = arith.shrsi %get3A_470, %shift_right_arithmetic3A_481 : vector<16xi32>
      %swap3A_483 = arith.constant 2 : i32
      %swap3A_484 = arith.index_cast %swap3A_483 : i32 to index
      %swap3A_485 = arith.constant 0 : index
      %swap3A_486 = tpu.vector_load %arg7[%swap3A_484, %swap3A_485] {strides = array<i32>} : memref<3x32xi32, #tpu.memory_space<vmem>>, vector<1x16xi32>,
      %swap3A_487 = vector.shape_cast %swap3A_486 : vector<1x16xi32> to vector<16xi32>
      %swap3A_488 = vector.shape_cast %shift_right_arithmetic3A_482 : vector<16xi32> to vector<1x16xi32>
      tpu.vector_store %arg7[%swap3A_484, %swap3A_485], %swap3A_488 {strides = array<i32>} : memref<3x32xi32, #tpu.memory_space<vmem>>, vector<1x16xi32>,
      %shift_right_arithmetic3A_489 = arith.constant 1 : i32
      %shift_right_arithmetic3A_490 = arith.shrsi %min3A_458, %shift_right_arithmetic3A_489 : i32
      %and3A_491 = arith.constant 1 : i32
      %and3A_492 = arith.andi %min3A_458, %and3A_491 : i32
      %mul3A_493 = arith.constant 32 : i32
      %mul3A_494 = arith.muli %and3A_492, %mul3A_493 : i32
      %add3A_495 = arith.constant 16 : i32
      %add3A_496 = arith.addi %mul3A_494, %add3A_495 : i32
      %get3A_497 = arith.index_cast %shift_right_arithmetic3A_490 : i32 to index
      %get3A_498 = arith.index_cast %add3A_496 : i32 to index
      %get3A_499 = tpu.vector_load %arg5[%get3A_497, %get3A_498] {strides = array<i32>} : memref<208x64xi32, #tpu.memory_space<vmem>>, vector<1x16xi32>,
      %get3A_500 = vector.shape_cast %get3A_499 : vector<1x16xi32> to vector<16xi32>
      %and3A_501 = arith.constant 16383 : i32
      %and3A_502 = vector.broadcast %and3A_501 : i32 to vector<16xi32>
      %and3A_503 = arith.andi %get3A_500, %and3A_502 : vector<16xi32>
      %swap3A_504 = arith.constant 2 : i32
      %swap3A_505 = arith.index_cast %swap3A_504 : i32 to index
      %swap3A_506 = arith.constant 16 : index
      %swap3A_507 = tpu.vector_load %arg6[%swap3A_505, %swap3A_506] {strides = array<i32>} : memref<3x32xi32, #tpu.memory_space<vmem>>, vector<1x16xi32>,
      %swap3A_508 = vector.shape_cast %swap3A_507 : vector<1x16xi32> to vector<16xi32>
      %swap3A_509 = vector.shape_cast %and3A_503 : vector<16xi32> to vector<1x16xi32>
      tpu.vector_store %arg6[%swap3A_505, %swap3A_506], %swap3A_509 {strides = array<i32>} : memref<3x32xi32, #tpu.memory_space<vmem>>, vector<1x16xi32>,
      %shift_right_arithmetic3A_510 = arith.constant 14 : i32
      %shift_right_arithmetic3A_511 = vector.broadcast %shift_right_arithmetic3A_510 : i32 to vector<16xi32>
      %shift_right_arithmetic3A_512 = arith.shrsi %get3A_500, %shift_right_arithmetic3A_511 : vector<16xi32>
      %swap3A_513 = arith.constant 2 : i32
      %swap3A_514 = arith.index_cast %swap3A_513 : i32 to index
      %swap3A_515 = arith.constant 16 : index
      %swap3A_516 = tpu.vector_load %arg7[%swap3A_514, %swap3A_515] {strides = array<i32>} : memref<3x32xi32, #tpu.memory_space<vmem>>, vector<1x16xi32>,
      %swap3A_517 = vector.shape_cast %swap3A_516 : vector<1x16xi32> to vector<16xi32>
      %swap3A_518 = vector.shape_cast %shift_right_arithmetic3A_512 : vector<16xi32> to vector<1x16xi32>
      tpu.vector_store %arg7[%swap3A_514, %swap3A_515], %swap3A_518 {strides = array<i32>} : memref<3x32xi32, #tpu.memory_space<vmem>>, vector<1x16xi32>,
      %dma_start3A_519 = arith.constant 2 : i32
      %dma_start3A_520 = arith.constant 64 : i32
      %dma_start3A_521 = arith.constant 0 : i32
      %dma_start3A_522 = tpu.memref_slice %arg8[%dma_start3A_520, %dma_start3A_521] : memref<96x128xf32, #tpu.memory_space<vmem>> -> memref<32x128xf32, #tpu.memory_space<vmem>>
      %dma_start3A_523 = arith.constant 0 : i32
      %dma_start3A_524 = tpu.memref_slice %arg6[%dma_start3A_519, %dma_start3A_523] : memref<3x32xi32, #tpu.memory_space<vmem>> -> memref<1x32xi32, #tpu.memory_space<vmem>>
      %dma_start3A_525 = tpu.memref_squeeze %dma_start3A_524 : memref<1x32xi32, #tpu.memory_space<vmem>> -> memref<32xi32, #tpu.memory_space<vmem>>
      %dma_start3A_526 = arith.constant 0 : i32
      %dma_start3A_527 = arith.constant 0 : i32
      %dma_start3A_528 = tpu.memref_slice %arg2[%dma_start3A_526, %dma_start3A_527] : memref<10000x128xf32, #tpu.memory_space<hbm>> -> memref<10000x128xf32, #tpu.memory_space<hbm>>
      tpu.enqueue_indirect_dma source(%dma_start3A_528 : memref<10000x128xf32, #tpu.memory_space<hbm>>) target(%dma_start3A_522 : memref<32x128xf32, #tpu.memory_space<vmem>>) offsets(%dma_start3A_525 : memref<32xi32, #tpu.memory_space<vmem>>) semaphore(%arg12 : memref<!tpu.dma_semaphore, #tpu.memory_space<semaphore_mem>>)
    }
    %dma_wait3A = arith.constant 0 : i32
    %dma_wait3A_230 = arith.constant 0 : i32
    %dma_wait3A_231 = arith.constant 0 : i32
    %dma_wait3A_232 = tpu.memref_slice %arg8[%dma_wait3A_230, %dma_wait3A_231] : memref<96x128xf32, #tpu.memory_space<vmem>> -> memref<32x128xf32, #tpu.memory_space<vmem>>
    %dma_wait3A_233 = arith.constant 0 : i32
    %dma_wait3A_234 = tpu.memref_slice %arg6[%dma_wait3A, %dma_wait3A_233] : memref<3x32xi32, #tpu.memory_space<vmem>> -> memref<1x32xi32, #tpu.memory_space<vmem>>
    %dma_wait3A_235 = tpu.memref_squeeze %dma_wait3A_234 : memref<1x32xi32, #tpu.memory_space<vmem>> -> memref<32xi32, #tpu.memory_space<vmem>>
    %dma_wait3A_236 = arith.constant 0 : i32
    %dma_wait3A_237 = arith.constant 0 : i32
    %dma_wait3A_238 = tpu.memref_slice %arg2[%dma_wait3A_236, %dma_wait3A_237] : memref<10000x128xf32, #tpu.memory_space<hbm>> -> memref<10000x128xf32, #tpu.memory_space<hbm>>
    tpu.wait_indirect_dma semaphore(%arg10 : memref<!tpu.dma_semaphore, #tpu.memory_space<semaphore_mem>>) src(%dma_wait3A_238 : memref<10000x128xf32, #tpu.memory_space<hbm>>) dst(%dma_wait3A_232 : memref<32x128xf32, #tpu.memory_space<vmem>>)
    %dma_wait3A_239 = arith.constant 1 : i32
    %dma_wait3A_240 = arith.constant 32 : i32
    %dma_wait3A_241 = arith.constant 0 : i32
    %dma_wait3A_242 = tpu.memref_slice %arg8[%dma_wait3A_240, %dma_wait3A_241] : memref<96x128xf32, #tpu.memory_space<vmem>> -> memref<32x128xf32, #tpu.memory_space<vmem>>
    %dma_wait3A_243 = arith.constant 0 : i32
    %dma_wait3A_244 = tpu.memref_slice %arg6[%dma_wait3A_239, %dma_wait3A_243] : memref<3x32xi32, #tpu.memory_space<vmem>> -> memref<1x32xi32, #tpu.memory_space<vmem>>
    %dma_wait3A_245 = tpu.memref_squeeze %dma_wait3A_244 : memref<1x32xi32, #tpu.memory_space<vmem>> -> memref<32xi32, #tpu.memory_space<vmem>>
    %dma_wait3A_246 = arith.constant 0 : i32
    %dma_wait3A_247 = arith.constant 0 : i32
    %dma_wait3A_248 = tpu.memref_slice %arg2[%dma_wait3A_246, %dma_wait3A_247] : memref<10000x128xf32, #tpu.memory_space<hbm>> -> memref<10000x128xf32, #tpu.memory_space<hbm>>
    tpu.wait_indirect_dma semaphore(%arg11 : memref<!tpu.dma_semaphore, #tpu.memory_space<semaphore_mem>>) src(%dma_wait3A_248 : memref<10000x128xf32, #tpu.memory_space<hbm>>) dst(%dma_wait3A_242 : memref<32x128xf32, #tpu.memory_space<vmem>>)
    %dma_wait3A_249 = arith.constant 2 : i32
    %dma_wait3A_250 = arith.constant 64 : i32
    %dma_wait3A_251 = arith.constant 0 : i32
    %dma_wait3A_252 = tpu.memref_slice %arg8[%dma_wait3A_250, %dma_wait3A_251] : memref<96x128xf32, #tpu.memory_space<vmem>> -> memref<32x128xf32, #tpu.memory_space<vmem>>
    %dma_wait3A_253 = arith.constant 0 : i32
    %dma_wait3A_254 = tpu.memref_slice %arg6[%dma_wait3A_249, %dma_wait3A_253] : memref<3x32xi32, #tpu.memory_space<vmem>> -> memref<1x32xi32, #tpu.memory_space<vmem>>
    %dma_wait3A_255 = tpu.memref_squeeze %dma_wait3A_254 : memref<1x32xi32, #tpu.memory_space<vmem>> -> memref<32xi32, #tpu.memory_space<vmem>>
    %dma_wait3A_256 = arith.constant 0 : i32
    %dma_wait3A_257 = arith.constant 0 : i32
    %dma_wait3A_258 = tpu.memref_slice %arg2[%dma_wait3A_256, %dma_wait3A_257] : memref<10000x128xf32, #tpu.memory_space<hbm>> -> memref<10000x128xf32, #tpu.memory_space<hbm>>
    tpu.wait_indirect_dma semaphore(%arg12 : memref<!tpu.dma_semaphore, #tpu.memory_space<semaphore_mem>>) src(%dma_wait3A_258 : memref<10000x128xf32, #tpu.memory_space<hbm>>) dst(%dma_wait3A_252 : memref<32x128xf32, #tpu.memory_space<vmem>>)
    %barrier3A_259 = arith.constant 0 : index
    tpu.barrier barrier_id(%barrier3A_259)
    %mul3A_260 = arith.constant 632 : i32
    %mul3A_261 = arith.muli %arg1, %mul3A_260 : i32
    %mul3A_262 = arith.constant 632 : i32
    %mul3A_263 = arith.muli %arg1, %mul3A_262 : i32
    "tpu.region"() ({
      %run_scoped3A = tpu.sem_alloc : memref<!tpu.dma_semaphore, #tpu.memory_space<semaphore_mem>>
      %dma_start3A_264 = arith.constant 0 : i32
      %dma_start3A_265 = tpu.memref_slice %arg4[%arg0, %mul3A_263, %dma_start3A_264] : memref<2x10112x128xf32, #tpu.memory_space<hbm>> -> memref<1x632x128xf32, #tpu.memory_space<hbm>>
      %dma_start3A_266 = tpu.memref_squeeze %dma_start3A_265 : memref<1x632x128xf32, #tpu.memory_space<hbm>> -> memref<632x128xf32, #tpu.memory_space<hbm>>
      %dma_start3A_267 = arith.constant 0 : i32
      %dma_start3A_268 = tpu.memref_slice %arg9[%mul3A_261, %dma_start3A_267] : memref<10112x128xf32, #tpu.memory_space<vmem_shared>> -> memref<632x128xf32, #tpu.memory_space<vmem_shared>>
      tpu.enqueue_dma source(%dma_start3A_268 : memref<632x128xf32, #tpu.memory_space<vmem_shared>>) target(%dma_start3A_266 : memref<632x128xf32, #tpu.memory_space<hbm>>) target_semaphore(%run_scoped3A : memref<!tpu.dma_semaphore, #tpu.memory_space<semaphore_mem>>)
      %dma_wait3A_269 = arith.constant 0 : i32
      %dma_wait3A_270 = tpu.memref_slice %arg4[%arg0, %mul3A_263, %dma_wait3A_269] : memref<2x10112x128xf32, #tpu.memory_space<hbm>> -> memref<1x632x128xf32, #tpu.memory_space<hbm>>
      %dma_wait3A_271 = tpu.memref_squeeze %dma_wait3A_270 : memref<1x632x128xf32, #tpu.memory_space<hbm>> -> memref<632x128xf32, #tpu.memory_space<hbm>>
      %dma_wait3A_272 = arith.constant 0 : i32
      %dma_wait3A_273 = tpu.memref_slice %arg9[%mul3A_261, %dma_wait3A_272] : memref<10112x128xf32, #tpu.memory_space<vmem_shared>> -> memref<632x128xf32, #tpu.memory_space<vmem_shared>>
      tpu.wait_dma2 semaphore(%run_scoped3A : memref<!tpu.dma_semaphore, #tpu.memory_space<semaphore_mem>>) src(%dma_wait3A_273 : memref<632x128xf32, #tpu.memory_space<vmem_shared>>) dst(%dma_wait3A_271 : memref<632x128xf32, #tpu.memory_space<hbm>>)
      tpu.yield
    }) : () -> ()
    return
  }
}

#map = affine_map<(d0, d1) -> (0, 0)>
#map1 = affine_map<(d0, d1) -> (0, 0, 0)>
module attributes {stable_mosaic.version = 14 : i64} {
  func.func @_segsum_kernel(%arg0: i32, %arg1: i32, %arg2: memref<10000x128xf32, #tpu.memory_space<hbm>>, %arg3: memref<32x208x64xi32, #tpu.memory_space<hbm>>, %arg4: memref<2x10112x128xf32, #tpu.memory_space<hbm>>, %arg5: memref<208x64xi32, #tpu.memory_space<vmem>>, %arg6: memref<3x32xi32, #tpu.memory_space<vmem>>, %arg7: memref<3x32xi32, #tpu.memory_space<vmem>>, %arg8: memref<96x128xf32, #tpu.memory_space<vmem>>, %arg9: memref<10112x128xf32, #tpu.memory_space<vmem_shared>>, %arg10: memref<!tpu.dma_semaphore, #tpu.memory_space<semaphore_mem>>, %arg11: memref<!tpu.dma_semaphore, #tpu.memory_space<semaphore_mem>>, %arg12: memref<!tpu.dma_semaphore, #tpu.memory_space<semaphore_mem>>) attributes {dimension_semantics = [#tpu.dimension_semantics<core_parallel>, #tpu.dimension_semantics<subcore_parallel>], iteration_bounds = array<i64: 2, 16>, scalar_prefetch = 0 : i64, scratch_operands = 8 : i64, tpu.core_type = #tpu.core_type<sc_vector_subcore>, window_params = [{transform_indices = #map}, {transform_indices = #map1}, {transform_indices = #map1}]} {
    %mul3A = arith.constant 16 : i32
    %mul3A_0 = arith.muli %arg0, %mul3A : i32
    %add3A = arith.addi %mul3A_0, %arg1 : i32
    %eq3A = arith.constant 0 : i32
    %eq3A_1 = arith.cmpi eq, %arg0, %eq3A : i32
    %jit3A = arith.constant 393 : i32
    %jit3A_2 = arith.constant 234 : i32
    %select_n3A = arith.select %eq3A_1, %jit3A, %jit3A_2 : i32
    "tpu.region"() ({
      %run_scoped3A = tpu.sem_alloc : memref<!tpu.dma_semaphore, #tpu.memory_space<semaphore_mem>>
      %dma_start3A_264 = arith.constant 0 : i32
      %dma_start3A_265 = arith.constant 0 : i32
      %dma_start3A_266 = tpu.memref_slice %arg3[%add3A, %dma_start3A_264, %dma_start3A_265] : memref<32x208x64xi32, #tpu.memory_space<hbm>> -> memref<1x208x64xi32, #tpu.memory_space<hbm>>
      %dma_start3A_267 = tpu.memref_squeeze %dma_start3A_266 : memref<1x208x64xi32, #tpu.memory_space<hbm>> -> memref<208x64xi32, #tpu.memory_space<hbm>>
      %dma_start3A_268 = arith.constant 0 : i32
      %dma_start3A_269 = arith.constant 0 : i32
      %dma_start3A_270 = tpu.memref_slice %arg3[%add3A, %dma_start3A_268, %dma_start3A_269] : memref<32x208x64xi32, #tpu.memory_space<hbm>> -> memref<1x208x64xi32, #tpu.memory_space<hbm>>
      %dma_start3A_271 = tpu.memref_squeeze %dma_start3A_270 : memref<1x208x64xi32, #tpu.memory_space<hbm>> -> memref<208x64xi32, #tpu.memory_space<hbm>>
      tpu.enqueue_dma source(%dma_start3A_271 : memref<208x64xi32, #tpu.memory_space<hbm>>) target(%arg5 : memref<208x64xi32, #tpu.memory_space<vmem>>) target_semaphore(%run_scoped3A : memref<!tpu.dma_semaphore, #tpu.memory_space<semaphore_mem>>)
      %dma_wait3A_272 = arith.constant 0 : i32
      %dma_wait3A_273 = arith.constant 0 : i32
      %dma_wait3A_274 = tpu.memref_slice %arg3[%add3A, %dma_wait3A_272, %dma_wait3A_273] : memref<32x208x64xi32, #tpu.memory_space<hbm>> -> memref<1x208x64xi32, #tpu.memory_space<hbm>>
      %dma_wait3A_275 = tpu.memref_squeeze %dma_wait3A_274 : memref<1x208x64xi32, #tpu.memory_space<hbm>> -> memref<208x64xi32, #tpu.memory_space<hbm>>
      %dma_wait3A_276 = arith.constant 0 : i32
      %dma_wait3A_277 = arith.constant 0 : i32
      %dma_wait3A_278 = tpu.memref_slice %arg3[%add3A, %dma_wait3A_276, %dma_wait3A_277] : memref<32x208x64xi32, #tpu.memory_space<hbm>> -> memref<1x208x64xi32, #tpu.memory_space<hbm>>
      %dma_wait3A_279 = tpu.memref_squeeze %dma_wait3A_278 : memref<1x208x64xi32, #tpu.memory_space<hbm>> -> memref<208x64xi32, #tpu.memory_space<hbm>>
      tpu.wait_dma2 semaphore(%run_scoped3A : memref<!tpu.dma_semaphore, #tpu.memory_space<semaphore_mem>>) src(%dma_wait3A_279 : memref<208x64xi32, #tpu.memory_space<hbm>>) dst(%arg5 : memref<208x64xi32, #tpu.memory_space<vmem>>)
      tpu.yield
    }) : () -> ()
    %broadcast_in_dim3A = arith.constant 0.000000e+00 : f32
    %broadcast_in_dim3A_3 = vector.broadcast %broadcast_in_dim3A : f32 to vector<16xf32>
    %scan3A = arith.constant 0 : i32
    %scan3A_4 = arith.constant 0 : i32
    %scan3A_5 = arith.constant 96 : i32
    %scan3A_6 = arith.addi %scan3A_4, %scan3A_5 : i32
    %scan3A_7 = arith.constant 1 : i32
    scf.for %scan3A_264 = %scan3A_4 to %scan3A_6 step %scan3A_7  : i32 {
      %swap3A_265 = arith.index_cast %scan3A_264 : i32 to index
      %swap3A_266 = arith.constant 0 : index
      %swap3A_267 = tpu.vector_load %arg8[%swap3A_265, %swap3A_266] {strides = array<i32>} : memref<96x128xf32, #tpu.memory_space<vmem>>, vector<1x16xf32>,
      %swap3A_268 = vector.shape_cast %swap3A_267 : vector<1x16xf32> to vector<16xf32>
      %swap3A_269 = vector.shape_cast %broadcast_in_dim3A_3 : vector<16xf32> to vector<1x16xf32>
      tpu.vector_store %arg8[%swap3A_265, %swap3A_266], %swap3A_269 {strides = array<i32>} : memref<96x128xf32, #tpu.memory_space<vmem>>, vector<1x16xf32>,
      %swap3A_270 = arith.index_cast %scan3A_264 : i32 to index
      %swap3A_271 = arith.constant 16 : index
      %swap3A_272 = tpu.vector_load %arg8[%swap3A_270, %swap3A_271] {strides = array<i32>} : memref<96x128xf32, #tpu.memory_space<vmem>>, vector<1x16xf32>,
      %swap3A_273 = vector.shape_cast %swap3A_272 : vector<1x16xf32> to vector<16xf32>
      %swap3A_274 = vector.shape_cast %broadcast_in_dim3A_3 : vector<16xf32> to vector<1x16xf32>
      tpu.vector_store %arg8[%swap3A_270, %swap3A_271], %swap3A_274 {strides = array<i32>} : memref<96x128xf32, #tpu.memory_space<vmem>>, vector<1x16xf32>,
      %swap3A_275 = arith.index_cast %scan3A_264 : i32 to index
      %swap3A_276 = arith.constant 32 : index
      %swap3A_277 = tpu.vector_load %arg8[%swap3A_275, %swap3A_276] {strides = array<i32>} : memref<96x128xf32, #tpu.memory_space<vmem>>, vector<1x16xf32>,
      %swap3A_278 = vector.shape_cast %swap3A_277 : vector<1x16xf32> to vector<16xf32>
      %swap3A_279 = vector.shape_cast %broadcast_in_dim3A_3 : vector<16xf32> to vector<1x16xf32>
      tpu.vector_store %arg8[%swap3A_275, %swap3A_276], %swap3A_279 {strides = array<i32>} : memref<96x128xf32, #tpu.memory_space<vmem>>, vector<1x16xf32>,
      %swap3A_280 = arith.index_cast %scan3A_264 : i32 to index
      %swap3A_281 = arith.constant 48 : index
      %swap3A_282 = tpu.vector_load %arg8[%swap3A_280, %swap3A_281] {strides = array<i32>} : memref<96x128xf32, #tpu.memory_space<vmem>>, vector<1x16xf32>,
      %swap3A_283 = vector.shape_cast %swap3A_282 : vector<1x16xf32> to vector<16xf32>
      %swap3A_284 = vector.shape_cast %broadcast_in_dim3A_3 : vector<16xf32> to vector<1x16xf32>
      tpu.vector_store %arg8[%swap3A_280, %swap3A_281], %swap3A_284 {strides = array<i32>} : memref<96x128xf32, #tpu.memory_space<vmem>>, vector<1x16xf32>,
      %swap3A_285 = arith.index_cast %scan3A_264 : i32 to index
      %swap3A_286 = arith.constant 64 : index
      %swap3A_287 = tpu.vector_load %arg8[%swap3A_285, %swap3A_286] {strides = array<i32>} : memref<96x128xf32, #tpu.memory_space<vmem>>, vector<1x16xf32>,
      %swap3A_288 = vector.shape_cast %swap3A_287 : vector<1x16xf32> to vector<16xf32>
      %swap3A_289 = vector.shape_cast %broadcast_in_dim3A_3 : vector<16xf32> to vector<1x16xf32>
      tpu.vector_store %arg8[%swap3A_285, %swap3A_286], %swap3A_289 {strides = array<i32>} : memref<96x128xf32, #tpu.memory_space<vmem>>, vector<1x16xf32>,
      %swap3A_290 = arith.index_cast %scan3A_264 : i32 to index
      %swap3A_291 = arith.constant 80 : index
      %swap3A_292 = tpu.vector_load %arg8[%swap3A_290, %swap3A_291] {strides = array<i32>} : memref<96x128xf32, #tpu.memory_space<vmem>>, vector<1x16xf32>,
      %swap3A_293 = vector.shape_cast %swap3A_292 : vector<1x16xf32> to vector<16xf32>
      %swap3A_294 = vector.shape_cast %broadcast_in_dim3A_3 : vector<16xf32> to vector<1x16xf32>
      tpu.vector_store %arg8[%swap3A_290, %swap3A_291], %swap3A_294 {strides = array<i32>} : memref<96x128xf32, #tpu.memory_space<vmem>>, vector<1x16xf32>,
      %swap3A_295 = arith.index_cast %scan3A_264 : i32 to index
      %swap3A_296 = arith.constant 96 : index
      %swap3A_297 = tpu.vector_load %arg8[%swap3A_295, %swap3A_296] {strides = array<i32>} : memref<96x128xf32, #tpu.memory_space<vmem>>, vector<1x16xf32>,
      %swap3A_298 = vector.shape_cast %swap3A_297 : vector<1x16xf32> to vector<16xf32>
      %swap3A_299 = vector.shape_cast %broadcast_in_dim3A_3 : vector<16xf32> to vector<1x16xf32>
      tpu.vector_store %arg8[%swap3A_295, %swap3A_296], %swap3A_299 {strides = array<i32>} : memref<96x128xf32, #tpu.memory_space<vmem>>, vector<1x16xf32>,
      %swap3A_300 = arith.index_cast %scan3A_264 : i32 to index
      %swap3A_301 = arith.constant 112 : index
      %swap3A_302 = tpu.vector_load %arg8[%swap3A_300, %swap3A_301] {strides = array<i32>} : memref<96x128xf32, #tpu.memory_space<vmem>>, vector<1x16xf32>,
      %swap3A_303 = vector.shape_cast %swap3A_302 : vector<1x16xf32> to vector<16xf32>
      %swap3A_304 = vector.shape_cast %broadcast_in_dim3A_3 : vector<16xf32> to vector<1x16xf32>
      tpu.vector_store %arg8[%swap3A_300, %swap3A_301], %swap3A_304 {strides = array<i32>} : memref<96x128xf32, #tpu.memory_space<vmem>>, vector<1x16xf32>,
    }
    %scan3A_8 = arith.constant 96 : i32
    %mul3A_9 = arith.constant 632 : i32
    %mul3A_10 = arith.muli %arg1, %mul3A_9 : i32
    %add3A_11 = arith.constant 0 : i32
    %add3A_12 = arith.addi %mul3A_10, %add3A_11 : i32
    "tpu.region"() ({
      %run_scoped3A = tpu.sem_alloc : memref<!tpu.dma_semaphore, #tpu.memory_space<semaphore_mem>>
      %dma_start3A_264 = arith.constant 0 : i32
      %dma_start3A_265 = tpu.memref_slice %arg9[%add3A_12, %dma_start3A_264] : memref<10112x128xf32, #tpu.memory_space<vmem_shared>> -> memref<96x128xf32, #tpu.memory_space<vmem_shared>>
      %dma_start3A_266 = arith.constant 0 : i32
      %dma_start3A_267 = tpu.memref_slice %arg9[%add3A_12, %dma_start3A_266] : memref<10112x128xf32, #tpu.memory_space<vmem_shared>> -> memref<96x128xf32, #tpu.memory_space<vmem_shared>>
      tpu.enqueue_dma source(%arg8 : memref<96x128xf32, #tpu.memory_space<vmem>>) target(%dma_start3A_267 : memref<96x128xf32, #tpu.memory_space<vmem_shared>>) target_semaphore(%run_scoped3A : memref<!tpu.dma_semaphore, #tpu.memory_space<semaphore_mem>>)
      %dma_wait3A_268 = arith.constant 0 : i32
      %dma_wait3A_269 = tpu.memref_slice %arg9[%add3A_12, %dma_wait3A_268] : memref<10112x128xf32, #tpu.memory_space<vmem_shared>> -> memref<96x128xf32, #tpu.memory_space<vmem_shared>>
      %dma_wait3A_270 = arith.constant 0 : i32
      %dma_wait3A_271 = tpu.memref_slice %arg9[%add3A_12, %dma_wait3A_270] : memref<10112x128xf32, #tpu.memory_space<vmem_shared>> -> memref<96x128xf32, #tpu.memory_space<vmem_shared>>
      tpu.wait_dma2 semaphore(%run_scoped3A : memref<!tpu.dma_semaphore, #tpu.memory_space<semaphore_mem>>) src(%arg8 : memref<96x128xf32, #tpu.memory_space<vmem>>) dst(%dma_wait3A_271 : memref<96x128xf32, #tpu.memory_space<vmem_shared>>)
      tpu.yield
    }) : () -> ()
    %mul3A_13 = arith.constant 632 : i32
    %mul3A_14 = arith.muli %arg1, %mul3A_13 : i32
    %add3A_15 = arith.constant 96 : i32
    %add3A_16 = arith.addi %mul3A_14, %add3A_15 : i32
    "tpu.region"() ({
      %run_scoped3A = tpu.sem_alloc : memref<!tpu.dma_semaphore, #tpu.memory_space<semaphore_mem>>
      %dma_start3A_264 = arith.constant 0 : i32
      %dma_start3A_265 = tpu.memref_slice %arg9[%add3A_16, %dma_start3A_264] : memref<10112x128xf32, #tpu.memory_space<vmem_shared>> -> memref<96x128xf32, #tpu.memory_space<vmem_shared>>
      %dma_start3A_266 = arith.constant 0 : i32
      %dma_start3A_267 = tpu.memref_slice %arg9[%add3A_16, %dma_start3A_266] : memref<10112x128xf32, #tpu.memory_space<vmem_shared>> -> memref<96x128xf32, #tpu.memory_space<vmem_shared>>
      tpu.enqueue_dma source(%arg8 : memref<96x128xf32, #tpu.memory_space<vmem>>) target(%dma_start3A_267 : memref<96x128xf32, #tpu.memory_space<vmem_shared>>) target_semaphore(%run_scoped3A : memref<!tpu.dma_semaphore, #tpu.memory_space<semaphore_mem>>)
      %dma_wait3A_268 = arith.constant 0 : i32
      %dma_wait3A_269 = tpu.memref_slice %arg9[%add3A_16, %dma_wait3A_268] : memref<10112x128xf32, #tpu.memory_space<vmem_shared>> -> memref<96x128xf32, #tpu.memory_space<vmem_shared>>
      %dma_wait3A_270 = arith.constant 0 : i32
      %dma_wait3A_271 = tpu.memref_slice %arg9[%add3A_16, %dma_wait3A_270] : memref<10112x128xf32, #tpu.memory_space<vmem_shared>> -> memref<96x128xf32, #tpu.memory_space<vmem_shared>>
      tpu.wait_dma2 semaphore(%run_scoped3A : memref<!tpu.dma_semaphore, #tpu.memory_space<semaphore_mem>>) src(%arg8 : memref<96x128xf32, #tpu.memory_space<vmem>>) dst(%dma_wait3A_271 : memref<96x128xf32, #tpu.memory_space<vmem_shared>>)
      tpu.yield
    }) : () -> ()
    %mul3A_17 = arith.constant 632 : i32
    %mul3A_18 = arith.muli %arg1, %mul3A_17 : i32
    %add3A_19 = arith.constant 192 : i32
    %add3A_20 = arith.addi %mul3A_18, %add3A_19 : i32
    "tpu.region"() ({
      %run_scoped3A = tpu.sem_alloc : memref<!tpu.dma_semaphore, #tpu.memory_space<semaphore_mem>>
      %dma_start3A_264 = arith.constant 0 : i32
      %dma_start3A_265 = tpu.memref_slice %arg9[%add3A_20, %dma_start3A_264] : memref<10112x128xf32, #tpu.memory_space<vmem_shared>> -> memref<96x128xf32, #tpu.memory_space<vmem_shared>>
      %dma_start3A_266 = arith.constant 0 : i32
      %dma_start3A_267 = tpu.memref_slice %arg9[%add3A_20, %dma_start3A_266] : memref<10112x128xf32, #tpu.memory_space<vmem_shared>> -> memref<96x128xf32, #tpu.memory_space<vmem_shared>>
      tpu.enqueue_dma source(%arg8 : memref<96x128xf32, #tpu.memory_space<vmem>>) target(%dma_start3A_267 : memref<96x128xf32, #tpu.memory_space<vmem_shared>>) target_semaphore(%run_scoped3A : memref<!tpu.dma_semaphore, #tpu.memory_space<semaphore_mem>>)
      %dma_wait3A_268 = arith.constant 0 : i32
      %dma_wait3A_269 = tpu.memref_slice %arg9[%add3A_20, %dma_wait3A_268] : memref<10112x128xf32, #tpu.memory_space<vmem_shared>> -> memref<96x128xf32, #tpu.memory_space<vmem_shared>>
      %dma_wait3A_270 = arith.constant 0 : i32
      %dma_wait3A_271 = tpu.memref_slice %arg9[%add3A_20, %dma_wait3A_270] : memref<10112x128xf32, #tpu.memory_space<vmem_shared>> -> memref<96x128xf32, #tpu.memory_space<vmem_shared>>
      tpu.wait_dma2 semaphore(%run_scoped3A : memref<!tpu.dma_semaphore, #tpu.memory_space<semaphore_mem>>) src(%arg8 : memref<96x128xf32, #tpu.memory_space<vmem>>) dst(%dma_wait3A_271 : memref<96x128xf32, #tpu.memory_space<vmem_shared>>)
      tpu.yield
    }) : () -> ()
    %mul3A_21 = arith.constant 632 : i32
    %mul3A_22 = arith.muli %arg1, %mul3A_21 : i32
    %add3A_23 = arith.constant 288 : i32
    %add3A_24 = arith.addi %mul3A_22, %add3A_23 : i32
    "tpu.region"() ({
      %run_scoped3A = tpu.sem_alloc : memref<!tpu.dma_semaphore, #tpu.memory_space<semaphore_mem>>
      %dma_start3A_264 = arith.constant 0 : i32
      %dma_start3A_265 = tpu.memref_slice %arg9[%add3A_24, %dma_start3A_264] : memref<10112x128xf32, #tpu.memory_space<vmem_shared>> -> memref<96x128xf32, #tpu.memory_space<vmem_shared>>
      %dma_start3A_266 = arith.constant 0 : i32
      %dma_start3A_267 = tpu.memref_slice %arg9[%add3A_24, %dma_start3A_266] : memref<10112x128xf32, #tpu.memory_space<vmem_shared>> -> memref<96x128xf32, #tpu.memory_space<vmem_shared>>
      tpu.enqueue_dma source(%arg8 : memref<96x128xf32, #tpu.memory_space<vmem>>) target(%dma_start3A_267 : memref<96x128xf32, #tpu.memory_space<vmem_shared>>) target_semaphore(%run_scoped3A : memref<!tpu.dma_semaphore, #tpu.memory_space<semaphore_mem>>)
      %dma_wait3A_268 = arith.constant 0 : i32
      %dma_wait3A_269 = tpu.memref_slice %arg9[%add3A_24, %dma_wait3A_268] : memref<10112x128xf32, #tpu.memory_space<vmem_shared>> -> memref<96x128xf32, #tpu.memory_space<vmem_shared>>
      %dma_wait3A_270 = arith.constant 0 : i32
      %dma_wait3A_271 = tpu.memref_slice %arg9[%add3A_24, %dma_wait3A_270] : memref<10112x128xf32, #tpu.memory_space<vmem_shared>> -> memref<96x128xf32, #tpu.memory_space<vmem_shared>>
      tpu.wait_dma2 semaphore(%run_scoped3A : memref<!tpu.dma_semaphore, #tpu.memory_space<semaphore_mem>>) src(%arg8 : memref<96x128xf32, #tpu.memory_space<vmem>>) dst(%dma_wait3A_271 : memref<96x128xf32, #tpu.memory_space<vmem_shared>>)
      tpu.yield
    }) : () -> ()
    %mul3A_25 = arith.constant 632 : i32
    %mul3A_26 = arith.muli %arg1, %mul3A_25 : i32
    %add3A_27 = arith.constant 384 : i32
    %add3A_28 = arith.addi %mul3A_26, %add3A_27 : i32
    "tpu.region"() ({
      %run_scoped3A = tpu.sem_alloc : memref<!tpu.dma_semaphore, #tpu.memory_space<semaphore_mem>>
      %dma_start3A_264 = arith.constant 0 : i32
      %dma_start3A_265 = tpu.memref_slice %arg9[%add3A_28, %dma_start3A_264] : memref<10112x128xf32, #tpu.memory_space<vmem_shared>> -> memref<96x128xf32, #tpu.memory_space<vmem_shared>>
      %dma_start3A_266 = arith.constant 0 : i32
      %dma_start3A_267 = tpu.memref_slice %arg9[%add3A_28, %dma_start3A_266] : memref<10112x128xf32, #tpu.memory_space<vmem_shared>> -> memref<96x128xf32, #tpu.memory_space<vmem_shared>>
      tpu.enqueue_dma source(%arg8 : memref<96x128xf32, #tpu.memory_space<vmem>>) target(%dma_start3A_267 : memref<96x128xf32, #tpu.memory_space<vmem_shared>>) target_semaphore(%run_scoped3A : memref<!tpu.dma_semaphore, #tpu.memory_space<semaphore_mem>>)
      %dma_wait3A_268 = arith.constant 0 : i32
      %dma_wait3A_269 = tpu.memref_slice %arg9[%add3A_28, %dma_wait3A_268] : memref<10112x128xf32, #tpu.memory_space<vmem_shared>> -> memref<96x128xf32, #tpu.memory_space<vmem_shared>>
      %dma_wait3A_270 = arith.constant 0 : i32
      %dma_wait3A_271 = tpu.memref_slice %arg9[%add3A_28, %dma_wait3A_270] : memref<10112x128xf32, #tpu.memory_space<vmem_shared>> -> memref<96x128xf32, #tpu.memory_space<vmem_shared>>
      tpu.wait_dma2 semaphore(%run_scoped3A : memref<!tpu.dma_semaphore, #tpu.memory_space<semaphore_mem>>) src(%arg8 : memref<96x128xf32, #tpu.memory_space<vmem>>) dst(%dma_wait3A_271 : memref<96x128xf32, #tpu.memory_space<vmem_shared>>)
      tpu.yield
    }) : () -> ()
    %mul3A_29 = arith.constant 632 : i32
    %mul3A_30 = arith.muli %arg1, %mul3A_29 : i32
    %add3A_31 = arith.constant 480 : i32
    %add3A_32 = arith.addi %mul3A_30, %add3A_31 : i32
    "tpu.region"() ({
      %run_scoped3A = tpu.sem_alloc : memref<!tpu.dma_semaphore, #tpu.memory_space<semaphore_mem>>
      %dma_start3A_264 = arith.constant 0 : i32
      %dma_start3A_265 = tpu.memref_slice %arg9[%add3A_32, %dma_start3A_264] : memref<10112x128xf32, #tpu.memory_space<vmem_shared>> -> memref<96x128xf32, #tpu.memory_space<vmem_shared>>
      %dma_start3A_266 = arith.constant 0 : i32
      %dma_start3A_267 = tpu.memref_slice %arg9[%add3A_32, %dma_start3A_266] : memref<10112x128xf32, #tpu.memory_space<vmem_shared>> -> memref<96x128xf32, #tpu.memory_space<vmem_shared>>
      tpu.enqueue_dma source(%arg8 : memref<96x128xf32, #tpu.memory_space<vmem>>) target(%dma_start3A_267 : memref<96x128xf32, #tpu.memory_space<vmem_shared>>) target_semaphore(%run_scoped3A : memref<!tpu.dma_semaphore, #tpu.memory_space<semaphore_mem>>)
      %dma_wait3A_268 = arith.constant 0 : i32
      %dma_wait3A_269 = tpu.memref_slice %arg9[%add3A_32, %dma_wait3A_268] : memref<10112x128xf32, #tpu.memory_space<vmem_shared>> -> memref<96x128xf32, #tpu.memory_space<vmem_shared>>
      %dma_wait3A_270 = arith.constant 0 : i32
      %dma_wait3A_271 = tpu.memref_slice %arg9[%add3A_32, %dma_wait3A_270] : memref<10112x128xf32, #tpu.memory_space<vmem_shared>> -> memref<96x128xf32, #tpu.memory_space<vmem_shared>>
      tpu.wait_dma2 semaphore(%run_scoped3A : memref<!tpu.dma_semaphore, #tpu.memory_space<semaphore_mem>>) src(%arg8 : memref<96x128xf32, #tpu.memory_space<vmem>>) dst(%dma_wait3A_271 : memref<96x128xf32, #tpu.memory_space<vmem_shared>>)
      tpu.yield
    }) : () -> ()
    %mul3A_33 = arith.constant 632 : i32
    %mul3A_34 = arith.muli %arg1, %mul3A_33 : i32
    %add3A_35 = arith.constant 632 : i32
    %add3A_36 = arith.addi %mul3A_34, %add3A_35 : i32
    %sub3A = arith.constant 56 : i32
    %sub3A_37 = arith.subi %add3A_36, %sub3A : i32
    "tpu.region"() ({
      %run_scoped3A = tpu.sem_alloc : memref<!tpu.dma_semaphore, #tpu.memory_space<semaphore_mem>>
      %dma_start3A_264 = arith.constant 0 : i32
      %dma_start3A_265 = arith.constant 0 : i32
      %dma_start3A_266 = tpu.memref_slice %arg8[%dma_start3A_264, %dma_start3A_265] : memref<96x128xf32, #tpu.memory_space<vmem>> -> memref<56x128xf32, #tpu.memory_space<vmem>>
      %dma_start3A_267 = arith.constant 0 : i32
      %dma_start3A_268 = tpu.memref_slice %arg9[%sub3A_37, %dma_start3A_267] : memref<10112x128xf32, #tpu.memory_space<vmem_shared>> -> memref<56x128xf32, #tpu.memory_space<vmem_shared>>
      %dma_start3A_269 = arith.constant 0 : i32
      %dma_start3A_270 = tpu.memref_slice %arg9[%sub3A_37, %dma_start3A_269] : memref<10112x128xf32, #tpu.memory_space<vmem_shared>> -> memref<56x128xf32, #tpu.memory_space<vmem_shared>>
      %dma_start3A_271 = arith.constant 0 : i32
      %dma_start3A_272 = arith.constant 0 : i32
      %dma_start3A_273 = tpu.memref_slice %arg8[%dma_start3A_271, %dma_start3A_272] : memref<96x128xf32, #tpu.memory_space<vmem>> -> memref<56x128xf32, #tpu.memory_space<vmem>>
      tpu.enqueue_dma source(%dma_start3A_273 : memref<56x128xf32, #tpu.memory_space<vmem>>) target(%dma_start3A_270 : memref<56x128xf32, #tpu.memory_space<vmem_shared>>) target_semaphore(%run_scoped3A : memref<!tpu.dma_semaphore, #tpu.memory_space<semaphore_mem>>)
      %dma_wait3A_274 = arith.constant 0 : i32
      %dma_wait3A_275 = arith.constant 0 : i32
      %dma_wait3A_276 = tpu.memref_slice %arg8[%dma_wait3A_274, %dma_wait3A_275] : memref<96x128xf32, #tpu.memory_space<vmem>> -> memref<56x128xf32, #tpu.memory_space<vmem>>
      %dma_wait3A_277 = arith.constant 0 : i32
      %dma_wait3A_278 = tpu.memref_slice %arg9[%sub3A_37, %dma_wait3A_277] : memref<10112x128xf32, #tpu.memory_space<vmem_shared>> -> memref<56x128xf32, #tpu.memory_space<vmem_shared>>
      %dma_wait3A_279 = arith.constant 0 : i32
      %dma_wait3A_280 = tpu.memref_slice %arg9[%sub3A_37, %dma_wait3A_279] : memref<10112x128xf32, #tpu.memory_space<vmem_shared>> -> memref<56x128xf32, #tpu.memory_space<vmem_shared>>
      %dma_wait3A_281 = arith.constant 0 : i32
      %dma_wait3A_282 = arith.constant 0 : i32
      %dma_wait3A_283 = tpu.memref_slice %arg8[%dma_wait3A_281, %dma_wait3A_282] : memref<96x128xf32, #tpu.memory_space<vmem>> -> memref<56x128xf32, #tpu.memory_space<vmem>>
      tpu.wait_dma2 semaphore(%run_scoped3A : memref<!tpu.dma_semaphore, #tpu.memory_space<semaphore_mem>>) src(%dma_wait3A_283 : memref<56x128xf32, #tpu.memory_space<vmem>>) dst(%dma_wait3A_280 : memref<56x128xf32, #tpu.memory_space<vmem_shared>>)
      tpu.yield
    }) : () -> ()
    %barrier3A = arith.constant 0 : index
    tpu.barrier barrier_id(%barrier3A)
    %get3A = arith.constant 0 : i32
    %get3A_38 = arith.index_cast %get3A : i32 to index
    %get3A_39 = arith.constant 0 : index
    %get3A_40 = tpu.vector_load %arg5[%get3A_38, %get3A_39] {strides = array<i32>} : memref<208x64xi32, #tpu.memory_space<vmem>>, vector<1x16xi32>,
    %get3A_41 = vector.shape_cast %get3A_40 : vector<1x16xi32> to vector<16xi32>
    %and3A = arith.constant 16383 : i32
    %and3A_42 = vector.broadcast %and3A : i32 to vector<16xi32>
    %and3A_43 = arith.andi %get3A_41, %and3A_42 : vector<16xi32>
    %swap3A = arith.constant 0 : i32
    %swap3A_44 = arith.index_cast %swap3A : i32 to index
    %swap3A_45 = arith.constant 0 : index
    %swap3A_46 = tpu.vector_load %arg6[%swap3A_44, %swap3A_45] {strides = array<i32>} : memref<3x32xi32, #tpu.memory_space<vmem>>, vector<1x16xi32>,
    %swap3A_47 = vector.shape_cast %swap3A_46 : vector<1x16xi32> to vector<16xi32>
    %swap3A_48 = vector.shape_cast %and3A_43 : vector<16xi32> to vector<1x16xi32>
    tpu.vector_store %arg6[%swap3A_44, %swap3A_45], %swap3A_48 {strides = array<i32>} : memref<3x32xi32, #tpu.memory_space<vmem>>, vector<1x16xi32>,
    %shift_right_arithmetic3A = arith.constant 14 : i32
    %shift_right_arithmetic3A_49 = vector.broadcast %shift_right_arithmetic3A : i32 to vector<16xi32>
    %shift_right_arithmetic3A_50 = arith.shrsi %get3A_41, %shift_right_arithmetic3A_49 : vector<16xi32>
    %swap3A_51 = arith.constant 0 : i32
    %swap3A_52 = arith.index_cast %swap3A_51 : i32 to index
    %swap3A_53 = arith.constant 0 : index
    %swap3A_54 = tpu.vector_load %arg7[%swap3A_52, %swap3A_53] {strides = array<i32>} : memref<3x32xi32, #tpu.memory_space<vmem>>, vector<1x16xi32>,
    %swap3A_55 = vector.shape_cast %swap3A_54 : vector<1x16xi32> to vector<16xi32>
    %swap3A_56 = vector.shape_cast %shift_right_arithmetic3A_50 : vector<16xi32> to vector<1x16xi32>
    tpu.vector_store %arg7[%swap3A_52, %swap3A_53], %swap3A_56 {strides = array<i32>} : memref<3x32xi32, #tpu.memory_space<vmem>>, vector<1x16xi32>,
    %get3A_57 = arith.constant 0 : i32
    %get3A_58 = arith.index_cast %get3A_57 : i32 to index
    %get3A_59 = arith.constant 16 : index
    %get3A_60 = tpu.vector_load %arg5[%get3A_58, %get3A_59] {strides = array<i32>} : memref<208x64xi32, #tpu.memory_space<vmem>>, vector<1x16xi32>,
    %get3A_61 = vector.shape_cast %get3A_60 : vector<1x16xi32> to vector<16xi32>
    %and3A_62 = arith.constant 16383 : i32
    %and3A_63 = vector.broadcast %and3A_62 : i32 to vector<16xi32>
    %and3A_64 = arith.andi %get3A_61, %and3A_63 : vector<16xi32>
    %swap3A_65 = arith.constant 0 : i32
    %swap3A_66 = arith.index_cast %swap3A_65 : i32 to index
    %swap3A_67 = arith.constant 16 : index
    %swap3A_68 = tpu.vector_load %arg6[%swap3A_66, %swap3A_67] {strides = array<i32>} : memref<3x32xi32, #tpu.memory_space<vmem>>, vector<1x16xi32>,
    %swap3A_69 = vector.shape_cast %swap3A_68 : vector<1x16xi32> to vector<16xi32>
    %swap3A_70 = vector.shape_cast %and3A_64 : vector<16xi32> to vector<1x16xi32>
    tpu.vector_store %arg6[%swap3A_66, %swap3A_67], %swap3A_70 {strides = array<i32>} : memref<3x32xi32, #tpu.memory_space<vmem>>, vector<1x16xi32>,
    %shift_right_arithmetic3A_71 = arith.constant 14 : i32
    %shift_right_arithmetic3A_72 = vector.broadcast %shift_right_arithmetic3A_71 : i32 to vector<16xi32>
    %shift_right_arithmetic3A_73 = arith.shrsi %get3A_61, %shift_right_arithmetic3A_72 : vector<16xi32>
    %swap3A_74 = arith.constant 0 : i32
    %swap3A_75 = arith.index_cast %swap3A_74 : i32 to index
    %swap3A_76 = arith.constant 16 : index
    %swap3A_77 = tpu.vector_load %arg7[%swap3A_75, %swap3A_76] {strides = array<i32>} : memref<3x32xi32, #tpu.memory_space<vmem>>, vector<1x16xi32>,
    %swap3A_78 = vector.shape_cast %swap3A_77 : vector<1x16xi32> to vector<16xi32>
    %swap3A_79 = vector.shape_cast %shift_right_arithmetic3A_73 : vector<16xi32> to vector<1x16xi32>
    tpu.vector_store %arg7[%swap3A_75, %swap3A_76], %swap3A_79 {strides = array<i32>} : memref<3x32xi32, #tpu.memory_space<vmem>>, vector<1x16xi32>,
    %dma_start3A = arith.constant 0 : i32
    %dma_start3A_80 = arith.constant 0 : i32
    %dma_start3A_81 = arith.constant 0 : i32
    %dma_start3A_82 = tpu.memref_slice %arg8[%dma_start3A_80, %dma_start3A_81] : memref<96x128xf32, #tpu.memory_space<vmem>> -> memref<32x128xf32, #tpu.memory_space<vmem>>
    %dma_start3A_83 = arith.constant 0 : i32
    %dma_start3A_84 = tpu.memref_slice %arg6[%dma_start3A, %dma_start3A_83] : memref<3x32xi32, #tpu.memory_space<vmem>> -> memref<1x32xi32, #tpu.memory_space<vmem>>
    %dma_start3A_85 = tpu.memref_squeeze %dma_start3A_84 : memref<1x32xi32, #tpu.memory_space<vmem>> -> memref<32xi32, #tpu.memory_space<vmem>>
    %dma_start3A_86 = arith.constant 0 : i32
    %dma_start3A_87 = arith.constant 0 : i32
    %dma_start3A_88 = tpu.memref_slice %arg2[%dma_start3A_86, %dma_start3A_87] : memref<10000x128xf32, #tpu.memory_space<hbm>> -> memref<10000x128xf32, #tpu.memory_space<hbm>>
    tpu.enqueue_indirect_dma source(%dma_start3A_88 : memref<10000x128xf32, #tpu.memory_space<hbm>>) target(%dma_start3A_82 : memref<32x128xf32, #tpu.memory_space<vmem>>) offsets(%dma_start3A_85 : memref<32xi32, #tpu.memory_space<vmem>>) semaphore(%arg10 : memref<!tpu.dma_semaphore, #tpu.memory_space<semaphore_mem>>)
    %get3A_89 = arith.constant 0 : i32
    %get3A_90 = arith.index_cast %get3A_89 : i32 to index
    %get3A_91 = arith.constant 32 : index
    %get3A_92 = tpu.vector_load %arg5[%get3A_90, %get3A_91] {strides = array<i32>} : memref<208x64xi32, #tpu.memory_space<vmem>>, vector<1x16xi32>,
    %get3A_93 = vector.shape_cast %get3A_92 : vector<1x16xi32> to vector<16xi32>
    %and3A_94 = arith.constant 16383 : i32
    %and3A_95 = vector.broadcast %and3A_94 : i32 to vector<16xi32>
    %and3A_96 = arith.andi %get3A_93, %and3A_95 : vector<16xi32>
    %swap3A_97 = arith.constant 1 : i32
    %swap3A_98 = arith.index_cast %swap3A_97 : i32 to index
    %swap3A_99 = arith.constant 0 : index
    %swap3A_100 = tpu.vector_load %arg6[%swap3A_98, %swap3A_99] {strides = array<i32>} : memref<3x32xi32, #tpu.memory_space<vmem>>, vector<1x16xi32>,
    %swap3A_101 = vector.shape_cast %swap3A_100 : vector<1x16xi32> to vector<16xi32>
    %swap3A_102 = vector.shape_cast %and3A_96 : vector<16xi32> to vector<1x16xi32>
    tpu.vector_store %arg6[%swap3A_98, %swap3A_99], %swap3A_102 {strides = array<i32>} : memref<3x32xi32, #tpu.memory_space<vmem>>, vector<1x16xi32>,
    %shift_right_arithmetic3A_103 = arith.constant 14 : i32
    %shift_right_arithmetic3A_104 = vector.broadcast %shift_right_arithmetic3A_103 : i32 to vector<16xi32>
    %shift_right_arithmetic3A_105 = arith.shrsi %get3A_93, %shift_right_arithmetic3A_104 : vector<16xi32>
    %swap3A_106 = arith.constant 1 : i32
    %swap3A_107 = arith.index_cast %swap3A_106 : i32 to index
    %swap3A_108 = arith.constant 0 : index
    %swap3A_109 = tpu.vector_load %arg7[%swap3A_107, %swap3A_108] {strides = array<i32>} : memref<3x32xi32, #tpu.memory_space<vmem>>, vector<1x16xi32>,
    %swap3A_110 = vector.shape_cast %swap3A_109 : vector<1x16xi32> to vector<16xi32>
    %swap3A_111 = vector.shape_cast %shift_right_arithmetic3A_105 : vector<16xi32> to vector<1x16xi32>
    tpu.vector_store %arg7[%swap3A_107, %swap3A_108], %swap3A_111 {strides = array<i32>} : memref<3x32xi32, #tpu.memory_space<vmem>>, vector<1x16xi32>,
    %get3A_112 = arith.constant 0 : i32
    %get3A_113 = arith.index_cast %get3A_112 : i32 to index
    %get3A_114 = arith.constant 48 : index
    %get3A_115 = tpu.vector_load %arg5[%get3A_113, %get3A_114] {strides = array<i32>} : memref<208x64xi32, #tpu.memory_space<vmem>>, vector<1x16xi32>,
    %get3A_116 = vector.shape_cast %get3A_115 : vector<1x16xi32> to vector<16xi32>
    %and3A_117 = arith.constant 16383 : i32
    %and3A_118 = vector.broadcast %and3A_117 : i32 to vector<16xi32>
    %and3A_119 = arith.andi %get3A_116, %and3A_118 : vector<16xi32>
    %swap3A_120 = arith.constant 1 : i32
    %swap3A_121 = arith.index_cast %swap3A_120 : i32 to index
    %swap3A_122 = arith.constant 16 : index
    %swap3A_123 = tpu.vector_load %arg6[%swap3A_121, %swap3A_122] {strides = array<i32>} : memref<3x32xi32, #tpu.memory_space<vmem>>, vector<1x16xi32>,
    %swap3A_124 = vector.shape_cast %swap3A_123 : vector<1x16xi32> to vector<16xi32>
    %swap3A_125 = vector.shape_cast %and3A_119 : vector<16xi32> to vector<1x16xi32>
    tpu.vector_store %arg6[%swap3A_121, %swap3A_122], %swap3A_125 {strides = array<i32>} : memref<3x32xi32, #tpu.memory_space<vmem>>, vector<1x16xi32>,
    %shift_right_arithmetic3A_126 = arith.constant 14 : i32
    %shift_right_arithmetic3A_127 = vector.broadcast %shift_right_arithmetic3A_126 : i32 to vector<16xi32>
    %shift_right_arithmetic3A_128 = arith.shrsi %get3A_116, %shift_right_arithmetic3A_127 : vector<16xi32>
    %swap3A_129 = arith.constant 1 : i32
    %swap3A_130 = arith.index_cast %swap3A_129 : i32 to index
    %swap3A_131 = arith.constant 16 : index
    %swap3A_132 = tpu.vector_load %arg7[%swap3A_130, %swap3A_131] {strides = array<i32>} : memref<3x32xi32, #tpu.memory_space<vmem>>, vector<1x16xi32>,
    %swap3A_133 = vector.shape_cast %swap3A_132 : vector<1x16xi32> to vector<16xi32>
    %swap3A_134 = vector.shape_cast %shift_right_arithmetic3A_128 : vector<16xi32> to vector<1x16xi32>
    tpu.vector_store %arg7[%swap3A_130, %swap3A_131], %swap3A_134 {strides = array<i32>} : memref<3x32xi32, #tpu.memory_space<vmem>>, vector<1x16xi32>,
    %dma_start3A_135 = arith.constant 1 : i32
    %dma_start3A_136 = arith.constant 32 : i32
    %dma_start3A_137 = arith.constant 0 : i32
    %dma_start3A_138 = tpu.memref_slice %arg8[%dma_start3A_136, %dma_start3A_137] : memref<96x128xf32, #tpu.memory_space<vmem>> -> memref<32x128xf32, #tpu.memory_space<vmem>>
    %dma_start3A_139 = arith.constant 0 : i32
    %dma_start3A_140 = tpu.memref_slice %arg6[%dma_start3A_135, %dma_start3A_139] : memref<3x32xi32, #tpu.memory_space<vmem>> -> memref<1x32xi32, #tpu.memory_space<vmem>>
    %dma_start3A_141 = tpu.memref_squeeze %dma_start3A_140 : memref<1x32xi32, #tpu.memory_space<vmem>> -> memref<32xi32, #tpu.memory_space<vmem>>
    %dma_start3A_142 = arith.constant 0 : i32
    %dma_start3A_143 = arith.constant 0 : i32
    %dma_start3A_144 = tpu.memref_slice %arg2[%dma_start3A_142, %dma_start3A_143] : memref<10000x128xf32, #tpu.memory_space<hbm>> -> memref<10000x128xf32, #tpu.memory_space<hbm>>
    tpu.enqueue_indirect_dma source(%dma_start3A_144 : memref<10000x128xf32, #tpu.memory_space<hbm>>) target(%dma_start3A_138 : memref<32x128xf32, #tpu.memory_space<vmem>>) offsets(%dma_start3A_141 : memref<32xi32, #tpu.memory_space<vmem>>) semaphore(%arg11 : memref<!tpu.dma_semaphore, #tpu.memory_space<semaphore_mem>>)
    %get3A_145 = arith.constant 1 : i32
    %get3A_146 = arith.index_cast %get3A_145 : i32 to index
    %get3A_147 = arith.constant 0 : index
    %get3A_148 = tpu.vector_load %arg5[%get3A_146, %get3A_147] {strides = array<i32>} : memref<208x64xi32, #tpu.memory_space<vmem>>, vector<1x16xi32>,
    %get3A_149 = vector.shape_cast %get3A_148 : vector<1x16xi32> to vector<16xi32>
    %and3A_150 = arith.constant 16383 : i32
    %and3A_151 = vector.broadcast %and3A_150 : i32 to vector<16xi32>
    %and3A_152 = arith.andi %get3A_149, %and3A_151 : vector<16xi32>
    %swap3A_153 = arith.constant 2 : i32
    %swap3A_154 = arith.index_cast %swap3A_153 : i32 to index
    %swap3A_155 = arith.constant 0 : index
    %swap3A_156 = tpu.vector_load %arg6[%swap3A_154, %swap3A_155] {strides = array<i32>} : memref<3x32xi32, #tpu.memory_space<vmem>>, vector<1x16xi32>,
    %swap3A_157 = vector.shape_cast %swap3A_156 : vector<1x16xi32> to vector<16xi32>
    %swap3A_158 = vector.shape_cast %and3A_152 : vector<16xi32> to vector<1x16xi32>
    tpu.vector_store %arg6[%swap3A_154, %swap3A_155], %swap3A_158 {strides = array<i32>} : memref<3x32xi32, #tpu.memory_space<vmem>>, vector<1x16xi32>,
    %shift_right_arithmetic3A_159 = arith.constant 14 : i32
    %shift_right_arithmetic3A_160 = vector.broadcast %shift_right_arithmetic3A_159 : i32 to vector<16xi32>
    %shift_right_arithmetic3A_161 = arith.shrsi %get3A_149, %shift_right_arithmetic3A_160 : vector<16xi32>
    %swap3A_162 = arith.constant 2 : i32
    %swap3A_163 = arith.index_cast %swap3A_162 : i32 to index
    %swap3A_164 = arith.constant 0 : index
    %swap3A_165 = tpu.vector_load %arg7[%swap3A_163, %swap3A_164] {strides = array<i32>} : memref<3x32xi32, #tpu.memory_space<vmem>>, vector<1x16xi32>,
    %swap3A_166 = vector.shape_cast %swap3A_165 : vector<1x16xi32> to vector<16xi32>
    %swap3A_167 = vector.shape_cast %shift_right_arithmetic3A_161 : vector<16xi32> to vector<1x16xi32>
    tpu.vector_store %arg7[%swap3A_163, %swap3A_164], %swap3A_167 {strides = array<i32>} : memref<3x32xi32, #tpu.memory_space<vmem>>, vector<1x16xi32>,
    %get3A_168 = arith.constant 1 : i32
    %get3A_169 = arith.index_cast %get3A_168 : i32 to index
    %get3A_170 = arith.constant 16 : index
    %get3A_171 = tpu.vector_load %arg5[%get3A_169, %get3A_170] {strides = array<i32>} : memref<208x64xi32, #tpu.memory_space<vmem>>, vector<1x16xi32>,
    %get3A_172 = vector.shape_cast %get3A_171 : vector<1x16xi32> to vector<16xi32>
    %and3A_173 = arith.constant 16383 : i32
    %and3A_174 = vector.broadcast %and3A_173 : i32 to vector<16xi32>
    %and3A_175 = arith.andi %get3A_172, %and3A_174 : vector<16xi32>
    %swap3A_176 = arith.constant 2 : i32
    %swap3A_177 = arith.index_cast %swap3A_176 : i32 to index
    %swap3A_178 = arith.constant 16 : index
    %swap3A_179 = tpu.vector_load %arg6[%swap3A_177, %swap3A_178] {strides = array<i32>} : memref<3x32xi32, #tpu.memory_space<vmem>>, vector<1x16xi32>,
    %swap3A_180 = vector.shape_cast %swap3A_179 : vector<1x16xi32> to vector<16xi32>
    %swap3A_181 = vector.shape_cast %and3A_175 : vector<16xi32> to vector<1x16xi32>
    tpu.vector_store %arg6[%swap3A_177, %swap3A_178], %swap3A_181 {strides = array<i32>} : memref<3x32xi32, #tpu.memory_space<vmem>>, vector<1x16xi32>,
    %shift_right_arithmetic3A_182 = arith.constant 14 : i32
    %shift_right_arithmetic3A_183 = vector.broadcast %shift_right_arithmetic3A_182 : i32 to vector<16xi32>
    %shift_right_arithmetic3A_184 = arith.shrsi %get3A_172, %shift_right_arithmetic3A_183 : vector<16xi32>
    %swap3A_185 = arith.constant 2 : i32
    %swap3A_186 = arith.index_cast %swap3A_185 : i32 to index
    %swap3A_187 = arith.constant 16 : index
    %swap3A_188 = tpu.vector_load %arg7[%swap3A_186, %swap3A_187] {strides = array<i32>} : memref<3x32xi32, #tpu.memory_space<vmem>>, vector<1x16xi32>,
    %swap3A_189 = vector.shape_cast %swap3A_188 : vector<1x16xi32> to vector<16xi32>
    %swap3A_190 = vector.shape_cast %shift_right_arithmetic3A_184 : vector<16xi32> to vector<1x16xi32>
    tpu.vector_store %arg7[%swap3A_186, %swap3A_187], %swap3A_190 {strides = array<i32>} : memref<3x32xi32, #tpu.memory_space<vmem>>, vector<1x16xi32>,
    %dma_start3A_191 = arith.constant 2 : i32
    %dma_start3A_192 = arith.constant 64 : i32
    %dma_start3A_193 = arith.constant 0 : i32
    %dma_start3A_194 = tpu.memref_slice %arg8[%dma_start3A_192, %dma_start3A_193] : memref<96x128xf32, #tpu.memory_space<vmem>> -> memref<32x128xf32, #tpu.memory_space<vmem>>
    %dma_start3A_195 = arith.constant 0 : i32
    %dma_start3A_196 = tpu.memref_slice %arg6[%dma_start3A_191, %dma_start3A_195] : memref<3x32xi32, #tpu.memory_space<vmem>> -> memref<1x32xi32, #tpu.memory_space<vmem>>
    %dma_start3A_197 = tpu.memref_squeeze %dma_start3A_196 : memref<1x32xi32, #tpu.memory_space<vmem>> -> memref<32xi32, #tpu.memory_space<vmem>>
    %dma_start3A_198 = arith.constant 0 : i32
    %dma_start3A_199 = arith.constant 0 : i32
    %dma_start3A_200 = tpu.memref_slice %arg2[%dma_start3A_198, %dma_start3A_199] : memref<10000x128xf32, #tpu.memory_space<hbm>> -> memref<10000x128xf32, #tpu.memory_space<hbm>>
    tpu.enqueue_indirect_dma source(%dma_start3A_200 : memref<10000x128xf32, #tpu.memory_space<hbm>>) target(%dma_start3A_194 : memref<32x128xf32, #tpu.memory_space<vmem>>) offsets(%dma_start3A_197 : memref<32xi32, #tpu.memory_space<vmem>>) semaphore(%arg12 : memref<!tpu.dma_semaphore, #tpu.memory_space<semaphore_mem>>)
    %jit3A_201 = arith.constant 3 : i32
    %div3A = arith.divsi %select_n3A, %jit3A_201 : i32
    %sign3A = arith.constant 0 : i32
    %sign3A_202 = arith.cmpi sgt, %select_n3A, %sign3A : i32
    %sign3A_203 = arith.extui %sign3A_202 : i1 to i32
    %sign3A_204 = arith.constant 0 : i32
    %sign3A_205 = arith.cmpi slt, %select_n3A, %sign3A_204 : i32
    %sign3A_206 = arith.extui %sign3A_205 : i1 to i32
    %sign3A_207 = arith.subi %sign3A_203, %sign3A_206 : i32
    %sign3A_208 = arith.constant 0 : i32
    %sign3A_209 = arith.cmpi sgt, %jit3A_201, %sign3A_208 : i32
    %sign3A_210 = arith.extui %sign3A_209 : i1 to i32
    %sign3A_211 = arith.constant 0 : i32
    %sign3A_212 = arith.cmpi slt, %jit3A_201, %sign3A_211 : i32
    %sign3A_213 = arith.extui %sign3A_212 : i1 to i32
    %sign3A_214 = arith.subi %sign3A_210, %sign3A_213 : i32
    %ne3A = arith.cmpi ne, %sign3A_207, %sign3A_214 : i32
    %rem3A = arith.remsi %select_n3A, %jit3A_201 : i32
    %ne3A_215 = arith.constant 0 : i32
    %ne3A_216 = arith.cmpi ne, %rem3A, %ne3A_215 : i32
    %and3A_217 = arith.andi %ne3A, %ne3A_216 : i1
    %sub3A_218 = arith.constant 1 : i32
    %sub3A_219 = arith.subi %div3A, %sub3A_218 : i32
    %select_n3A_220 = arith.select %and3A_217, %sub3A_219, %div3A : i32
    %while3A = arith.constant 0 : i32
    %while3A_221 = arith.constant 0 : i32
    %while3A_222 = arith.subi %select_n3A_220, %while3A_221 : i32
    %while3A_223 = arith.addi %while3A_221, %while3A_222 : i32
    %while3A_224 = arith.constant 1 : i32
    %while3A_225 = arith.divsi %while3A_222, %while3A_224 : i32
    %while3A_226 = arith.muli %while3A_225, %while3A_224 : i32
    %while3A_227 = arith.addi %while3A_221, %while3A_226 : i32
    %while3A_228 = arith.constant 1 : i32
    scf.for %while3A_264 = %while3A_221 to %while3A_227 step %while3A_228  : i32 {
      %mul3A_265 = arith.constant 3 : i32
      %mul3A_266 = arith.muli %while3A_264, %mul3A_265 : i32
      %dma_wait3A_267 = arith.constant 0 : i32
      %dma_wait3A_268 = arith.constant 0 : i32
      %dma_wait3A_269 = arith.constant 0 : i32
      %dma_wait3A_270 = tpu.memref_slice %arg8[%dma_wait3A_268, %dma_wait3A_269] : memref<96x128xf32, #tpu.memory_space<vmem>> -> memref<32x128xf32, #tpu.memory_space<vmem>>
      %dma_wait3A_271 = arith.constant 0 : i32
      %dma_wait3A_272 = tpu.memref_slice %arg6[%dma_wait3A_267, %dma_wait3A_271] : memref<3x32xi32, #tpu.memory_space<vmem>> -> memref<1x32xi32, #tpu.memory_space<vmem>>
      %dma_wait3A_273 = tpu.memref_squeeze %dma_wait3A_272 : memref<1x32xi32, #tpu.memory_space<vmem>> -> memref<32xi32, #tpu.memory_space<vmem>>
      %dma_wait3A_274 = arith.constant 0 : i32
      %dma_wait3A_275 = arith.constant 0 : i32
      %dma_wait3A_276 = tpu.memref_slice %arg2[%dma_wait3A_274, %dma_wait3A_275] : memref<10000x128xf32, #tpu.memory_space<hbm>> -> memref<10000x128xf32, #tpu.memory_space<hbm>>
      tpu.wait_indirect_dma semaphore(%arg10 : memref<!tpu.dma_semaphore, #tpu.memory_space<semaphore_mem>>) src(%dma_wait3A_276 : memref<10000x128xf32, #tpu.memory_space<hbm>>) dst(%dma_wait3A_270 : memref<32x128xf32, #tpu.memory_space<vmem>>)
      %run_scoped3A = arith.constant 0 : i32
      "tpu.region"() ({
        %run_scoped3A_529 = tpu.sem_alloc : memref<!tpu.dma_semaphore, #tpu.memory_space<semaphore_mem>>
        %dma_start3A_530 = arith.constant 0 : i32
        %dma_start3A_531 = arith.constant 0 : i32
        %dma_start3A_532 = tpu.memref_slice %arg8[%dma_start3A_530, %dma_start3A_531] : memref<96x128xf32, #tpu.memory_space<vmem>> -> memref<32x128xf32, #tpu.memory_space<vmem>>
        %dma_start3A_533 = arith.constant 0 : i32
        %dma_start3A_534 = tpu.memref_slice %arg7[%run_scoped3A, %dma_start3A_533] : memref<3x32xi32, #tpu.memory_space<vmem>> -> memref<1x32xi32, #tpu.memory_space<vmem>>
        %dma_start3A_535 = tpu.memref_squeeze %dma_start3A_534 : memref<1x32xi32, #tpu.memory_space<vmem>> -> memref<32xi32, #tpu.memory_space<vmem>>
        %dma_start3A_536 = arith.constant 0 : i32
        %dma_start3A_537 = arith.constant 0 : i32
        %dma_start3A_538 = tpu.memref_slice %arg9[%dma_start3A_536, %dma_start3A_537] : memref<10112x128xf32, #tpu.memory_space<vmem_shared>> -> memref<10112x128xf32, #tpu.memory_space<vmem_shared>>
        tpu.enqueue_indirect_dma source(%dma_start3A_532 : memref<32x128xf32, #tpu.memory_space<vmem>>) target(%dma_start3A_538 : memref<10112x128xf32, #tpu.memory_space<vmem_shared>>) offsets(%dma_start3A_535 : memref<32xi32, #tpu.memory_space<vmem>>) semaphore(%run_scoped3A_529 : memref<!tpu.dma_semaphore, #tpu.memory_space<semaphore_mem>>) {add = true}
        %dma_wait3A_539 = arith.constant 0 : i32
        %dma_wait3A_540 = arith.constant 0 : i32
        %dma_wait3A_541 = tpu.memref_slice %arg8[%dma_wait3A_539, %dma_wait3A_540] : memref<96x128xf32, #tpu.memory_space<vmem>> -> memref<32x128xf32, #tpu.memory_space<vmem>>
        %dma_wait3A_542 = arith.constant 0 : i32
        %dma_wait3A_543 = tpu.memref_slice %arg7[%run_scoped3A, %dma_wait3A_542] : memref<3x32xi32, #tpu.memory_space<vmem>> -> memref<1x32xi32, #tpu.memory_space<vmem>>
        %dma_wait3A_544 = tpu.memref_squeeze %dma_wait3A_543 : memref<1x32xi32, #tpu.memory_space<vmem>> -> memref<32xi32, #tpu.memory_space<vmem>>
        %dma_wait3A_545 = arith.constant 0 : i32
        %dma_wait3A_546 = arith.constant 0 : i32
        %dma_wait3A_547 = tpu.memref_slice %arg9[%dma_wait3A_545, %dma_wait3A_546] : memref<10112x128xf32, #tpu.memory_space<vmem_shared>> -> memref<10112x128xf32, #tpu.memory_space<vmem_shared>>
        tpu.wait_indirect_dma semaphore(%run_scoped3A_529 : memref<!tpu.dma_semaphore, #tpu.memory_space<semaphore_mem>>) src(%dma_wait3A_541 : memref<32x128xf32, #tpu.memory_space<vmem>>) dst(%dma_wait3A_547 : memref<10112x128xf32, #tpu.memory_space<vmem_shared>>)
        tpu.yield
      }) : () -> ()
      %add3A_277 = arith.constant 3 : i32
      %add3A_278 = arith.addi %mul3A_266, %add3A_277 : i32
      %add3A_279 = arith.constant 0 : i32
      %add3A_280 = arith.addi %add3A_278, %add3A_279 : i32
      %sub3A_281 = arith.constant 1 : i32
      %sub3A_282 = arith.subi %select_n3A, %sub3A_281 : i32
      %min3A = arith.minsi %add3A_280, %sub3A_282 : i32
      %shift_right_arithmetic3A_283 = arith.constant 1 : i32
      %shift_right_arithmetic3A_284 = arith.shrsi %min3A, %shift_right_arithmetic3A_283 : i32
      %and3A_285 = arith.constant 1 : i32
      %and3A_286 = arith.andi %min3A, %and3A_285 : i32
      %mul3A_287 = arith.constant 32 : i32
      %mul3A_288 = arith.muli %and3A_286, %mul3A_287 : i32
      %add3A_289 = arith.constant 0 : i32
      %add3A_290 = arith.addi %mul3A_288, %add3A_289 : i32
      %get3A_291 = arith.index_cast %shift_right_arithmetic3A_284 : i32 to index
      %get3A_292 = arith.index_cast %add3A_290 : i32 to index
      %get3A_293 = tpu.vector_load %arg5[%get3A_291, %get3A_292] {strides = array<i32>} : memref<208x64xi32, #tpu.memory_space<vmem>>, vector<1x16xi32>,
      %get3A_294 = vector.shape_cast %get3A_293 : vector<1x16xi32> to vector<16xi32>
      %and3A_295 = arith.constant 16383 : i32
      %and3A_296 = vector.broadcast %and3A_295 : i32 to vector<16xi32>
      %and3A_297 = arith.andi %get3A_294, %and3A_296 : vector<16xi32>
      %swap3A_298 = arith.constant 0 : i32
      %swap3A_299 = arith.index_cast %swap3A_298 : i32 to index
      %swap3A_300 = arith.constant 0 : index
      %swap3A_301 = tpu.vector_load %arg6[%swap3A_299, %swap3A_300] {strides = array<i32>} : memref<3x32xi32, #tpu.memory_space<vmem>>, vector<1x16xi32>,
      %swap3A_302 = vector.shape_cast %swap3A_301 : vector<1x16xi32> to vector<16xi32>
      %swap3A_303 = vector.shape_cast %and3A_297 : vector<16xi32> to vector<1x16xi32>
      tpu.vector_store %arg6[%swap3A_299, %swap3A_300], %swap3A_303 {strides = array<i32>} : memref<3x32xi32, #tpu.memory_space<vmem>>, vector<1x16xi32>,
      %shift_right_arithmetic3A_304 = arith.constant 14 : i32
      %shift_right_arithmetic3A_305 = vector.broadcast %shift_right_arithmetic3A_304 : i32 to vector<16xi32>
      %shift_right_arithmetic3A_306 = arith.shrsi %get3A_294, %shift_right_arithmetic3A_305 : vector<16xi32>
      %swap3A_307 = arith.constant 0 : i32
      %swap3A_308 = arith.index_cast %swap3A_307 : i32 to index
      %swap3A_309 = arith.constant 0 : index
      %swap3A_310 = tpu.vector_load %arg7[%swap3A_308, %swap3A_309] {strides = array<i32>} : memref<3x32xi32, #tpu.memory_space<vmem>>, vector<1x16xi32>,
      %swap3A_311 = vector.shape_cast %swap3A_310 : vector<1x16xi32> to vector<16xi32>
      %swap3A_312 = vector.shape_cast %shift_right_arithmetic3A_306 : vector<16xi32> to vector<1x16xi32>
      tpu.vector_store %arg7[%swap3A_308, %swap3A_309], %swap3A_312 {strides = array<i32>} : memref<3x32xi32, #tpu.memory_space<vmem>>, vector<1x16xi32>,
      %shift_right_arithmetic3A_313 = arith.constant 1 : i32
      %shift_right_arithmetic3A_314 = arith.shrsi %min3A, %shift_right_arithmetic3A_313 : i32
      %and3A_315 = arith.constant 1 : i32
      %and3A_316 = arith.andi %min3A, %and3A_315 : i32
      %mul3A_317 = arith.constant 32 : i32
      %mul3A_318 = arith.muli %and3A_316, %mul3A_317 : i32
      %add3A_319 = arith.constant 16 : i32
      %add3A_320 = arith.addi %mul3A_318, %add3A_319 : i32
      %get3A_321 = arith.index_cast %shift_right_arithmetic3A_314 : i32 to index
      %get3A_322 = arith.index_cast %add3A_320 : i32 to index
      %get3A_323 = tpu.vector_load %arg5[%get3A_321, %get3A_322] {strides = array<i32>} : memref<208x64xi32, #tpu.memory_space<vmem>>, vector<1x16xi32>,
      %get3A_324 = vector.shape_cast %get3A_323 : vector<1x16xi32> to vector<16xi32>
      %and3A_325 = arith.constant 16383 : i32
      %and3A_326 = vector.broadcast %and3A_325 : i32 to vector<16xi32>
      %and3A_327 = arith.andi %get3A_324, %and3A_326 : vector<16xi32>
      %swap3A_328 = arith.constant 0 : i32
      %swap3A_329 = arith.index_cast %swap3A_328 : i32 to index
      %swap3A_330 = arith.constant 16 : index
      %swap3A_331 = tpu.vector_load %arg6[%swap3A_329, %swap3A_330] {strides = array<i32>} : memref<3x32xi32, #tpu.memory_space<vmem>>, vector<1x16xi32>,
      %swap3A_332 = vector.shape_cast %swap3A_331 : vector<1x16xi32> to vector<16xi32>
      %swap3A_333 = vector.shape_cast %and3A_327 : vector<16xi32> to vector<1x16xi32>
      tpu.vector_store %arg6[%swap3A_329, %swap3A_330], %swap3A_333 {strides = array<i32>} : memref<3x32xi32, #tpu.memory_space<vmem>>, vector<1x16xi32>,
      %shift_right_arithmetic3A_334 = arith.constant 14 : i32
      %shift_right_arithmetic3A_335 = vector.broadcast %shift_right_arithmetic3A_334 : i32 to vector<16xi32>
      %shift_right_arithmetic3A_336 = arith.shrsi %get3A_324, %shift_right_arithmetic3A_335 : vector<16xi32>
      %swap3A_337 = arith.constant 0 : i32
      %swap3A_338 = arith.index_cast %swap3A_337 : i32 to index
      %swap3A_339 = arith.constant 16 : index
      %swap3A_340 = tpu.vector_load %arg7[%swap3A_338, %swap3A_339] {strides = array<i32>} : memref<3x32xi32, #tpu.memory_space<vmem>>, vector<1x16xi32>,
      %swap3A_341 = vector.shape_cast %swap3A_340 : vector<1x16xi32> to vector<16xi32>
      %swap3A_342 = vector.shape_cast %shift_right_arithmetic3A_336 : vector<16xi32> to vector<1x16xi32>
      tpu.vector_store %arg7[%swap3A_338, %swap3A_339], %swap3A_342 {strides = array<i32>} : memref<3x32xi32, #tpu.memory_space<vmem>>, vector<1x16xi32>,
      %dma_start3A_343 = arith.constant 0 : i32
      %dma_start3A_344 = arith.constant 0 : i32
      %dma_start3A_345 = arith.constant 0 : i32
      %dma_start3A_346 = tpu.memref_slice %arg8[%dma_start3A_344, %dma_start3A_345] : memref<96x128xf32, #tpu.memory_space<vmem>> -> memref<32x128xf32, #tpu.memory_space<vmem>>
      %dma_start3A_347 = arith.constant 0 : i32
      %dma_start3A_348 = tpu.memref_slice %arg6[%dma_start3A_343, %dma_start3A_347] : memref<3x32xi32, #tpu.memory_space<vmem>> -> memref<1x32xi32, #tpu.memory_space<vmem>>
      %dma_start3A_349 = tpu.memref_squeeze %dma_start3A_348 : memref<1x32xi32, #tpu.memory_space<vmem>> -> memref<32xi32, #tpu.memory_space<vmem>>
      %dma_start3A_350 = arith.constant 0 : i32
      %dma_start3A_351 = arith.constant 0 : i32
      %dma_start3A_352 = tpu.memref_slice %arg2[%dma_start3A_350, %dma_start3A_351] : memref<10000x128xf32, #tpu.memory_space<hbm>> -> memref<10000x128xf32, #tpu.memory_space<hbm>>
      tpu.enqueue_indirect_dma source(%dma_start3A_352 : memref<10000x128xf32, #tpu.memory_space<hbm>>) target(%dma_start3A_346 : memref<32x128xf32, #tpu.memory_space<vmem>>) offsets(%dma_start3A_349 : memref<32xi32, #tpu.memory_space<vmem>>) semaphore(%arg10 : memref<!tpu.dma_semaphore, #tpu.memory_space<semaphore_mem>>)
      %dma_wait3A_353 = arith.constant 1 : i32
      %dma_wait3A_354 = arith.constant 32 : i32
      %dma_wait3A_355 = arith.constant 0 : i32
      %dma_wait3A_356 = tpu.memref_slice %arg8[%dma_wait3A_354, %dma_wait3A_355] : memref<96x128xf32, #tpu.memory_space<vmem>> -> memref<32x128xf32, #tpu.memory_space<vmem>>
      %dma_wait3A_357 = arith.constant 0 : i32
      %dma_wait3A_358 = tpu.memref_slice %arg6[%dma_wait3A_353, %dma_wait3A_357] : memref<3x32xi32, #tpu.memory_space<vmem>> -> memref<1x32xi32, #tpu.memory_space<vmem>>
      %dma_wait3A_359 = tpu.memref_squeeze %dma_wait3A_358 : memref<1x32xi32, #tpu.memory_space<vmem>> -> memref<32xi32, #tpu.memory_space<vmem>>
      %dma_wait3A_360 = arith.constant 0 : i32
      %dma_wait3A_361 = arith.constant 0 : i32
      %dma_wait3A_362 = tpu.memref_slice %arg2[%dma_wait3A_360, %dma_wait3A_361] : memref<10000x128xf32, #tpu.memory_space<hbm>> -> memref<10000x128xf32, #tpu.memory_space<hbm>>
      tpu.wait_indirect_dma semaphore(%arg11 : memref<!tpu.dma_semaphore, #tpu.memory_space<semaphore_mem>>) src(%dma_wait3A_362 : memref<10000x128xf32, #tpu.memory_space<hbm>>) dst(%dma_wait3A_356 : memref<32x128xf32, #tpu.memory_space<vmem>>)
      %run_scoped3A_363 = arith.constant 1 : i32
      "tpu.region"() ({
        %run_scoped3A_529 = tpu.sem_alloc : memref<!tpu.dma_semaphore, #tpu.memory_space<semaphore_mem>>
        %dma_start3A_530 = arith.constant 32 : i32
        %dma_start3A_531 = arith.constant 0 : i32
        %dma_start3A_532 = tpu.memref_slice %arg8[%dma_start3A_530, %dma_start3A_531] : memref<96x128xf32, #tpu.memory_space<vmem>> -> memref<32x128xf32, #tpu.memory_space<vmem>>
        %dma_start3A_533 = arith.constant 0 : i32
        %dma_start3A_534 = tpu.memref_slice %arg7[%run_scoped3A_363, %dma_start3A_533] : memref<3x32xi32, #tpu.memory_space<vmem>> -> memref<1x32xi32, #tpu.memory_space<vmem>>
        %dma_start3A_535 = tpu.memref_squeeze %dma_start3A_534 : memref<1x32xi32, #tpu.memory_space<vmem>> -> memref<32xi32, #tpu.memory_space<vmem>>
        %dma_start3A_536 = arith.constant 0 : i32
        %dma_start3A_537 = arith.constant 0 : i32
        %dma_start3A_538 = tpu.memref_slice %arg9[%dma_start3A_536, %dma_start3A_537] : memref<10112x128xf32, #tpu.memory_space<vmem_shared>> -> memref<10112x128xf32, #tpu.memory_space<vmem_shared>>
        tpu.enqueue_indirect_dma source(%dma_start3A_532 : memref<32x128xf32, #tpu.memory_space<vmem>>) target(%dma_start3A_538 : memref<10112x128xf32, #tpu.memory_space<vmem_shared>>) offsets(%dma_start3A_535 : memref<32xi32, #tpu.memory_space<vmem>>) semaphore(%run_scoped3A_529 : memref<!tpu.dma_semaphore, #tpu.memory_space<semaphore_mem>>) {add = true}
        %dma_wait3A_539 = arith.constant 32 : i32
        %dma_wait3A_540 = arith.constant 0 : i32
        %dma_wait3A_541 = tpu.memref_slice %arg8[%dma_wait3A_539, %dma_wait3A_540] : memref<96x128xf32, #tpu.memory_space<vmem>> -> memref<32x128xf32, #tpu.memory_space<vmem>>
        %dma_wait3A_542 = arith.constant 0 : i32
        %dma_wait3A_543 = tpu.memref_slice %arg7[%run_scoped3A_363, %dma_wait3A_542] : memref<3x32xi32, #tpu.memory_space<vmem>> -> memref<1x32xi32, #tpu.memory_space<vmem>>
        %dma_wait3A_544 = tpu.memref_squeeze %dma_wait3A_543 : memref<1x32xi32, #tpu.memory_space<vmem>> -> memref<32xi32, #tpu.memory_space<vmem>>
        %dma_wait3A_545 = arith.constant 0 : i32
        %dma_wait3A_546 = arith.constant 0 : i32
        %dma_wait3A_547 = tpu.memref_slice %arg9[%dma_wait3A_545, %dma_wait3A_546] : memref<10112x128xf32, #tpu.memory_space<vmem_shared>> -> memref<10112x128xf32, #tpu.memory_space<vmem_shared>>
        tpu.wait_indirect_dma semaphore(%run_scoped3A_529 : memref<!tpu.dma_semaphore, #tpu.memory_space<semaphore_mem>>) src(%dma_wait3A_541 : memref<32x128xf32, #tpu.memory_space<vmem>>) dst(%dma_wait3A_547 : memref<10112x128xf32, #tpu.memory_space<vmem_shared>>)
        tpu.yield
      }) : () -> ()
      %add3A_364 = arith.constant 3 : i32
      %add3A_365 = arith.addi %mul3A_266, %add3A_364 : i32
      %add3A_366 = arith.constant 1 : i32
      %add3A_367 = arith.addi %add3A_365, %add3A_366 : i32
      %sub3A_368 = arith.constant 1 : i32
      %sub3A_369 = arith.subi %select_n3A, %sub3A_368 : i32
      %min3A_370 = arith.minsi %add3A_367, %sub3A_369 : i32
      %shift_right_arithmetic3A_371 = arith.constant 1 : i32
      %shift_right_arithmetic3A_372 = arith.shrsi %min3A_370, %shift_right_arithmetic3A_371 : i32
      %and3A_373 = arith.constant 1 : i32
      %and3A_374 = arith.andi %min3A_370, %and3A_373 : i32
      %mul3A_375 = arith.constant 32 : i32
      %mul3A_376 = arith.muli %and3A_374, %mul3A_375 : i32
      %add3A_377 = arith.constant 0 : i32
      %add3A_378 = arith.addi %mul3A_376, %add3A_377 : i32
      %get3A_379 = arith.index_cast %shift_right_arithmetic3A_372 : i32 to index
      %get3A_380 = arith.index_cast %add3A_378 : i32 to index
      %get3A_381 = tpu.vector_load %arg5[%get3A_379, %get3A_380] {strides = array<i32>} : memref<208x64xi32, #tpu.memory_space<vmem>>, vector<1x16xi32>,
      %get3A_382 = vector.shape_cast %get3A_381 : vector<1x16xi32> to vector<16xi32>
      %and3A_383 = arith.constant 16383 : i32
      %and3A_384 = vector.broadcast %and3A_383 : i32 to vector<16xi32>
      %and3A_385 = arith.andi %get3A_382, %and3A_384 : vector<16xi32>
      %swap3A_386 = arith.constant 1 : i32
      %swap3A_387 = arith.index_cast %swap3A_386 : i32 to index
      %swap3A_388 = arith.constant 0 : index
      %swap3A_389 = tpu.vector_load %arg6[%swap3A_387, %swap3A_388] {strides = array<i32>} : memref<3x32xi32, #tpu.memory_space<vmem>>, vector<1x16xi32>,
      %swap3A_390 = vector.shape_cast %swap3A_389 : vector<1x16xi32> to vector<16xi32>
      %swap3A_391 = vector.shape_cast %and3A_385 : vector<16xi32> to vector<1x16xi32>
      tpu.vector_store %arg6[%swap3A_387, %swap3A_388], %swap3A_391 {strides = array<i32>} : memref<3x32xi32, #tpu.memory_space<vmem>>, vector<1x16xi32>,
      %shift_right_arithmetic3A_392 = arith.constant 14 : i32
      %shift_right_arithmetic3A_393 = vector.broadcast %shift_right_arithmetic3A_392 : i32 to vector<16xi32>
      %shift_right_arithmetic3A_394 = arith.shrsi %get3A_382, %shift_right_arithmetic3A_393 : vector<16xi32>
      %swap3A_395 = arith.constant 1 : i32
      %swap3A_396 = arith.index_cast %swap3A_395 : i32 to index
      %swap3A_397 = arith.constant 0 : index
      %swap3A_398 = tpu.vector_load %arg7[%swap3A_396, %swap3A_397] {strides = array<i32>} : memref<3x32xi32, #tpu.memory_space<vmem>>, vector<1x16xi32>,
      %swap3A_399 = vector.shape_cast %swap3A_398 : vector<1x16xi32> to vector<16xi32>
      %swap3A_400 = vector.shape_cast %shift_right_arithmetic3A_394 : vector<16xi32> to vector<1x16xi32>
      tpu.vector_store %arg7[%swap3A_396, %swap3A_397], %swap3A_400 {strides = array<i32>} : memref<3x32xi32, #tpu.memory_space<vmem>>, vector<1x16xi32>,
      %shift_right_arithmetic3A_401 = arith.constant 1 : i32
      %shift_right_arithmetic3A_402 = arith.shrsi %min3A_370, %shift_right_arithmetic3A_401 : i32
      %and3A_403 = arith.constant 1 : i32
      %and3A_404 = arith.andi %min3A_370, %and3A_403 : i32
      %mul3A_405 = arith.constant 32 : i32
      %mul3A_406 = arith.muli %and3A_404, %mul3A_405 : i32
      %add3A_407 = arith.constant 16 : i32
      %add3A_408 = arith.addi %mul3A_406, %add3A_407 : i32
      %get3A_409 = arith.index_cast %shift_right_arithmetic3A_402 : i32 to index
      %get3A_410 = arith.index_cast %add3A_408 : i32 to index
      %get3A_411 = tpu.vector_load %arg5[%get3A_409, %get3A_410] {strides = array<i32>} : memref<208x64xi32, #tpu.memory_space<vmem>>, vector<1x16xi32>,
      %get3A_412 = vector.shape_cast %get3A_411 : vector<1x16xi32> to vector<16xi32>
      %and3A_413 = arith.constant 16383 : i32
      %and3A_414 = vector.broadcast %and3A_413 : i32 to vector<16xi32>
      %and3A_415 = arith.andi %get3A_412, %and3A_414 : vector<16xi32>
      %swap3A_416 = arith.constant 1 : i32
      %swap3A_417 = arith.index_cast %swap3A_416 : i32 to index
      %swap3A_418 = arith.constant 16 : index
      %swap3A_419 = tpu.vector_load %arg6[%swap3A_417, %swap3A_418] {strides = array<i32>} : memref<3x32xi32, #tpu.memory_space<vmem>>, vector<1x16xi32>,
      %swap3A_420 = vector.shape_cast %swap3A_419 : vector<1x16xi32> to vector<16xi32>
      %swap3A_421 = vector.shape_cast %and3A_415 : vector<16xi32> to vector<1x16xi32>
      tpu.vector_store %arg6[%swap3A_417, %swap3A_418], %swap3A_421 {strides = array<i32>} : memref<3x32xi32, #tpu.memory_space<vmem>>, vector<1x16xi32>,
      %shift_right_arithmetic3A_422 = arith.constant 14 : i32
      %shift_right_arithmetic3A_423 = vector.broadcast %shift_right_arithmetic3A_422 : i32 to vector<16xi32>
      %shift_right_arithmetic3A_424 = arith.shrsi %get3A_412, %shift_right_arithmetic3A_423 : vector<16xi32>
      %swap3A_425 = arith.constant 1 : i32
      %swap3A_426 = arith.index_cast %swap3A_425 : i32 to index
      %swap3A_427 = arith.constant 16 : index
      %swap3A_428 = tpu.vector_load %arg7[%swap3A_426, %swap3A_427] {strides = array<i32>} : memref<3x32xi32, #tpu.memory_space<vmem>>, vector<1x16xi32>,
      %swap3A_429 = vector.shape_cast %swap3A_428 : vector<1x16xi32> to vector<16xi32>
      %swap3A_430 = vector.shape_cast %shift_right_arithmetic3A_424 : vector<16xi32> to vector<1x16xi32>
      tpu.vector_store %arg7[%swap3A_426, %swap3A_427], %swap3A_430 {strides = array<i32>} : memref<3x32xi32, #tpu.memory_space<vmem>>, vector<1x16xi32>,
      %dma_start3A_431 = arith.constant 1 : i32
      %dma_start3A_432 = arith.constant 32 : i32
      %dma_start3A_433 = arith.constant 0 : i32
      %dma_start3A_434 = tpu.memref_slice %arg8[%dma_start3A_432, %dma_start3A_433] : memref<96x128xf32, #tpu.memory_space<vmem>> -> memref<32x128xf32, #tpu.memory_space<vmem>>
      %dma_start3A_435 = arith.constant 0 : i32
      %dma_start3A_436 = tpu.memref_slice %arg6[%dma_start3A_431, %dma_start3A_435] : memref<3x32xi32, #tpu.memory_space<vmem>> -> memref<1x32xi32, #tpu.memory_space<vmem>>
      %dma_start3A_437 = tpu.memref_squeeze %dma_start3A_436 : memref<1x32xi32, #tpu.memory_space<vmem>> -> memref<32xi32, #tpu.memory_space<vmem>>
      %dma_start3A_438 = arith.constant 0 : i32
      %dma_start3A_439 = arith.constant 0 : i32
      %dma_start3A_440 = tpu.memref_slice %arg2[%dma_start3A_438, %dma_start3A_439] : memref<10000x128xf32, #tpu.memory_space<hbm>> -> memref<10000x128xf32, #tpu.memory_space<hbm>>
      tpu.enqueue_indirect_dma source(%dma_start3A_440 : memref<10000x128xf32, #tpu.memory_space<hbm>>) target(%dma_start3A_434 : memref<32x128xf32, #tpu.memory_space<vmem>>) offsets(%dma_start3A_437 : memref<32xi32, #tpu.memory_space<vmem>>) semaphore(%arg11 : memref<!tpu.dma_semaphore, #tpu.memory_space<semaphore_mem>>)
      %dma_wait3A_441 = arith.constant 2 : i32
      %dma_wait3A_442 = arith.constant 64 : i32
      %dma_wait3A_443 = arith.constant 0 : i32
      %dma_wait3A_444 = tpu.memref_slice %arg8[%dma_wait3A_442, %dma_wait3A_443] : memref<96x128xf32, #tpu.memory_space<vmem>> -> memref<32x128xf32, #tpu.memory_space<vmem>>
      %dma_wait3A_445 = arith.constant 0 : i32
      %dma_wait3A_446 = tpu.memref_slice %arg6[%dma_wait3A_441, %dma_wait3A_445] : memref<3x32xi32, #tpu.memory_space<vmem>> -> memref<1x32xi32, #tpu.memory_space<vmem>>
      %dma_wait3A_447 = tpu.memref_squeeze %dma_wait3A_446 : memref<1x32xi32, #tpu.memory_space<vmem>> -> memref<32xi32, #tpu.memory_space<vmem>>
      %dma_wait3A_448 = arith.constant 0 : i32
      %dma_wait3A_449 = arith.constant 0 : i32
      %dma_wait3A_450 = tpu.memref_slice %arg2[%dma_wait3A_448, %dma_wait3A_449] : memref<10000x128xf32, #tpu.memory_space<hbm>> -> memref<10000x128xf32, #tpu.memory_space<hbm>>
      tpu.wait_indirect_dma semaphore(%arg12 : memref<!tpu.dma_semaphore, #tpu.memory_space<semaphore_mem>>) src(%dma_wait3A_450 : memref<10000x128xf32, #tpu.memory_space<hbm>>) dst(%dma_wait3A_444 : memref<32x128xf32, #tpu.memory_space<vmem>>)
      %run_scoped3A_451 = arith.constant 2 : i32
      "tpu.region"() ({
        %run_scoped3A_529 = tpu.sem_alloc : memref<!tpu.dma_semaphore, #tpu.memory_space<semaphore_mem>>
        %dma_start3A_530 = arith.constant 64 : i32
        %dma_start3A_531 = arith.constant 0 : i32
        %dma_start3A_532 = tpu.memref_slice %arg8[%dma_start3A_530, %dma_start3A_531] : memref<96x128xf32, #tpu.memory_space<vmem>> -> memref<32x128xf32, #tpu.memory_space<vmem>>
        %dma_start3A_533 = arith.constant 0 : i32
        %dma_start3A_534 = tpu.memref_slice %arg7[%run_scoped3A_451, %dma_start3A_533] : memref<3x32xi32, #tpu.memory_space<vmem>> -> memref<1x32xi32, #tpu.memory_space<vmem>>
        %dma_start3A_535 = tpu.memref_squeeze %dma_start3A_534 : memref<1x32xi32, #tpu.memory_space<vmem>> -> memref<32xi32, #tpu.memory_space<vmem>>
        %dma_start3A_536 = arith.constant 0 : i32
        %dma_start3A_537 = arith.constant 0 : i32
        %dma_start3A_538 = tpu.memref_slice %arg9[%dma_start3A_536, %dma_start3A_537] : memref<10112x128xf32, #tpu.memory_space<vmem_shared>> -> memref<10112x128xf32, #tpu.memory_space<vmem_shared>>
        tpu.enqueue_indirect_dma source(%dma_start3A_532 : memref<32x128xf32, #tpu.memory_space<vmem>>) target(%dma_start3A_538 : memref<10112x128xf32, #tpu.memory_space<vmem_shared>>) offsets(%dma_start3A_535 : memref<32xi32, #tpu.memory_space<vmem>>) semaphore(%run_scoped3A_529 : memref<!tpu.dma_semaphore, #tpu.memory_space<semaphore_mem>>) {add = true}
        %dma_wait3A_539 = arith.constant 64 : i32
        %dma_wait3A_540 = arith.constant 0 : i32
        %dma_wait3A_541 = tpu.memref_slice %arg8[%dma_wait3A_539, %dma_wait3A_540] : memref<96x128xf32, #tpu.memory_space<vmem>> -> memref<32x128xf32, #tpu.memory_space<vmem>>
        %dma_wait3A_542 = arith.constant 0 : i32
        %dma_wait3A_543 = tpu.memref_slice %arg7[%run_scoped3A_451, %dma_wait3A_542] : memref<3x32xi32, #tpu.memory_space<vmem>> -> memref<1x32xi32, #tpu.memory_space<vmem>>
        %dma_wait3A_544 = tpu.memref_squeeze %dma_wait3A_543 : memref<1x32xi32, #tpu.memory_space<vmem>> -> memref<32xi32, #tpu.memory_space<vmem>>
        %dma_wait3A_545 = arith.constant 0 : i32
        %dma_wait3A_546 = arith.constant 0 : i32
        %dma_wait3A_547 = tpu.memref_slice %arg9[%dma_wait3A_545, %dma_wait3A_546] : memref<10112x128xf32, #tpu.memory_space<vmem_shared>> -> memref<10112x128xf32, #tpu.memory_space<vmem_shared>>
        tpu.wait_indirect_dma semaphore(%run_scoped3A_529 : memref<!tpu.dma_semaphore, #tpu.memory_space<semaphore_mem>>) src(%dma_wait3A_541 : memref<32x128xf32, #tpu.memory_space<vmem>>) dst(%dma_wait3A_547 : memref<10112x128xf32, #tpu.memory_space<vmem_shared>>)
        tpu.yield
      }) : () -> ()
      %add3A_452 = arith.constant 3 : i32
      %add3A_453 = arith.addi %mul3A_266, %add3A_452 : i32
      %add3A_454 = arith.constant 2 : i32
      %add3A_455 = arith.addi %add3A_453, %add3A_454 : i32
      %sub3A_456 = arith.constant 1 : i32
      %sub3A_457 = arith.subi %select_n3A, %sub3A_456 : i32
      %min3A_458 = arith.minsi %add3A_455, %sub3A_457 : i32
      %shift_right_arithmetic3A_459 = arith.constant 1 : i32
      %shift_right_arithmetic3A_460 = arith.shrsi %min3A_458, %shift_right_arithmetic3A_459 : i32
      %and3A_461 = arith.constant 1 : i32
      %and3A_462 = arith.andi %min3A_458, %and3A_461 : i32
      %mul3A_463 = arith.constant 32 : i32
      %mul3A_464 = arith.muli %and3A_462, %mul3A_463 : i32
      %add3A_465 = arith.constant 0 : i32
      %add3A_466 = arith.addi %mul3A_464, %add3A_465 : i32
      %get3A_467 = arith.index_cast %shift_right_arithmetic3A_460 : i32 to index
      %get3A_468 = arith.index_cast %add3A_466 : i32 to index
      %get3A_469 = tpu.vector_load %arg5[%get3A_467, %get3A_468] {strides = array<i32>} : memref<208x64xi32, #tpu.memory_space<vmem>>, vector<1x16xi32>,
      %get3A_470 = vector.shape_cast %get3A_469 : vector<1x16xi32> to vector<16xi32>
      %and3A_471 = arith.constant 16383 : i32
      %and3A_472 = vector.broadcast %and3A_471 : i32 to vector<16xi32>
      %and3A_473 = arith.andi %get3A_470, %and3A_472 : vector<16xi32>
      %swap3A_474 = arith.constant 2 : i32
      %swap3A_475 = arith.index_cast %swap3A_474 : i32 to index
      %swap3A_476 = arith.constant 0 : index
      %swap3A_477 = tpu.vector_load %arg6[%swap3A_475, %swap3A_476] {strides = array<i32>} : memref<3x32xi32, #tpu.memory_space<vmem>>, vector<1x16xi32>,
      %swap3A_478 = vector.shape_cast %swap3A_477 : vector<1x16xi32> to vector<16xi32>
      %swap3A_479 = vector.shape_cast %and3A_473 : vector<16xi32> to vector<1x16xi32>
      tpu.vector_store %arg6[%swap3A_475, %swap3A_476], %swap3A_479 {strides = array<i32>} : memref<3x32xi32, #tpu.memory_space<vmem>>, vector<1x16xi32>,
      %shift_right_arithmetic3A_480 = arith.constant 14 : i32
      %shift_right_arithmetic3A_481 = vector.broadcast %shift_right_arithmetic3A_480 : i32 to vector<16xi32>
      %shift_right_arithmetic3A_482 = arith.shrsi %get3A_470, %shift_right_arithmetic3A_481 : vector<16xi32>
      %swap3A_483 = arith.constant 2 : i32
      %swap3A_484 = arith.index_cast %swap3A_483 : i32 to index
      %swap3A_485 = arith.constant 0 : index
      %swap3A_486 = tpu.vector_load %arg7[%swap3A_484, %swap3A_485] {strides = array<i32>} : memref<3x32xi32, #tpu.memory_space<vmem>>, vector<1x16xi32>,
      %swap3A_487 = vector.shape_cast %swap3A_486 : vector<1x16xi32> to vector<16xi32>
      %swap3A_488 = vector.shape_cast %shift_right_arithmetic3A_482 : vector<16xi32> to vector<1x16xi32>
      tpu.vector_store %arg7[%swap3A_484, %swap3A_485], %swap3A_488 {strides = array<i32>} : memref<3x32xi32, #tpu.memory_space<vmem>>, vector<1x16xi32>,
      %shift_right_arithmetic3A_489 = arith.constant 1 : i32
      %shift_right_arithmetic3A_490 = arith.shrsi %min3A_458, %shift_right_arithmetic3A_489 : i32
      %and3A_491 = arith.constant 1 : i32
      %and3A_492 = arith.andi %min3A_458, %and3A_491 : i32
      %mul3A_493 = arith.constant 32 : i32
      %mul3A_494 = arith.muli %and3A_492, %mul3A_493 : i32
      %add3A_495 = arith.constant 16 : i32
      %add3A_496 = arith.addi %mul3A_494, %add3A_495 : i32
      %get3A_497 = arith.index_cast %shift_right_arithmetic3A_490 : i32 to index
      %get3A_498 = arith.index_cast %add3A_496 : i32 to index
      %get3A_499 = tpu.vector_load %arg5[%get3A_497, %get3A_498] {strides = array<i32>} : memref<208x64xi32, #tpu.memory_space<vmem>>, vector<1x16xi32>,
      %get3A_500 = vector.shape_cast %get3A_499 : vector<1x16xi32> to vector<16xi32>
      %and3A_501 = arith.constant 16383 : i32
      %and3A_502 = vector.broadcast %and3A_501 : i32 to vector<16xi32>
      %and3A_503 = arith.andi %get3A_500, %and3A_502 : vector<16xi32>
      %swap3A_504 = arith.constant 2 : i32
      %swap3A_505 = arith.index_cast %swap3A_504 : i32 to index
      %swap3A_506 = arith.constant 16 : index
      %swap3A_507 = tpu.vector_load %arg6[%swap3A_505, %swap3A_506] {strides = array<i32>} : memref<3x32xi32, #tpu.memory_space<vmem>>, vector<1x16xi32>,
      %swap3A_508 = vector.shape_cast %swap3A_507 : vector<1x16xi32> to vector<16xi32>
      %swap3A_509 = vector.shape_cast %and3A_503 : vector<16xi32> to vector<1x16xi32>
      tpu.vector_store %arg6[%swap3A_505, %swap3A_506], %swap3A_509 {strides = array<i32>} : memref<3x32xi32, #tpu.memory_space<vmem>>, vector<1x16xi32>,
      %shift_right_arithmetic3A_510 = arith.constant 14 : i32
      %shift_right_arithmetic3A_511 = vector.broadcast %shift_right_arithmetic3A_510 : i32 to vector<16xi32>
      %shift_right_arithmetic3A_512 = arith.shrsi %get3A_500, %shift_right_arithmetic3A_511 : vector<16xi32>
      %swap3A_513 = arith.constant 2 : i32
      %swap3A_514 = arith.index_cast %swap3A_513 : i32 to index
      %swap3A_515 = arith.constant 16 : index
      %swap3A_516 = tpu.vector_load %arg7[%swap3A_514, %swap3A_515] {strides = array<i32>} : memref<3x32xi32, #tpu.memory_space<vmem>>, vector<1x16xi32>,
      %swap3A_517 = vector.shape_cast %swap3A_516 : vector<1x16xi32> to vector<16xi32>
      %swap3A_518 = vector.shape_cast %shift_right_arithmetic3A_512 : vector<16xi32> to vector<1x16xi32>
      tpu.vector_store %arg7[%swap3A_514, %swap3A_515], %swap3A_518 {strides = array<i32>} : memref<3x32xi32, #tpu.memory_space<vmem>>, vector<1x16xi32>,
      %dma_start3A_519 = arith.constant 2 : i32
      %dma_start3A_520 = arith.constant 64 : i32
      %dma_start3A_521 = arith.constant 0 : i32
      %dma_start3A_522 = tpu.memref_slice %arg8[%dma_start3A_520, %dma_start3A_521] : memref<96x128xf32, #tpu.memory_space<vmem>> -> memref<32x128xf32, #tpu.memory_space<vmem>>
      %dma_start3A_523 = arith.constant 0 : i32
      %dma_start3A_524 = tpu.memref_slice %arg6[%dma_start3A_519, %dma_start3A_523] : memref<3x32xi32, #tpu.memory_space<vmem>> -> memref<1x32xi32, #tpu.memory_space<vmem>>
      %dma_start3A_525 = tpu.memref_squeeze %dma_start3A_524 : memref<1x32xi32, #tpu.memory_space<vmem>> -> memref<32xi32, #tpu.memory_space<vmem>>
      %dma_start3A_526 = arith.constant 0 : i32
      %dma_start3A_527 = arith.constant 0 : i32
      %dma_start3A_528 = tpu.memref_slice %arg2[%dma_start3A_526, %dma_start3A_527] : memref<10000x128xf32, #tpu.memory_space<hbm>> -> memref<10000x128xf32, #tpu.memory_space<hbm>>
      tpu.enqueue_indirect_dma source(%dma_start3A_528 : memref<10000x128xf32, #tpu.memory_space<hbm>>) target(%dma_start3A_522 : memref<32x128xf32, #tpu.memory_space<vmem>>) offsets(%dma_start3A_525 : memref<32xi32, #tpu.memory_space<vmem>>) semaphore(%arg12 : memref<!tpu.dma_semaphore, #tpu.memory_space<semaphore_mem>>)
    }
    %while3A_229 = arith.constant 1 : i32
    scf.for %while3A_264 = %while3A_227 to %while3A_223 step %while3A_229  : i32 {
      %mul3A_265 = arith.constant 3 : i32
      %mul3A_266 = arith.muli %while3A_264, %mul3A_265 : i32
      %dma_wait3A_267 = arith.constant 0 : i32
      %dma_wait3A_268 = arith.constant 0 : i32
      %dma_wait3A_269 = arith.constant 0 : i32
      %dma_wait3A_270 = tpu.memref_slice %arg8[%dma_wait3A_268, %dma_wait3A_269] : memref<96x128xf32, #tpu.memory_space<vmem>> -> memref<32x128xf32, #tpu.memory_space<vmem>>
      %dma_wait3A_271 = arith.constant 0 : i32
      %dma_wait3A_272 = tpu.memref_slice %arg6[%dma_wait3A_267, %dma_wait3A_271] : memref<3x32xi32, #tpu.memory_space<vmem>> -> memref<1x32xi32, #tpu.memory_space<vmem>>
      %dma_wait3A_273 = tpu.memref_squeeze %dma_wait3A_272 : memref<1x32xi32, #tpu.memory_space<vmem>> -> memref<32xi32, #tpu.memory_space<vmem>>
      %dma_wait3A_274 = arith.constant 0 : i32
      %dma_wait3A_275 = arith.constant 0 : i32
      %dma_wait3A_276 = tpu.memref_slice %arg2[%dma_wait3A_274, %dma_wait3A_275] : memref<10000x128xf32, #tpu.memory_space<hbm>> -> memref<10000x128xf32, #tpu.memory_space<hbm>>
      tpu.wait_indirect_dma semaphore(%arg10 : memref<!tpu.dma_semaphore, #tpu.memory_space<semaphore_mem>>) src(%dma_wait3A_276 : memref<10000x128xf32, #tpu.memory_space<hbm>>) dst(%dma_wait3A_270 : memref<32x128xf32, #tpu.memory_space<vmem>>)
      %run_scoped3A = arith.constant 0 : i32
      "tpu.region"() ({
        %run_scoped3A_529 = tpu.sem_alloc : memref<!tpu.dma_semaphore, #tpu.memory_space<semaphore_mem>>
        %dma_start3A_530 = arith.constant 0 : i32
        %dma_start3A_531 = arith.constant 0 : i32
        %dma_start3A_532 = tpu.memref_slice %arg8[%dma_start3A_530, %dma_start3A_531] : memref<96x128xf32, #tpu.memory_space<vmem>> -> memref<32x128xf32, #tpu.memory_space<vmem>>
        %dma_start3A_533 = arith.constant 0 : i32
        %dma_start3A_534 = tpu.memref_slice %arg7[%run_scoped3A, %dma_start3A_533] : memref<3x32xi32, #tpu.memory_space<vmem>> -> memref<1x32xi32, #tpu.memory_space<vmem>>
        %dma_start3A_535 = tpu.memref_squeeze %dma_start3A_534 : memref<1x32xi32, #tpu.memory_space<vmem>> -> memref<32xi32, #tpu.memory_space<vmem>>
        %dma_start3A_536 = arith.constant 0 : i32
        %dma_start3A_537 = arith.constant 0 : i32
        %dma_start3A_538 = tpu.memref_slice %arg9[%dma_start3A_536, %dma_start3A_537] : memref<10112x128xf32, #tpu.memory_space<vmem_shared>> -> memref<10112x128xf32, #tpu.memory_space<vmem_shared>>
        tpu.enqueue_indirect_dma source(%dma_start3A_532 : memref<32x128xf32, #tpu.memory_space<vmem>>) target(%dma_start3A_538 : memref<10112x128xf32, #tpu.memory_space<vmem_shared>>) offsets(%dma_start3A_535 : memref<32xi32, #tpu.memory_space<vmem>>) semaphore(%run_scoped3A_529 : memref<!tpu.dma_semaphore, #tpu.memory_space<semaphore_mem>>) {add = true}
        %dma_wait3A_539 = arith.constant 0 : i32
        %dma_wait3A_540 = arith.constant 0 : i32
        %dma_wait3A_541 = tpu.memref_slice %arg8[%dma_wait3A_539, %dma_wait3A_540] : memref<96x128xf32, #tpu.memory_space<vmem>> -> memref<32x128xf32, #tpu.memory_space<vmem>>
        %dma_wait3A_542 = arith.constant 0 : i32
        %dma_wait3A_543 = tpu.memref_slice %arg7[%run_scoped3A, %dma_wait3A_542] : memref<3x32xi32, #tpu.memory_space<vmem>> -> memref<1x32xi32, #tpu.memory_space<vmem>>
        %dma_wait3A_544 = tpu.memref_squeeze %dma_wait3A_543 : memref<1x32xi32, #tpu.memory_space<vmem>> -> memref<32xi32, #tpu.memory_space<vmem>>
        %dma_wait3A_545 = arith.constant 0 : i32
        %dma_wait3A_546 = arith.constant 0 : i32
        %dma_wait3A_547 = tpu.memref_slice %arg9[%dma_wait3A_545, %dma_wait3A_546] : memref<10112x128xf32, #tpu.memory_space<vmem_shared>> -> memref<10112x128xf32, #tpu.memory_space<vmem_shared>>
        tpu.wait_indirect_dma semaphore(%run_scoped3A_529 : memref<!tpu.dma_semaphore, #tpu.memory_space<semaphore_mem>>) src(%dma_wait3A_541 : memref<32x128xf32, #tpu.memory_space<vmem>>) dst(%dma_wait3A_547 : memref<10112x128xf32, #tpu.memory_space<vmem_shared>>)
        tpu.yield
      }) : () -> ()
      %add3A_277 = arith.constant 3 : i32
      %add3A_278 = arith.addi %mul3A_266, %add3A_277 : i32
      %add3A_279 = arith.constant 0 : i32
      %add3A_280 = arith.addi %add3A_278, %add3A_279 : i32
      %sub3A_281 = arith.constant 1 : i32
      %sub3A_282 = arith.subi %select_n3A, %sub3A_281 : i32
      %min3A = arith.minsi %add3A_280, %sub3A_282 : i32
      %shift_right_arithmetic3A_283 = arith.constant 1 : i32
      %shift_right_arithmetic3A_284 = arith.shrsi %min3A, %shift_right_arithmetic3A_283 : i32
      %and3A_285 = arith.constant 1 : i32
      %and3A_286 = arith.andi %min3A, %and3A_285 : i32
      %mul3A_287 = arith.constant 32 : i32
      %mul3A_288 = arith.muli %and3A_286, %mul3A_287 : i32
      %add3A_289 = arith.constant 0 : i32
      %add3A_290 = arith.addi %mul3A_288, %add3A_289 : i32
      %get3A_291 = arith.index_cast %shift_right_arithmetic3A_284 : i32 to index
      %get3A_292 = arith.index_cast %add3A_290 : i32 to index
      %get3A_293 = tpu.vector_load %arg5[%get3A_291, %get3A_292] {strides = array<i32>} : memref<208x64xi32, #tpu.memory_space<vmem>>, vector<1x16xi32>,
      %get3A_294 = vector.shape_cast %get3A_293 : vector<1x16xi32> to vector<16xi32>
      %and3A_295 = arith.constant 16383 : i32
      %and3A_296 = vector.broadcast %and3A_295 : i32 to vector<16xi32>
      %and3A_297 = arith.andi %get3A_294, %and3A_296 : vector<16xi32>
      %swap3A_298 = arith.constant 0 : i32
      %swap3A_299 = arith.index_cast %swap3A_298 : i32 to index
      %swap3A_300 = arith.constant 0 : index
      %swap3A_301 = tpu.vector_load %arg6[%swap3A_299, %swap3A_300] {strides = array<i32>} : memref<3x32xi32, #tpu.memory_space<vmem>>, vector<1x16xi32>,
      %swap3A_302 = vector.shape_cast %swap3A_301 : vector<1x16xi32> to vector<16xi32>
      %swap3A_303 = vector.shape_cast %and3A_297 : vector<16xi32> to vector<1x16xi32>
      tpu.vector_store %arg6[%swap3A_299, %swap3A_300], %swap3A_303 {strides = array<i32>} : memref<3x32xi32, #tpu.memory_space<vmem>>, vector<1x16xi32>,
      %shift_right_arithmetic3A_304 = arith.constant 14 : i32
      %shift_right_arithmetic3A_305 = vector.broadcast %shift_right_arithmetic3A_304 : i32 to vector<16xi32>
      %shift_right_arithmetic3A_306 = arith.shrsi %get3A_294, %shift_right_arithmetic3A_305 : vector<16xi32>
      %swap3A_307 = arith.constant 0 : i32
      %swap3A_308 = arith.index_cast %swap3A_307 : i32 to index
      %swap3A_309 = arith.constant 0 : index
      %swap3A_310 = tpu.vector_load %arg7[%swap3A_308, %swap3A_309] {strides = array<i32>} : memref<3x32xi32, #tpu.memory_space<vmem>>, vector<1x16xi32>,
      %swap3A_311 = vector.shape_cast %swap3A_310 : vector<1x16xi32> to vector<16xi32>
      %swap3A_312 = vector.shape_cast %shift_right_arithmetic3A_306 : vector<16xi32> to vector<1x16xi32>
      tpu.vector_store %arg7[%swap3A_308, %swap3A_309], %swap3A_312 {strides = array<i32>} : memref<3x32xi32, #tpu.memory_space<vmem>>, vector<1x16xi32>,
      %shift_right_arithmetic3A_313 = arith.constant 1 : i32
      %shift_right_arithmetic3A_314 = arith.shrsi %min3A, %shift_right_arithmetic3A_313 : i32
      %and3A_315 = arith.constant 1 : i32
      %and3A_316 = arith.andi %min3A, %and3A_315 : i32
      %mul3A_317 = arith.constant 32 : i32
      %mul3A_318 = arith.muli %and3A_316, %mul3A_317 : i32
      %add3A_319 = arith.constant 16 : i32
      %add3A_320 = arith.addi %mul3A_318, %add3A_319 : i32
      %get3A_321 = arith.index_cast %shift_right_arithmetic3A_314 : i32 to index
      %get3A_322 = arith.index_cast %add3A_320 : i32 to index
      %get3A_323 = tpu.vector_load %arg5[%get3A_321, %get3A_322] {strides = array<i32>} : memref<208x64xi32, #tpu.memory_space<vmem>>, vector<1x16xi32>,
      %get3A_324 = vector.shape_cast %get3A_323 : vector<1x16xi32> to vector<16xi32>
      %and3A_325 = arith.constant 16383 : i32
      %and3A_326 = vector.broadcast %and3A_325 : i32 to vector<16xi32>
      %and3A_327 = arith.andi %get3A_324, %and3A_326 : vector<16xi32>
      %swap3A_328 = arith.constant 0 : i32
      %swap3A_329 = arith.index_cast %swap3A_328 : i32 to index
      %swap3A_330 = arith.constant 16 : index
      %swap3A_331 = tpu.vector_load %arg6[%swap3A_329, %swap3A_330] {strides = array<i32>} : memref<3x32xi32, #tpu.memory_space<vmem>>, vector<1x16xi32>,
      %swap3A_332 = vector.shape_cast %swap3A_331 : vector<1x16xi32> to vector<16xi32>
      %swap3A_333 = vector.shape_cast %and3A_327 : vector<16xi32> to vector<1x16xi32>
      tpu.vector_store %arg6[%swap3A_329, %swap3A_330], %swap3A_333 {strides = array<i32>} : memref<3x32xi32, #tpu.memory_space<vmem>>, vector<1x16xi32>,
      %shift_right_arithmetic3A_334 = arith.constant 14 : i32
      %shift_right_arithmetic3A_335 = vector.broadcast %shift_right_arithmetic3A_334 : i32 to vector<16xi32>
      %shift_right_arithmetic3A_336 = arith.shrsi %get3A_324, %shift_right_arithmetic3A_335 : vector<16xi32>
      %swap3A_337 = arith.constant 0 : i32
      %swap3A_338 = arith.index_cast %swap3A_337 : i32 to index
      %swap3A_339 = arith.constant 16 : index
      %swap3A_340 = tpu.vector_load %arg7[%swap3A_338, %swap3A_339] {strides = array<i32>} : memref<3x32xi32, #tpu.memory_space<vmem>>, vector<1x16xi32>,
      %swap3A_341 = vector.shape_cast %swap3A_340 : vector<1x16xi32> to vector<16xi32>
      %swap3A_342 = vector.shape_cast %shift_right_arithmetic3A_336 : vector<16xi32> to vector<1x16xi32>
      tpu.vector_store %arg7[%swap3A_338, %swap3A_339], %swap3A_342 {strides = array<i32>} : memref<3x32xi32, #tpu.memory_space<vmem>>, vector<1x16xi32>,
      %dma_start3A_343 = arith.constant 0 : i32
      %dma_start3A_344 = arith.constant 0 : i32
      %dma_start3A_345 = arith.constant 0 : i32
      %dma_start3A_346 = tpu.memref_slice %arg8[%dma_start3A_344, %dma_start3A_345] : memref<96x128xf32, #tpu.memory_space<vmem>> -> memref<32x128xf32, #tpu.memory_space<vmem>>
      %dma_start3A_347 = arith.constant 0 : i32
      %dma_start3A_348 = tpu.memref_slice %arg6[%dma_start3A_343, %dma_start3A_347] : memref<3x32xi32, #tpu.memory_space<vmem>> -> memref<1x32xi32, #tpu.memory_space<vmem>>
      %dma_start3A_349 = tpu.memref_squeeze %dma_start3A_348 : memref<1x32xi32, #tpu.memory_space<vmem>> -> memref<32xi32, #tpu.memory_space<vmem>>
      %dma_start3A_350 = arith.constant 0 : i32
      %dma_start3A_351 = arith.constant 0 : i32
      %dma_start3A_352 = tpu.memref_slice %arg2[%dma_start3A_350, %dma_start3A_351] : memref<10000x128xf32, #tpu.memory_space<hbm>> -> memref<10000x128xf32, #tpu.memory_space<hbm>>
      tpu.enqueue_indirect_dma source(%dma_start3A_352 : memref<10000x128xf32, #tpu.memory_space<hbm>>) target(%dma_start3A_346 : memref<32x128xf32, #tpu.memory_space<vmem>>) offsets(%dma_start3A_349 : memref<32xi32, #tpu.memory_space<vmem>>) semaphore(%arg10 : memref<!tpu.dma_semaphore, #tpu.memory_space<semaphore_mem>>)
      %dma_wait3A_353 = arith.constant 1 : i32
      %dma_wait3A_354 = arith.constant 32 : i32
      %dma_wait3A_355 = arith.constant 0 : i32
      %dma_wait3A_356 = tpu.memref_slice %arg8[%dma_wait3A_354, %dma_wait3A_355] : memref<96x128xf32, #tpu.memory_space<vmem>> -> memref<32x128xf32, #tpu.memory_space<vmem>>
      %dma_wait3A_357 = arith.constant 0 : i32
      %dma_wait3A_358 = tpu.memref_slice %arg6[%dma_wait3A_353, %dma_wait3A_357] : memref<3x32xi32, #tpu.memory_space<vmem>> -> memref<1x32xi32, #tpu.memory_space<vmem>>
      %dma_wait3A_359 = tpu.memref_squeeze %dma_wait3A_358 : memref<1x32xi32, #tpu.memory_space<vmem>> -> memref<32xi32, #tpu.memory_space<vmem>>
      %dma_wait3A_360 = arith.constant 0 : i32
      %dma_wait3A_361 = arith.constant 0 : i32
      %dma_wait3A_362 = tpu.memref_slice %arg2[%dma_wait3A_360, %dma_wait3A_361] : memref<10000x128xf32, #tpu.memory_space<hbm>> -> memref<10000x128xf32, #tpu.memory_space<hbm>>
      tpu.wait_indirect_dma semaphore(%arg11 : memref<!tpu.dma_semaphore, #tpu.memory_space<semaphore_mem>>) src(%dma_wait3A_362 : memref<10000x128xf32, #tpu.memory_space<hbm>>) dst(%dma_wait3A_356 : memref<32x128xf32, #tpu.memory_space<vmem>>)
      %run_scoped3A_363 = arith.constant 1 : i32
      "tpu.region"() ({
        %run_scoped3A_529 = tpu.sem_alloc : memref<!tpu.dma_semaphore, #tpu.memory_space<semaphore_mem>>
        %dma_start3A_530 = arith.constant 32 : i32
        %dma_start3A_531 = arith.constant 0 : i32
        %dma_start3A_532 = tpu.memref_slice %arg8[%dma_start3A_530, %dma_start3A_531] : memref<96x128xf32, #tpu.memory_space<vmem>> -> memref<32x128xf32, #tpu.memory_space<vmem>>
        %dma_start3A_533 = arith.constant 0 : i32
        %dma_start3A_534 = tpu.memref_slice %arg7[%run_scoped3A_363, %dma_start3A_533] : memref<3x32xi32, #tpu.memory_space<vmem>> -> memref<1x32xi32, #tpu.memory_space<vmem>>
        %dma_start3A_535 = tpu.memref_squeeze %dma_start3A_534 : memref<1x32xi32, #tpu.memory_space<vmem>> -> memref<32xi32, #tpu.memory_space<vmem>>
        %dma_start3A_536 = arith.constant 0 : i32
        %dma_start3A_537 = arith.constant 0 : i32
        %dma_start3A_538 = tpu.memref_slice %arg9[%dma_start3A_536, %dma_start3A_537] : memref<10112x128xf32, #tpu.memory_space<vmem_shared>> -> memref<10112x128xf32, #tpu.memory_space<vmem_shared>>
        tpu.enqueue_indirect_dma source(%dma_start3A_532 : memref<32x128xf32, #tpu.memory_space<vmem>>) target(%dma_start3A_538 : memref<10112x128xf32, #tpu.memory_space<vmem_shared>>) offsets(%dma_start3A_535 : memref<32xi32, #tpu.memory_space<vmem>>) semaphore(%run_scoped3A_529 : memref<!tpu.dma_semaphore, #tpu.memory_space<semaphore_mem>>) {add = true}
        %dma_wait3A_539 = arith.constant 32 : i32
        %dma_wait3A_540 = arith.constant 0 : i32
        %dma_wait3A_541 = tpu.memref_slice %arg8[%dma_wait3A_539, %dma_wait3A_540] : memref<96x128xf32, #tpu.memory_space<vmem>> -> memref<32x128xf32, #tpu.memory_space<vmem>>
        %dma_wait3A_542 = arith.constant 0 : i32
        %dma_wait3A_543 = tpu.memref_slice %arg7[%run_scoped3A_363, %dma_wait3A_542] : memref<3x32xi32, #tpu.memory_space<vmem>> -> memref<1x32xi32, #tpu.memory_space<vmem>>
        %dma_wait3A_544 = tpu.memref_squeeze %dma_wait3A_543 : memref<1x32xi32, #tpu.memory_space<vmem>> -> memref<32xi32, #tpu.memory_space<vmem>>
        %dma_wait3A_545 = arith.constant 0 : i32
        %dma_wait3A_546 = arith.constant 0 : i32
        %dma_wait3A_547 = tpu.memref_slice %arg9[%dma_wait3A_545, %dma_wait3A_546] : memref<10112x128xf32, #tpu.memory_space<vmem_shared>> -> memref<10112x128xf32, #tpu.memory_space<vmem_shared>>
        tpu.wait_indirect_dma semaphore(%run_scoped3A_529 : memref<!tpu.dma_semaphore, #tpu.memory_space<semaphore_mem>>) src(%dma_wait3A_541 : memref<32x128xf32, #tpu.memory_space<vmem>>) dst(%dma_wait3A_547 : memref<10112x128xf32, #tpu.memory_space<vmem_shared>>)
        tpu.yield
      }) : () -> ()
      %add3A_364 = arith.constant 3 : i32
      %add3A_365 = arith.addi %mul3A_266, %add3A_364 : i32
      %add3A_366 = arith.constant 1 : i32
      %add3A_367 = arith.addi %add3A_365, %add3A_366 : i32
      %sub3A_368 = arith.constant 1 : i32
      %sub3A_369 = arith.subi %select_n3A, %sub3A_368 : i32
      %min3A_370 = arith.minsi %add3A_367, %sub3A_369 : i32
      %shift_right_arithmetic3A_371 = arith.constant 1 : i32
      %shift_right_arithmetic3A_372 = arith.shrsi %min3A_370, %shift_right_arithmetic3A_371 : i32
      %and3A_373 = arith.constant 1 : i32
      %and3A_374 = arith.andi %min3A_370, %and3A_373 : i32
      %mul3A_375 = arith.constant 32 : i32
      %mul3A_376 = arith.muli %and3A_374, %mul3A_375 : i32
      %add3A_377 = arith.constant 0 : i32
      %add3A_378 = arith.addi %mul3A_376, %add3A_377 : i32
      %get3A_379 = arith.index_cast %shift_right_arithmetic3A_372 : i32 to index
      %get3A_380 = arith.index_cast %add3A_378 : i32 to index
      %get3A_381 = tpu.vector_load %arg5[%get3A_379, %get3A_380] {strides = array<i32>} : memref<208x64xi32, #tpu.memory_space<vmem>>, vector<1x16xi32>,
      %get3A_382 = vector.shape_cast %get3A_381 : vector<1x16xi32> to vector<16xi32>
      %and3A_383 = arith.constant 16383 : i32
      %and3A_384 = vector.broadcast %and3A_383 : i32 to vector<16xi32>
      %and3A_385 = arith.andi %get3A_382, %and3A_384 : vector<16xi32>
      %swap3A_386 = arith.constant 1 : i32
      %swap3A_387 = arith.index_cast %swap3A_386 : i32 to index
      %swap3A_388 = arith.constant 0 : index
      %swap3A_389 = tpu.vector_load %arg6[%swap3A_387, %swap3A_388] {strides = array<i32>} : memref<3x32xi32, #tpu.memory_space<vmem>>, vector<1x16xi32>,
      %swap3A_390 = vector.shape_cast %swap3A_389 : vector<1x16xi32> to vector<16xi32>
      %swap3A_391 = vector.shape_cast %and3A_385 : vector<16xi32> to vector<1x16xi32>
      tpu.vector_store %arg6[%swap3A_387, %swap3A_388], %swap3A_391 {strides = array<i32>} : memref<3x32xi32, #tpu.memory_space<vmem>>, vector<1x16xi32>,
      %shift_right_arithmetic3A_392 = arith.constant 14 : i32
      %shift_right_arithmetic3A_393 = vector.broadcast %shift_right_arithmetic3A_392 : i32 to vector<16xi32>
      %shift_right_arithmetic3A_394 = arith.shrsi %get3A_382, %shift_right_arithmetic3A_393 : vector<16xi32>
      %swap3A_395 = arith.constant 1 : i32
      %swap3A_396 = arith.index_cast %swap3A_395 : i32 to index
      %swap3A_397 = arith.constant 0 : index
      %swap3A_398 = tpu.vector_load %arg7[%swap3A_396, %swap3A_397] {strides = array<i32>} : memref<3x32xi32, #tpu.memory_space<vmem>>, vector<1x16xi32>,
      %swap3A_399 = vector.shape_cast %swap3A_398 : vector<1x16xi32> to vector<16xi32>
      %swap3A_400 = vector.shape_cast %shift_right_arithmetic3A_394 : vector<16xi32> to vector<1x16xi32>
      tpu.vector_store %arg7[%swap3A_396, %swap3A_397], %swap3A_400 {strides = array<i32>} : memref<3x32xi32, #tpu.memory_space<vmem>>, vector<1x16xi32>,
      %shift_right_arithmetic3A_401 = arith.constant 1 : i32
      %shift_right_arithmetic3A_402 = arith.shrsi %min3A_370, %shift_right_arithmetic3A_401 : i32
      %and3A_403 = arith.constant 1 : i32
      %and3A_404 = arith.andi %min3A_370, %and3A_403 : i32
      %mul3A_405 = arith.constant 32 : i32
      %mul3A_406 = arith.muli %and3A_404, %mul3A_405 : i32
      %add3A_407 = arith.constant 16 : i32
      %add3A_408 = arith.addi %mul3A_406, %add3A_407 : i32
      %get3A_409 = arith.index_cast %shift_right_arithmetic3A_402 : i32 to index
      %get3A_410 = arith.index_cast %add3A_408 : i32 to index
      %get3A_411 = tpu.vector_load %arg5[%get3A_409, %get3A_410] {strides = array<i32>} : memref<208x64xi32, #tpu.memory_space<vmem>>, vector<1x16xi32>,
      %get3A_412 = vector.shape_cast %get3A_411 : vector<1x16xi32> to vector<16xi32>
      %and3A_413 = arith.constant 16383 : i32
      %and3A_414 = vector.broadcast %and3A_413 : i32 to vector<16xi32>
      %and3A_415 = arith.andi %get3A_412, %and3A_414 : vector<16xi32>
      %swap3A_416 = arith.constant 1 : i32
      %swap3A_417 = arith.index_cast %swap3A_416 : i32 to index
      %swap3A_418 = arith.constant 16 : index
      %swap3A_419 = tpu.vector_load %arg6[%swap3A_417, %swap3A_418] {strides = array<i32>} : memref<3x32xi32, #tpu.memory_space<vmem>>, vector<1x16xi32>,
      %swap3A_420 = vector.shape_cast %swap3A_419 : vector<1x16xi32> to vector<16xi32>
      %swap3A_421 = vector.shape_cast %and3A_415 : vector<16xi32> to vector<1x16xi32>
      tpu.vector_store %arg6[%swap3A_417, %swap3A_418], %swap3A_421 {strides = array<i32>} : memref<3x32xi32, #tpu.memory_space<vmem>>, vector<1x16xi32>,
      %shift_right_arithmetic3A_422 = arith.constant 14 : i32
      %shift_right_arithmetic3A_423 = vector.broadcast %shift_right_arithmetic3A_422 : i32 to vector<16xi32>
      %shift_right_arithmetic3A_424 = arith.shrsi %get3A_412, %shift_right_arithmetic3A_423 : vector<16xi32>
      %swap3A_425 = arith.constant 1 : i32
      %swap3A_426 = arith.index_cast %swap3A_425 : i32 to index
      %swap3A_427 = arith.constant 16 : index
      %swap3A_428 = tpu.vector_load %arg7[%swap3A_426, %swap3A_427] {strides = array<i32>} : memref<3x32xi32, #tpu.memory_space<vmem>>, vector<1x16xi32>,
      %swap3A_429 = vector.shape_cast %swap3A_428 : vector<1x16xi32> to vector<16xi32>
      %swap3A_430 = vector.shape_cast %shift_right_arithmetic3A_424 : vector<16xi32> to vector<1x16xi32>
      tpu.vector_store %arg7[%swap3A_426, %swap3A_427], %swap3A_430 {strides = array<i32>} : memref<3x32xi32, #tpu.memory_space<vmem>>, vector<1x16xi32>,
      %dma_start3A_431 = arith.constant 1 : i32
      %dma_start3A_432 = arith.constant 32 : i32
      %dma_start3A_433 = arith.constant 0 : i32
      %dma_start3A_434 = tpu.memref_slice %arg8[%dma_start3A_432, %dma_start3A_433] : memref<96x128xf32, #tpu.memory_space<vmem>> -> memref<32x128xf32, #tpu.memory_space<vmem>>
      %dma_start3A_435 = arith.constant 0 : i32
      %dma_start3A_436 = tpu.memref_slice %arg6[%dma_start3A_431, %dma_start3A_435] : memref<3x32xi32, #tpu.memory_space<vmem>> -> memref<1x32xi32, #tpu.memory_space<vmem>>
      %dma_start3A_437 = tpu.memref_squeeze %dma_start3A_436 : memref<1x32xi32, #tpu.memory_space<vmem>> -> memref<32xi32, #tpu.memory_space<vmem>>
      %dma_start3A_438 = arith.constant 0 : i32
      %dma_start3A_439 = arith.constant 0 : i32
      %dma_start3A_440 = tpu.memref_slice %arg2[%dma_start3A_438, %dma_start3A_439] : memref<10000x128xf32, #tpu.memory_space<hbm>> -> memref<10000x128xf32, #tpu.memory_space<hbm>>
      tpu.enqueue_indirect_dma source(%dma_start3A_440 : memref<10000x128xf32, #tpu.memory_space<hbm>>) target(%dma_start3A_434 : memref<32x128xf32, #tpu.memory_space<vmem>>) offsets(%dma_start3A_437 : memref<32xi32, #tpu.memory_space<vmem>>) semaphore(%arg11 : memref<!tpu.dma_semaphore, #tpu.memory_space<semaphore_mem>>)
      %dma_wait3A_441 = arith.constant 2 : i32
      %dma_wait3A_442 = arith.constant 64 : i32
      %dma_wait3A_443 = arith.constant 0 : i32
      %dma_wait3A_444 = tpu.memref_slice %arg8[%dma_wait3A_442, %dma_wait3A_443] : memref<96x128xf32, #tpu.memory_space<vmem>> -> memref<32x128xf32, #tpu.memory_space<vmem>>
      %dma_wait3A_445 = arith.constant 0 : i32
      %dma_wait3A_446 = tpu.memref_slice %arg6[%dma_wait3A_441, %dma_wait3A_445] : memref<3x32xi32, #tpu.memory_space<vmem>> -> memref<1x32xi32, #tpu.memory_space<vmem>>
      %dma_wait3A_447 = tpu.memref_squeeze %dma_wait3A_446 : memref<1x32xi32, #tpu.memory_space<vmem>> -> memref<32xi32, #tpu.memory_space<vmem>>
      %dma_wait3A_448 = arith.constant 0 : i32
      %dma_wait3A_449 = arith.constant 0 : i32
      %dma_wait3A_450 = tpu.memref_slice %arg2[%dma_wait3A_448, %dma_wait3A_449] : memref<10000x128xf32, #tpu.memory_space<hbm>> -> memref<10000x128xf32, #tpu.memory_space<hbm>>
      tpu.wait_indirect_dma semaphore(%arg12 : memref<!tpu.dma_semaphore, #tpu.memory_space<semaphore_mem>>) src(%dma_wait3A_450 : memref<10000x128xf32, #tpu.memory_space<hbm>>) dst(%dma_wait3A_444 : memref<32x128xf32, #tpu.memory_space<vmem>>)
      %run_scoped3A_451 = arith.constant 2 : i32
      "tpu.region"() ({
        %run_scoped3A_529 = tpu.sem_alloc : memref<!tpu.dma_semaphore, #tpu.memory_space<semaphore_mem>>
        %dma_start3A_530 = arith.constant 64 : i32
        %dma_start3A_531 = arith.constant 0 : i32
        %dma_start3A_532 = tpu.memref_slice %arg8[%dma_start3A_530, %dma_start3A_531] : memref<96x128xf32, #tpu.memory_space<vmem>> -> memref<32x128xf32, #tpu.memory_space<vmem>>
        %dma_start3A_533 = arith.constant 0 : i32
        %dma_start3A_534 = tpu.memref_slice %arg7[%run_scoped3A_451, %dma_start3A_533] : memref<3x32xi32, #tpu.memory_space<vmem>> -> memref<1x32xi32, #tpu.memory_space<vmem>>
        %dma_start3A_535 = tpu.memref_squeeze %dma_start3A_534 : memref<1x32xi32, #tpu.memory_space<vmem>> -> memref<32xi32, #tpu.memory_space<vmem>>
        %dma_start3A_536 = arith.constant 0 : i32
        %dma_start3A_537 = arith.constant 0 : i32
        %dma_start3A_538 = tpu.memref_slice %arg9[%dma_start3A_536, %dma_start3A_537] : memref<10112x128xf32, #tpu.memory_space<vmem_shared>> -> memref<10112x128xf32, #tpu.memory_space<vmem_shared>>
        tpu.enqueue_indirect_dma source(%dma_start3A_532 : memref<32x128xf32, #tpu.memory_space<vmem>>) target(%dma_start3A_538 : memref<10112x128xf32, #tpu.memory_space<vmem_shared>>) offsets(%dma_start3A_535 : memref<32xi32, #tpu.memory_space<vmem>>) semaphore(%run_scoped3A_529 : memref<!tpu.dma_semaphore, #tpu.memory_space<semaphore_mem>>) {add = true}
        %dma_wait3A_539 = arith.constant 64 : i32
        %dma_wait3A_540 = arith.constant 0 : i32
        %dma_wait3A_541 = tpu.memref_slice %arg8[%dma_wait3A_539, %dma_wait3A_540] : memref<96x128xf32, #tpu.memory_space<vmem>> -> memref<32x128xf32, #tpu.memory_space<vmem>>
        %dma_wait3A_542 = arith.constant 0 : i32
        %dma_wait3A_543 = tpu.memref_slice %arg7[%run_scoped3A_451, %dma_wait3A_542] : memref<3x32xi32, #tpu.memory_space<vmem>> -> memref<1x32xi32, #tpu.memory_space<vmem>>
        %dma_wait3A_544 = tpu.memref_squeeze %dma_wait3A_543 : memref<1x32xi32, #tpu.memory_space<vmem>> -> memref<32xi32, #tpu.memory_space<vmem>>
        %dma_wait3A_545 = arith.constant 0 : i32
        %dma_wait3A_546 = arith.constant 0 : i32
        %dma_wait3A_547 = tpu.memref_slice %arg9[%dma_wait3A_545, %dma_wait3A_546] : memref<10112x128xf32, #tpu.memory_space<vmem_shared>> -> memref<10112x128xf32, #tpu.memory_space<vmem_shared>>
        tpu.wait_indirect_dma semaphore(%run_scoped3A_529 : memref<!tpu.dma_semaphore, #tpu.memory_space<semaphore_mem>>) src(%dma_wait3A_541 : memref<32x128xf32, #tpu.memory_space<vmem>>) dst(%dma_wait3A_547 : memref<10112x128xf32, #tpu.memory_space<vmem_shared>>)
        tpu.yield
      }) : () -> ()
      %add3A_452 = arith.constant 3 : i32
      %add3A_453 = arith.addi %mul3A_266, %add3A_452 : i32
      %add3A_454 = arith.constant 2 : i32
      %add3A_455 = arith.addi %add3A_453, %add3A_454 : i32
      %sub3A_456 = arith.constant 1 : i32
      %sub3A_457 = arith.subi %select_n3A, %sub3A_456 : i32
      %min3A_458 = arith.minsi %add3A_455, %sub3A_457 : i32
      %shift_right_arithmetic3A_459 = arith.constant 1 : i32
      %shift_right_arithmetic3A_460 = arith.shrsi %min3A_458, %shift_right_arithmetic3A_459 : i32
      %and3A_461 = arith.constant 1 : i32
      %and3A_462 = arith.andi %min3A_458, %and3A_461 : i32
      %mul3A_463 = arith.constant 32 : i32
      %mul3A_464 = arith.muli %and3A_462, %mul3A_463 : i32
      %add3A_465 = arith.constant 0 : i32
      %add3A_466 = arith.addi %mul3A_464, %add3A_465 : i32
      %get3A_467 = arith.index_cast %shift_right_arithmetic3A_460 : i32 to index
      %get3A_468 = arith.index_cast %add3A_466 : i32 to index
      %get3A_469 = tpu.vector_load %arg5[%get3A_467, %get3A_468] {strides = array<i32>} : memref<208x64xi32, #tpu.memory_space<vmem>>, vector<1x16xi32>,
      %get3A_470 = vector.shape_cast %get3A_469 : vector<1x16xi32> to vector<16xi32>
      %and3A_471 = arith.constant 16383 : i32
      %and3A_472 = vector.broadcast %and3A_471 : i32 to vector<16xi32>
      %and3A_473 = arith.andi %get3A_470, %and3A_472 : vector<16xi32>
      %swap3A_474 = arith.constant 2 : i32
      %swap3A_475 = arith.index_cast %swap3A_474 : i32 to index
      %swap3A_476 = arith.constant 0 : index
      %swap3A_477 = tpu.vector_load %arg6[%swap3A_475, %swap3A_476] {strides = array<i32>} : memref<3x32xi32, #tpu.memory_space<vmem>>, vector<1x16xi32>,
      %swap3A_478 = vector.shape_cast %swap3A_477 : vector<1x16xi32> to vector<16xi32>
      %swap3A_479 = vector.shape_cast %and3A_473 : vector<16xi32> to vector<1x16xi32>
      tpu.vector_store %arg6[%swap3A_475, %swap3A_476], %swap3A_479 {strides = array<i32>} : memref<3x32xi32, #tpu.memory_space<vmem>>, vector<1x16xi32>,
      %shift_right_arithmetic3A_480 = arith.constant 14 : i32
      %shift_right_arithmetic3A_481 = vector.broadcast %shift_right_arithmetic3A_480 : i32 to vector<16xi32>
      %shift_right_arithmetic3A_482 = arith.shrsi %get3A_470, %shift_right_arithmetic3A_481 : vector<16xi32>
      %swap3A_483 = arith.constant 2 : i32
      %swap3A_484 = arith.index_cast %swap3A_483 : i32 to index
      %swap3A_485 = arith.constant 0 : index
      %swap3A_486 = tpu.vector_load %arg7[%swap3A_484, %swap3A_485] {strides = array<i32>} : memref<3x32xi32, #tpu.memory_space<vmem>>, vector<1x16xi32>,
      %swap3A_487 = vector.shape_cast %swap3A_486 : vector<1x16xi32> to vector<16xi32>
      %swap3A_488 = vector.shape_cast %shift_right_arithmetic3A_482 : vector<16xi32> to vector<1x16xi32>
      tpu.vector_store %arg7[%swap3A_484, %swap3A_485], %swap3A_488 {strides = array<i32>} : memref<3x32xi32, #tpu.memory_space<vmem>>, vector<1x16xi32>,
      %shift_right_arithmetic3A_489 = arith.constant 1 : i32
      %shift_right_arithmetic3A_490 = arith.shrsi %min3A_458, %shift_right_arithmetic3A_489 : i32
      %and3A_491 = arith.constant 1 : i32
      %and3A_492 = arith.andi %min3A_458, %and3A_491 : i32
      %mul3A_493 = arith.constant 32 : i32
      %mul3A_494 = arith.muli %and3A_492, %mul3A_493 : i32
      %add3A_495 = arith.constant 16 : i32
      %add3A_496 = arith.addi %mul3A_494, %add3A_495 : i32
      %get3A_497 = arith.index_cast %shift_right_arithmetic3A_490 : i32 to index
      %get3A_498 = arith.index_cast %add3A_496 : i32 to index
      %get3A_499 = tpu.vector_load %arg5[%get3A_497, %get3A_498] {strides = array<i32>} : memref<208x64xi32, #tpu.memory_space<vmem>>, vector<1x16xi32>,
      %get3A_500 = vector.shape_cast %get3A_499 : vector<1x16xi32> to vector<16xi32>
      %and3A_501 = arith.constant 16383 : i32
      %and3A_502 = vector.broadcast %and3A_501 : i32 to vector<16xi32>
      %and3A_503 = arith.andi %get3A_500, %and3A_502 : vector<16xi32>
      %swap3A_504 = arith.constant 2 : i32
      %swap3A_505 = arith.index_cast %swap3A_504 : i32 to index
      %swap3A_506 = arith.constant 16 : index
      %swap3A_507 = tpu.vector_load %arg6[%swap3A_505, %swap3A_506] {strides = array<i32>} : memref<3x32xi32, #tpu.memory_space<vmem>>, vector<1x16xi32>,
      %swap3A_508 = vector.shape_cast %swap3A_507 : vector<1x16xi32> to vector<16xi32>
      %swap3A_509 = vector.shape_cast %and3A_503 : vector<16xi32> to vector<1x16xi32>
      tpu.vector_store %arg6[%swap3A_505, %swap3A_506], %swap3A_509 {strides = array<i32>} : memref<3x32xi32, #tpu.memory_space<vmem>>, vector<1x16xi32>,
      %shift_right_arithmetic3A_510 = arith.constant 14 : i32
      %shift_right_arithmetic3A_511 = vector.broadcast %shift_right_arithmetic3A_510 : i32 to vector<16xi32>
      %shift_right_arithmetic3A_512 = arith.shrsi %get3A_500, %shift_right_arithmetic3A_511 : vector<16xi32>
      %swap3A_513 = arith.constant 2 : i32
      %swap3A_514 = arith.index_cast %swap3A_513 : i32 to index
      %swap3A_515 = arith.constant 16 : index
      %swap3A_516 = tpu.vector_load %arg7[%swap3A_514, %swap3A_515] {strides = array<i32>} : memref<3x32xi32, #tpu.memory_space<vmem>>, vector<1x16xi32>,
      %swap3A_517 = vector.shape_cast %swap3A_516 : vector<1x16xi32> to vector<16xi32>
      %swap3A_518 = vector.shape_cast %shift_right_arithmetic3A_512 : vector<16xi32> to vector<1x16xi32>
      tpu.vector_store %arg7[%swap3A_514, %swap3A_515], %swap3A_518 {strides = array<i32>} : memref<3x32xi32, #tpu.memory_space<vmem>>, vector<1x16xi32>,
      %dma_start3A_519 = arith.constant 2 : i32
      %dma_start3A_520 = arith.constant 64 : i32
      %dma_start3A_521 = arith.constant 0 : i32
      %dma_start3A_522 = tpu.memref_slice %arg8[%dma_start3A_520, %dma_start3A_521] : memref<96x128xf32, #tpu.memory_space<vmem>> -> memref<32x128xf32, #tpu.memory_space<vmem>>
      %dma_start3A_523 = arith.constant 0 : i32
      %dma_start3A_524 = tpu.memref_slice %arg6[%dma_start3A_519, %dma_start3A_523] : memref<3x32xi32, #tpu.memory_space<vmem>> -> memref<1x32xi32, #tpu.memory_space<vmem>>
      %dma_start3A_525 = tpu.memref_squeeze %dma_start3A_524 : memref<1x32xi32, #tpu.memory_space<vmem>> -> memref<32xi32, #tpu.memory_space<vmem>>
      %dma_start3A_526 = arith.constant 0 : i32
      %dma_start3A_527 = arith.constant 0 : i32
      %dma_start3A_528 = tpu.memref_slice %arg2[%dma_start3A_526, %dma_start3A_527] : memref<10000x128xf32, #tpu.memory_space<hbm>> -> memref<10000x128xf32, #tpu.memory_space<hbm>>
      tpu.enqueue_indirect_dma source(%dma_start3A_528 : memref<10000x128xf32, #tpu.memory_space<hbm>>) target(%dma_start3A_522 : memref<32x128xf32, #tpu.memory_space<vmem>>) offsets(%dma_start3A_525 : memref<32xi32, #tpu.memory_space<vmem>>) semaphore(%arg12 : memref<!tpu.dma_semaphore, #tpu.memory_space<semaphore_mem>>)
    }
    %dma_wait3A = arith.constant 0 : i32
    %dma_wait3A_230 = arith.constant 0 : i32
    %dma_wait3A_231 = arith.constant 0 : i32
    %dma_wait3A_232 = tpu.memref_slice %arg8[%dma_wait3A_230, %dma_wait3A_231] : memref<96x128xf32, #tpu.memory_space<vmem>> -> memref<32x128xf32, #tpu.memory_space<vmem>>
    %dma_wait3A_233 = arith.constant 0 : i32
    %dma_wait3A_234 = tpu.memref_slice %arg6[%dma_wait3A, %dma_wait3A_233] : memref<3x32xi32, #tpu.memory_space<vmem>> -> memref<1x32xi32, #tpu.memory_space<vmem>>
    %dma_wait3A_235 = tpu.memref_squeeze %dma_wait3A_234 : memref<1x32xi32, #tpu.memory_space<vmem>> -> memref<32xi32, #tpu.memory_space<vmem>>
    %dma_wait3A_236 = arith.constant 0 : i32
    %dma_wait3A_237 = arith.constant 0 : i32
    %dma_wait3A_238 = tpu.memref_slice %arg2[%dma_wait3A_236, %dma_wait3A_237] : memref<10000x128xf32, #tpu.memory_space<hbm>> -> memref<10000x128xf32, #tpu.memory_space<hbm>>
    tpu.wait_indirect_dma semaphore(%arg10 : memref<!tpu.dma_semaphore, #tpu.memory_space<semaphore_mem>>) src(%dma_wait3A_238 : memref<10000x128xf32, #tpu.memory_space<hbm>>) dst(%dma_wait3A_232 : memref<32x128xf32, #tpu.memory_space<vmem>>)
    %dma_wait3A_239 = arith.constant 1 : i32
    %dma_wait3A_240 = arith.constant 32 : i32
    %dma_wait3A_241 = arith.constant 0 : i32
    %dma_wait3A_242 = tpu.memref_slice %arg8[%dma_wait3A_240, %dma_wait3A_241] : memref<96x128xf32, #tpu.memory_space<vmem>> -> memref<32x128xf32, #tpu.memory_space<vmem>>
    %dma_wait3A_243 = arith.constant 0 : i32
    %dma_wait3A_244 = tpu.memref_slice %arg6[%dma_wait3A_239, %dma_wait3A_243] : memref<3x32xi32, #tpu.memory_space<vmem>> -> memref<1x32xi32, #tpu.memory_space<vmem>>
    %dma_wait3A_245 = tpu.memref_squeeze %dma_wait3A_244 : memref<1x32xi32, #tpu.memory_space<vmem>> -> memref<32xi32, #tpu.memory_space<vmem>>
    %dma_wait3A_246 = arith.constant 0 : i32
    %dma_wait3A_247 = arith.constant 0 : i32
    %dma_wait3A_248 = tpu.memref_slice %arg2[%dma_wait3A_246, %dma_wait3A_247] : memref<10000x128xf32, #tpu.memory_space<hbm>> -> memref<10000x128xf32, #tpu.memory_space<hbm>>
    tpu.wait_indirect_dma semaphore(%arg11 : memref<!tpu.dma_semaphore, #tpu.memory_space<semaphore_mem>>) src(%dma_wait3A_248 : memref<10000x128xf32, #tpu.memory_space<hbm>>) dst(%dma_wait3A_242 : memref<32x128xf32, #tpu.memory_space<vmem>>)
    %dma_wait3A_249 = arith.constant 2 : i32
    %dma_wait3A_250 = arith.constant 64 : i32
    %dma_wait3A_251 = arith.constant 0 : i32
    %dma_wait3A_252 = tpu.memref_slice %arg8[%dma_wait3A_250, %dma_wait3A_251] : memref<96x128xf32, #tpu.memory_space<vmem>> -> memref<32x128xf32, #tpu.memory_space<vmem>>
    %dma_wait3A_253 = arith.constant 0 : i32
    %dma_wait3A_254 = tpu.memref_slice %arg6[%dma_wait3A_249, %dma_wait3A_253] : memref<3x32xi32, #tpu.memory_space<vmem>> -> memref<1x32xi32, #tpu.memory_space<vmem>>
    %dma_wait3A_255 = tpu.memref_squeeze %dma_wait3A_254 : memref<1x32xi32, #tpu.memory_space<vmem>> -> memref<32xi32, #tpu.memory_space<vmem>>
    %dma_wait3A_256 = arith.constant 0 : i32
    %dma_wait3A_257 = arith.constant 0 : i32
    %dma_wait3A_258 = tpu.memref_slice %arg2[%dma_wait3A_256, %dma_wait3A_257] : memref<10000x128xf32, #tpu.memory_space<hbm>> -> memref<10000x128xf32, #tpu.memory_space<hbm>>
    tpu.wait_indirect_dma semaphore(%arg12 : memref<!tpu.dma_semaphore, #tpu.memory_space<semaphore_mem>>) src(%dma_wait3A_258 : memref<10000x128xf32, #tpu.memory_space<hbm>>) dst(%dma_wait3A_252 : memref<32x128xf32, #tpu.memory_space<vmem>>)
    %barrier3A_259 = arith.constant 0 : index
    tpu.barrier barrier_id(%barrier3A_259)
    %mul3A_260 = arith.constant 632 : i32
    %mul3A_261 = arith.muli %arg1, %mul3A_260 : i32
    %mul3A_262 = arith.constant 632 : i32
    %mul3A_263 = arith.muli %arg1, %mul3A_262 : i32
    "tpu.region"() ({
      %run_scoped3A = tpu.sem_alloc : memref<!tpu.dma_semaphore, #tpu.memory_space<semaphore_mem>>
      %dma_start3A_264 = arith.constant 0 : i32
      %dma_start3A_265 = tpu.memref_slice %arg4[%arg0, %mul3A_263, %dma_start3A_264] : memref<2x10112x128xf32, #tpu.memory_space<hbm>> -> memref<1x632x128xf32, #tpu.memory_space<hbm>>
      %dma_start3A_266 = tpu.memref_squeeze %dma_start3A_265 : memref<1x632x128xf32, #tpu.memory_space<hbm>> -> memref<632x128xf32, #tpu.memory_space<hbm>>
      %dma_start3A_267 = arith.constant 0 : i32
      %dma_start3A_268 = tpu.memref_slice %arg9[%mul3A_261, %dma_start3A_267] : memref<10112x128xf32, #tpu.memory_space<vmem_shared>> -> memref<632x128xf32, #tpu.memory_space<vmem_shared>>
      tpu.enqueue_dma source(%dma_start3A_268 : memref<632x128xf32, #tpu.memory_space<vmem_shared>>) target(%dma_start3A_266 : memref<632x128xf32, #tpu.memory_space<hbm>>) target_semaphore(%run_scoped3A : memref<!tpu.dma_semaphore, #tpu.memory_space<semaphore_mem>>)
      %dma_wait3A_269 = arith.constant 0 : i32
      %dma_wait3A_270 = tpu.memref_slice %arg4[%arg0, %mul3A_263, %dma_wait3A_269] : memref<2x10112x128xf32, #tpu.memory_space<hbm>> -> memref<1x632x128xf32, #tpu.memory_space<hbm>>
      %dma_wait3A_271 = tpu.memref_squeeze %dma_wait3A_270 : memref<1x632x128xf32, #tpu.memory_space<hbm>> -> memref<632x128xf32, #tpu.memory_space<hbm>>
      %dma_wait3A_272 = arith.constant 0 : i32
      %dma_wait3A_273 = tpu.memref_slice %arg9[%mul3A_261, %dma_wait3A_272] : memref<10112x128xf32, #tpu.memory_space<vmem_shared>> -> memref<632x128xf32, #tpu.memory_space<vmem_shared>>
      tpu.wait_dma2 semaphore(%run_scoped3A : memref<!tpu.dma_semaphore, #tpu.memory_space<semaphore_mem>>) src(%dma_wait3A_273 : memref<632x128xf32, #tpu.memory_space<vmem_shared>>) dst(%dma_wait3A_271 : memref<632x128xf32, #tpu.memory_space<hbm>>)
      tpu.yield
    }) : () -> ()
    return
  }
}

module attributes {stable_mosaic.version = 14 : i64} {
  func.func @_tc_a_body(%arg0: memref<10000x128xf32, #tpu.memory_space<vmem>>, %arg1: memref<128x128xf32, #tpu.memory_space<vmem>>, %arg2: memref<10000x1xf32, #tpu.memory_space<vmem>>, %arg3: memref<10000x128xf32, #tpu.memory_space<vmem>>, %arg4: memref<10000x128xf32, #tpu.memory_space<vmem>>) attributes {dimension_semantics = [], scalar_prefetch = 0 : i64, scratch_operands = 0 : i64, tpu.core_type = #tpu.core_type<tc>} {
    %get3A = arith.constant 0 : index
    %get3A_0 = arith.constant 0 : index
    %get3A_1 = vector.load %arg0[%get3A, %get3A_0] : memref<10000x128xf32, #tpu.memory_space<vmem>>, vector<10000x128xf32>
    %get3A_2 = arith.constant 0 : index
    %get3A_3 = arith.constant 0 : index
    %get3A_4 = vector.load %arg1[%get3A_2, %get3A_3] : memref<128x128xf32, #tpu.memory_space<vmem>>, vector<128x128xf32>
    %dot_general3A = arith.constant dense<0.000000e+00> : vector<10000x128xf32>
    %dot_general3A_5 = tpu.matmul %get3A_1, %get3A_4, %dot_general3A {dimension_numbers = #tpu.dot_dimension_numbers<[1], [0], [0], [1], [0, 0, 1, 1], [], []>, transpose_lhs_hint = false} : vector<10000x128xf32>, vector<128x128xf32>, vector<10000x128xf32> -> vector<10000x128xf32>
    %swap3A = arith.constant 0 : index
    %swap3A_6 = arith.constant 0 : index
    %swap3A_7 = vector.load %arg3[%swap3A, %swap3A_6] : memref<10000x128xf32, #tpu.memory_space<vmem>>, vector<10000x128xf32>
    tpu.vector_store %arg3[%swap3A, %swap3A_6], %dot_general3A_5 {strides = array<i32>} : memref<10000x128xf32, #tpu.memory_space<vmem>>, vector<10000x128xf32>,
    %get3A_8 = arith.constant 0 : index
    %get3A_9 = arith.constant 0 : index
    %get3A_10 = vector.load %arg2[%get3A_8, %get3A_9] : memref<10000x1xf32, #tpu.memory_space<vmem>>, vector<10000x1xf32>
    %mul3A = vector.broadcast %get3A_10 : vector<10000x1xf32> to vector<10000x128xf32>
    %mul3A_11 = arith.mulf %dot_general3A_5, %mul3A : vector<10000x128xf32>
    %swap3A_12 = arith.constant 0 : index
    %swap3A_13 = arith.constant 0 : index
    %swap3A_14 = vector.load %arg4[%swap3A_12, %swap3A_13] : memref<10000x128xf32, #tpu.memory_space<vmem>>, vector<10000x128xf32>
    tpu.vector_store %arg4[%swap3A_12, %swap3A_13], %mul3A_11 {strides = array<i32>} : memref<10000x128xf32, #tpu.memory_space<vmem>>, vector<10000x128xf32>,
    return
  }
}

module attributes {stable_mosaic.version = 14 : i64} {
  func.func @_tc_b_body(%arg0: memref<2x10112x128xf32, #tpu.memory_space<vmem>>, %arg1: memref<10000x128xf32, #tpu.memory_space<vmem>>, %arg2: memref<10000x1xf32, #tpu.memory_space<vmem>>, %arg3: memref<1x128xf32, #tpu.memory_space<vmem>>, %arg4: memref<128x128xf32, #tpu.memory_space<vmem>>, %arg5: memref<10000x128xf32, #tpu.memory_space<vmem>>, %arg6: memref<10000x128xf32, #tpu.memory_space<vmem>>, %arg7: memref<10000x128xf32, #tpu.memory_space<vmem>>) attributes {dimension_semantics = [], scalar_prefetch = 0 : i64, scratch_operands = 0 : i64, tpu.core_type = #tpu.core_type<tc>} {
    %get3A = arith.constant 0 : index
    %get3A_0 = arith.constant 0 : index
    %get3A_1 = vector.load %arg2[%get3A, %get3A_0] : memref<10000x1xf32, #tpu.memory_space<vmem>>, vector<10000x1xf32>
    %get3A_2 = arith.constant 0 : index
    %get3A_3 = arith.constant 0 : index
    %get3A_4 = arith.constant 0 : index
    %get3A_5 = vector.load %arg0[%get3A_2, %get3A_3, %get3A_4] : memref<2x10112x128xf32, #tpu.memory_space<vmem>>, vector<1x10000x128xf32>
    %get3A_6 = vector.shape_cast %get3A_5 : vector<1x10000x128xf32> to vector<10000x128xf32>
    %get3A_7 = arith.constant 1 : index
    %get3A_8 = arith.constant 0 : index
    %get3A_9 = arith.constant 0 : index
    %get3A_10 = vector.load %arg0[%get3A_7, %get3A_8, %get3A_9] : memref<2x10112x128xf32, #tpu.memory_space<vmem>>, vector<1x10000x128xf32>
    %get3A_11 = vector.shape_cast %get3A_10 : vector<1x10000x128xf32> to vector<10000x128xf32>
    %add3A = arith.addf %get3A_6, %get3A_11 : vector<10000x128xf32>
    %mul3A = vector.broadcast %get3A_1 : vector<10000x1xf32> to vector<10000x128xf32>
    %mul3A_12 = arith.mulf %mul3A, %add3A : vector<10000x128xf32>
    %mul3A_13 = arith.mulf %get3A_1, %get3A_1 : vector<10000x1xf32>
    %get3A_14 = arith.constant 0 : index
    %get3A_15 = arith.constant 0 : index
    %get3A_16 = vector.load %arg1[%get3A_14, %get3A_15] : memref<10000x128xf32, #tpu.memory_space<vmem>>, vector<10000x128xf32>
    %mul3A_17 = vector.broadcast %mul3A_13 : vector<10000x1xf32> to vector<10000x128xf32>
    %mul3A_18 = arith.mulf %mul3A_17, %get3A_16 : vector<10000x128xf32>
    %add3A_19 = arith.addf %mul3A_12, %mul3A_18 : vector<10000x128xf32>
    %get3A_20 = arith.constant 0 : index
    %get3A_21 = arith.constant 0 : index
    %get3A_22 = vector.load %arg3[%get3A_20, %get3A_21] : memref<1x128xf32, #tpu.memory_space<vmem>>, vector<1x128xf32>
    %add3A_23 = vector.broadcast %get3A_22 : vector<1x128xf32> to vector<10000x128xf32>
    %add3A_24 = arith.addf %add3A_19, %add3A_23 : vector<10000x128xf32>
    %max3A = arith.constant 0.000000e+00 : f32
    %max3A_25 = vector.broadcast %max3A : f32 to vector<10000x128xf32>
    %max3A_26 = arith.maximumf %add3A_24, %max3A_25 : vector<10000x128xf32>
    %swap3A = arith.constant 0 : index
    %swap3A_27 = arith.constant 0 : index
    %swap3A_28 = vector.load %arg5[%swap3A, %swap3A_27] : memref<10000x128xf32, #tpu.memory_space<vmem>>, vector<10000x128xf32>
    tpu.vector_store %arg5[%swap3A, %swap3A_27], %max3A_26 {strides = array<i32>} : memref<10000x128xf32, #tpu.memory_space<vmem>>, vector<10000x128xf32>,
    %get3A_29 = arith.constant 0 : index
    %get3A_30 = arith.constant 0 : index
    %get3A_31 = vector.load %arg4[%get3A_29, %get3A_30] : memref<128x128xf32, #tpu.memory_space<vmem>>, vector<128x128xf32>
    %dot_general3A = arith.constant dense<0.000000e+00> : vector<10000x128xf32>
    %dot_general3A_32 = tpu.matmul %max3A_26, %get3A_31, %dot_general3A {dimension_numbers = #tpu.dot_dimension_numbers<[1], [0], [0], [1], [0, 0, 1, 1], [], []>, transpose_lhs_hint = false} : vector<10000x128xf32>, vector<128x128xf32>, vector<10000x128xf32> -> vector<10000x128xf32>
    %swap3A_33 = arith.constant 0 : index
    %swap3A_34 = arith.constant 0 : index
    %swap3A_35 = vector.load %arg6[%swap3A_33, %swap3A_34] : memref<10000x128xf32, #tpu.memory_space<vmem>>, vector<10000x128xf32>
    tpu.vector_store %arg6[%swap3A_33, %swap3A_34], %dot_general3A_32 {strides = array<i32>} : memref<10000x128xf32, #tpu.memory_space<vmem>>, vector<10000x128xf32>,
    %mul3A_36 = vector.broadcast %get3A_1 : vector<10000x1xf32> to vector<10000x128xf32>
    %mul3A_37 = arith.mulf %dot_general3A_32, %mul3A_36 : vector<10000x128xf32>
    %swap3A_38 = arith.constant 0 : index
    %swap3A_39 = arith.constant 0 : index
    %swap3A_40 = vector.load %arg7[%swap3A_38, %swap3A_39] : memref<10000x128xf32, #tpu.memory_space<vmem>>, vector<10000x128xf32>
    tpu.vector_store %arg7[%swap3A_38, %swap3A_39], %mul3A_37 {strides = array<i32>} : memref<10000x128xf32, #tpu.memory_space<vmem>>, vector<10000x128xf32>,
    return
  }
}

module attributes {stable_mosaic.version = 14 : i64} {
  func.func @_tc_c_body(%arg0: memref<2x10112x128xf32, #tpu.memory_space<vmem>>, %arg1: memref<10000x128xf32, #tpu.memory_space<vmem>>, %arg2: memref<10000x1xf32, #tpu.memory_space<vmem>>, %arg3: memref<1x128xf32, #tpu.memory_space<vmem>>, %arg4: memref<10000x128xf32, #tpu.memory_space<vmem>>, %arg5: memref<256x128xf32, #tpu.memory_space<vmem>>, %arg6: memref<1x128xf32, #tpu.memory_space<vmem>>, %arg7: memref<10000x128xf32, #tpu.memory_space<vmem>>) attributes {dimension_semantics = [], scalar_prefetch = 0 : i64, scratch_operands = 0 : i64, tpu.core_type = #tpu.core_type<tc>} {
    %get3A = arith.constant 0 : index
    %get3A_0 = arith.constant 0 : index
    %get3A_1 = vector.load %arg2[%get3A, %get3A_0] : memref<10000x1xf32, #tpu.memory_space<vmem>>, vector<10000x1xf32>
    %get3A_2 = arith.constant 0 : index
    %get3A_3 = arith.constant 0 : index
    %get3A_4 = arith.constant 0 : index
    %get3A_5 = vector.load %arg0[%get3A_2, %get3A_3, %get3A_4] : memref<2x10112x128xf32, #tpu.memory_space<vmem>>, vector<1x10000x128xf32>
    %get3A_6 = vector.shape_cast %get3A_5 : vector<1x10000x128xf32> to vector<10000x128xf32>
    %get3A_7 = arith.constant 1 : index
    %get3A_8 = arith.constant 0 : index
    %get3A_9 = arith.constant 0 : index
    %get3A_10 = vector.load %arg0[%get3A_7, %get3A_8, %get3A_9] : memref<2x10112x128xf32, #tpu.memory_space<vmem>>, vector<1x10000x128xf32>
    %get3A_11 = vector.shape_cast %get3A_10 : vector<1x10000x128xf32> to vector<10000x128xf32>
    %add3A = arith.addf %get3A_6, %get3A_11 : vector<10000x128xf32>
    %mul3A = vector.broadcast %get3A_1 : vector<10000x1xf32> to vector<10000x128xf32>
    %mul3A_12 = arith.mulf %mul3A, %add3A : vector<10000x128xf32>
    %mul3A_13 = arith.mulf %get3A_1, %get3A_1 : vector<10000x1xf32>
    %get3A_14 = arith.constant 0 : index
    %get3A_15 = arith.constant 0 : index
    %get3A_16 = vector.load %arg1[%get3A_14, %get3A_15] : memref<10000x128xf32, #tpu.memory_space<vmem>>, vector<10000x128xf32>
    %mul3A_17 = vector.broadcast %mul3A_13 : vector<10000x1xf32> to vector<10000x128xf32>
    %mul3A_18 = arith.mulf %mul3A_17, %get3A_16 : vector<10000x128xf32>
    %add3A_19 = arith.addf %mul3A_12, %mul3A_18 : vector<10000x128xf32>
    %get3A_20 = arith.constant 0 : index
    %get3A_21 = arith.constant 0 : index
    %get3A_22 = vector.load %arg3[%get3A_20, %get3A_21] : memref<1x128xf32, #tpu.memory_space<vmem>>, vector<1x128xf32>
    %add3A_23 = vector.broadcast %get3A_22 : vector<1x128xf32> to vector<10000x128xf32>
    %add3A_24 = arith.addf %add3A_19, %add3A_23 : vector<10000x128xf32>
    %max3A = arith.constant 0.000000e+00 : f32
    %max3A_25 = vector.broadcast %max3A : f32 to vector<10000x128xf32>
    %max3A_26 = arith.maximumf %add3A_24, %max3A_25 : vector<10000x128xf32>
    %get3A_27 = arith.constant 0 : index
    %get3A_28 = arith.constant 0 : index
    %get3A_29 = vector.load %arg5[%get3A_27, %get3A_28] : memref<256x128xf32, #tpu.memory_space<vmem>>, vector<256x128xf32>
    %get3A_30 = arith.constant 0 : index
    %get3A_31 = arith.constant 0 : index
    %get3A_32 = vector.load %arg4[%get3A_30, %get3A_31] : memref<10000x128xf32, #tpu.memory_space<vmem>>, vector<10000x128xf32>
    %slice3A = vector.extract_strided_slice %get3A_29 {offsets = [0, 0], sizes = [128, 128], strides = [1, 1]} : vector<256x128xf32> to vector<128x128xf32>
    %dot_general3A = arith.constant dense<0.000000e+00> : vector<10000x128xf32>
    %dot_general3A_33 = tpu.matmul %get3A_32, %slice3A, %dot_general3A {dimension_numbers = #tpu.dot_dimension_numbers<[1], [0], [0], [1], [0, 0, 1, 1], [], []>, transpose_lhs_hint = false} : vector<10000x128xf32>, vector<128x128xf32>, vector<10000x128xf32> -> vector<10000x128xf32>
    %slice3A_34 = vector.extract_strided_slice %get3A_29 {offsets = [128, 0], sizes = [128, 128], strides = [1, 1]} : vector<256x128xf32> to vector<128x128xf32>
    %dot_general3A_35 = arith.constant dense<0.000000e+00> : vector<10000x128xf32>
    %dot_general3A_36 = tpu.matmul %max3A_26, %slice3A_34, %dot_general3A_35 {dimension_numbers = #tpu.dot_dimension_numbers<[1], [0], [0], [1], [0, 0, 1, 1], [], []>, transpose_lhs_hint = false} : vector<10000x128xf32>, vector<128x128xf32>, vector<10000x128xf32> -> vector<10000x128xf32>
    %add3A_37 = arith.addf %dot_general3A_33, %dot_general3A_36 : vector<10000x128xf32>
    %get3A_38 = arith.constant 0 : index
    %get3A_39 = arith.constant 0 : index
    %get3A_40 = vector.load %arg6[%get3A_38, %get3A_39] : memref<1x128xf32, #tpu.memory_space<vmem>>, vector<1x128xf32>
    %add3A_41 = vector.broadcast %get3A_40 : vector<1x128xf32> to vector<10000x128xf32>
    %add3A_42 = arith.addf %add3A_37, %add3A_41 : vector<10000x128xf32>
    %reduce_max3A = arith.constant dense<0xFF800000> : vector<10000xf32>
    %reduce_max3A_43 = vector.multi_reduction <maximumf>, %add3A_42, %reduce_max3A [1] : vector<10000x128xf32> to vector<10000xf32>
    %broadcast_in_dim3A = vector.shape_cast %reduce_max3A_43 : vector<10000xf32> to vector<10000x1xf32>
    %sub3A = vector.broadcast %broadcast_in_dim3A : vector<10000x1xf32> to vector<10000x128xf32>
    %sub3A_44 = arith.subf %add3A_42, %sub3A : vector<10000x128xf32>
    %exp3A = math.exp %sub3A_44 : vector<10000x128xf32>
    %reduce_sum3A = arith.constant dense<0.000000e+00> : vector<10000xf32>
    %reduce_sum3A_45 = vector.multi_reduction <add>, %exp3A, %reduce_sum3A [1] : vector<10000x128xf32> to vector<10000xf32>
    %broadcast_in_dim3A_46 = vector.shape_cast %reduce_sum3A_45 : vector<10000xf32> to vector<10000x1xf32>
    %div3A = vector.broadcast %broadcast_in_dim3A_46 : vector<10000x1xf32> to vector<10000x128xf32>
    %div3A_47 = arith.divf %exp3A, %div3A : vector<10000x128xf32>
    %swap3A = arith.constant 0 : index
    %swap3A_48 = arith.constant 0 : index
    %swap3A_49 = vector.load %arg7[%swap3A, %swap3A_48] : memref<10000x128xf32, #tpu.memory_space<vmem>>, vector<10000x128xf32>
    tpu.vector_store %arg7[%swap3A, %swap3A_48], %div3A_47 {strides = array<i32>} : memref<10000x128xf32, #tpu.memory_space<vmem>>, vector<10000x128xf32>,
    return
  }
}

</mosaic_0001>

<sc_bundles>
// kernel: kernel.11.cloned.1.call-start
scs
__scs_entry_jumppad:
0x0: {  	(pc) =	sbr.rel $0x88, $3  }
0x1: {  	(tag) =	ssettag $0x0;
	lr =	simm.s32 $0x1  }
0x2: {  	[smem:$0x3F99] =	sst lr;
	_ =	strace $0xD0000000  }
0x3: {  	_ = 	snop  }
0x4: {  	_ = 	snop  }
0x5: {  	_ = 	snop  }
0x6: {  	_ = 	snop  }
0x7: {  	_ = 	snop  }
__scs_overlays_trampoline_lowered:
0x8: {  	[smem:$0x3FA8] =	sst s0  }
0x9: {  	[smem:$0x3FA9] =	sst s1  }
0xa: {  	[smem:$0x3FAA] =	sst s2  }
0xb: {  	[smem:$0x3FAB] =	sst s3  }
0xc: {  	[smem:$0x3FAC] =	sst s4  }
0xd: {  	[smem:$0x3FAD] =	sst s5  }
0xe: {  	[smem:$0x3FAE] =	sst s6  }
0xf: {  	[smem:$0x3FAF] =	sst s7  }
0x10: {  	[smem:$0x3FB0] =	sst s8  }
0x11: {  	[smem:$0x3FB1] =	sst s9;
	s0 =	simm.s32 @!p0 $0x0  }
0x12: {  	s1 =	sld [smem:$0x3F97];
	s0 =	simm.s32 @p0 $0x1  }
0x13: {  	[smem:$0x3FB2] =	sst s0;
	s0 =	simm.s32 @!p1 $0x0  }
0x14: {  	s2 =	sld [smem:$0x3F96];
	s0 =	simm.s32 @p1 $0x1  }
0x15: {  	[smem:$0x3FB3] =	sst s0;
	s0 =	simm.s32 @!p2 $0x0  }
0x16: {  	s3 =	sld [smem:$0x3FDB];
	s0 =	simm.s32 @p2 $0x1  }
0x17: {  	s4 =	simm.s32 $0x1BF5;
	[smem:$0x3FB5] =	sst s0  }
0x18: {  	s0 =	sld [smem:$0x3F98];
	_ =	swait.ge [sflag:s4], $0x0  }
0x19: {  	s7 =	sld [smem:$0x3F99]  }
0x1a: {  	s8 =	sadd.s32 $0xFFFFE003, lr  }
0x1b: {  	s9 =	sadd.s32 $0xFFFFFEF7, lr;
	s5 =	simm.s32 $0xFFFFFFFF;
	p2 =	slt.u32 s8, $0xFFFFF086  }
0x1c: {  	p1 =	slt.u32 s9, $0xF7A;
	s5 =	simm.s32 @!p2 $0x0  }
0x1d: {  	s5 =	simm.s32 @p1 $0x1;
	p0 =	seq.s32 s7, s2  }
0x1e: {  	s7 =	smul.u32 @!p0 $0xF7A, s2;
	p2 =	seq.s32 @!p0 s5, $0x0  }
0x1f: {  	s9 =	smul.u32 $0xF7A, s1;
	s8 =	simm.s32 @!p0 $0x1BF5;
	p2 =	por !p2, p0  }
0x20: {  	[sflag:s8] =	ssyncset.s32 @!p0 $0xFFFFF086;
	s6 =	sadd.s32 @!p0 s3, s7;
	s7 =	simm.s32 @!p0 $0x108  }
0x21: {  	s3 =	sadd.s32 s3, s9;
	s6 =	sadd.s32 @!p0 $0x88, s6;
	s7 =	simm.s32 @p2 $0x1082  }
0x22: {  	[simem:s7], [sflag:s8] =	dma.local @!p0 [hbm:s6], $0xF7A  }
0x23: {  	s9 =	sor.u32 $0xD0000000, s2;
	s6 =	simm.s32 $0x108;
	_ =	swait.ge @!p0 [sflag:s8], $0x0  }
0x24: {  	s3 =	sadd.s32 $0x88, s3;
	s6 =	simm.s32 @!p1 $0x1082;
	[sflag:s4] =	ssyncset.s32 $0xFFFFF086  }
0x25: {  	[simem:s6], [sflag:s4] =	dma.local [hbm:s3], $0xF7A  }
0x26: {  	[smem:$0x3F99] =	sst s1;
	(tag) =	ssettag s2;
	_ =	strace s9  }
0x27: {  	s1 =	sld [smem:$0x3FA9]  }
0x28: {  	s2 =	sld [smem:$0x3FAA]  }
0x29: {  	s4 =	sld [smem:$0x3FAC]  }
0x2a: {  	p0 =	seq.s32 s5, $0x0;
	s5 =	sld [smem:$0x3FAD]  }
0x2b: {  	s6 =	sld [smem:$0x3FAE]  }
0x2c: {  	s7 =	sld [smem:$0x3FAF]  }
0x2d: {  	s3 =	simm.s32 $0x108;
	s8 =	sld [smem:$0x3FB0]  }
0x2e: {  	s3 =	simm.s32 @!p0 $0x1082;
	s9 =	sld [smem:$0x3FB1]  }
0x2f: {  	lr =	sadd.s32 s0, s3;
	s0 =	sld [smem:$0x3FA8]  }
0x30: {  	s3 =	sld [smem:$0x3FAB]  }
0x31: {  	[smem:$0x3FB4] =	sst s10  }
0x32: {  	s10 =	sld [smem:$0x3FB2];
	_ =	sdelay $0x3  }
0x33: {  	p0 =	seq.s32 s10, $0x1;
	s10 =	sld [smem:$0x3FB4];
	_ =	sdelay $0x3  }
0x34: {  	[smem:$0x3FB4] =	sst s10  }
0x35: {  	s10 =	sld [smem:$0x3FB3];
	_ =	sdelay $0x3  }
0x36: {  	p1 =	seq.s32 s10, $0x1;
	s10 =	sld [smem:$0x3FB4];
	_ =	sdelay $0x3  }
0x37: {  	[smem:$0x3FB4] =	sst s10  }
0x38: {  	s10 =	sld [smem:$0x3FB5]  }
0x39: {  	_ = 	snop;
	(pc) =	sbr.ind lr, $3  }
0x3a: {  	_ = 	snop  }
0x3b: {  	_ = 	snop  }
0x3c: {  	p2 =	seq.s32 s10, $0x1;
	s10 =	sld [smem:$0x3FB4]  }
0x3d: {  	_ =	shalt  }
0x3e: {  	_ =	shalt  }
0x3f: {  	_ =	shalt  }
0x40: {  	_ =	shalt  }
0x41: {  	_ =	shalt  }
0x42: {  	_ =	shalt  }
0x43: {  	_ =	shalt  }
0x44: {  	_ =	shalt  }
0x45: {  	_ =	shalt  }
0x46: {  	_ =	shalt  }
0x47: {  	_ =	shalt  }
0x48: {  	_ =	shalt  }
0x49: {  	_ =	shalt  }
0x4a: {  	_ =	shalt  }
0x4b: {  	_ =	shalt  }
0x4c: {  	_ =	shalt  }
0x4d: {  	_ =	shalt  }
0x4e: {  	_ =	shalt  }
0x4f: {  	_ =	shalt  }
0x50: {  	_ =	shalt  }
0x51: {  	_ =	shalt  }
0x52: {  	_ =	shalt  }
0x53: {  	_ =	shalt  }
0x54: {  	_ =	shalt  }
0x55: {  	_ =	shalt  }
0x56: {  	_ =	shalt  }
0x57: {  	_ =	shalt  }
0x58: {  	_ =	shalt  }
0x59: {  	_ =	shalt  }
0x5a: {  	_ =	shalt  }
0x5b: {  	_ =	shalt  }
0x5c: {  	_ =	shalt  }
0x5d: {  	_ =	shalt  }
0x5e: {  	_ =	shalt  }
0x5f: {  	_ =	shalt  }
0x60: {  	_ =	shalt  }
0x61: {  	_ =	shalt  }
0x62: {  	_ =	shalt  }
0x63: {  	_ =	shalt  }
0x64: {  	_ =	shalt  }
0x65: {  	_ =	shalt  }
0x66: {  	_ =	shalt  }
0x67: {  	_ =	shalt  }
0x68: {  	_ =	shalt  }
0x69: {  	_ =	shalt  }
0x6a: {  	_ =	shalt  }
0x6b: {  	_ =	shalt  }
0x6c: {  	_ =	shalt  }
0x6d: {  	_ =	shalt  }
0x6e: {  	_ =	shalt  }
0x6f: {  	_ =	shalt  }
0x70: {  	_ =	shalt  }
0x71: {  	_ =	shalt  }
0x72: {  	_ =	shalt  }
0x73: {  	_ =	shalt  }
0x74: {  	_ =	shalt  }
0x75: {  	_ =	shalt  }
0x76: {  	_ =	shalt  }
0x77: {  	_ =	shalt  }
0x78: {  	_ =	shalt  }
0x79: {  	_ =	shalt  }
0x7a: {  	_ =	shalt  }
0x7b: {  	_ =	shalt  }
0x7c: {  	_ =	shalt  }
0x7d: {  	_ =	shalt  }
0x7e: {  	_ =	shalt  }
0x7f: {  	_ =	shalt  }
0x80: {  	_ =	shalt  }
0x81: {  	_ =	shalt  }
0x82: {  	_ =	shalt  }
0x83: {  	_ =	shalt  }
0x84: {  	_ =	shalt  }
0x85: {  	_ =	shalt  }
0x86: {  	_ =	shalt  }
0x87: {  	_ =	shalt  }
.Lfunc_end0:
.L_simem_size_0:
called_computation.1_lowered:
.L_overlay_start_0:
0x88: {  	s2 =	sld [smem:$0x3FD9]  }
0x89: {  	s3 =	sld [smem:$0x3FFE];
	_ =	sdelay $0x1  }
0x8a: {  	s1 =	srdreg.scid  }
0x8b: {  	s0 =	sand.u32 $0x1, s1  }
0x8c: {  	s17 =	sshll.u32 s0, $0xA;
	s2 =	sadd.s32 s3, s2  }
0x8d: {  	s2 =	sadd.s32 s2, s17  }
0x8e: {  	[smem:$0x3FC0] =	sst s2  }
0x8f: {  	_ = 	snop  }
0x90: {  	s2 =	sld [smem:$0x3FD0];
	(tm) =	ssettm $0x1  }
0x91: {  	s18 =	sld [smem:$0x3FFB];
	_ =	sdelay $0x3  }
0x92: {  	_ =	strace s18  }
0x93: {  	s3 =	sld [smem:$0x3FFC];
	_ =	sdelay $0x3  }
0x94: {  	_ =	strace s3  }
0x95: {  	s3 =	sld [smem:$0x3FFD];
	_ =	sdelay $0x3  }
0x96: {  	_ =	strace s3  }
0x97: {  	_ =	strace $0x8FFFFFFF  }
0x98: {  	s19 =	sld [smem:$0x3FDB];
	_ =	sdelay $0x1  }
0x99: {  	s4 =	simm.s32 $_scs_section_size  }
0x9a: {  	s5 =	simm.s32 $_size__tile_overlayer_lowered;
	s6 =	simm.s32 $_tile_overlayer_lowered  }
0x9b: {  	s22 =	simm.s32 $0x1BFF;
	s21 =	sshll.u32 s6, $0x1;
	s3 =	sadd.s32 s4, s19  }
0x9c: {  	s7 =	simm.s32 $0x0;
	s20 =	sshll.u32 s5, $0x1;
	s5 =	sadd.s32 s21, s3  }
0x9d: {  	[timem:s7], [sflag:s22] =	dma.local [hbm:s5], s20  }
0x9e: {  	_ =	swait.ge [sflag:s22], s20  }
0x9f: {  	s4 =	ssub.s32 $0x0, s20;
	[sflag:s22] =	ssyncset.done $0x0  }
0xa0: {  	[sflag:s22] =	ssyncadd.s32 s4;
	_ =	sdelay $0x1  }
0xa1: {  	s23 =	simm.s32 $0x1B8B  }
0xa2: {  	_ =	swait.ge [sflag:s23], $0x1  }
0xa3: {  	[sflag:s23] =	ssyncset.done $0x0  }
0xa4: {  	s25 =	simm.s32 $0x1B8E;
	s24 =	sld [smem:$0x3FFE];
	[sflag:s23] =	ssyncadd.s32 $0xFFFFFFFF  }
0xa5: {  	s26 =	simm.s32 $execute0_lowered;
	[smem:$0x3FD2] =	sst s25  }
0xa6: {  	s5 =	sshll.u32 s26, $0x1;
	_ =	strace $0x80000049;
	[dreg:$0x1] =	wrdreg $0xFFFFFFFF  }
0xa7: {  	s28 =	simm.s32 $_size_execute0_lowered;
	s3 =	sadd.s32 s3, s5;
	[dreg:$0x0] =	wrdreg $0x0  }
0xa8: {  	s5 =	sshll.u32 s28, $0x1;
	[dreg:$0x2] =	wrdreg s3  }
0xa9: {  	[dreg:$0x3] =	wrdreg s5  }
0xaa: {  	[dreg:$0x4] =	wrdreg $0xC0  }
0xab: {  	_ =	task [dreg:s7], $0x5FFFF  }
0xac: {  	[dreg:$0x1] =	wrdreg $0xFFFFFFFF  }
0xad: {  	[dreg:$0x0] =	wrdreg $0x60  }
0xae: {  	[dreg:$0x2] =	wrdreg s2  }
0xaf: {  	[dreg:$0x3] =	wrdreg s24  }
0xb0: {  	[dreg:$0x4] =	wrdreg $0x9C000  }
0xb1: {  	[dreg:$0x5] =	wrdreg $0x9  }
0xb2: {  	_ =	task.clear_ibuf [dreg:s7], $0x6FFFF;
	_ =	strace $0x90000049  }
0xb3: {  	s29 =	simm.s32 $0x9;
	_ =	strace $0x8000004B  }
0xb4: {  	_ =	swait.ge [sflag:s29], $0x1  }
0xb5: {  	[sflag:s29] =	ssyncadd.s32 $0xFFFFFFFF  }
0xb6: {  	_ =	strace $0x9000004B  }
0xb7: {  	_ =	sfence  }
0xb8: {  	s30 =	sld [smem:$0x0];
	_ =	sdelay $0x2  }
0xb9: {  	s31 =	sshll.u32 s1, $0xD;
	s1 =	sshrl.u32 s1, $0x2  }
0xba: {  	s3 =	sand.u32 $0x4000, s31;
	s1 =	sadd.s32 s1, s30  }
0xbb: {  	s0 =	sor.u32 s3, s0;
	s1 =	sshll.u32 s1, $0x11  }
0xbc: {  	s0 =	sor.u32 s1, s0  }
0xbd: {  	s0 =	sadd.s32 $0x8F2B, s0  }
0xbe: {  	[sflag:s0] =	ssyncadd.remote.s32 $0x1  }
0xbf: {  	_ =	sfence.sel $0xFFFF  }
0xc0: {  	[dreg:$0x0] =	wrdreg $0xFFFFFFFF;
	(pc) =	sbr.abs _section_cstart, $3  }
0xc1: {  	[dreg:$0x1] =	wrdreg $0xFFFFFFFF  }
0xc2: {  	_ =	task.clear_ibuf [dreg:s7], $0x2FFFF;
	_ =	strace $0x9FFFFFFF  }
0xc3: {  	(tm) =	ssettm $0x7FFFFFFF  }
tec
execute0_lowered:
.L_overlay_start_1:
0x0: {  	(tag) =	ssettag $0x1  }
0x1: {  	s1 =	rddreg [dreg:$0x0]  }
0x2: {  	s5 =	rddreg [dreg:$0x1]  }
0x3: {  	s0 =	srdreg.scid;
	s3 =	rddreg [dreg:$0x2];
	s25 =	simm.s32 $0x0  }
0x4: {  	s13 =	simm.s32 $0x189;
	s17 =	simm.s32 $0x6C00;
	s18 =	simm.s32 $0x20  }
0x5: {  	s19 =	simm.s32 $0x6800;
	s20 =	simm.s32 $0x6880;
	s22 =	simm.s32 $0x6A00  }
0x6: {  	s21 =	simm.s32 $0x7C00;
	s23 =	simm.s32 $0x6A80;
	s24 =	simm.s32 $0x1  }
0x7: {  	s28 =	simm.s32 $0x0;
	s6 =	sand.u32 $0x1, s0;
	s0 =	stileid.u32  }
0x8: {  	[smem:$0x7FF] =	sst s25;
	s25 =	simm.s32 $0x6B00;
	s7 =	smul.u32 $0x13C000, s6  }
0x9: {  	s2 =	sshll.u32 s6, $0x4;
	s9 =	smul.u32 $0x13C00, s0;
	_ =	strace $0x8000004A  }
0xa: {  	p0 =	seq.s32 s6, $0x0;
	s26 =	smul.u32 $0x4F000, s0;
	[dreg:$0x5] =	wrdreg s22  }
0xb: {  	s29 =	ssub.s32 $0x2, s6;
	s22 =	simm.s32 $0x6900;
	[dreg:$0x6] =	wrdreg s23  }
0xc: {  	s23 =	simm.s32 $0x8C00;
	[dreg:$0x7] =	wrdreg s25;
	s25 =	simm.s32 $0x2  }
0xd: {  	s8 =	sor.u32 s0, s2;
	s13 =	simm.s32 @!p0 $0xEA;
	s6 =	sshrl.u32 s29, $0x1  }
0xe: {  	s8 =	smul.u32 $0xD00, s8;
	s7 =	sadd.s32 s9, s7;
	s30 =	sshrl.u32 s26, $0x2  }
0xf: {  	s31 =	smul.u32 $0x5556, s13;
	s15 =	ssub.s32 s29, s6;
	s13 =	sadd.s32 $0xFFFFFFFF, s13  }
0x10: {  	s26 =	simm.s32 $0x3;
	s7 =	sshrl.u32 s7, $0x3;
	s6 =	sadd.s32 s30, s3  }
0x11: {  	s15 =	smax.u32 s15, $0x1;
	s8 =	sadd.s32 s8, s5;
	s14 =	sadd.s32 s7, s5  }
0x12: {  	s7 =	sadd.s32 $0x3000, s6;
	s11 =	sshrl.u32 s31, $0x10;
	s9 =	sadd.s32 $0x9000, s6  }
0x13: {  	s10 =	sadd.s32 $0xC000, s6;
	s12 =	sadd.s32 $0x12000, s6;
	s16 =	smul.u32 $0x3, s11  }
0x14: {  	s5 =	sadd.s32 $0xC600, s8;
	s8 =	sadd.s32 $0x6000, s6;
	s11 =	sadd.s32 $0xF000, s6  }
0x15: {  	v0 =	vimm.f32 $0.0e+00;
	s14 =	sadd.s32 $0x4D800, s14;
	[dreg:$0x4] =	wrdreg s16;
	s16 =	simm.s32 $0x4  }
.LBB2_1:
0x16: {  	s2 =	simm.s32 $0x0  }
0x17: {  	[tilespmem:s2], [sflag:$0x4] =	stream.linear.gather [hbm4b:s5+s2], $0x6800, $0x38;
	[tilespmem:$0x1D800] =	vst v63  }
0x18: {  	_ =	swait.ge [sflag:s16], $0x6800  }
0x19: {  	[sflag:s16] =	ssyncset.done $0x0  }
0x1a: {  	s29 =	simm.s32 $0x0;
	s30 =	simm.s32 $0x200;
	[sflag:s16] =	ssyncadd.s32 $0xFFFF9800  }
.LBB2_2:
0x1b: {  	p0 =	sne.s32 s30, $0xBE00;
	[tilespmem:s29+$0x6C70] =	vst v0  }
0x1c: {  	[tilespmem:s29+$0x6C00] =	vst v0  }
0x1d: {  	[tilespmem:s29+$0x6C10] =	vst v0  }
.Ltmp0:
0x1e: {  	[tilespmem:s29+$0x6C20] =	vst v0;
	(pc) =	sbr.rel @p0 .LBB2_2-.Ltmp0, $4  }
0x1f: {  	[tilespmem:s29+$0x6C30] =	vst v0  }
0x20: {  	[tilespmem:s29+$0x6C40] =	vst v0  }
0x21: {  	[tilespmem:s29+$0x6C50] =	vst v0  }
0x22: {  	[tilespmem:s29+$0x6C60] =	vst v0;
	s29 =	sshra.s32 s30, $0x2;
	s30 =	sadd.s32 $0x200, s30  }
0x23: {  	[tilespmem:s29+$0x6C70] =	vst v0  }
0x24: {  	[tilespmem:s29+$0x6C00] =	vst v0  }
0x25: {  	[tilespmem:s29+$0x6C10] =	vst v0  }
0x26: {  	[tilespmem:s29+$0x6C20] =	vst v0  }
0x27: {  	[tilespmem:s29+$0x6C30] =	vst v0  }
0x28: {  	[tilespmem:s29+$0x6C40] =	vst v0  }
0x29: {  	[tilespmem:s29+$0x6C50] =	vst v0  }
0x2a: {  	[tilespmem:s29+$0x6C60] =	vst v0  }
0x2b: {  	[spmem:s6] =	stream.linear.scatter [tilespmem:s17], [sflag:$0x4], $0x3000, $0x38;
	[tilespmem:$0x1D800] =	vst v63  }
0x2c: {  	_ =	swait.ge [sflag:s16], $0x3000  }
0x2d: {  	[sflag:s16] =	ssyncset.done $0x0  }
0x2e: {  	[sflag:s16] =	ssyncadd.s32 $0xFFFFD000  }
0x2f: {  	[spmem:s7] =	stream.linear.scatter [tilespmem:s17], [sflag:$0x4], $0x3000, $0x38;
	[tilespmem:$0x1D800] =	vst v63  }
0x30: {  	_ =	swait.ge [sflag:s16], $0x3000  }
0x31: {  	[sflag:s16] =	ssyncset.done $0x0  }
0x32: {  	[sflag:s16] =	ssyncadd.s32 $0xFFFFD000  }
0x33: {  	[spmem:s8] =	stream.linear.scatter [tilespmem:s17], [sflag:$0x4], $0x3000, $0x38;
	[tilespmem:$0x1D800] =	vst v63  }
0x34: {  	_ =	swait.ge [sflag:s16], $0x3000  }
0x35: {  	[sflag:s16] =	ssyncset.done $0x0  }
0x36: {  	[sflag:s16] =	ssyncadd.s32 $0xFFFFD000  }
0x37: {  	[spmem:s9] =	stream.linear.scatter [tilespmem:s17], [sflag:$0x4], $0x3000, $0x38;
	[tilespmem:$0x1D800] =	vst v63  }
0x38: {  	_ =	swait.ge [sflag:s16], $0x3000  }
0x39: {  	[sflag:s16] =	ssyncset.done $0x0  }
0x3a: {  	[sflag:s16] =	ssyncadd.s32 $0xFFFFD000  }
0x3b: {  	[spmem:s10] =	stream.linear.scatter [tilespmem:s17], [sflag:$0x4], $0x3000, $0x38;
	[tilespmem:$0x1D800] =	vst v63  }
0x3c: {  	_ =	swait.ge [sflag:s16], $0x3000  }
0x3d: {  	[sflag:s16] =	ssyncset.done $0x0  }
0x3e: {  	[sflag:s16] =	ssyncadd.s32 $0xFFFFD000  }
0x3f: {  	[spmem:s11] =	stream.linear.scatter [tilespmem:s17], [sflag:$0x4], $0x3000, $0x38;
	[tilespmem:$0x1D800] =	vst v63  }
0x40: {  	_ =	swait.ge [sflag:s16], $0x3000  }
0x41: {  	[sflag:s16] =	ssyncset.done $0x0  }
0x42: {  	[sflag:s16] =	ssyncadd.s32 $0xFFFFD000  }
0x43: {  	[spmem:s12] =	stream.linear.scatter [tilespmem:s17], [sflag:$0x4], $0x1C00, $0x38;
	[tilespmem:$0x1D800] =	vst v63  }
0x44: {  	_ =	swait.ge [sflag:s16], $0x1C00  }
0x45: {  	[sflag:s16] =	ssyncset.done $0x0  }
0x46: {  	[sflag:s16] =	ssyncadd.s32 $0xFFFFE400  }
0x47: {  	[bflag:$0x0] =	sbarrier.arrive $0xFFFF  }
0x48: {  	v1 =	vld [tilespmem:$0x0];
	_ =	sdelay $0x1  }
0x49: {  	v2 =	vld [tilespmem:$0x10];
	_ =	sdelay $0x2  }
0x4a: {  	v3 =	vand.u32 $0x3FFF, v1  }
0x4b: {  	v1 =	vshra.s32 v1, $0xE;
	[tilespmem:$0x6800] =	vst v3  }
0x4c: {  	[tilespmem:$0x6A00] =	vst v1;
	v1 =	vand.u32 $0x3FFF, v2  }
0x4d: {  	[tilespmem:$0x6810] =	vst v1;
	v1 =	vshra.s32 v2, $0xE  }
0x4e: {  	[tilespmem:$0x6A10] =	vst v1  }
0x4f: {  	[tilespmem:s17], [sflag:$0x1] =	stream.indirect.gather [hbm4b:s1+s18], $0x80, s19, s18, $0xb8;
	[tilespmem:$0x1D800] =	vst v63  }
0x50: {  	v1 =	vld [tilespmem:$0x20];
	_ =	sdelay $0x1  }
0x51: {  	v2 =	vld [tilespmem:$0x30];
	_ =	sdelay $0x2  }
0x52: {  	v3 =	vand.u32 $0x3FFF, v1  }
0x53: {  	v1 =	vshra.s32 v1, $0xE;
	[tilespmem:$0x6880] =	vst v3  }
0x54: {  	[tilespmem:$0x6A80] =	vst v1;
	v1 =	vand.u32 $0x3FFF, v2  }
0x55: {  	[tilespmem:$0x6890] =	vst v1;
	v1 =	vshra.s32 v2, $0xE  }
0x56: {  	[tilespmem:$0x6A90] =	vst v1  }
0x57: {  	[tilespmem:s21], [sflag:$0x2] =	stream.indirect.gather [hbm4b:s1+s18], $0x80, s20, s18, $0xb8;
	[tilespmem:$0x1D800] =	vst v63  }
0x58: {  	v1 =	vld [tilespmem:$0x80];
	_ =	sdelay $0x1  }
0x59: {  	v2 =	vld [tilespmem:$0x90];
	_ =	sdelay $0x2  }
0x5a: {  	v3 =	vand.u32 $0x3FFF, v1  }
0x5b: {  	v1 =	vshra.s32 v1, $0xE;
	[tilespmem:$0x6900] =	vst v3  }
0x5c: {  	[tilespmem:$0x6B00] =	vst v1;
	v1 =	vand.u32 $0x3FFF, v2  }
0x5d: {  	[tilespmem:$0x6910] =	vst v1;
	v1 =	vshra.s32 v2, $0xE  }
0x5e: {  	[tilespmem:$0x6B10] =	vst v1  }
0x5f: {  	[tilespmem:s23], [sflag:$0x3] =	stream.indirect.gather [hbm4b:s1+s18], $0x80, s22, s18, $0xb8;
	[tilespmem:$0x1D800] =	vst v63  }
0x60: {  	s29 =	simm.s32 $0x3;
	_ =	swait.ge [sflag:s24], $0x1000  }
0x61: {  	p0 =	sgt.s32 s13, $0x3;
	s31 =	smov.u32 s13;
	[sflag:s24] =	ssyncset.done $0x0  }
0x62: {  	s31 =	smov.u32 @p0 s29;
	s30 =	rddreg [dreg:$0x5];
	[sflag:s24] =	ssyncadd.s32 $0xFFFFF000  }
0x63: {  	[spmem:s3] =	stream.indirect.scatter.add.f32 [tilespmem:s17], [sflag:$0x4], $0x80, s30, s18, $0xb8;
	[tilespmem:$0x1D800] =	vst v63  }
0x64: {  	s2 =	sshll.u32 s31, $0x5;
	s31 =	sshll.u32 s31, $0x6;
	_ =	swait.ge [sflag:s16], $0x1000  }
0x65: {  	s31 =	sand.u32 $0x7F80, s31;
	s30 =	sand.u32 $0x20, s2;
	[sflag:s16] =	ssyncset.done $0x0  }
0x66: {  	s30 =	sor.u32 s30, s31;
	[sflag:s16] =	ssyncadd.s32 $0xFFFFF000  }
0x67: {  	v1 =	vld [tilespmem:s30+$0x0];
	_ =	sdelay $0x4  }
0x68: {  	v2 =	vand.u32 $0x3FFF, v1  }
0x69: {  	v1 =	vshra.s32 v1, $0xE;
	[tilespmem:$0x6800] =	vst v2  }
0x6a: {  	[tilespmem:$0x6A00] =	vst v1  }
0x6b: {  	v1 =	vld [tilespmem:s30+$0x10];
	_ =	sdelay $0x4  }
0x6c: {  	v2 =	vand.u32 $0x3FFF, v1  }
0x6d: {  	v1 =	vshra.s32 v1, $0xE;
	[tilespmem:$0x6810] =	vst v2  }
0x6e: {  	[tilespmem:$0x6A10] =	vst v1  }
0x6f: {  	[tilespmem:s17], [sflag:$0x1] =	stream.indirect.gather [hbm4b:s1+s18], $0x80, s19, s18, $0xb8;
	[tilespmem:$0x1D800] =	vst v63  }
0x70: {  	p0 =	sgt.s32 s13, $0x4;
	_ =	swait.ge [sflag:s25], $0x1000  }
0x71: {  	s2 =	smov.u32 s13;
	s31 =	simm.s32 $0x4;
	[sflag:s25] =	ssyncset.done $0x0  }
0x72: {  	s2 =	smov.u32 @p0 s31;
	s4 =	rddreg [dreg:$0x6];
	[sflag:s25] =	ssyncadd.s32 $0xFFFFF000  }
0x73: {  	[spmem:s3] =	stream.indirect.scatter.add.f32 [tilespmem:s21], [sflag:$0x4], $0x80, s4, s18, $0xb8;
	[tilespmem:$0x1D800] =	vst v63  }
0x74: {  	s4 =	sshll.u32 s2, $0x6;
	s2 =	sshll.u32 s2, $0x5;
	_ =	swait.ge [sflag:s16], $0x1000  }
0x75: {  	s2 =	sand.u32 $0x20, s2;
	s30 =	sand.u32 $0x7F80, s4;
	[sflag:s16] =	ssyncset.done $0x0  }
0x76: {  	s2 =	sor.u32 s2, s30;
	[sflag:s16] =	ssyncadd.s32 $0xFFFFF000  }
0x77: {  	v1 =	vld [tilespmem:s2+$0x0];
	_ =	sdelay $0x4  }
0x78: {  	v2 =	vand.u32 $0x3FFF, v1  }
0x79: {  	v1 =	vshra.s32 v1, $0xE;
	[tilespmem:$0x6880] =	vst v2  }
0x7a: {  	[tilespmem:$0x6A80] =	vst v1  }
0x7b: {  	v1 =	vld [tilespmem:s2+$0x10];
	_ =	sdelay $0x4  }
0x7c: {  	v2 =	vand.u32 $0x3FFF, v1  }
0x7d: {  	v1 =	vshra.s32 v1, $0xE;
	[tilespmem:$0x6890] =	vst v2  }
0x7e: {  	[tilespmem:$0x6A90] =	vst v1  }
0x7f: {  	[tilespmem:s21], [sflag:$0x2] =	stream.indirect.gather [hbm4b:s1+s18], $0x80, s20, s18, $0xb8;
	[tilespmem:$0x1D800] =	vst v63  }
0x80: {  	_ =	swait.ge [sflag:s26], $0x1000  }
0x81: {  	[sflag:s26] =	ssyncset.done $0x0  }
0x82: {  	s30 =	rddreg [dreg:$0x7];
	[sflag:s26] =	ssyncadd.s32 $0xFFFFF000  }
0x83: {  	[spmem:s3] =	stream.indirect.scatter.add.f32 [tilespmem:s23], [sflag:$0x4], $0x80, s30, s18, $0xb8;
	[tilespmem:$0x1D800] =	vst v63  }
0x84: {  	p0 =	sgt.s32 s13, $0x5;
	_ =	swait.ge [sflag:s16], $0x1000  }
0x85: {  	s2 =	simm.s32 $0x5;
	s30 =	smov.u32 s13;
	s4 =	rddreg [dreg:$0x4]  }
0x86: {  	s30 =	smov.u32 @p0 s2;
	p0 =	sne.s32 s4, $0x3  }
.Ltmp1:
0x87: {  	_ = 	snop;
	(pc) =	sbr.rel @!p0 .LBB2_5-.Ltmp1, $4  }
0x88: {  	s31 =	sshll.u32 s30, $0x5;
	s30 =	sshll.u32 s30, $0x6  }
0x89: {  	[sflag:s16] =	ssyncset.done $0x0;
	s31 =	sand.u32 $0x20, s31;
	s30 =	sand.u32 $0x7F80, s30  }
0x8a: {  	[sflag:s16] =	ssyncadd.s32 $0xFFFFF000;
	s31 =	sor.u32 s31, s30  }
0x8b: {  	v1 =	vld [tilespmem:s31+$0x0]  }
.LBB2_4:
0x8c: {  	_ =	sdelay $0x3  }
0x8d: {  	v2 =	vand.u32 $0x3FFF, v1  }
0x8e: {  	v1 =	vshra.s32 v1, $0xE;
	[tilespmem:$0x6900] =	vst v2  }
0x8f: {  	[tilespmem:$0x6B00] =	vst v1  }
0x90: {  	v1 =	vld [tilespmem:s31+$0x10];
	_ =	sdelay $0x4  }
0x91: {  	v2 =	vand.u32 $0x3FFF, v1  }
0x92: {  	v1 =	vshra.s32 v1, $0xE;
	[tilespmem:$0x6910] =	vst v2  }
0x93: {  	[tilespmem:$0x6B10] =	vst v1  }
0x94: {  	[tilespmem:s23], [sflag:$0x3] =	stream.indirect.gather [hbm4b:s1+s18], $0x80, s22, s18, $0xb8;
	[tilespmem:$0x1D800] =	vst v63  }
0x95: {  	s30 =	smov.u32 s29;
	s29 =	sadd.s32 $0x3, s29;
	_ =	swait.ge [sflag:s24], $0x1000  }
0x96: {  	s2 =	smov.u32 s13;
	p0 =	slt.s32 s29, s13;
	[sflag:s24] =	ssyncset.done $0x0  }
0x97: {  	s2 =	smov.u32 @p0 s29;
	s31 =	rddreg [dreg:$0x5];
	[sflag:s24] =	ssyncadd.s32 $0xFFFFF000  }
0x98: {  	[spmem:s3] =	stream.indirect.scatter.add.f32 [tilespmem:s17], [sflag:$0x4], $0x80, s31, s18, $0xb8;
	[tilespmem:$0x1D800] =	vst v63  }
0x99: {  	s4 =	sshll.u32 s2, $0x5;
	s2 =	sshll.u32 s2, $0x6;
	_ =	swait.ge [sflag:s16], $0x1000  }
0x9a: {  	s4 =	sand.u32 $0x20, s4;
	s2 =	sand.u32 $0x7F80, s2;
	[sflag:s16] =	ssyncset.done $0x0  }
0x9b: {  	s2 =	sor.u32 s4, s2;
	[sflag:s16] =	ssyncadd.s32 $0xFFFFF000  }
0x9c: {  	v1 =	vld [tilespmem:s2+$0x0];
	_ =	sdelay $0x4  }
0x9d: {  	v2 =	vand.u32 $0x3FFF, v1  }
0x9e: {  	v1 =	vshra.s32 v1, $0xE;
	[tilespmem:$0x6800] =	vst v2  }
0x9f: {  	[tilespmem:$0x6A00] =	vst v1  }
0xa0: {  	v1 =	vld [tilespmem:s2+$0x10];
	_ =	sdelay $0x4  }
0xa1: {  	v2 =	vand.u32 $0x3FFF, v1  }
0xa2: {  	v1 =	vshra.s32 v1, $0xE;
	[tilespmem:$0x6810] =	vst v2  }
0xa3: {  	[tilespmem:$0x6A10] =	vst v1  }
0xa4: {  	[tilespmem:s17], [sflag:$0x1] =	stream.indirect.gather [hbm4b:s1+s18], $0x80, s19, s18, $0xb8;
	[tilespmem:$0x1D800] =	vst v63  }
0xa5: {  	s2 =	sadd.s32 $0x4, s30;
	_ =	swait.ge [sflag:s25], $0x1000  }
0xa6: {  	s4 =	smov.u32 s13;
	p0 =	slt.s32 s2, s13;
	[sflag:s25] =	ssyncset.done $0x0  }
0xa7: {  	s4 =	smov.u32 @p0 s2;
	s31 =	rddreg [dreg:$0x6];
	[sflag:s25] =	ssyncadd.s32 $0xFFFFF000  }
0xa8: {  	[spmem:s3] =	stream.indirect.scatter.add.f32 [tilespmem:s21], [sflag:$0x4], $0x80, s31, s18, $0xb8;
	[tilespmem:$0x1D800] =	vst v63  }
0xa9: {  	s2 =	sshll.u32 s4, $0x6;
	s4 =	sshll.u32 s4, $0x5;
	_ =	swait.ge [sflag:s16], $0x1000  }
0xaa: {  	s4 =	sand.u32 $0x20, s4;
	s2 =	sand.u32 $0x7F80, s2;
	[sflag:s16] =	ssyncset.done $0x0  }
0xab: {  	s2 =	sor.u32 s4, s2;
	[sflag:s16] =	ssyncadd.s32 $0xFFFFF000  }
0xac: {  	v1 =	vld [tilespmem:s2+$0x0];
	_ =	sdelay $0x4  }
0xad: {  	v2 =	vand.u32 $0x3FFF, v1  }
0xae: {  	v1 =	vshra.s32 v1, $0xE;
	[tilespmem:$0x6880] =	vst v2  }
0xaf: {  	[tilespmem:$0x6A80] =	vst v1  }
0xb0: {  	v1 =	vld [tilespmem:s2+$0x10];
	_ =	sdelay $0x4  }
0xb1: {  	v2 =	vand.u32 $0x3FFF, v1  }
0xb2: {  	s2 =	sadd.s32 $0x5, s30;
	v1 =	vshra.s32 v1, $0xE;
	[tilespmem:$0x6890] =	vst v2  }
0xb3: {  	s4 =	smov.u32 s13;
	p0 =	slt.s32 s2, s13;
	[tilespmem:$0x6A90] =	vst v1  }
0xb4: {  	[tilespmem:s21], [sflag:$0x2] =	stream.indirect.gather [hbm4b:s1+s18], $0x80, s20, s18, $0xb8;
	[tilespmem:$0x1D800] =	vst v63  }
0xb5: {  	s4 =	smov.u32 @p0 s2;
	_ =	swait.ge [sflag:s26], $0x1000  }
0xb6: {  	s30 =	sshll.u32 s4, $0x5;
	[sflag:s26] =	ssyncset.done $0x0  }
0xb7: {  	s4 =	sshll.u32 s4, $0x6;
	s2 =	rddreg [dreg:$0x7];
	[sflag:s26] =	ssyncadd.s32 $0xFFFFF000  }
0xb8: {  	[spmem:s3] =	stream.indirect.scatter.add.f32 [tilespmem:s23], [sflag:$0x4], $0x80, s2, s18, $0xb8;
	[tilespmem:$0x1D800] =	vst v63  }
0xb9: {  	s30 =	sand.u32 $0x20, s30;
	s4 =	sand.u32 $0x7F80, s4;
	_ =	swait.ge [sflag:s16], $0x1000  }
0xba: {  	s31 =	sor.u32 s30, s4;
	s30 =	rddreg [dreg:$0x4]  }
0xbb: {  	p0 =	sne.s32 s30, s29  }
.Ltmp2:
0xbc: {  	_ = 	snop;
	(pc) =	sbr.rel @p0 .LBB2_4-.Ltmp2, $4  }
0xbd: {  	_ = 	snop  }
0xbe: {  	[sflag:s16] =	ssyncset.done $0x0  }
0xbf: {  	[sflag:s16] =	ssyncadd.s32 $0xFFFFF000  }
0xc0: {  	v1 =	vld [tilespmem:s31+$0x0]  }
.LBB2_5:
0xc1: {  	_ =	sdelay $0x3  }
0xc2: {  	v2 =	vand.u32 $0x3FFF, v1  }
0xc3: {  	v1 =	vshra.s32 v1, $0xE;
	[tilespmem:$0x6900] =	vst v2  }
0xc4: {  	[tilespmem:$0x6B00] =	vst v1  }
0xc5: {  	v1 =	vld [tilespmem:s31+$0x10];
	_ =	sdelay $0x4  }
0xc6: {  	v2 =	vand.u32 $0x3FFF, v1  }
0xc7: {  	v1 =	vshra.s32 v1, $0xE;
	[tilespmem:$0x6910] =	vst v2  }
0xc8: {  	[tilespmem:$0x6B10] =	vst v1  }
0xc9: {  	[tilespmem:s23], [sflag:$0x3] =	stream.indirect.gather [hbm4b:s1+s18], $0x80, s22, s18, $0xb8;
	[tilespmem:$0x1D800] =	vst v63  }
0xca: {  	_ =	swait.ge [sflag:s24], $0x1000  }
0xcb: {  	[sflag:s24] =	ssyncset.done $0x0  }
0xcc: {  	[sflag:s24] =	ssyncadd.s32 $0xFFFFF000  }
0xcd: {  	_ =	swait.ge [sflag:s25], $0x1000  }
0xce: {  	[sflag:s25] =	ssyncset.done $0x0  }
0xcf: {  	[sflag:s25] =	ssyncadd.s32 $0xFFFFF000  }
0xd0: {  	_ =	swait.ge [sflag:s26], $0x1000  }
0xd1: {  	s2 =	sshll.u32 s0, $0x6;
	s28 =	sadd.s32 $0x1, s28;
	[sflag:s26] =	ssyncset.done $0x0  }
0xd2: {  	s4 =	sshrl.u32 s6, $0x3;
	p0 =	sne.s32 s28, s15;
	[sflag:s26] =	ssyncadd.s32 $0xFFFFF000  }
.Ltmp3:
0xd3: {  	s2 =	sor.u32 $0x1C04, s2;
	[bflag:$0x0] =	sbarrier.arrive $0xFFFF;
	(pc) =	sbr.rel @p0 .LBB2_1-.Ltmp3, $4  }
0xd4: {  	[hbm:s14], [sflag:s2] =	dma.local [spmem:s4], $0x2780  }
0xd5: {  	_ =	swait.ge [sflag:s16], $0x2780  }
0xd6: {  	[sflag:s16] =	ssyncset.done $0x0  }
0xd7: {  	[sflag:s16] =	ssyncadd.s32 $0xFFFFD880  }
0xd8: {  	_ =	sfence.sel $0x180000  }
0xd9: {  	[bflag:$0x0] =	sbarrier.arrive $0xFFFF  }
0xda: {  	_ =	strace $0x9000004A  }
0xdb: {  	[bflag:$0x2] =	sbarrier.arrive $0xFFFF  }
0xdc: {  	p0 =	sne.s32 s0, $0x0;
	s0 =	rddreg [dreg:$0x3]  }
0xdd: {  	s0 =	sadd.s32 @!p0 $0x100000, s0  }
0xde: {  	[sflag:s0] =	ssyncadd.tile.s32 @!p0 $0x1;
	_ =	shalt  }
.Lfunc_end2:
_tile_overlayer_lowered:
.L_overlay_start_2:
0xdf: {  	(tag) =	ssettag $0x2  }
0xe0: {  	s0 =	rddreg [dreg:$0x0];
	s2 =	stileid.u32  }
0xe1: {  	s1 =	rddreg [dreg:$0x1];
	p0 =	sne.s32 s2, $0x0  }
0xe2: {  	s3 =	rddreg [dreg:$0x2];
	[bflag:$0x3] =	sbarrier.arrive $0xFFFF;
	s2 =	simm.s32 @!p0 $0x1C04  }
0xe3: {  	[timem:s3], [sflag:s2] =	dma.local @!p0 [hbm:s0], s1  }
0xe4: {  	s0 =	simm.s32 @!p0 $0x4  }
0xe5: {  	_ =	swait.ge @!p0 [sflag:s0], s1  }
0xe6: {  	s1 =	ssub.s32 @!p0 $0x0, s1;
	[sflag:s0] =	ssyncset.done @!p0 $0x0  }
0xe7: {  	[sflag:s0] =	ssyncadd.s32 @!p0 s1  }
0xe8: {  	[bflag:$0x3] =	sbarrier.arrive $0xFFFF  }
0xe9: {  	_ =	shalt  }

// kernel: kernel.14.cloned.1.call-start
scs
__scs_entry_jumppad:
0x0: {  	(pc) =	sbr.rel $0x88, $3  }
0x1: {  	(tag) =	ssettag $0x0;
	lr =	simm.s32 $0x1  }
0x2: {  	[smem:$0x3F99] =	sst lr;
	_ =	strace $0xD0000000  }
0x3: {  	_ = 	snop  }
0x4: {  	_ = 	snop  }
0x5: {  	_ = 	snop  }
0x6: {  	_ = 	snop  }
0x7: {  	_ = 	snop  }
__scs_overlays_trampoline_lowered:
0x8: {  	[smem:$0x3FA8] =	sst s0  }
0x9: {  	[smem:$0x3FA9] =	sst s1  }
0xa: {  	[smem:$0x3FAA] =	sst s2  }
0xb: {  	[smem:$0x3FAB] =	sst s3  }
0xc: {  	[smem:$0x3FAC] =	sst s4  }
0xd: {  	[smem:$0x3FAD] =	sst s5  }
0xe: {  	[smem:$0x3FAE] =	sst s6  }
0xf: {  	[smem:$0x3FAF] =	sst s7  }
0x10: {  	[smem:$0x3FB0] =	sst s8  }
0x11: {  	[smem:$0x3FB1] =	sst s9;
	s0 =	simm.s32 @!p0 $0x0  }
0x12: {  	s1 =	sld [smem:$0x3F97];
	s0 =	simm.s32 @p0 $0x1  }
0x13: {  	[smem:$0x3FB2] =	sst s0;
	s0 =	simm.s32 @!p1 $0x0  }
0x14: {  	s2 =	sld [smem:$0x3F96];
	s0 =	simm.s32 @p1 $0x1  }
0x15: {  	[smem:$0x3FB3] =	sst s0;
	s0 =	simm.s32 @!p2 $0x0  }
0x16: {  	s3 =	sld [smem:$0x3FDB];
	s0 =	simm.s32 @p2 $0x1  }
0x17: {  	s4 =	simm.s32 $0x1BF5;
	[smem:$0x3FB5] =	sst s0  }
0x18: {  	s0 =	sld [smem:$0x3F98];
	_ =	swait.ge [sflag:s4], $0x0  }
0x19: {  	s7 =	sld [smem:$0x3F99]  }
0x1a: {  	s8 =	sadd.s32 $0xFFFFE003, lr  }
0x1b: {  	s9 =	sadd.s32 $0xFFFFFEF7, lr;
	s5 =	simm.s32 $0xFFFFFFFF;
	p2 =	slt.u32 s8, $0xFFFFF086  }
0x1c: {  	p1 =	slt.u32 s9, $0xF7A;
	s5 =	simm.s32 @!p2 $0x0  }
0x1d: {  	s5 =	simm.s32 @p1 $0x1;
	p0 =	seq.s32 s7, s2  }
0x1e: {  	s7 =	smul.u32 @!p0 $0xF7A, s2;
	p2 =	seq.s32 @!p0 s5, $0x0  }
0x1f: {  	s9 =	smul.u32 $0xF7A, s1;
	s8 =	simm.s32 @!p0 $0x1BF5;
	p2 =	por !p2, p0  }
0x20: {  	[sflag:s8] =	ssyncset.s32 @!p0 $0xFFFFF086;
	s6 =	sadd.s32 @!p0 s3, s7;
	s7 =	simm.s32 @!p0 $0x108  }
0x21: {  	s3 =	sadd.s32 s3, s9;
	s6 =	sadd.s32 @!p0 $0x88, s6;
	s7 =	simm.s32 @p2 $0x1082  }
0x22: {  	[simem:s7], [sflag:s8] =	dma.local @!p0 [hbm:s6], $0xF7A  }
0x23: {  	s9 =	sor.u32 $0xD0000000, s2;
	s6 =	simm.s32 $0x108;
	_ =	swait.ge @!p0 [sflag:s8], $0x0  }
0x24: {  	s3 =	sadd.s32 $0x88, s3;
	s6 =	simm.s32 @!p1 $0x1082;
	[sflag:s4] =	ssyncset.s32 $0xFFFFF086  }
0x25: {  	[simem:s6], [sflag:s4] =	dma.local [hbm:s3], $0xF7A  }
0x26: {  	[smem:$0x3F99] =	sst s1;
	(tag) =	ssettag s2;
	_ =	strace s9  }
0x27: {  	s1 =	sld [smem:$0x3FA9]  }
0x28: {  	s2 =	sld [smem:$0x3FAA]  }
0x29: {  	s4 =	sld [smem:$0x3FAC]  }
0x2a: {  	p0 =	seq.s32 s5, $0x0;
	s5 =	sld [smem:$0x3FAD]  }
0x2b: {  	s6 =	sld [smem:$0x3FAE]  }
0x2c: {  	s7 =	sld [smem:$0x3FAF]  }
0x2d: {  	s3 =	simm.s32 $0x108;
	s8 =	sld [smem:$0x3FB0]  }
0x2e: {  	s3 =	simm.s32 @!p0 $0x1082;
	s9 =	sld [smem:$0x3FB1]  }
0x2f: {  	lr =	sadd.s32 s0, s3;
	s0 =	sld [smem:$0x3FA8]  }
0x30: {  	s3 =	sld [smem:$0x3FAB]  }
0x31: {  	[smem:$0x3FB4] =	sst s10  }
0x32: {  	s10 =	sld [smem:$0x3FB2];
	_ =	sdelay $0x3  }
0x33: {  	p0 =	seq.s32 s10, $0x1;
	s10 =	sld [smem:$0x3FB4];
	_ =	sdelay $0x3  }
0x34: {  	[smem:$0x3FB4] =	sst s10  }
0x35: {  	s10 =	sld [smem:$0x3FB3];
	_ =	sdelay $0x3  }
0x36: {  	p1 =	seq.s32 s10, $0x1;
	s10 =	sld [smem:$0x3FB4];
	_ =	sdelay $0x3  }
0x37: {  	[smem:$0x3FB4] =	sst s10  }
0x38: {  	s10 =	sld [smem:$0x3FB5]  }
0x39: {  	_ = 	snop;
	(pc) =	sbr.ind lr, $3  }
0x3a: {  	_ = 	snop  }
0x3b: {  	_ = 	snop  }
0x3c: {  	p2 =	seq.s32 s10, $0x1;
	s10 =	sld [smem:$0x3FB4]  }
0x3d: {  	_ =	shalt  }
0x3e: {  	_ =	shalt  }
0x3f: {  	_ =	shalt  }
0x40: {  	_ =	shalt  }
0x41: {  	_ =	shalt  }
0x42: {  	_ =	shalt  }
0x43: {  	_ =	shalt  }
0x44: {  	_ =	shalt  }
0x45: {  	_ =	shalt  }
0x46: {  	_ =	shalt  }
0x47: {  	_ =	shalt  }
0x48: {  	_ =	shalt  }
0x49: {  	_ =	shalt  }
0x4a: {  	_ =	shalt  }
0x4b: {  	_ =	shalt  }
0x4c: {  	_ =	shalt  }
0x4d: {  	_ =	shalt  }
0x4e: {  	_ =	shalt  }
0x4f: {  	_ =	shalt  }
0x50: {  	_ =	shalt  }
0x51: {  	_ =	shalt  }
0x52: {  	_ =	shalt  }
0x53: {  	_ =	shalt  }
0x54: {  	_ =	shalt  }
0x55: {  	_ =	shalt  }
0x56: {  	_ =	shalt  }
0x57: {  	_ =	shalt  }
0x58: {  	_ =	shalt  }
0x59: {  	_ =	shalt  }
0x5a: {  	_ =	shalt  }
0x5b: {  	_ =	shalt  }
0x5c: {  	_ =	shalt  }
0x5d: {  	_ =	shalt  }
0x5e: {  	_ =	shalt  }
0x5f: {  	_ =	shalt  }
0x60: {  	_ =	shalt  }
0x61: {  	_ =	shalt  }
0x62: {  	_ =	shalt  }
0x63: {  	_ =	shalt  }
0x64: {  	_ =	shalt  }
0x65: {  	_ =	shalt  }
0x66: {  	_ =	shalt  }
0x67: {  	_ =	shalt  }
0x68: {  	_ =	shalt  }
0x69: {  	_ =	shalt  }
0x6a: {  	_ =	shalt  }
0x6b: {  	_ =	shalt  }
0x6c: {  	_ =	shalt  }
0x6d: {  	_ =	shalt  }
0x6e: {  	_ =	shalt  }
0x6f: {  	_ =	shalt  }
0x70: {  	_ =	shalt  }
0x71: {  	_ =	shalt  }
0x72: {  	_ =	shalt  }
0x73: {  	_ =	shalt  }
0x74: {  	_ =	shalt  }
0x75: {  	_ =	shalt  }
0x76: {  	_ =	shalt  }
0x77: {  	_ =	shalt  }
0x78: {  	_ =	shalt  }
0x79: {  	_ =	shalt  }
0x7a: {  	_ =	shalt  }
0x7b: {  	_ =	shalt  }
0x7c: {  	_ =	shalt  }
0x7d: {  	_ =	shalt  }
0x7e: {  	_ =	shalt  }
0x7f: {  	_ =	shalt  }
0x80: {  	_ =	shalt  }
0x81: {  	_ =	shalt  }
0x82: {  	_ =	shalt  }
0x83: {  	_ =	shalt  }
0x84: {  	_ =	shalt  }
0x85: {  	_ =	shalt  }
0x86: {  	_ =	shalt  }
0x87: {  	_ =	shalt  }
.Lfunc_end0:
.L_simem_size_0:
called_computation.2_lowered:
.L_overlay_start_0:
0x88: {  	s2 =	sld [smem:$0x3FD9]  }
0x89: {  	s3 =	sld [smem:$0x3FFE];
	_ =	sdelay $0x1  }
0x8a: {  	s1 =	srdreg.scid  }
0x8b: {  	s0 =	sand.u32 $0x1, s1  }
0x8c: {  	s17 =	sshll.u32 s0, $0xA;
	s2 =	sadd.s32 s3, s2  }
0x8d: {  	s2 =	sadd.s32 s2, s17  }
0x8e: {  	[smem:$0x3FC0] =	sst s2  }
0x8f: {  	_ = 	snop  }
0x90: {  	s2 =	sld [smem:$0x3FD0];
	(tm) =	ssettm $0x1  }
0x91: {  	s18 =	sld [smem:$0x3FFB];
	_ =	sdelay $0x3  }
0x92: {  	_ =	strace s18  }
0x93: {  	s3 =	sld [smem:$0x3FFC];
	_ =	sdelay $0x3  }
0x94: {  	_ =	strace s3  }
0x95: {  	s3 =	sld [smem:$0x3FFD];
	_ =	sdelay $0x3  }
0x96: {  	_ =	strace s3  }
0x97: {  	_ =	strace $0x8FFFFFFF  }
0x98: {  	s19 =	sld [smem:$0x3FDB];
	_ =	sdelay $0x1  }
0x99: {  	s4 =	simm.s32 $_scs_section_size  }
0x9a: {  	s5 =	simm.s32 $_size__tile_overlayer_lowered;
	s6 =	simm.s32 $_tile_overlayer_lowered  }
0x9b: {  	s22 =	simm.s32 $0x1BFF;
	s21 =	sshll.u32 s6, $0x1;
	s3 =	sadd.s32 s4, s19  }
0x9c: {  	s7 =	simm.s32 $0x0;
	s20 =	sshll.u32 s5, $0x1;
	s5 =	sadd.s32 s21, s3  }
0x9d: {  	[timem:s7], [sflag:s22] =	dma.local [hbm:s5], s20  }
0x9e: {  	_ =	swait.ge [sflag:s22], s20  }
0x9f: {  	s4 =	ssub.s32 $0x0, s20;
	[sflag:s22] =	ssyncset.done $0x0  }
0xa0: {  	[sflag:s22] =	ssyncadd.s32 s4;
	_ =	sdelay $0x1  }
0xa1: {  	s23 =	simm.s32 $0x1B8B  }
0xa2: {  	_ =	swait.ge [sflag:s23], $0x1  }
0xa3: {  	[sflag:s23] =	ssyncset.done $0x0  }
0xa4: {  	s25 =	simm.s32 $0x1B8E;
	s24 =	sld [smem:$0x3FFE];
	[sflag:s23] =	ssyncadd.s32 $0xFFFFFFFF  }
0xa5: {  	s26 =	simm.s32 $execute0_lowered;
	[smem:$0x3FD2] =	sst s25  }
0xa6: {  	s5 =	sshll.u32 s26, $0x1;
	_ =	strace $0x8000004C;
	[dreg:$0x1] =	wrdreg $0xFFFFFFFF  }
0xa7: {  	s28 =	simm.s32 $_size_execute0_lowered;
	s3 =	sadd.s32 s3, s5;
	[dreg:$0x0] =	wrdreg $0x0  }
0xa8: {  	s5 =	sshll.u32 s28, $0x1;
	[dreg:$0x2] =	wrdreg s3  }
0xa9: {  	[dreg:$0x3] =	wrdreg s5  }
0xaa: {  	[dreg:$0x4] =	wrdreg $0xC0  }
0xab: {  	_ =	task [dreg:s7], $0x5FFFF  }
0xac: {  	[dreg:$0x1] =	wrdreg $0xFFFFFFFF  }
0xad: {  	[dreg:$0x0] =	wrdreg $0x60  }
0xae: {  	[dreg:$0x2] =	wrdreg s2  }
0xaf: {  	[dreg:$0x3] =	wrdreg s24  }
0xb0: {  	[dreg:$0x4] =	wrdreg $0x9C000  }
0xb1: {  	[dreg:$0x5] =	wrdreg $0x9  }
0xb2: {  	_ =	task.clear_ibuf [dreg:s7], $0x6FFFF;
	_ =	strace $0x9000004C  }
0xb3: {  	s29 =	simm.s32 $0x9;
	_ =	strace $0x8000004E  }
0xb4: {  	_ =	swait.ge [sflag:s29], $0x1  }
0xb5: {  	[sflag:s29] =	ssyncadd.s32 $0xFFFFFFFF  }
0xb6: {  	_ =	strace $0x9000004E  }
0xb7: {  	_ =	sfence  }
0xb8: {  	s30 =	sld [smem:$0x0];
	_ =	sdelay $0x2  }
0xb9: {  	s31 =	sshll.u32 s1, $0xD;
	s1 =	sshrl.u32 s1, $0x2  }
0xba: {  	s3 =	sand.u32 $0x4000, s31;
	s1 =	sadd.s32 s1, s30  }
0xbb: {  	s0 =	sor.u32 s3, s0;
	s1 =	sshll.u32 s1, $0x11  }
0xbc: {  	s0 =	sor.u32 s1, s0  }
0xbd: {  	s0 =	sadd.s32 $0x8F2B, s0  }
0xbe: {  	[sflag:s0] =	ssyncadd.remote.s32 $0x1  }
0xbf: {  	_ =	sfence.sel $0xFFFF  }
0xc0: {  	[dreg:$0x0] =	wrdreg $0xFFFFFFFF;
	(pc) =	sbr.abs _section_cstart, $3  }
0xc1: {  	[dreg:$0x1] =	wrdreg $0xFFFFFFFF  }
0xc2: {  	_ =	task.clear_ibuf [dreg:s7], $0x2FFFF;
	_ =	strace $0x9FFFFFFF  }
0xc3: {  	(tm) =	ssettm $0x7FFFFFFF  }
tec
execute0_lowered:
.L_overlay_start_1:
0x0: {  	(tag) =	ssettag $0x1  }
0x1: {  	s1 =	rddreg [dreg:$0x0]  }
0x2: {  	s5 =	rddreg [dreg:$0x1]  }
0x3: {  	s0 =	srdreg.scid;
	s3 =	rddreg [dreg:$0x2];
	s25 =	simm.s32 $0x0  }
0x4: {  	s13 =	simm.s32 $0x189;
	s17 =	simm.s32 $0x6C00;
	s18 =	simm.s32 $0x20  }
0x5: {  	s19 =	simm.s32 $0x6800;
	s20 =	simm.s32 $0x6880;
	s22 =	simm.s32 $0x6A00  }
0x6: {  	s21 =	simm.s32 $0x7C00;
	s23 =	simm.s32 $0x6A80;
	s24 =	simm.s32 $0x1  }
0x7: {  	s28 =	simm.s32 $0x0;
	s6 =	sand.u32 $0x1, s0;
	s0 =	stileid.u32  }
0x8: {  	[smem:$0x7FF] =	sst s25;
	s25 =	simm.s32 $0x6B00;
	s7 =	smul.u32 $0x13C000, s6  }
0x9: {  	s2 =	sshll.u32 s6, $0x4;
	s9 =	smul.u32 $0x13C00, s0;
	_ =	strace $0x8000004D  }
0xa: {  	p0 =	seq.s32 s6, $0x0;
	s26 =	smul.u32 $0x4F000, s0;
	[dreg:$0x5] =	wrdreg s22  }
0xb: {  	s29 =	ssub.s32 $0x2, s6;
	s22 =	simm.s32 $0x6900;
	[dreg:$0x6] =	wrdreg s23  }
0xc: {  	s23 =	simm.s32 $0x8C00;
	[dreg:$0x7] =	wrdreg s25;
	s25 =	simm.s32 $0x2  }
0xd: {  	s8 =	sor.u32 s0, s2;
	s13 =	simm.s32 @!p0 $0xEA;
	s6 =	sshrl.u32 s29, $0x1  }
0xe: {  	s8 =	smul.u32 $0xD00, s8;
	s7 =	sadd.s32 s9, s7;
	s30 =	sshrl.u32 s26, $0x2  }
0xf: {  	s31 =	smul.u32 $0x5556, s13;
	s15 =	ssub.s32 s29, s6;
	s13 =	sadd.s32 $0xFFFFFFFF, s13  }
0x10: {  	s26 =	simm.s32 $0x3;
	s7 =	sshrl.u32 s7, $0x3;
	s6 =	sadd.s32 s30, s3  }
0x11: {  	s15 =	smax.u32 s15, $0x1;
	s8 =	sadd.s32 s8, s5;
	s14 =	sadd.s32 s7, s5  }
0x12: {  	s7 =	sadd.s32 $0x3000, s6;
	s11 =	sshrl.u32 s31, $0x10;
	s9 =	sadd.s32 $0x9000, s6  }
0x13: {  	s10 =	sadd.s32 $0xC000, s6;
	s12 =	sadd.s32 $0x12000, s6;
	s16 =	smul.u32 $0x3, s11  }
0x14: {  	s5 =	sadd.s32 $0xC600, s8;
	s8 =	sadd.s32 $0x6000, s6;
	s11 =	sadd.s32 $0xF000, s6  }
0x15: {  	v0 =	vimm.f32 $0.0e+00;
	s14 =	sadd.s32 $0x4D800, s14;
	[dreg:$0x4] =	wrdreg s16;
	s16 =	simm.s32 $0x4  }
.LBB2_1:
0x16: {  	s2 =	simm.s32 $0x0  }
0x17: {  	[tilespmem:s2], [sflag:$0x4] =	stream.linear.gather [hbm4b:s5+s2], $0x6800, $0x38;
	[tilespmem:$0x1D800] =	vst v63  }
0x18: {  	_ =	swait.ge [sflag:s16], $0x6800  }
0x19: {  	[sflag:s16] =	ssyncset.done $0x0  }
0x1a: {  	s29 =	simm.s32 $0x0;
	s30 =	simm.s32 $0x200;
	[sflag:s16] =	ssyncadd.s32 $0xFFFF9800  }
.LBB2_2:
0x1b: {  	p0 =	sne.s32 s30, $0xBE00;
	[tilespmem:s29+$0x6C70] =	vst v0  }
0x1c: {  	[tilespmem:s29+$0x6C00] =	vst v0  }
0x1d: {  	[tilespmem:s29+$0x6C10] =	vst v0  }
.Ltmp0:
0x1e: {  	[tilespmem:s29+$0x6C20] =	vst v0;
	(pc) =	sbr.rel @p0 .LBB2_2-.Ltmp0, $4  }
0x1f: {  	[tilespmem:s29+$0x6C30] =	vst v0  }
0x20: {  	[tilespmem:s29+$0x6C40] =	vst v0  }
0x21: {  	[tilespmem:s29+$0x6C50] =	vst v0  }
0x22: {  	[tilespmem:s29+$0x6C60] =	vst v0;
	s29 =	sshra.s32 s30, $0x2;
	s30 =	sadd.s32 $0x200, s30  }
0x23: {  	[tilespmem:s29+$0x6C70] =	vst v0  }
0x24: {  	[tilespmem:s29+$0x6C00] =	vst v0  }
0x25: {  	[tilespmem:s29+$0x6C10] =	vst v0  }
0x26: {  	[tilespmem:s29+$0x6C20] =	vst v0  }
0x27: {  	[tilespmem:s29+$0x6C30] =	vst v0  }
0x28: {  	[tilespmem:s29+$0x6C40] =	vst v0  }
0x29: {  	[tilespmem:s29+$0x6C50] =	vst v0  }
0x2a: {  	[tilespmem:s29+$0x6C60] =	vst v0  }
0x2b: {  	[spmem:s6] =	stream.linear.scatter [tilespmem:s17], [sflag:$0x4], $0x3000, $0x38;
	[tilespmem:$0x1D800] =	vst v63  }
0x2c: {  	_ =	swait.ge [sflag:s16], $0x3000  }
0x2d: {  	[sflag:s16] =	ssyncset.done $0x0  }
0x2e: {  	[sflag:s16] =	ssyncadd.s32 $0xFFFFD000  }
0x2f: {  	[spmem:s7] =	stream.linear.scatter [tilespmem:s17], [sflag:$0x4], $0x3000, $0x38;
	[tilespmem:$0x1D800] =	vst v63  }
0x30: {  	_ =	swait.ge [sflag:s16], $0x3000  }
0x31: {  	[sflag:s16] =	ssyncset.done $0x0  }
0x32: {  	[sflag:s16] =	ssyncadd.s32 $0xFFFFD000  }
0x33: {  	[spmem:s8] =	stream.linear.scatter [tilespmem:s17], [sflag:$0x4], $0x3000, $0x38;
	[tilespmem:$0x1D800] =	vst v63  }
0x34: {  	_ =	swait.ge [sflag:s16], $0x3000  }
0x35: {  	[sflag:s16] =	ssyncset.done $0x0  }
0x36: {  	[sflag:s16] =	ssyncadd.s32 $0xFFFFD000  }
0x37: {  	[spmem:s9] =	stream.linear.scatter [tilespmem:s17], [sflag:$0x4], $0x3000, $0x38;
	[tilespmem:$0x1D800] =	vst v63  }
0x38: {  	_ =	swait.ge [sflag:s16], $0x3000  }
0x39: {  	[sflag:s16] =	ssyncset.done $0x0  }
0x3a: {  	[sflag:s16] =	ssyncadd.s32 $0xFFFFD000  }
0x3b: {  	[spmem:s10] =	stream.linear.scatter [tilespmem:s17], [sflag:$0x4], $0x3000, $0x38;
	[tilespmem:$0x1D800] =	vst v63  }
0x3c: {  	_ =	swait.ge [sflag:s16], $0x3000  }
0x3d: {  	[sflag:s16] =	ssyncset.done $0x0  }
0x3e: {  	[sflag:s16] =	ssyncadd.s32 $0xFFFFD000  }
0x3f: {  	[spmem:s11] =	stream.linear.scatter [tilespmem:s17], [sflag:$0x4], $0x3000, $0x38;
	[tilespmem:$0x1D800] =	vst v63  }
0x40: {  	_ =	swait.ge [sflag:s16], $0x3000  }
0x41: {  	[sflag:s16] =	ssyncset.done $0x0  }
0x42: {  	[sflag:s16] =	ssyncadd.s32 $0xFFFFD000  }
0x43: {  	[spmem:s12] =	stream.linear.scatter [tilespmem:s17], [sflag:$0x4], $0x1C00, $0x38;
	[tilespmem:$0x1D800] =	vst v63  }
0x44: {  	_ =	swait.ge [sflag:s16], $0x1C00  }
0x45: {  	[sflag:s16] =	ssyncset.done $0x0  }
0x46: {  	[sflag:s16] =	ssyncadd.s32 $0xFFFFE400  }
0x47: {  	[bflag:$0x0] =	sbarrier.arrive $0xFFFF  }
0x48: {  	v1 =	vld [tilespmem:$0x0];
	_ =	sdelay $0x1  }
0x49: {  	v2 =	vld [tilespmem:$0x10];
	_ =	sdelay $0x2  }
0x4a: {  	v3 =	vand.u32 $0x3FFF, v1  }
0x4b: {  	v1 =	vshra.s32 v1, $0xE;
	[tilespmem:$0x6800] =	vst v3  }
0x4c: {  	[tilespmem:$0x6A00] =	vst v1;
	v1 =	vand.u32 $0x3FFF, v2  }
0x4d: {  	[tilespmem:$0x6810] =	vst v1;
	v1 =	vshra.s32 v2, $0xE  }
0x4e: {  	[tilespmem:$0x6A10] =	vst v1  }
0x4f: {  	[tilespmem:s17], [sflag:$0x1] =	stream.indirect.gather [hbm4b:s1+s18], $0x80, s19, s18, $0xb8;
	[tilespmem:$0x1D800] =	vst v63  }
0x50: {  	v1 =	vld [tilespmem:$0x20];
	_ =	sdelay $0x1  }
0x51: {  	v2 =	vld [tilespmem:$0x30];
	_ =	sdelay $0x2  }
0x52: {  	v3 =	vand.u32 $0x3FFF, v1  }
0x53: {  	v1 =	vshra.s32 v1, $0xE;
	[tilespmem:$0x6880] =	vst v3  }
0x54: {  	[tilespmem:$0x6A80] =	vst v1;
	v1 =	vand.u32 $0x3FFF, v2  }
0x55: {  	[tilespmem:$0x6890] =	vst v1;
	v1 =	vshra.s32 v2, $0xE  }
0x56: {  	[tilespmem:$0x6A90] =	vst v1  }
0x57: {  	[tilespmem:s21], [sflag:$0x2] =	stream.indirect.gather [hbm4b:s1+s18], $0x80, s20, s18, $0xb8;
	[tilespmem:$0x1D800] =	vst v63  }
0x58: {  	v1 =	vld [tilespmem:$0x80];
	_ =	sdelay $0x1  }
0x59: {  	v2 =	vld [tilespmem:$0x90];
	_ =	sdelay $0x2  }
0x5a: {  	v3 =	vand.u32 $0x3FFF, v1  }
0x5b: {  	v1 =	vshra.s32 v1, $0xE;
	[tilespmem:$0x6900] =	vst v3  }
0x5c: {  	[tilespmem:$0x6B00] =	vst v1;
	v1 =	vand.u32 $0x3FFF, v2  }
0x5d: {  	[tilespmem:$0x6910] =	vst v1;
	v1 =	vshra.s32 v2, $0xE  }
0x5e: {  	[tilespmem:$0x6B10] =	vst v1  }
0x5f: {  	[tilespmem:s23], [sflag:$0x3] =	stream.indirect.gather [hbm4b:s1+s18], $0x80, s22, s18, $0xb8;
	[tilespmem:$0x1D800] =	vst v63  }
0x60: {  	s29 =	simm.s32 $0x3;
	_ =	swait.ge [sflag:s24], $0x1000  }
0x61: {  	p0 =	sgt.s32 s13, $0x3;
	s31 =	smov.u32 s13;
	[sflag:s24] =	ssyncset.done $0x0  }
0x62: {  	s31 =	smov.u32 @p0 s29;
	s30 =	rddreg [dreg:$0x5];
	[sflag:s24] =	ssyncadd.s32 $0xFFFFF000  }
0x63: {  	[spmem:s3] =	stream.indirect.scatter.add.f32 [tilespmem:s17], [sflag:$0x4], $0x80, s30, s18, $0xb8;
	[tilespmem:$0x1D800] =	vst v63  }
0x64: {  	s2 =	sshll.u32 s31, $0x5;
	s31 =	sshll.u32 s31, $0x6;
	_ =	swait.ge [sflag:s16], $0x1000  }
0x65: {  	s31 =	sand.u32 $0x7F80, s31;
	s30 =	sand.u32 $0x20, s2;
	[sflag:s16] =	ssyncset.done $0x0  }
0x66: {  	s30 =	sor.u32 s30, s31;
	[sflag:s16] =	ssyncadd.s32 $0xFFFFF000  }
0x67: {  	v1 =	vld [tilespmem:s30+$0x0];
	_ =	sdelay $0x4  }
0x68: {  	v2 =	vand.u32 $0x3FFF, v1  }
0x69: {  	v1 =	vshra.s32 v1, $0xE;
	[tilespmem:$0x6800] =	vst v2  }
0x6a: {  	[tilespmem:$0x6A00] =	vst v1  }
0x6b: {  	v1 =	vld [tilespmem:s30+$0x10];
	_ =	sdelay $0x4  }
0x6c: {  	v2 =	vand.u32 $0x3FFF, v1  }
0x6d: {  	v1 =	vshra.s32 v1, $0xE;
	[tilespmem:$0x6810] =	vst v2  }
0x6e: {  	[tilespmem:$0x6A10] =	vst v1  }
0x6f: {  	[tilespmem:s17], [sflag:$0x1] =	stream.indirect.gather [hbm4b:s1+s18], $0x80, s19, s18, $0xb8;
	[tilespmem:$0x1D800] =	vst v63  }
0x70: {  	p0 =	sgt.s32 s13, $0x4;
	_ =	swait.ge [sflag:s25], $0x1000  }
0x71: {  	s2 =	smov.u32 s13;
	s31 =	simm.s32 $0x4;
	[sflag:s25] =	ssyncset.done $0x0  }
0x72: {  	s2 =	smov.u32 @p0 s31;
	s4 =	rddreg [dreg:$0x6];
	[sflag:s25] =	ssyncadd.s32 $0xFFFFF000  }
0x73: {  	[spmem:s3] =	stream.indirect.scatter.add.f32 [tilespmem:s21], [sflag:$0x4], $0x80, s4, s18, $0xb8;
	[tilespmem:$0x1D800] =	vst v63  }
0x74: {  	s4 =	sshll.u32 s2, $0x6;
	s2 =	sshll.u32 s2, $0x5;
	_ =	swait.ge [sflag:s16], $0x1000  }
0x75: {  	s2 =	sand.u32 $0x20, s2;
	s30 =	sand.u32 $0x7F80, s4;
	[sflag:s16] =	ssyncset.done $0x0  }
0x76: {  	s2 =	sor.u32 s2, s30;
	[sflag:s16] =	ssyncadd.s32 $0xFFFFF000  }
0x77: {  	v1 =	vld [tilespmem:s2+$0x0];
	_ =	sdelay $0x4  }
0x78: {  	v2 =	vand.u32 $0x3FFF, v1  }
0x79: {  	v1 =	vshra.s32 v1, $0xE;
	[tilespmem:$0x6880] =	vst v2  }
0x7a: {  	[tilespmem:$0x6A80] =	vst v1  }
0x7b: {  	v1 =	vld [tilespmem:s2+$0x10];
	_ =	sdelay $0x4  }
0x7c: {  	v2 =	vand.u32 $0x3FFF, v1  }
0x7d: {  	v1 =	vshra.s32 v1, $0xE;
	[tilespmem:$0x6890] =	vst v2  }
0x7e: {  	[tilespmem:$0x6A90] =	vst v1  }
0x7f: {  	[tilespmem:s21], [sflag:$0x2] =	stream.indirect.gather [hbm4b:s1+s18], $0x80, s20, s18, $0xb8;
	[tilespmem:$0x1D800] =	vst v63  }
0x80: {  	_ =	swait.ge [sflag:s26], $0x1000  }
0x81: {  	[sflag:s26] =	ssyncset.done $0x0  }
0x82: {  	s30 =	rddreg [dreg:$0x7];
	[sflag:s26] =	ssyncadd.s32 $0xFFFFF000  }
0x83: {  	[spmem:s3] =	stream.indirect.scatter.add.f32 [tilespmem:s23], [sflag:$0x4], $0x80, s30, s18, $0xb8;
	[tilespmem:$0x1D800] =	vst v63  }
0x84: {  	p0 =	sgt.s32 s13, $0x5;
	_ =	swait.ge [sflag:s16], $0x1000  }
0x85: {  	s2 =	simm.s32 $0x5;
	s30 =	smov.u32 s13;
	s4 =	rddreg [dreg:$0x4]  }
0x86: {  	s30 =	smov.u32 @p0 s2;
	p0 =	sne.s32 s4, $0x3  }
.Ltmp1:
0x87: {  	_ = 	snop;
	(pc) =	sbr.rel @!p0 .LBB2_5-.Ltmp1, $4  }
0x88: {  	s31 =	sshll.u32 s30, $0x5;
	s30 =	sshll.u32 s30, $0x6  }
0x89: {  	[sflag:s16] =	ssyncset.done $0x0;
	s31 =	sand.u32 $0x20, s31;
	s30 =	sand.u32 $0x7F80, s30  }
0x8a: {  	[sflag:s16] =	ssyncadd.s32 $0xFFFFF000;
	s31 =	sor.u32 s31, s30  }
0x8b: {  	v1 =	vld [tilespmem:s31+$0x0]  }
.LBB2_4:
0x8c: {  	_ =	sdelay $0x3  }
0x8d: {  	v2 =	vand.u32 $0x3FFF, v1  }
0x8e: {  	v1 =	vshra.s32 v1, $0xE;
	[tilespmem:$0x6900] =	vst v2  }
0x8f: {  	[tilespmem:$0x6B00] =	vst v1  }
0x90: {  	v1 =	vld [tilespmem:s31+$0x10];
	_ =	sdelay $0x4  }
0x91: {  	v2 =	vand.u32 $0x3FFF, v1  }
0x92: {  	v1 =	vshra.s32 v1, $0xE;
	[tilespmem:$0x6910] =	vst v2  }
0x93: {  	[tilespmem:$0x6B10] =	vst v1  }
0x94: {  	[tilespmem:s23], [sflag:$0x3] =	stream.indirect.gather [hbm4b:s1+s18], $0x80, s22, s18, $0xb8;
	[tilespmem:$0x1D800] =	vst v63  }
0x95: {  	s30 =	smov.u32 s29;
	s29 =	sadd.s32 $0x3, s29;
	_ =	swait.ge [sflag:s24], $0x1000  }
0x96: {  	s2 =	smov.u32 s13;
	p0 =	slt.s32 s29, s13;
	[sflag:s24] =	ssyncset.done $0x0  }
0x97: {  	s2 =	smov.u32 @p0 s29;
	s31 =	rddreg [dreg:$0x5];
	[sflag:s24] =	ssyncadd.s32 $0xFFFFF000  }
0x98: {  	[spmem:s3] =	stream.indirect.scatter.add.f32 [tilespmem:s17], [sflag:$0x4], $0x80, s31, s18, $0xb8;
	[tilespmem:$0x1D800] =	vst v63  }
0x99: {  	s4 =	sshll.u32 s2, $0x5;
	s2 =	sshll.u32 s2, $0x6;
	_ =	swait.ge [sflag:s16], $0x1000  }
0x9a: {  	s4 =	sand.u32 $0x20, s4;
	s2 =	sand.u32 $0x7F80, s2;
	[sflag:s16] =	ssyncset.done $0x0  }
0x9b: {  	s2 =	sor.u32 s4, s2;
	[sflag:s16] =	ssyncadd.s32 $0xFFFFF000  }
0x9c: {  	v1 =	vld [tilespmem:s2+$0x0];
	_ =	sdelay $0x4  }
0x9d: {  	v2 =	vand.u32 $0x3FFF, v1  }
0x9e: {  	v1 =	vshra.s32 v1, $0xE;
	[tilespmem:$0x6800] =	vst v2  }
0x9f: {  	[tilespmem:$0x6A00] =	vst v1  }
0xa0: {  	v1 =	vld [tilespmem:s2+$0x10];
	_ =	sdelay $0x4  }
0xa1: {  	v2 =	vand.u32 $0x3FFF, v1  }
0xa2: {  	v1 =	vshra.s32 v1, $0xE;
	[tilespmem:$0x6810] =	vst v2  }
0xa3: {  	[tilespmem:$0x6A10] =	vst v1  }
0xa4: {  	[tilespmem:s17], [sflag:$0x1] =	stream.indirect.gather [hbm4b:s1+s18], $0x80, s19, s18, $0xb8;
	[tilespmem:$0x1D800] =	vst v63  }
0xa5: {  	s2 =	sadd.s32 $0x4, s30;
	_ =	swait.ge [sflag:s25], $0x1000  }
0xa6: {  	s4 =	smov.u32 s13;
	p0 =	slt.s32 s2, s13;
	[sflag:s25] =	ssyncset.done $0x0  }
0xa7: {  	s4 =	smov.u32 @p0 s2;
	s31 =	rddreg [dreg:$0x6];
	[sflag:s25] =	ssyncadd.s32 $0xFFFFF000  }
0xa8: {  	[spmem:s3] =	stream.indirect.scatter.add.f32 [tilespmem:s21], [sflag:$0x4], $0x80, s31, s18, $0xb8;
	[tilespmem:$0x1D800] =	vst v63  }
0xa9: {  	s2 =	sshll.u32 s4, $0x6;
	s4 =	sshll.u32 s4, $0x5;
	_ =	swait.ge [sflag:s16], $0x1000  }
0xaa: {  	s4 =	sand.u32 $0x20, s4;
	s2 =	sand.u32 $0x7F80, s2;
	[sflag:s16] =	ssyncset.done $0x0  }
0xab: {  	s2 =	sor.u32 s4, s2;
	[sflag:s16] =	ssyncadd.s32 $0xFFFFF000  }
0xac: {  	v1 =	vld [tilespmem:s2+$0x0];
	_ =	sdelay $0x4  }
0xad: {  	v2 =	vand.u32 $0x3FFF, v1  }
0xae: {  	v1 =	vshra.s32 v1, $0xE;
	[tilespmem:$0x6880] =	vst v2  }
0xaf: {  	[tilespmem:$0x6A80] =	vst v1  }
0xb0: {  	v1 =	vld [tilespmem:s2+$0x10];
	_ =	sdelay $0x4  }
0xb1: {  	v2 =	vand.u32 $0x3FFF, v1  }
0xb2: {  	s2 =	sadd.s32 $0x5, s30;
	v1 =	vshra.s32 v1, $0xE;
	[tilespmem:$0x6890] =	vst v2  }
0xb3: {  	s4 =	smov.u32 s13;
	p0 =	slt.s32 s2, s13;
	[tilespmem:$0x6A90] =	vst v1  }
0xb4: {  	[tilespmem:s21], [sflag:$0x2] =	stream.indirect.gather [hbm4b:s1+s18], $0x80, s20, s18, $0xb8;
	[tilespmem:$0x1D800] =	vst v63  }
0xb5: {  	s4 =	smov.u32 @p0 s2;
	_ =	swait.ge [sflag:s26], $0x1000  }
0xb6: {  	s30 =	sshll.u32 s4, $0x5;
	[sflag:s26] =	ssyncset.done $0x0  }
0xb7: {  	s4 =	sshll.u32 s4, $0x6;
	s2 =	rddreg [dreg:$0x7];
	[sflag:s26] =	ssyncadd.s32 $0xFFFFF000  }
0xb8: {  	[spmem:s3] =	stream.indirect.scatter.add.f32 [tilespmem:s23], [sflag:$0x4], $0x80, s2, s18, $0xb8;
	[tilespmem:$0x1D800] =	vst v63  }
0xb9: {  	s30 =	sand.u32 $0x20, s30;
	s4 =	sand.u32 $0x7F80, s4;
	_ =	swait.ge [sflag:s16], $0x1000  }
0xba: {  	s31 =	sor.u32 s30, s4;
	s30 =	rddreg [dreg:$0x4]  }
0xbb: {  	p0 =	sne.s32 s30, s29  }
.Ltmp2:
0xbc: {  	_ = 	snop;
	(pc) =	sbr.rel @p0 .LBB2_4-.Ltmp2, $4  }
0xbd: {  	_ = 	snop  }
0xbe: {  	[sflag:s16] =	ssyncset.done $0x0  }
0xbf: {  	[sflag:s16] =	ssyncadd.s32 $0xFFFFF000  }
0xc0: {  	v1 =	vld [tilespmem:s31+$0x0]  }
.LBB2_5:
0xc1: {  	_ =	sdelay $0x3  }
0xc2: {  	v2 =	vand.u32 $0x3FFF, v1  }
0xc3: {  	v1 =	vshra.s32 v1, $0xE;
	[tilespmem:$0x6900] =	vst v2  }
0xc4: {  	[tilespmem:$0x6B00] =	vst v1  }
0xc5: {  	v1 =	vld [tilespmem:s31+$0x10];
	_ =	sdelay $0x4  }
0xc6: {  	v2 =	vand.u32 $0x3FFF, v1  }
0xc7: {  	v1 =	vshra.s32 v1, $0xE;
	[tilespmem:$0x6910] =	vst v2  }
0xc8: {  	[tilespmem:$0x6B10] =	vst v1  }
0xc9: {  	[tilespmem:s23], [sflag:$0x3] =	stream.indirect.gather [hbm4b:s1+s18], $0x80, s22, s18, $0xb8;
	[tilespmem:$0x1D800] =	vst v63  }
0xca: {  	_ =	swait.ge [sflag:s24], $0x1000  }
0xcb: {  	[sflag:s24] =	ssyncset.done $0x0  }
0xcc: {  	[sflag:s24] =	ssyncadd.s32 $0xFFFFF000  }
0xcd: {  	_ =	swait.ge [sflag:s25], $0x1000  }
0xce: {  	[sflag:s25] =	ssyncset.done $0x0  }
0xcf: {  	[sflag:s25] =	ssyncadd.s32 $0xFFFFF000  }
0xd0: {  	_ =	swait.ge [sflag:s26], $0x1000  }
0xd1: {  	s2 =	sshll.u32 s0, $0x6;
	s28 =	sadd.s32 $0x1, s28;
	[sflag:s26] =	ssyncset.done $0x0  }
0xd2: {  	s4 =	sshrl.u32 s6, $0x3;
	p0 =	sne.s32 s28, s15;
	[sflag:s26] =	ssyncadd.s32 $0xFFFFF000  }
.Ltmp3:
0xd3: {  	s2 =	sor.u32 $0x1C04, s2;
	[bflag:$0x0] =	sbarrier.arrive $0xFFFF;
	(pc) =	sbr.rel @p0 .LBB2_1-.Ltmp3, $4  }
0xd4: {  	[hbm:s14], [sflag:s2] =	dma.local [spmem:s4], $0x2780  }
0xd5: {  	_ =	swait.ge [sflag:s16], $0x2780  }
0xd6: {  	[sflag:s16] =	ssyncset.done $0x0  }
0xd7: {  	[sflag:s16] =	ssyncadd.s32 $0xFFFFD880  }
0xd8: {  	_ =	sfence.sel $0x180000  }
0xd9: {  	[bflag:$0x0] =	sbarrier.arrive $0xFFFF  }
0xda: {  	_ =	strace $0x9000004D  }
0xdb: {  	[bflag:$0x2] =	sbarrier.arrive $0xFFFF  }
0xdc: {  	p0 =	sne.s32 s0, $0x0;
	s0 =	rddreg [dreg:$0x3]  }
0xdd: {  	s0 =	sadd.s32 @!p0 $0x100000, s0  }
0xde: {  	[sflag:s0] =	ssyncadd.tile.s32 @!p0 $0x1;
	_ =	shalt  }
.Lfunc_end2:
_tile_overlayer_lowered:
.L_overlay_start_2:
0xdf: {  	(tag) =	ssettag $0x2  }
0xe0: {  	s0 =	rddreg [dreg:$0x0];
	s2 =	stileid.u32  }
0xe1: {  	s1 =	rddreg [dreg:$0x1];
	p0 =	sne.s32 s2, $0x0  }
0xe2: {  	s3 =	rddreg [dreg:$0x2];
	[bflag:$0x3] =	sbarrier.arrive $0xFFFF;
	s2 =	simm.s32 @!p0 $0x1C04  }
0xe3: {  	[timem:s3], [sflag:s2] =	dma.local @!p0 [hbm:s0], s1  }
0xe4: {  	s0 =	simm.s32 @!p0 $0x4  }
0xe5: {  	_ =	swait.ge @!p0 [sflag:s0], s1  }
0xe6: {  	s1 =	ssub.s32 @!p0 $0x0, s1;
	[sflag:s0] =	ssyncset.done @!p0 $0x0  }
0xe7: {  	[sflag:s0] =	ssyncadd.s32 @!p0 s1  }
0xe8: {  	[bflag:$0x3] =	sbarrier.arrive $0xFFFF  }
0xe9: {  	_ =	shalt  }

// kernel: kernel.8.cloned.1.call-start
scs
__scs_entry_jumppad:
0x0: {  	(pc) =	sbr.rel $0x88, $3  }
0x1: {  	(tag) =	ssettag $0x0;
	lr =	simm.s32 $0x1  }
0x2: {  	[smem:$0x3F99] =	sst lr;
	_ =	strace $0xD0000000  }
0x3: {  	_ = 	snop  }
0x4: {  	_ = 	snop  }
0x5: {  	_ = 	snop  }
0x6: {  	_ = 	snop  }
0x7: {  	_ = 	snop  }
__scs_overlays_trampoline_lowered:
0x8: {  	[smem:$0x3FA8] =	sst s0  }
0x9: {  	[smem:$0x3FA9] =	sst s1  }
0xa: {  	[smem:$0x3FAA] =	sst s2  }
0xb: {  	[smem:$0x3FAB] =	sst s3  }
0xc: {  	[smem:$0x3FAC] =	sst s4  }
0xd: {  	[smem:$0x3FAD] =	sst s5  }
0xe: {  	[smem:$0x3FAE] =	sst s6  }
0xf: {  	[smem:$0x3FAF] =	sst s7  }
0x10: {  	[smem:$0x3FB0] =	sst s8  }
0x11: {  	[smem:$0x3FB1] =	sst s9;
	s0 =	simm.s32 @!p0 $0x0  }
0x12: {  	s1 =	sld [smem:$0x3F97];
	s0 =	simm.s32 @p0 $0x1  }
0x13: {  	[smem:$0x3FB2] =	sst s0;
	s0 =	simm.s32 @!p1 $0x0  }
0x14: {  	s2 =	sld [smem:$0x3F96];
	s0 =	simm.s32 @p1 $0x1  }
0x15: {  	[smem:$0x3FB3] =	sst s0;
	s0 =	simm.s32 @!p2 $0x0  }
0x16: {  	s3 =	sld [smem:$0x3FDB];
	s0 =	simm.s32 @p2 $0x1  }
0x17: {  	s4 =	simm.s32 $0x1BF5;
	[smem:$0x3FB5] =	sst s0  }
0x18: {  	s0 =	sld [smem:$0x3F98];
	_ =	swait.ge [sflag:s4], $0x0  }
0x19: {  	s7 =	sld [smem:$0x3F99]  }
0x1a: {  	s8 =	sadd.s32 $0xFFFFE003, lr  }
0x1b: {  	s9 =	sadd.s32 $0xFFFFFEF7, lr;
	s5 =	simm.s32 $0xFFFFFFFF;
	p2 =	slt.u32 s8, $0xFFFFF086  }
0x1c: {  	p1 =	slt.u32 s9, $0xF7A;
	s5 =	simm.s32 @!p2 $0x0  }
0x1d: {  	s5 =	simm.s32 @p1 $0x1;
	p0 =	seq.s32 s7, s2  }
0x1e: {  	s7 =	smul.u32 @!p0 $0xF7A, s2;
	p2 =	seq.s32 @!p0 s5, $0x0  }
0x1f: {  	s9 =	smul.u32 $0xF7A, s1;
	s8 =	simm.s32 @!p0 $0x1BF5;
	p2 =	por !p2, p0  }
0x20: {  	[sflag:s8] =	ssyncset.s32 @!p0 $0xFFFFF086;
	s6 =	sadd.s32 @!p0 s3, s7;
	s7 =	simm.s32 @!p0 $0x108  }
0x21: {  	s3 =	sadd.s32 s3, s9;
	s6 =	sadd.s32 @!p0 $0x88, s6;
	s7 =	simm.s32 @p2 $0x1082  }
0x22: {  	[simem:s7], [sflag:s8] =	dma.local @!p0 [hbm:s6], $0xF7A  }
0x23: {  	s9 =	sor.u32 $0xD0000000, s2;
	s6 =	simm.s32 $0x108;
	_ =	swait.ge @!p0 [sflag:s8], $0x0  }
0x24: {  	s3 =	sadd.s32 $0x88, s3;
	s6 =	simm.s32 @!p1 $0x1082;
	[sflag:s4] =	ssyncset.s32 $0xFFFFF086  }
0x25: {  	[simem:s6], [sflag:s4] =	dma.local [hbm:s3], $0xF7A  }
0x26: {  	[smem:$0x3F99] =	sst s1;
	(tag) =	ssettag s2;
	_ =	strace s9  }
0x27: {  	s1 =	sld [smem:$0x3FA9]  }
0x28: {  	s2 =	sld [smem:$0x3FAA]  }
0x29: {  	s4 =	sld [smem:$0x3FAC]  }
0x2a: {  	p0 =	seq.s32 s5, $0x0;
	s5 =	sld [smem:$0x3FAD]  }
0x2b: {  	s6 =	sld [smem:$0x3FAE]  }
0x2c: {  	s7 =	sld [smem:$0x3FAF]  }
0x2d: {  	s3 =	simm.s32 $0x108;
	s8 =	sld [smem:$0x3FB0]  }
0x2e: {  	s3 =	simm.s32 @!p0 $0x1082;
	s9 =	sld [smem:$0x3FB1]  }
0x2f: {  	lr =	sadd.s32 s0, s3;
	s0 =	sld [smem:$0x3FA8]  }
0x30: {  	s3 =	sld [smem:$0x3FAB]  }
0x31: {  	[smem:$0x3FB4] =	sst s10  }
0x32: {  	s10 =	sld [smem:$0x3FB2];
	_ =	sdelay $0x3  }
0x33: {  	p0 =	seq.s32 s10, $0x1;
	s10 =	sld [smem:$0x3FB4];
	_ =	sdelay $0x3  }
0x34: {  	[smem:$0x3FB4] =	sst s10  }
0x35: {  	s10 =	sld [smem:$0x3FB3];
	_ =	sdelay $0x3  }
0x36: {  	p1 =	seq.s32 s10, $0x1;
	s10 =	sld [smem:$0x3FB4];
	_ =	sdelay $0x3  }
0x37: {  	[smem:$0x3FB4] =	sst s10  }
0x38: {  	s10 =	sld [smem:$0x3FB5]  }
0x39: {  	_ = 	snop;
	(pc) =	sbr.ind lr, $3  }
0x3a: {  	_ = 	snop  }
0x3b: {  	_ = 	snop  }
0x3c: {  	p2 =	seq.s32 s10, $0x1;
	s10 =	sld [smem:$0x3FB4]  }
0x3d: {  	_ =	shalt  }
0x3e: {  	_ =	shalt  }
0x3f: {  	_ =	shalt  }
0x40: {  	_ =	shalt  }
0x41: {  	_ =	shalt  }
0x42: {  	_ =	shalt  }
0x43: {  	_ =	shalt  }
0x44: {  	_ =	shalt  }
0x45: {  	_ =	shalt  }
0x46: {  	_ =	shalt  }
0x47: {  	_ =	shalt  }
0x48: {  	_ =	shalt  }
0x49: {  	_ =	shalt  }
0x4a: {  	_ =	shalt  }
0x4b: {  	_ =	shalt  }
0x4c: {  	_ =	shalt  }
0x4d: {  	_ =	shalt  }
0x4e: {  	_ =	shalt  }
0x4f: {  	_ =	shalt  }
0x50: {  	_ =	shalt  }
0x51: {  	_ =	shalt  }
0x52: {  	_ =	shalt  }
0x53: {  	_ =	shalt  }
0x54: {  	_ =	shalt  }
0x55: {  	_ =	shalt  }
0x56: {  	_ =	shalt  }
0x57: {  	_ =	shalt  }
0x58: {  	_ =	shalt  }
0x59: {  	_ =	shalt  }
0x5a: {  	_ =	shalt  }
0x5b: {  	_ =	shalt  }
0x5c: {  	_ =	shalt  }
0x5d: {  	_ =	shalt  }
0x5e: {  	_ =	shalt  }
0x5f: {  	_ =	shalt  }
0x60: {  	_ =	shalt  }
0x61: {  	_ =	shalt  }
0x62: {  	_ =	shalt  }
0x63: {  	_ =	shalt  }
0x64: {  	_ =	shalt  }
0x65: {  	_ =	shalt  }
0x66: {  	_ =	shalt  }
0x67: {  	_ =	shalt  }
0x68: {  	_ =	shalt  }
0x69: {  	_ =	shalt  }
0x6a: {  	_ =	shalt  }
0x6b: {  	_ =	shalt  }
0x6c: {  	_ =	shalt  }
0x6d: {  	_ =	shalt  }
0x6e: {  	_ =	shalt  }
0x6f: {  	_ =	shalt  }
0x70: {  	_ =	shalt  }
0x71: {  	_ =	shalt  }
0x72: {  	_ =	shalt  }
0x73: {  	_ =	shalt  }
0x74: {  	_ =	shalt  }
0x75: {  	_ =	shalt  }
0x76: {  	_ =	shalt  }
0x77: {  	_ =	shalt  }
0x78: {  	_ =	shalt  }
0x79: {  	_ =	shalt  }
0x7a: {  	_ =	shalt  }
0x7b: {  	_ =	shalt  }
0x7c: {  	_ =	shalt  }
0x7d: {  	_ =	shalt  }
0x7e: {  	_ =	shalt  }
0x7f: {  	_ =	shalt  }
0x80: {  	_ =	shalt  }
0x81: {  	_ =	shalt  }
0x82: {  	_ =	shalt  }
0x83: {  	_ =	shalt  }
0x84: {  	_ =	shalt  }
0x85: {  	_ =	shalt  }
0x86: {  	_ =	shalt  }
0x87: {  	_ =	shalt  }
.Lfunc_end0:
.L_simem_size_0:
called_computation_lowered:
.L_overlay_start_0:
0x88: {  	s2 =	sld [smem:$0x3FD9]  }
0x89: {  	s3 =	sld [smem:$0x3FFE];
	_ =	sdelay $0x1  }
0x8a: {  	s1 =	srdreg.scid  }
0x8b: {  	s0 =	sand.u32 $0x1, s1  }
0x8c: {  	s17 =	sshll.u32 s0, $0xA;
	s2 =	sadd.s32 s3, s2  }
0x8d: {  	s2 =	sadd.s32 s2, s17  }
0x8e: {  	[smem:$0x3FC0] =	sst s2  }
0x8f: {  	_ = 	snop  }
0x90: {  	s2 =	sld [smem:$0x3FD0];
	(tm) =	ssettm $0x1  }
0x91: {  	s18 =	sld [smem:$0x3FFB];
	_ =	sdelay $0x3  }
0x92: {  	_ =	strace s18  }
0x93: {  	s3 =	sld [smem:$0x3FFC];
	_ =	sdelay $0x3  }
0x94: {  	_ =	strace s3  }
0x95: {  	s3 =	sld [smem:$0x3FFD];
	_ =	sdelay $0x3  }
0x96: {  	_ =	strace s3  }
0x97: {  	_ =	strace $0x8FFFFFFF  }
0x98: {  	s19 =	sld [smem:$0x3FDB];
	_ =	sdelay $0x1  }
0x99: {  	s4 =	simm.s32 $_scs_section_size  }
0x9a: {  	s5 =	simm.s32 $_size__tile_overlayer_lowered;
	s6 =	simm.s32 $_tile_overlayer_lowered  }
0x9b: {  	s22 =	simm.s32 $0x1BFF;
	s21 =	sshll.u32 s6, $0x1;
	s3 =	sadd.s32 s4, s19  }
0x9c: {  	s7 =	simm.s32 $0x0;
	s20 =	sshll.u32 s5, $0x1;
	s5 =	sadd.s32 s21, s3  }
0x9d: {  	[timem:s7], [sflag:s22] =	dma.local [hbm:s5], s20  }
0x9e: {  	_ =	swait.ge [sflag:s22], s20  }
0x9f: {  	s4 =	ssub.s32 $0x0, s20;
	[sflag:s22] =	ssyncset.done $0x0  }
0xa0: {  	[sflag:s22] =	ssyncadd.s32 s4;
	_ =	sdelay $0x1  }
0xa1: {  	s23 =	simm.s32 $0x1B8B  }
0xa2: {  	_ =	swait.ge [sflag:s23], $0x1  }
0xa3: {  	[sflag:s23] =	ssyncset.done $0x0  }
0xa4: {  	s25 =	simm.s32 $0x1B8E;
	s24 =	sld [smem:$0x3FFE];
	[sflag:s23] =	ssyncadd.s32 $0xFFFFFFFF  }
0xa5: {  	s26 =	simm.s32 $execute0_lowered;
	[smem:$0x3FD2] =	sst s25  }
0xa6: {  	s5 =	sshll.u32 s26, $0x1;
	_ =	strace $0x80000046;
	[dreg:$0x1] =	wrdreg $0xFFFFFFFF  }
0xa7: {  	s28 =	simm.s32 $_size_execute0_lowered;
	s3 =	sadd.s32 s3, s5;
	[dreg:$0x0] =	wrdreg $0x0  }
0xa8: {  	s5 =	sshll.u32 s28, $0x1;
	[dreg:$0x2] =	wrdreg s3  }
0xa9: {  	[dreg:$0x3] =	wrdreg s5  }
0xaa: {  	[dreg:$0x4] =	wrdreg $0xC0  }
0xab: {  	_ =	task [dreg:s7], $0x5FFFF  }
0xac: {  	[dreg:$0x1] =	wrdreg $0xFFFFFFFF  }
0xad: {  	[dreg:$0x0] =	wrdreg $0x60  }
0xae: {  	[dreg:$0x2] =	wrdreg s2  }
0xaf: {  	[dreg:$0x3] =	wrdreg s24  }
0xb0: {  	[dreg:$0x4] =	wrdreg $0x9  }
0xb1: {  	_ =	task.clear_ibuf [dreg:s7], $0x5FFFF;
	_ =	strace $0x90000046  }
0xb2: {  	s29 =	simm.s32 $0x9;
	_ =	strace $0x80000048  }
0xb3: {  	_ =	swait.ge [sflag:s29], $0x1  }
0xb4: {  	[sflag:s29] =	ssyncadd.s32 $0xFFFFFFFF  }
0xb5: {  	_ =	strace $0x90000048  }
0xb6: {  	_ =	sfence  }
0xb7: {  	s30 =	sld [smem:$0x0];
	_ =	sdelay $0x2  }
0xb8: {  	s31 =	sshll.u32 s1, $0xD;
	s1 =	sshrl.u32 s1, $0x2  }
0xb9: {  	s3 =	sand.u32 $0x4000, s31;
	s1 =	sadd.s32 s1, s30  }
0xba: {  	s0 =	sor.u32 s3, s0;
	s1 =	sshll.u32 s1, $0x11  }
0xbb: {  	s0 =	sor.u32 s1, s0  }
0xbc: {  	s0 =	sadd.s32 $0x8F2B, s0  }
0xbd: {  	[sflag:s0] =	ssyncadd.remote.s32 $0x1  }
0xbe: {  	_ =	sfence.sel $0xFFFF  }
0xbf: {  	[dreg:$0x0] =	wrdreg $0xFFFFFFFF;
	(pc) =	sbr.abs _section_cstart, $3  }
0xc0: {  	[dreg:$0x1] =	wrdreg $0xFFFFFFFF  }
0xc1: {  	_ =	task.clear_ibuf [dreg:s7], $0x2FFFF;
	_ =	strace $0x9FFFFFFF  }
0xc2: {  	(tm) =	ssettm $0x7FFFFFFF  }
0xc3: {  	_ =	shalt  }
tec
execute0_lowered:
.L_overlay_start_1:
0x0: {  	(tag) =	ssettag $0x1  }
0x1: {  	s10 =	rddreg [dreg:$0x0]  }
0x2: {  	s0 =	srdreg.scid;
	s4 =	rddreg [dreg:$0x1]  }
0x3: {  	s2 =	simm.s32 $0x0;
	s15 =	simm.s32 $0x1;
	s3 =	sand.u32 $0x1, s0  }
0x4: {  	s16 =	simm.s32 $0x680;
	s0 =	stileid.u32;
	s1 =	sshll.u32 s3, $0x4  }
0x5: {  	s17 =	simm.s32 $0x0;
	[smem:$0x7FF] =	sst s2;
	s5 =	sor.u32 s0, s1  }
0x6: {  	s7 =	sshll.u32 s0, $0x7;
	s6 =	sshrl.u32 s5, $0x3;
	s5 =	smul.u32 $0x500, s5  }
0x7: {  	s3 =	ssub.s32 $0x2, s3;
	s1 =	rddreg [dreg:$0x2];
	s6 =	smul.u32 $0x1A000, s6  }
0x8: {  	s7 =	sand.u32 $0x380, s7;
	_ =	strace $0x80000047;
	s24 =	sshrl.u32 s3, $0x1  }
0x9: {  	s12 =	ssub.s32 s3, s24;
	s11 =	sadd.s32 s5, s4;
	s8 =	sor.u32 s7, s6  }
0xa: {  	s12 =	smax.u32 s12, $0x1;
	s11 =	sadd.s32 $0x2600, s11;
	s25 =	sadd.s32 $0x3400, s8  }
0xb: {  	s26 =	sshrl.u32 s8, $0x3;
	s29 =	sadd.s32 $0x6800, s8;
	s6 =	sadd.s32 $0x9C00, s8  }
0xc: {  	s7 =	sadd.s32 $0xD000, s8;
	s9 =	sadd.s32 $0x10400, s8;
	s13 =	sadd.s32 $0x13800, s8  }
0xd: {  	s14 =	sadd.s32 $0x16C00, s8;
	s28 =	sshrl.u32 s25, $0x3;
	s3 =	sadd.s32 s10, s26  }
0xe: {  	s5 =	sshrl.u32 s29, $0x3;
	s6 =	sshrl.u32 s6, $0x3;
	s7 =	sshrl.u32 s7, $0x3  }
0xf: {  	s9 =	sshrl.u32 s9, $0x3;
	s30 =	sshrl.u32 s13, $0x3;
	s31 =	sshrl.u32 s14, $0x3  }
0x10: {  	s13 =	simm.s32 $0x80;
	s14 =	simm.s32 $0x400;
	s4 =	sadd.s32 s10, s28  }
0x11: {  	s5 =	sadd.s32 s10, s5;
	s6 =	sadd.s32 s10, s6;
	s7 =	sadd.s32 s10, s7  }
0x12: {  	v0 =	vimm.f32 $0.0e+00;
	v1 =	vimm.f32 $1.000000000e+00;
	s8 =	sadd.s32 s10, s9;
	s9 =	sadd.s32 s10, s30;
	s10 =	sadd.s32 s10, s31  }
.LBB2_1:
0x13: {  	s18 =	simm.s32 $0x0;
	s19 =	simm.s32 $0x200  }
.LBB2_2:
0x14: {  	p0 =	sne.s32 s19, $0x9C00;
	[tilespmem:s18+$0x6F0] =	vst v0  }
0x15: {  	[tilespmem:s18+$0x680] =	vst v0  }
0x16: {  	[tilespmem:s18+$0x690] =	vst v0  }
.Ltmp0:
0x17: {  	[tilespmem:s18+$0x6A0] =	vst v0;
	(pc) =	sbr.rel @p0 .LBB2_2-.Ltmp0, $4  }
0x18: {  	[tilespmem:s18+$0x6B0] =	vst v0  }
0x19: {  	[tilespmem:s18+$0x6C0] =	vst v0  }
0x1a: {  	[tilespmem:s18+$0x6D0] =	vst v0  }
0x1b: {  	[tilespmem:s18+$0x6E0] =	vst v0;
	s18 =	sshra.s32 s19, $0x2;
	s19 =	sadd.s32 $0x200, s19  }
0x1c: {  	[tilespmem:s18+$0x6F0] =	vst v0  }
0x1d: {  	[tilespmem:s18+$0x680] =	vst v0  }
0x1e: {  	[tilespmem:s18+$0x690] =	vst v0  }
0x1f: {  	[tilespmem:s18+$0x6A0] =	vst v0  }
0x20: {  	[tilespmem:s18+$0x6B0] =	vst v0  }
0x21: {  	[tilespmem:s18+$0x6C0] =	vst v0  }
0x22: {  	[tilespmem:s18+$0x6D0] =	vst v0  }
0x23: {  	[tilespmem:s18+$0x6E0] =	vst v0;
	s31 =	simm.s32 $0x0  }
0x24: {  	[tilespmem:s31], [sflag:$0x1] =	stream.strided.gather [hbm4b:s3+s13], $0x680, s14, s13, $0x38;
	[tilespmem:$0x2E80] =	vst v63  }
0x25: {  	_ =	swait.ge [sflag:s15], $0x680  }
0x26: {  	[sflag:s15] =	ssyncset.done $0x0  }
0x27: {  	s19 =	simm.s32 $0x0;
	s18 =	simm.s32 $0x40;
	[sflag:s15] =	ssyncadd.s32 $0xFFFFF980  }
.LBB2_4:
0x28: {  	p0 =	sne.s32 s18, $0x19C0;
	v2 =	vld [tilespmem:s19+$0x0];
	_ =	sdelay $0x4  }
0x29: {  	v3 =	vshrl.u32 v2, $0xE;
	v2 =	vshra.s32 v2, $0xE  }
0x2a: {  	v3 =	vand.u32 $0x7F, v3;
	v2 =	vand.u32 $0xFFFFFF80, v2  }
0x2b: {  	v2 =	vor.u32 v3, v2  }
.Ltmp1:
0x2c: {  	(pc) =	sbr.rel @p0 .LBB2_4-.Ltmp1, $2  }
0x2d: {  	_ =	sdelay $0x2  }
0x2e: {  	s19 =	sshra.s32 s18, $0x2;
	s18 =	sadd.s32 $0x40, s18;
	[tilespmem:v2+s16+$0x0] =	vst.idx.add.f32.msk $0xffff, v1  }
0x2f: {  	v2 =	vld [tilespmem:s19+$0x0];
	_ =	sdelay $0x4  }
0x30: {  	v3 =	vshrl.u32 v2, $0xE;
	v2 =	vshra.s32 v2, $0xE  }
0x31: {  	v3 =	vand.u32 $0x7F, v3;
	v2 =	vand.u32 $0xFFFFFF80, v2  }
0x32: {  	v2 =	vor.u32 v3, v2;
	_ =	sdelay $0x4  }
0x33: {  	s18 =	simm.s32 $0x0;
	[tilespmem:v2+s16+$0x0] =	vst.idx.add.f32.msk $0xffff, v1  }
0x34: {  	[tilespmem:s18], [sflag:$0x1] =	stream.strided.gather [hbm4b:s4+s13], $0x680, s14, s13, $0x38;
	[tilespmem:$0x2E80] =	vst v63  }
0x35: {  	_ =	swait.ge [sflag:s15], $0x680  }
0x36: {  	[sflag:s15] =	ssyncset.done $0x0  }
0x37: {  	s19 =	simm.s32 $0x0;
	s18 =	simm.s32 $0x40;
	[sflag:s15] =	ssyncadd.s32 $0xFFFFF980  }
.LBB2_6:
0x38: {  	p0 =	sne.s32 s18, $0x19C0;
	v2 =	vld [tilespmem:s19+$0x0];
	_ =	sdelay $0x4  }
0x39: {  	v3 =	vshrl.u32 v2, $0xE;
	v2 =	vshra.s32 v2, $0xE  }
0x3a: {  	v3 =	vand.u32 $0x7F, v3;
	v2 =	vand.u32 $0xFFFFFF80, v2  }
0x3b: {  	v2 =	vor.u32 v3, v2  }
.Ltmp2:
0x3c: {  	(pc) =	sbr.rel @p0 .LBB2_6-.Ltmp2, $2  }
0x3d: {  	_ =	sdelay $0x2  }
0x3e: {  	s19 =	sshra.s32 s18, $0x2;
	s18 =	sadd.s32 $0x40, s18;
	[tilespmem:v2+s16+$0x0] =	vst.idx.add.f32.msk $0xffff, v1  }
0x3f: {  	v2 =	vld [tilespmem:s19+$0x0];
	_ =	sdelay $0x4  }
0x40: {  	v3 =	vshrl.u32 v2, $0xE;
	v2 =	vshra.s32 v2, $0xE  }
0x41: {  	v3 =	vand.u32 $0x7F, v3;
	v2 =	vand.u32 $0xFFFFFF80, v2  }
0x42: {  	v2 =	vor.u32 v3, v2;
	_ =	sdelay $0x4  }
0x43: {  	s18 =	simm.s32 $0x0;
	[tilespmem:v2+s16+$0x0] =	vst.idx.add.f32.msk $0xffff, v1  }
0x44: {  	[tilespmem:s18], [sflag:$0x1] =	stream.strided.gather [hbm4b:s5+s13], $0x680, s14, s13, $0x38;
	[tilespmem:$0x2E80] =	vst v63  }
0x45: {  	_ =	swait.ge [sflag:s15], $0x680  }
0x46: {  	[sflag:s15] =	ssyncset.done $0x0  }
0x47: {  	s19 =	simm.s32 $0x0;
	s18 =	simm.s32 $0x40;
	[sflag:s15] =	ssyncadd.s32 $0xFFFFF980  }
.LBB2_8:
0x48: {  	p0 =	sne.s32 s18, $0x19C0;
	v2 =	vld [tilespmem:s19+$0x0];
	_ =	sdelay $0x4  }
0x49: {  	v3 =	vshrl.u32 v2, $0xE;
	v2 =	vshra.s32 v2, $0xE  }
0x4a: {  	v3 =	vand.u32 $0x7F, v3;
	v2 =	vand.u32 $0xFFFFFF80, v2  }
0x4b: {  	v2 =	vor.u32 v3, v2  }
.Ltmp3:
0x4c: {  	(pc) =	sbr.rel @p0 .LBB2_8-.Ltmp3, $2  }
0x4d: {  	_ =	sdelay $0x2  }
0x4e: {  	s19 =	sshra.s32 s18, $0x2;
	s18 =	sadd.s32 $0x40, s18;
	[tilespmem:v2+s16+$0x0] =	vst.idx.add.f32.msk $0xffff, v1  }
0x4f: {  	v2 =	vld [tilespmem:s19+$0x0];
	_ =	sdelay $0x4  }
0x50: {  	v3 =	vshrl.u32 v2, $0xE;
	v2 =	vshra.s32 v2, $0xE  }
0x51: {  	v3 =	vand.u32 $0x7F, v3;
	v2 =	vand.u32 $0xFFFFFF80, v2  }
0x52: {  	v2 =	vor.u32 v3, v2;
	_ =	sdelay $0x4  }
0x53: {  	s18 =	simm.s32 $0x0;
	[tilespmem:v2+s16+$0x0] =	vst.idx.add.f32.msk $0xffff, v1  }
0x54: {  	[tilespmem:s18], [sflag:$0x1] =	stream.strided.gather [hbm4b:s6+s13], $0x680, s14, s13, $0x38;
	[tilespmem:$0x2E80] =	vst v63  }
0x55: {  	_ =	swait.ge [sflag:s15], $0x680  }
0x56: {  	[sflag:s15] =	ssyncset.done $0x0  }
0x57: {  	s19 =	simm.s32 $0x0;
	s18 =	simm.s32 $0x40;
	[sflag:s15] =	ssyncadd.s32 $0xFFFFF980  }
.LBB2_10:
0x58: {  	p0 =	sne.s32 s18, $0x19C0;
	v2 =	vld [tilespmem:s19+$0x0];
	_ =	sdelay $0x4  }
0x59: {  	v3 =	vshrl.u32 v2, $0xE;
	v2 =	vshra.s32 v2, $0xE  }
0x5a: {  	v3 =	vand.u32 $0x7F, v3;
	v2 =	vand.u32 $0xFFFFFF80, v2  }
0x5b: {  	v2 =	vor.u32 v3, v2  }
.Ltmp4:
0x5c: {  	(pc) =	sbr.rel @p0 .LBB2_10-.Ltmp4, $2  }
0x5d: {  	_ =	sdelay $0x2  }
0x5e: {  	s19 =	sshra.s32 s18, $0x2;
	s18 =	sadd.s32 $0x40, s18;
	[tilespmem:v2+s16+$0x0] =	vst.idx.add.f32.msk $0xffff, v1  }
0x5f: {  	v2 =	vld [tilespmem:s19+$0x0];
	_ =	sdelay $0x4  }
0x60: {  	v3 =	vshrl.u32 v2, $0xE;
	v2 =	vshra.s32 v2, $0xE  }
0x61: {  	v3 =	vand.u32 $0x7F, v3;
	v2 =	vand.u32 $0xFFFFFF80, v2  }
0x62: {  	v2 =	vor.u32 v3, v2;
	_ =	sdelay $0x4  }
0x63: {  	s18 =	simm.s32 $0x0;
	[tilespmem:v2+s16+$0x0] =	vst.idx.add.f32.msk $0xffff, v1  }
0x64: {  	[tilespmem:s18], [sflag:$0x1] =	stream.strided.gather [hbm4b:s7+s13], $0x680, s14, s13, $0x38;
	[tilespmem:$0x2E80] =	vst v63  }
0x65: {  	_ =	swait.ge [sflag:s15], $0x680  }
0x66: {  	[sflag:s15] =	ssyncset.done $0x0  }
0x67: {  	s19 =	simm.s32 $0x0;
	s18 =	simm.s32 $0x40;
	[sflag:s15] =	ssyncadd.s32 $0xFFFFF980  }
.LBB2_12:
0x68: {  	p0 =	sne.s32 s18, $0x19C0;
	v2 =	vld [tilespmem:s19+$0x0];
	_ =	sdelay $0x4  }
0x69: {  	v3 =	vshrl.u32 v2, $0xE;
	v2 =	vshra.s32 v2, $0xE  }
0x6a: {  	v3 =	vand.u32 $0x7F, v3;
	v2 =	vand.u32 $0xFFFFFF80, v2  }
0x6b: {  	v2 =	vor.u32 v3, v2  }
.Ltmp5:
0x6c: {  	(pc) =	sbr.rel @p0 .LBB2_12-.Ltmp5, $2  }
0x6d: {  	_ =	sdelay $0x2  }
0x6e: {  	s19 =	sshra.s32 s18, $0x2;
	s18 =	sadd.s32 $0x40, s18;
	[tilespmem:v2+s16+$0x0] =	vst.idx.add.f32.msk $0xffff, v1  }
0x6f: {  	v2 =	vld [tilespmem:s19+$0x0];
	_ =	sdelay $0x4  }
0x70: {  	v3 =	vshrl.u32 v2, $0xE;
	v2 =	vshra.s32 v2, $0xE  }
0x71: {  	v3 =	vand.u32 $0x7F, v3;
	v2 =	vand.u32 $0xFFFFFF80, v2  }
0x72: {  	v2 =	vor.u32 v3, v2;
	_ =	sdelay $0x4  }
0x73: {  	s18 =	simm.s32 $0x0;
	[tilespmem:v2+s16+$0x0] =	vst.idx.add.f32.msk $0xffff, v1  }
0x74: {  	[tilespmem:s18], [sflag:$0x1] =	stream.strided.gather [hbm4b:s8+s13], $0x680, s14, s13, $0x38;
	[tilespmem:$0x2E80] =	vst v63  }
0x75: {  	_ =	swait.ge [sflag:s15], $0x680  }
0x76: {  	[sflag:s15] =	ssyncset.done $0x0  }
0x77: {  	s19 =	simm.s32 $0x0;
	s18 =	simm.s32 $0x40;
	[sflag:s15] =	ssyncadd.s32 $0xFFFFF980  }
.LBB2_14:
0x78: {  	p0 =	sne.s32 s18, $0x19C0;
	v2 =	vld [tilespmem:s19+$0x0];
	_ =	sdelay $0x4  }
0x79: {  	v3 =	vshrl.u32 v2, $0xE;
	v2 =	vshra.s32 v2, $0xE  }
0x7a: {  	v3 =	vand.u32 $0x7F, v3;
	v2 =	vand.u32 $0xFFFFFF80, v2  }
0x7b: {  	v2 =	vor.u32 v3, v2  }
.Ltmp6:
0x7c: {  	(pc) =	sbr.rel @p0 .LBB2_14-.Ltmp6, $2  }
0x7d: {  	_ =	sdelay $0x2  }
0x7e: {  	s19 =	sshra.s32 s18, $0x2;
	s18 =	sadd.s32 $0x40, s18;
	[tilespmem:v2+s16+$0x0] =	vst.idx.add.f32.msk $0xffff, v1  }
0x7f: {  	v2 =	vld [tilespmem:s19+$0x0];
	_ =	sdelay $0x4  }
0x80: {  	v3 =	vshrl.u32 v2, $0xE;
	v2 =	vshra.s32 v2, $0xE  }
0x81: {  	v3 =	vand.u32 $0x7F, v3;
	v2 =	vand.u32 $0xFFFFFF80, v2  }
0x82: {  	v2 =	vor.u32 v3, v2;
	_ =	sdelay $0x4  }
0x83: {  	s18 =	simm.s32 $0x0;
	[tilespmem:v2+s16+$0x0] =	vst.idx.add.f32.msk $0xffff, v1  }
0x84: {  	[tilespmem:s18], [sflag:$0x1] =	stream.strided.gather [hbm4b:s9+s13], $0x680, s14, s13, $0x38;
	[tilespmem:$0x2E80] =	vst v63  }
0x85: {  	_ =	swait.ge [sflag:s15], $0x680  }
0x86: {  	[sflag:s15] =	ssyncset.done $0x0  }
0x87: {  	s19 =	simm.s32 $0x0;
	s18 =	simm.s32 $0x40;
	[sflag:s15] =	ssyncadd.s32 $0xFFFFF980  }
.LBB2_16:
0x88: {  	p0 =	sne.s32 s18, $0x19C0;
	v2 =	vld [tilespmem:s19+$0x0];
	_ =	sdelay $0x4  }
0x89: {  	v3 =	vshrl.u32 v2, $0xE;
	v2 =	vshra.s32 v2, $0xE  }
0x8a: {  	v3 =	vand.u32 $0x7F, v3;
	v2 =	vand.u32 $0xFFFFFF80, v2  }
0x8b: {  	v2 =	vor.u32 v3, v2  }
.Ltmp7:
0x8c: {  	(pc) =	sbr.rel @p0 .LBB2_16-.Ltmp7, $2  }
0x8d: {  	_ =	sdelay $0x2  }
0x8e: {  	s19 =	sshra.s32 s18, $0x2;
	s18 =	sadd.s32 $0x40, s18;
	[tilespmem:v2+s16+$0x0] =	vst.idx.add.f32.msk $0xffff, v1  }
0x8f: {  	v2 =	vld [tilespmem:s19+$0x0];
	_ =	sdelay $0x4  }
0x90: {  	v3 =	vshrl.u32 v2, $0xE;
	v2 =	vshra.s32 v2, $0xE  }
0x91: {  	v3 =	vand.u32 $0x7F, v3;
	v2 =	vand.u32 $0xFFFFFF80, v2  }
0x92: {  	v2 =	vor.u32 v3, v2;
	_ =	sdelay $0x4  }
0x93: {  	s18 =	simm.s32 $0x0;
	[tilespmem:v2+s16+$0x0] =	vst.idx.add.f32.msk $0xffff, v1  }
0x94: {  	[tilespmem:s18], [sflag:$0x1] =	stream.strided.gather [hbm4b:s10+s13], $0x680, s14, s13, $0x38;
	[tilespmem:$0x2E80] =	vst v63  }
0x95: {  	_ =	swait.ge [sflag:s15], $0x680  }
0x96: {  	[sflag:s15] =	ssyncset.done $0x0  }
0x97: {  	s19 =	simm.s32 $0x0;
	s18 =	simm.s32 $0x40;
	[sflag:s15] =	ssyncadd.s32 $0xFFFFF980  }
.LBB2_18:
0x98: {  	p0 =	sne.s32 s18, $0x19C0;
	v2 =	vld [tilespmem:s19+$0x0];
	_ =	sdelay $0x4  }
0x99: {  	v3 =	vshrl.u32 v2, $0xE;
	v2 =	vshra.s32 v2, $0xE  }
0x9a: {  	v3 =	vand.u32 $0x7F, v3;
	v2 =	vand.u32 $0xFFFFFF80, v2  }
0x9b: {  	v2 =	vor.u32 v3, v2  }
.Ltmp8:
0x9c: {  	(pc) =	sbr.rel @p0 .LBB2_18-.Ltmp8, $2  }
0x9d: {  	_ =	sdelay $0x2  }
0x9e: {  	s19 =	sshra.s32 s18, $0x2;
	s18 =	sadd.s32 $0x40, s18;
	[tilespmem:v2+s16+$0x0] =	vst.idx.add.f32.msk $0xffff, v1  }
0x9f: {  	v2 =	vld [tilespmem:s19+$0x0];
	_ =	sdelay $0x4  }
0xa0: {  	v3 =	vshrl.u32 v2, $0xE;
	v2 =	vshra.s32 v2, $0xE  }
0xa1: {  	v3 =	vand.u32 $0x7F, v3;
	v2 =	vand.u32 $0xFFFFFF80, v2  }
0xa2: {  	v2 =	vor.u32 v3, v2;
	_ =	sdelay $0x2  }
0xa3: {  	s17 =	sadd.s32 $0x1, s17  }
0xa4: {  	p0 =	sne.s32 s17, s12  }
.Ltmp9:
0xa5: {  	[tilespmem:v2+s16+$0x0] =	vst.idx.add.f32.msk $0xffff, v1;
	(pc) =	sbr.rel @p0 .LBB2_1-.Ltmp9, $4  }
0xa6: {  	[hbm4b:s11+s2] =	stream.linear.scatter [tilespmem:s16], [sflag:$0x1], $0x2780, $0x38;
	[tilespmem:$0x2E80] =	vst v63  }
0xa7: {  	_ =	swait.ge [sflag:s15], $0x2780  }
0xa8: {  	[sflag:s15] =	ssyncset.done $0x0  }
0xa9: {  	[sflag:s15] =	ssyncadd.s32 $0xFFFFD880  }
0xaa: {  	_ =	sfence.sel $0x180000  }
0xab: {  	[bflag:$0x0] =	sbarrier.arrive $0xFFFF  }
0xac: {  	p0 =	sne.s32 s0, $0x0;
	_ =	strace $0x90000047  }
0xad: {  	s0 =	sadd.s32 @!p0 $0x100000, s1;
	[bflag:$0x2] =	sbarrier.arrive $0xFFFF  }
0xae: {  	[sflag:s0] =	ssyncadd.tile.s32 @!p0 $0x1;
	_ =	shalt  }
.Lfunc_end2:
_tile_overlayer_lowered:
.L_overlay_start_2:
0xaf: {  	(tag) =	ssettag $0x2  }
0xb0: {  	s0 =	rddreg [dreg:$0x0];
	s2 =	stileid.u32  }
0xb1: {  	s1 =	rddreg [dreg:$0x1];
	p0 =	sne.s32 s2, $0x0  }
0xb2: {  	s3 =	rddreg [dreg:$0x2];
	[bflag:$0x3] =	sbarrier.arrive $0xFFFF;
	s2 =	simm.s32 @!p0 $0x1C01  }
0xb3: {  	[timem:s3], [sflag:s2] =	dma.local @!p0 [hbm:s0], s1  }
0xb4: {  	s0 =	simm.s32 @!p0 $0x1  }
0xb5: {  	_ =	swait.ge @!p0 [sflag:s0], s1  }
0xb6: {  	s1 =	ssub.s32 @!p0 $0x0, s1;
	[sflag:s0] =	ssyncset.done @!p0 $0x0  }
0xb7: {  	[sflag:s0] =	ssyncadd.s32 @!p0 s1  }
0xb8: {  	[bflag:$0x3] =	sbarrier.arrive $0xFFFF  }
0xb9: {  	_ =	shalt  }

</sc_bundles>
